<compile_context>
chip_gen: v7x
topology: tpu7x:2x2x1
jax: 0.10.2.dev20260603
libtpu: 0.0.44.dev20260713+nightly
codegen_flags: <defaults>
</compile_context>

<pallas_src>
import functools

import jax
import jax.numpy as jnp
from jax import lax
from jax.experimental import pallas as pl
from jax.experimental.pallas import tpu as pltpu
from jax.experimental.pallas import tpu_sc as plsc

D = 64
NI = 4096
NJ = 200
B = NI * NJ
NW = 32
B_PER_W = B // NW
C = 256
NT = C // 128
NB = 2
NCH = B_PER_W // C
NG = NCH // NB
TB_BYTES = 8 * NT * 8 * 128 * 4


NU = (NJ // 8) * 2
UW = NI // 2


@functools.partial(
    pl.kernel,
    mesh=plsc.VectorSubcoreMesh(core_axis_name="c", subcore_axis_name="s"),
    out_type=jax.ShapeDtypeStruct((B,), jnp.int32),
    compiler_params=pltpu.CompilerParams(use_tc_tiling_on_sc=True),
    scratch_types=[
        pltpu.VMEM((8, UW), jnp.int32),
        pltpu.SemaphoreType.DMA,
    ],
)
def _detile_kernel(item_t_hbm, out_hbm, buf, sem):
    wid = lax.axis_index("s") * 2 + lax.axis_index("c")

    def do_unit(u):
        jt = u // 2
        ih = u % 2
        pltpu.async_copy(
            item_t_hbm.at[pl.ds(jt * 8, 8), pl.ds(ih * UW, UW)], buf,
            sem).wait()
        for jr in range(8):
            pltpu.sync_copy(
                buf.at[jr],
                out_hbm.at[pl.ds((jt * 8 + jr) * NI + ih * UW, UW)])

    do_unit(wid)

    @pl.when(wid < NU - NW)
    def _():
        do_unit(wid + NW)


@functools.partial(
    pl.kernel,
    mesh=plsc.VectorSubcoreMesh(core_axis_name="c", subcore_axis_name="s"),
    out_type=jax.ShapeDtypeStruct((NJ, 8, NI // 128, 8, 128), jnp.float32),
    compiler_params=pltpu.CompilerParams(
        use_tc_tiling_on_sc=False, needs_layout_passes=False),
    scratch_types=[
        pltpu.VMEM((C,), jnp.int32),
        pltpu.VMEM((C,), jnp.int32),
        pltpu.VMEM((C, D), jnp.float32),
        pltpu.VMEM((C, D), jnp.float32),
        pltpu.VMEM((8, 3, 8, 129), jnp.float32),
        pltpu.VMEM((8, 3, 8, 129), jnp.float32),
        pltpu.VMEM_SHARED((16, NB, C, D), jnp.float32),
        pltpu.SemaphoreType.DMA,
        pltpu.SemaphoreType.DMA,
        pltpu.SemaphoreType.DMA,
        pltpu.SemaphoreType.DMA,
        pltpu.SemaphoreType.DMA,
        pltpu.SemaphoreType.DMA,
    ],
)
def _gather_kernel(item_lin_hbm, table_hbm, out_hbm,
                   idx0, idx1, rows0, rows1, tb0, tb1, sink_spmem,
                   si0, si1, sg0, sg1, so0, so1):
    wid = lax.axis_index("s") * 2 + lax.axis_index("c")
    base = wid * B_PER_W
    idxs = (idx0, idx1)
    rows = (rows0, rows1)
    tbs = (tb0, tb1)
    sis = (si0, si1)
    sgs = (sg0, sg1)
    sos = (so0, so1)

    iota16 = lax.iota(jnp.int32, 16)
    dt_vecs = [dg * 2 + iota16 // 8 for dg in range(D // 16)]
    dr_vec = iota16 % 8

    def idx_start(k, b):
        kc = jnp.minimum(k, B - C)
        return pltpu.make_async_copy(
            item_lin_hbm.at[pl.ds(kc, C)], idxs[b], sis[b])

    def out_wait(k, b):
        kc = jnp.maximum(k, 0)
        pltpu.make_async_copy(
            tbs[b].at[:, pl.ds(0, NT), :, pl.ds(0, 128)],
            out_hbm.at[kc // NI, :, pl.ds((kc % NI) // 128, NT), :, :],
            sos[b]).wait()

    def out_start(k, b):
        j = k // NI
        it0 = (k % NI) // 128
        for dt in range(8):
            for itl in range(NT):
                pltpu.make_async_copy(
                    tbs[b].at[dt, itl, :, pl.ds(0, 128)],
                    out_hbm.at[j, dt, it0 + itl, :, :],
                    sos[b]).start()

    def transpose_chunk(b):
        rv = rows[b]
        tb = tbs[b]

        def r_body(r0, carry):
            for u in range(8):
                r = r0 * 8 + u
                itl_vec = jnp.broadcast_to(r // 128, (16,)).astype(jnp.int32)
                ir_vec = jnp.broadcast_to(r % 128, (16,)).astype(jnp.int32)
                for dg in range(D // 16):
                    vals = rv[r, pl.ds(dg * 16, 16)]
                    plsc.store_scatter(
                        tb, [dt_vecs[dg], itl_vec, dr_vec, ir_vec], vals)
            return carry

        lax.fori_loop(0, C // 8, r_body, 0, unroll=False)

    sid = lax.axis_index("s")
    for b in range(NB):
        pltpu.async_copy(rows[b], sink_spmem.at[sid, b], sos[b])
        idx_start(base + b * C, b).start()

    def outer(g, carry):
        for b in range(NB):
            k = base + (g * NB + b) * C
            idx_start(k, b).wait()
            pltpu.async_copy(table_hbm.at[idxs[b]], rows[b], sgs[b]).wait()
            idx_start(k + NB * C, b).start()
            out_wait(k - NB * C, b)
            transpose_chunk(b)
            out_start(k, b)
        return carry

    lax.fori_loop(0, NG, outer, 0)

    for b in range(NB):
        idx_start(B - C, b).wait()
        out_wait(base + (NCH - NB + b) * C, b)


def kernel(item, table):
    item_lin = _detile_kernel(item.T)
    out5d = _gather_kernel(item_lin, table)
    return out5d.transpose((2, 4, 0, 1, 3)).reshape(NI, NJ, D)

# --- scband reference (transcript-rebuilt; emitter-appended) ---
"""Pipeline reference for scband-embedding-44581760533206 (READ-ONLY COPY).

The authoritative reference and input builder live on the scoring server;
editing this copy changes nothing except your own understanding.
"""

import jax, jax.numpy as jnp
import numpy as np

NUM_EMBEDDINGS = 1000000
EMBED_DIM = 64
PAD_INDEX = 0

def setup_inputs(seed: int = 0) -> dict:
    key = jax.random.key(seed)
    k_item, k_table = jax.random.split(key)
    item = jax.random.randint(k_item, (4096, 200), 0, NUM_EMBEDDINGS, dtype=jnp.int64 if jax.config.jax_enable_x64 else jnp.int32)
    # torch.nn.init.uniform_(weight, -0.1, 0.1), padding row zeroed
    table = jax.random.uniform(k_table, (NUM_EMBEDDINGS, EMBED_DIM), dtype=jnp.float32, minval=-0.1, maxval=0.1)
    table = table.at[PAD_INDEX].set(0.0)
    return {"item": item, "table": table}

def reference(item, table):
    # Embedding lookup: gather rows of table by item indices.
    # dropout_rate == 0.0 so no dropout layer is applied.
    item_embedding = jnp.take(table, item, axis=0)
    return item_embedding

if __name__ == "__main__":
    import jax
    _d = setup_inputs()
    print(jax.jit(kernel)(*tuple(_d.values())))

</pallas_src>

<mosaic_0001>
#map = affine_map<(d0, d1) -> (0, 0)>
#map1 = affine_map<(d0, d1) -> (0)>
module attributes {stable_mosaic.version = 14 : i64} {
  func.func @_detile_kernel(%arg0: i32, %arg1: i32, %arg2: memref<200x4096xi32, #tpu.memory_space<hbm>>, %arg3: memref<819200xi32, #tpu.memory_space<hbm>>, %arg4: memref<8x2048xi32, #tpu.memory_space<vmem>>, %arg5: memref<!tpu.dma_semaphore, #tpu.memory_space<semaphore_mem>>) attributes {dimension_semantics = [#tpu.dimension_semantics<core_parallel>, #tpu.dimension_semantics<subcore_parallel>], iteration_bounds = array<i64: 2, 16>, scalar_prefetch = 0 : i64, scratch_operands = 2 : i64, tpu.core_type = #tpu.core_type<sc_vector_subcore>, window_params = [{transform_indices = #map}, {transform_indices = #map1}]} {
    %mul3A = arith.constant 2 : i32
    %mul3A_0 = arith.muli %arg1, %mul3A : i32
    %add3A = arith.addi %mul3A_0, %arg0 : i32
    %jit3A = arith.constant 2 : i32
    %div3A = arith.divsi %add3A, %jit3A : i32
    %sign3A = arith.constant 0 : i32
    %sign3A_1 = arith.cmpi sgt, %add3A, %sign3A : i32
    %sign3A_2 = arith.extui %sign3A_1 : i1 to i32
    %sign3A_3 = arith.constant 0 : i32
    %sign3A_4 = arith.cmpi slt, %add3A, %sign3A_3 : i32
    %sign3A_5 = arith.extui %sign3A_4 : i1 to i32
    %sign3A_6 = arith.subi %sign3A_2, %sign3A_5 : i32
    %sign3A_7 = arith.constant 0 : i32
    %sign3A_8 = arith.cmpi sgt, %jit3A, %sign3A_7 : i32
    %sign3A_9 = arith.extui %sign3A_8 : i1 to i32
    %sign3A_10 = arith.constant 0 : i32
    %sign3A_11 = arith.cmpi slt, %jit3A, %sign3A_10 : i32
    %sign3A_12 = arith.extui %sign3A_11 : i1 to i32
    %sign3A_13 = arith.subi %sign3A_9, %sign3A_12 : i32
    %ne3A = arith.cmpi ne, %sign3A_6, %sign3A_13 : i32
    %rem3A = arith.remsi %add3A, %jit3A : i32
    %ne3A_14 = arith.constant 0 : i32
    %ne3A_15 = arith.cmpi ne, %rem3A, %ne3A_14 : i32
    %and3A = arith.andi %ne3A, %ne3A_15 : i1
    %sub3A = arith.constant 1 : i32
    %sub3A_16 = arith.subi %div3A, %sub3A : i32
    %select_n3A = arith.select %and3A, %sub3A_16, %div3A : i32
    %jit3A_17 = arith.constant 2 : i32
    %eq3A = arith.constant 0 : i32
    %eq3A_18 = arith.cmpi eq, %jit3A_17, %eq3A : i32
    %jit3A_19 = arith.constant 1 : i32
    %select_n3A_20 = arith.select %eq3A_18, %jit3A_19, %jit3A_17 : i32
    %rem3A_21 = arith.remsi %add3A, %select_n3A_20 : i32
    %ne3A_22 = arith.constant 0 : i32
    %ne3A_23 = arith.cmpi ne, %rem3A_21, %ne3A_22 : i32
    %lt3A = arith.constant 0 : i32
    %lt3A_24 = arith.cmpi slt, %rem3A_21, %lt3A : i32
    %lt3A_25 = arith.constant 0 : i32
    %lt3A_26 = arith.cmpi slt, %select_n3A_20, %lt3A_25 : i32
    %ne3A_27 = arith.xori %lt3A_24, %lt3A_26 : i1
    %and3A_28 = arith.andi %ne3A_27, %ne3A_23 : i1
    %add3A_29 = arith.addi %rem3A_21, %select_n3A_20 : i32
    %select_n3A_30 = arith.select %and3A_28, %add3A_29, %rem3A_21 : i32
    %mul3A_31 = arith.constant 8 : i32
    %mul3A_32 = arith.muli %select_n3A, %mul3A_31 : i32
    %mul3A_33 = arith.constant 2048 : i32
    %mul3A_34 = arith.muli %select_n3A_30, %mul3A_33 : i32
    %dma_start3A = tpu.memref_slice %arg2[%mul3A_32, %mul3A_34] : memref<200x4096xi32, #tpu.memory_space<hbm>> -> memref<8x2048xi32, #tpu.memory_space<hbm>>
    %dma_start3A_35 = tpu.memref_slice %arg2[%mul3A_32, %mul3A_34] : memref<200x4096xi32, #tpu.memory_space<hbm>> -> memref<8x2048xi32, #tpu.memory_space<hbm>>
    tpu.enqueue_dma source(%dma_start3A_35 : memref<8x2048xi32, #tpu.memory_space<hbm>>) target(%arg4 : memref<8x2048xi32, #tpu.memory_space<vmem>>) target_semaphore(%arg5 : memref<!tpu.dma_semaphore, #tpu.memory_space<semaphore_mem>>)
    %dma_wait3A = tpu.memref_slice %arg2[%mul3A_32, %mul3A_34] : memref<200x4096xi32, #tpu.memory_space<hbm>> -> memref<8x2048xi32, #tpu.memory_space<hbm>>
    %dma_wait3A_36 = tpu.memref_slice %arg2[%mul3A_32, %mul3A_34] : memref<200x4096xi32, #tpu.memory_space<hbm>> -> memref<8x2048xi32, #tpu.memory_space<hbm>>
    tpu.wait_dma2 semaphore(%arg5 : memref<!tpu.dma_semaphore, #tpu.memory_space<semaphore_mem>>) src(%dma_wait3A_36 : memref<8x2048xi32, #tpu.memory_space<hbm>>) dst(%arg4 : memref<8x2048xi32, #tpu.memory_space<vmem>>)
    %mul3A_37 = arith.constant 8 : i32
    %mul3A_38 = arith.muli %select_n3A, %mul3A_37 : i32
    %add3A_39 = arith.constant 0 : i32
    %add3A_40 = arith.addi %mul3A_38, %add3A_39 : i32
    %mul3A_41 = arith.constant 4096 : i32
    %mul3A_42 = arith.muli %add3A_40, %mul3A_41 : i32
    %mul3A_43 = arith.constant 2048 : i32
    %mul3A_44 = arith.muli %select_n3A_30, %mul3A_43 : i32
    %add3A_45 = arith.addi %mul3A_42, %mul3A_44 : i32
    %run_scoped3A = arith.constant 0 : i32
    "tpu.region"() ({
      %run_scoped3A_119 = tpu.sem_alloc : memref<!tpu.dma_semaphore, #tpu.memory_space<semaphore_mem>>
      %dma_start3A_120 = arith.constant 0 : i32
      %dma_start3A_121 = tpu.memref_slice %arg4[%run_scoped3A, %dma_start3A_120] : memref<8x2048xi32, #tpu.memory_space<vmem>> -> memref<1x2048xi32, #tpu.memory_space<vmem>>
      %dma_start3A_122 = tpu.memref_squeeze %dma_start3A_121 : memref<1x2048xi32, #tpu.memory_space<vmem>> -> memref<2048xi32, #tpu.memory_space<vmem>>
      %dma_start3A_123 = tpu.memref_slice %arg3[%add3A_45] : memref<819200xi32, #tpu.memory_space<hbm>> -> memref<2048xi32, #tpu.memory_space<hbm>>
      %dma_start3A_124 = tpu.memref_slice %arg3[%add3A_45] : memref<819200xi32, #tpu.memory_space<hbm>> -> memref<2048xi32, #tpu.memory_space<hbm>>
      %dma_start3A_125 = arith.constant 0 : i32
      %dma_start3A_126 = tpu.memref_slice %arg4[%run_scoped3A, %dma_start3A_125] : memref<8x2048xi32, #tpu.memory_space<vmem>> -> memref<1x2048xi32, #tpu.memory_space<vmem>>
      %dma_start3A_127 = tpu.memref_squeeze %dma_start3A_126 : memref<1x2048xi32, #tpu.memory_space<vmem>> -> memref<2048xi32, #tpu.memory_space<vmem>>
      tpu.enqueue_dma source(%dma_start3A_127 : memref<2048xi32, #tpu.memory_space<vmem>>) target(%dma_start3A_124 : memref<2048xi32, #tpu.memory_space<hbm>>) target_semaphore(%run_scoped3A_119 : memref<!tpu.dma_semaphore, #tpu.memory_space<semaphore_mem>>)
      %dma_wait3A_128 = arith.constant 0 : i32
      %dma_wait3A_129 = tpu.memref_slice %arg4[%run_scoped3A, %dma_wait3A_128] : memref<8x2048xi32, #tpu.memory_space<vmem>> -> memref<1x2048xi32, #tpu.memory_space<vmem>>
      %dma_wait3A_130 = tpu.memref_squeeze %dma_wait3A_129 : memref<1x2048xi32, #tpu.memory_space<vmem>> -> memref<2048xi32, #tpu.memory_space<vmem>>
      %dma_wait3A_131 = tpu.memref_slice %arg3[%add3A_45] : memref<819200xi32, #tpu.memory_space<hbm>> -> memref<2048xi32, #tpu.memory_space<hbm>>
      %dma_wait3A_132 = tpu.memref_slice %arg3[%add3A_45] : memref<819200xi32, #tpu.memory_space<hbm>> -> memref<2048xi32, #tpu.memory_space<hbm>>
      %dma_wait3A_133 = arith.constant 0 : i32
      %dma_wait3A_134 = tpu.memref_slice %arg4[%run_scoped3A, %dma_wait3A_133] : memref<8x2048xi32, #tpu.memory_space<vmem>> -> memref<1x2048xi32, #tpu.memory_space<vmem>>
      %dma_wait3A_135 = tpu.memref_squeeze %dma_wait3A_134 : memref<1x2048xi32, #tpu.memory_space<vmem>> -> memref<2048xi32, #tpu.memory_space<vmem>>
      tpu.wait_dma2 semaphore(%run_scoped3A_119 : memref<!tpu.dma_semaphore, #tpu.memory_space<semaphore_mem>>) src(%dma_wait3A_135 : memref<2048xi32, #tpu.memory_space<vmem>>) dst(%dma_wait3A_132 : memref<2048xi32, #tpu.memory_space<hbm>>)
      tpu.yield
    }) : () -> ()
    %mul3A_46 = arith.constant 8 : i32
    %mul3A_47 = arith.muli %select_n3A, %mul3A_46 : i32
    %add3A_48 = arith.constant 1 : i32
    %add3A_49 = arith.addi %mul3A_47, %add3A_48 : i32
    %mul3A_50 = arith.constant 4096 : i32
    %mul3A_51 = arith.muli %add3A_49, %mul3A_50 : i32
    %mul3A_52 = arith.constant 2048 : i32
    %mul3A_53 = arith.muli %select_n3A_30, %mul3A_52 : i32
    %add3A_54 = arith.addi %mul3A_51, %mul3A_53 : i32
    %run_scoped3A_55 = arith.constant 1 : i32
    "tpu.region"() ({
      %run_scoped3A_119 = tpu.sem_alloc : memref<!tpu.dma_semaphore, #tpu.memory_space<semaphore_mem>>
      %dma_start3A_120 = arith.constant 0 : i32
      %dma_start3A_121 = tpu.memref_slice %arg4[%run_scoped3A_55, %dma_start3A_120] : memref<8x2048xi32, #tpu.memory_space<vmem>> -> memref<1x2048xi32, #tpu.memory_space<vmem>>
      %dma_start3A_122 = tpu.memref_squeeze %dma_start3A_121 : memref<1x2048xi32, #tpu.memory_space<vmem>> -> memref<2048xi32, #tpu.memory_space<vmem>>
      %dma_start3A_123 = tpu.memref_slice %arg3[%add3A_54] : memref<819200xi32, #tpu.memory_space<hbm>> -> memref<2048xi32, #tpu.memory_space<hbm>>
      %dma_start3A_124 = tpu.memref_slice %arg3[%add3A_54] : memref<819200xi32, #tpu.memory_space<hbm>> -> memref<2048xi32, #tpu.memory_space<hbm>>
      %dma_start3A_125 = arith.constant 0 : i32
      %dma_start3A_126 = tpu.memref_slice %arg4[%run_scoped3A_55, %dma_start3A_125] : memref<8x2048xi32, #tpu.memory_space<vmem>> -> memref<1x2048xi32, #tpu.memory_space<vmem>>
      %dma_start3A_127 = tpu.memref_squeeze %dma_start3A_126 : memref<1x2048xi32, #tpu.memory_space<vmem>> -> memref<2048xi32, #tpu.memory_space<vmem>>
      tpu.enqueue_dma source(%dma_start3A_127 : memref<2048xi32, #tpu.memory_space<vmem>>) target(%dma_start3A_124 : memref<2048xi32, #tpu.memory_space<hbm>>) target_semaphore(%run_scoped3A_119 : memref<!tpu.dma_semaphore, #tpu.memory_space<semaphore_mem>>)
      %dma_wait3A_128 = arith.constant 0 : i32
      %dma_wait3A_129 = tpu.memref_slice %arg4[%run_scoped3A_55, %dma_wait3A_128] : memref<8x2048xi32, #tpu.memory_space<vmem>> -> memref<1x2048xi32, #tpu.memory_space<vmem>>
      %dma_wait3A_130 = tpu.memref_squeeze %dma_wait3A_129 : memref<1x2048xi32, #tpu.memory_space<vmem>> -> memref<2048xi32, #tpu.memory_space<vmem>>
      %dma_wait3A_131 = tpu.memref_slice %arg3[%add3A_54] : memref<819200xi32, #tpu.memory_space<hbm>> -> memref<2048xi32, #tpu.memory_space<hbm>>
      %dma_wait3A_132 = tpu.memref_slice %arg3[%add3A_54] : memref<819200xi32, #tpu.memory_space<hbm>> -> memref<2048xi32, #tpu.memory_space<hbm>>
      %dma_wait3A_133 = arith.constant 0 : i32
      %dma_wait3A_134 = tpu.memref_slice %arg4[%run_scoped3A_55, %dma_wait3A_133] : memref<8x2048xi32, #tpu.memory_space<vmem>> -> memref<1x2048xi32, #tpu.memory_space<vmem>>
      %dma_wait3A_135 = tpu.memref_squeeze %dma_wait3A_134 : memref<1x2048xi32, #tpu.memory_space<vmem>> -> memref<2048xi32, #tpu.memory_space<vmem>>
      tpu.wait_dma2 semaphore(%run_scoped3A_119 : memref<!tpu.dma_semaphore, #tpu.memory_space<semaphore_mem>>) src(%dma_wait3A_135 : memref<2048xi32, #tpu.memory_space<vmem>>) dst(%dma_wait3A_132 : memref<2048xi32, #tpu.memory_space<hbm>>)
      tpu.yield
    }) : () -> ()
    %mul3A_56 = arith.constant 8 : i32
    %mul3A_57 = arith.muli %select_n3A, %mul3A_56 : i32
    %add3A_58 = arith.constant 2 : i32
    %add3A_59 = arith.addi %mul3A_57, %add3A_58 : i32
    %mul3A_60 = arith.constant 4096 : i32
    %mul3A_61 = arith.muli %add3A_59, %mul3A_60 : i32
    %mul3A_62 = arith.constant 2048 : i32
    %mul3A_63 = arith.muli %select_n3A_30, %mul3A_62 : i32
    %add3A_64 = arith.addi %mul3A_61, %mul3A_63 : i32
    %run_scoped3A_65 = arith.constant 2 : i32
    "tpu.region"() ({
      %run_scoped3A_119 = tpu.sem_alloc : memref<!tpu.dma_semaphore, #tpu.memory_space<semaphore_mem>>
      %dma_start3A_120 = arith.constant 0 : i32
      %dma_start3A_121 = tpu.memref_slice %arg4[%run_scoped3A_65, %dma_start3A_120] : memref<8x2048xi32, #tpu.memory_space<vmem>> -> memref<1x2048xi32, #tpu.memory_space<vmem>>
      %dma_start3A_122 = tpu.memref_squeeze %dma_start3A_121 : memref<1x2048xi32, #tpu.memory_space<vmem>> -> memref<2048xi32, #tpu.memory_space<vmem>>
      %dma_start3A_123 = tpu.memref_slice %arg3[%add3A_64] : memref<819200xi32, #tpu.memory_space<hbm>> -> memref<2048xi32, #tpu.memory_space<hbm>>
      %dma_start3A_124 = tpu.memref_slice %arg3[%add3A_64] : memref<819200xi32, #tpu.memory_space<hbm>> -> memref<2048xi32, #tpu.memory_space<hbm>>
      %dma_start3A_125 = arith.constant 0 : i32
      %dma_start3A_126 = tpu.memref_slice %arg4[%run_scoped3A_65, %dma_start3A_125] : memref<8x2048xi32, #tpu.memory_space<vmem>> -> memref<1x2048xi32, #tpu.memory_space<vmem>>
      %dma_start3A_127 = tpu.memref_squeeze %dma_start3A_126 : memref<1x2048xi32, #tpu.memory_space<vmem>> -> memref<2048xi32, #tpu.memory_space<vmem>>
      tpu.enqueue_dma source(%dma_start3A_127 : memref<2048xi32, #tpu.memory_space<vmem>>) target(%dma_start3A_124 : memref<2048xi32, #tpu.memory_space<hbm>>) target_semaphore(%run_scoped3A_119 : memref<!tpu.dma_semaphore, #tpu.memory_space<semaphore_mem>>)
      %dma_wait3A_128 = arith.constant 0 : i32
      %dma_wait3A_129 = tpu.memref_slice %arg4[%run_scoped3A_65, %dma_wait3A_128] : memref<8x2048xi32, #tpu.memory_space<vmem>> -> memref<1x2048xi32, #tpu.memory_space<vmem>>
      %dma_wait3A_130 = tpu.memref_squeeze %dma_wait3A_129 : memref<1x2048xi32, #tpu.memory_space<vmem>> -> memref<2048xi32, #tpu.memory_space<vmem>>
      %dma_wait3A_131 = tpu.memref_slice %arg3[%add3A_64] : memref<819200xi32, #tpu.memory_space<hbm>> -> memref<2048xi32, #tpu.memory_space<hbm>>
      %dma_wait3A_132 = tpu.memref_slice %arg3[%add3A_64] : memref<819200xi32, #tpu.memory_space<hbm>> -> memref<2048xi32, #tpu.memory_space<hbm>>
      %dma_wait3A_133 = arith.constant 0 : i32
      %dma_wait3A_134 = tpu.memref_slice %arg4[%run_scoped3A_65, %dma_wait3A_133] : memref<8x2048xi32, #tpu.memory_space<vmem>> -> memref<1x2048xi32, #tpu.memory_space<vmem>>
      %dma_wait3A_135 = tpu.memref_squeeze %dma_wait3A_134 : memref<1x2048xi32, #tpu.memory_space<vmem>> -> memref<2048xi32, #tpu.memory_space<vmem>>
      tpu.wait_dma2 semaphore(%run_scoped3A_119 : memref<!tpu.dma_semaphore, #tpu.memory_space<semaphore_mem>>) src(%dma_wait3A_135 : memref<2048xi32, #tpu.memory_space<vmem>>) dst(%dma_wait3A_132 : memref<2048xi32, #tpu.memory_space<hbm>>)
      tpu.yield
    }) : () -> ()
    %mul3A_66 = arith.constant 8 : i32
    %mul3A_67 = arith.muli %select_n3A, %mul3A_66 : i32
    %add3A_68 = arith.constant 3 : i32
    %add3A_69 = arith.addi %mul3A_67, %add3A_68 : i32
    %mul3A_70 = arith.constant 4096 : i32
    %mul3A_71 = arith.muli %add3A_69, %mul3A_70 : i32
    %mul3A_72 = arith.constant 2048 : i32
    %mul3A_73 = arith.muli %select_n3A_30, %mul3A_72 : i32
    %add3A_74 = arith.addi %mul3A_71, %mul3A_73 : i32
    %run_scoped3A_75 = arith.constant 3 : i32
    "tpu.region"() ({
      %run_scoped3A_119 = tpu.sem_alloc : memref<!tpu.dma_semaphore, #tpu.memory_space<semaphore_mem>>
      %dma_start3A_120 = arith.constant 0 : i32
      %dma_start3A_121 = tpu.memref_slice %arg4[%run_scoped3A_75, %dma_start3A_120] : memref<8x2048xi32, #tpu.memory_space<vmem>> -> memref<1x2048xi32, #tpu.memory_space<vmem>>
      %dma_start3A_122 = tpu.memref_squeeze %dma_start3A_121 : memref<1x2048xi32, #tpu.memory_space<vmem>> -> memref<2048xi32, #tpu.memory_space<vmem>>
      %dma_start3A_123 = tpu.memref_slice %arg3[%add3A_74] : memref<819200xi32, #tpu.memory_space<hbm>> -> memref<2048xi32, #tpu.memory_space<hbm>>
      %dma_start3A_124 = tpu.memref_slice %arg3[%add3A_74] : memref<819200xi32, #tpu.memory_space<hbm>> -> memref<2048xi32, #tpu.memory_space<hbm>>
      %dma_start3A_125 = arith.constant 0 : i32
      %dma_start3A_126 = tpu.memref_slice %arg4[%run_scoped3A_75, %dma_start3A_125] : memref<8x2048xi32, #tpu.memory_space<vmem>> -> memref<1x2048xi32, #tpu.memory_space<vmem>>
      %dma_start3A_127 = tpu.memref_squeeze %dma_start3A_126 : memref<1x2048xi32, #tpu.memory_space<vmem>> -> memref<2048xi32, #tpu.memory_space<vmem>>
      tpu.enqueue_dma source(%dma_start3A_127 : memref<2048xi32, #tpu.memory_space<vmem>>) target(%dma_start3A_124 : memref<2048xi32, #tpu.memory_space<hbm>>) target_semaphore(%run_scoped3A_119 : memref<!tpu.dma_semaphore, #tpu.memory_space<semaphore_mem>>)
      %dma_wait3A_128 = arith.constant 0 : i32
      %dma_wait3A_129 = tpu.memref_slice %arg4[%run_scoped3A_75, %dma_wait3A_128] : memref<8x2048xi32, #tpu.memory_space<vmem>> -> memref<1x2048xi32, #tpu.memory_space<vmem>>
      %dma_wait3A_130 = tpu.memref_squeeze %dma_wait3A_129 : memref<1x2048xi32, #tpu.memory_space<vmem>> -> memref<2048xi32, #tpu.memory_space<vmem>>
      %dma_wait3A_131 = tpu.memref_slice %arg3[%add3A_74] : memref<819200xi32, #tpu.memory_space<hbm>> -> memref<2048xi32, #tpu.memory_space<hbm>>
      %dma_wait3A_132 = tpu.memref_slice %arg3[%add3A_74] : memref<819200xi32, #tpu.memory_space<hbm>> -> memref<2048xi32, #tpu.memory_space<hbm>>
      %dma_wait3A_133 = arith.constant 0 : i32
      %dma_wait3A_134 = tpu.memref_slice %arg4[%run_scoped3A_75, %dma_wait3A_133] : memref<8x2048xi32, #tpu.memory_space<vmem>> -> memref<1x2048xi32, #tpu.memory_space<vmem>>
      %dma_wait3A_135 = tpu.memref_squeeze %dma_wait3A_134 : memref<1x2048xi32, #tpu.memory_space<vmem>> -> memref<2048xi32, #tpu.memory_space<vmem>>
      tpu.wait_dma2 semaphore(%run_scoped3A_119 : memref<!tpu.dma_semaphore, #tpu.memory_space<semaphore_mem>>) src(%dma_wait3A_135 : memref<2048xi32, #tpu.memory_space<vmem>>) dst(%dma_wait3A_132 : memref<2048xi32, #tpu.memory_space<hbm>>)
      tpu.yield
    }) : () -> ()
    %mul3A_76 = arith.constant 8 : i32
    %mul3A_77 = arith.muli %select_n3A, %mul3A_76 : i32
    %add3A_78 = arith.constant 4 : i32
    %add3A_79 = arith.addi %mul3A_77, %add3A_78 : i32
    %mul3A_80 = arith.constant 4096 : i32
    %mul3A_81 = arith.muli %add3A_79, %mul3A_80 : i32
    %mul3A_82 = arith.constant 2048 : i32
    %mul3A_83 = arith.muli %select_n3A_30, %mul3A_82 : i32
    %add3A_84 = arith.addi %mul3A_81, %mul3A_83 : i32
    %run_scoped3A_85 = arith.constant 4 : i32
    "tpu.region"() ({
      %run_scoped3A_119 = tpu.sem_alloc : memref<!tpu.dma_semaphore, #tpu.memory_space<semaphore_mem>>
      %dma_start3A_120 = arith.constant 0 : i32
      %dma_start3A_121 = tpu.memref_slice %arg4[%run_scoped3A_85, %dma_start3A_120] : memref<8x2048xi32, #tpu.memory_space<vmem>> -> memref<1x2048xi32, #tpu.memory_space<vmem>>
      %dma_start3A_122 = tpu.memref_squeeze %dma_start3A_121 : memref<1x2048xi32, #tpu.memory_space<vmem>> -> memref<2048xi32, #tpu.memory_space<vmem>>
      %dma_start3A_123 = tpu.memref_slice %arg3[%add3A_84] : memref<819200xi32, #tpu.memory_space<hbm>> -> memref<2048xi32, #tpu.memory_space<hbm>>
      %dma_start3A_124 = tpu.memref_slice %arg3[%add3A_84] : memref<819200xi32, #tpu.memory_space<hbm>> -> memref<2048xi32, #tpu.memory_space<hbm>>
      %dma_start3A_125 = arith.constant 0 : i32
      %dma_start3A_126 = tpu.memref_slice %arg4[%run_scoped3A_85, %dma_start3A_125] : memref<8x2048xi32, #tpu.memory_space<vmem>> -> memref<1x2048xi32, #tpu.memory_space<vmem>>
      %dma_start3A_127 = tpu.memref_squeeze %dma_start3A_126 : memref<1x2048xi32, #tpu.memory_space<vmem>> -> memref<2048xi32, #tpu.memory_space<vmem>>
      tpu.enqueue_dma source(%dma_start3A_127 : memref<2048xi32, #tpu.memory_space<vmem>>) target(%dma_start3A_124 : memref<2048xi32, #tpu.memory_space<hbm>>) target_semaphore(%run_scoped3A_119 : memref<!tpu.dma_semaphore, #tpu.memory_space<semaphore_mem>>)
      %dma_wait3A_128 = arith.constant 0 : i32
      %dma_wait3A_129 = tpu.memref_slice %arg4[%run_scoped3A_85, %dma_wait3A_128] : memref<8x2048xi32, #tpu.memory_space<vmem>> -> memref<1x2048xi32, #tpu.memory_space<vmem>>
      %dma_wait3A_130 = tpu.memref_squeeze %dma_wait3A_129 : memref<1x2048xi32, #tpu.memory_space<vmem>> -> memref<2048xi32, #tpu.memory_space<vmem>>
      %dma_wait3A_131 = tpu.memref_slice %arg3[%add3A_84] : memref<819200xi32, #tpu.memory_space<hbm>> -> memref<2048xi32, #tpu.memory_space<hbm>>
      %dma_wait3A_132 = tpu.memref_slice %arg3[%add3A_84] : memref<819200xi32, #tpu.memory_space<hbm>> -> memref<2048xi32, #tpu.memory_space<hbm>>
      %dma_wait3A_133 = arith.constant 0 : i32
      %dma_wait3A_134 = tpu.memref_slice %arg4[%run_scoped3A_85, %dma_wait3A_133] : memref<8x2048xi32, #tpu.memory_space<vmem>> -> memref<1x2048xi32, #tpu.memory_space<vmem>>
      %dma_wait3A_135 = tpu.memref_squeeze %dma_wait3A_134 : memref<1x2048xi32, #tpu.memory_space<vmem>> -> memref<2048xi32, #tpu.memory_space<vmem>>
      tpu.wait_dma2 semaphore(%run_scoped3A_119 : memref<!tpu.dma_semaphore, #tpu.memory_space<semaphore_mem>>) src(%dma_wait3A_135 : memref<2048xi32, #tpu.memory_space<vmem>>) dst(%dma_wait3A_132 : memref<2048xi32, #tpu.memory_space<hbm>>)
      tpu.yield
    }) : () -> ()
    %mul3A_86 = arith.constant 8 : i32
    %mul3A_87 = arith.muli %select_n3A, %mul3A_86 : i32
    %add3A_88 = arith.constant 5 : i32
    %add3A_89 = arith.addi %mul3A_87, %add3A_88 : i32
    %mul3A_90 = arith.constant 4096 : i32
    %mul3A_91 = arith.muli %add3A_89, %mul3A_90 : i32
    %mul3A_92 = arith.constant 2048 : i32
    %mul3A_93 = arith.muli %select_n3A_30, %mul3A_92 : i32
    %add3A_94 = arith.addi %mul3A_91, %mul3A_93 : i32
    %run_scoped3A_95 = arith.constant 5 : i32
    "tpu.region"() ({
      %run_scoped3A_119 = tpu.sem_alloc : memref<!tpu.dma_semaphore, #tpu.memory_space<semaphore_mem>>
      %dma_start3A_120 = arith.constant 0 : i32
      %dma_start3A_121 = tpu.memref_slice %arg4[%run_scoped3A_95, %dma_start3A_120] : memref<8x2048xi32, #tpu.memory_space<vmem>> -> memref<1x2048xi32, #tpu.memory_space<vmem>>
      %dma_start3A_122 = tpu.memref_squeeze %dma_start3A_121 : memref<1x2048xi32, #tpu.memory_space<vmem>> -> memref<2048xi32, #tpu.memory_space<vmem>>
      %dma_start3A_123 = tpu.memref_slice %arg3[%add3A_94] : memref<819200xi32, #tpu.memory_space<hbm>> -> memref<2048xi32, #tpu.memory_space<hbm>>
      %dma_start3A_124 = tpu.memref_slice %arg3[%add3A_94] : memref<819200xi32, #tpu.memory_space<hbm>> -> memref<2048xi32, #tpu.memory_space<hbm>>
      %dma_start3A_125 = arith.constant 0 : i32
      %dma_start3A_126 = tpu.memref_slice %arg4[%run_scoped3A_95, %dma_start3A_125] : memref<8x2048xi32, #tpu.memory_space<vmem>> -> memref<1x2048xi32, #tpu.memory_space<vmem>>
      %dma_start3A_127 = tpu.memref_squeeze %dma_start3A_126 : memref<1x2048xi32, #tpu.memory_space<vmem>> -> memref<2048xi32, #tpu.memory_space<vmem>>
      tpu.enqueue_dma source(%dma_start3A_127 : memref<2048xi32, #tpu.memory_space<vmem>>) target(%dma_start3A_124 : memref<2048xi32, #tpu.memory_space<hbm>>) target_semaphore(%run_scoped3A_119 : memref<!tpu.dma_semaphore, #tpu.memory_space<semaphore_mem>>)
      %dma_wait3A_128 = arith.constant 0 : i32
      %dma_wait3A_129 = tpu.memref_slice %arg4[%run_scoped3A_95, %dma_wait3A_128] : memref<8x2048xi32, #tpu.memory_space<vmem>> -> memref<1x2048xi32, #tpu.memory_space<vmem>>
      %dma_wait3A_130 = tpu.memref_squeeze %dma_wait3A_129 : memref<1x2048xi32, #tpu.memory_space<vmem>> -> memref<2048xi32, #tpu.memory_space<vmem>>
      %dma_wait3A_131 = tpu.memref_slice %arg3[%add3A_94] : memref<819200xi32, #tpu.memory_space<hbm>> -> memref<2048xi32, #tpu.memory_space<hbm>>
      %dma_wait3A_132 = tpu.memref_slice %arg3[%add3A_94] : memref<819200xi32, #tpu.memory_space<hbm>> -> memref<2048xi32, #tpu.memory_space<hbm>>
      %dma_wait3A_133 = arith.constant 0 : i32
      %dma_wait3A_134 = tpu.memref_slice %arg4[%run_scoped3A_95, %dma_wait3A_133] : memref<8x2048xi32, #tpu.memory_space<vmem>> -> memref<1x2048xi32, #tpu.memory_space<vmem>>
      %dma_wait3A_135 = tpu.memref_squeeze %dma_wait3A_134 : memref<1x2048xi32, #tpu.memory_space<vmem>> -> memref<2048xi32, #tpu.memory_space<vmem>>
      tpu.wait_dma2 semaphore(%run_scoped3A_119 : memref<!tpu.dma_semaphore, #tpu.memory_space<semaphore_mem>>) src(%dma_wait3A_135 : memref<2048xi32, #tpu.memory_space<vmem>>) dst(%dma_wait3A_132 : memref<2048xi32, #tpu.memory_space<hbm>>)
      tpu.yield
    }) : () -> ()
    %mul3A_96 = arith.constant 8 : i32
    %mul3A_97 = arith.muli %select_n3A, %mul3A_96 : i32
    %add3A_98 = arith.constant 6 : i32
    %add3A_99 = arith.addi %mul3A_97, %add3A_98 : i32
    %mul3A_100 = arith.constant 4096 : i32
    %mul3A_101 = arith.muli %add3A_99, %mul3A_100 : i32
    %mul3A_102 = arith.constant 2048 : i32
    %mul3A_103 = arith.muli %select_n3A_30, %mul3A_102 : i32
    %add3A_104 = arith.addi %mul3A_101, %mul3A_103 : i32
    %run_scoped3A_105 = arith.constant 6 : i32
    "tpu.region"() ({
      %run_scoped3A_119 = tpu.sem_alloc : memref<!tpu.dma_semaphore, #tpu.memory_space<semaphore_mem>>
      %dma_start3A_120 = arith.constant 0 : i32
      %dma_start3A_121 = tpu.memref_slice %arg4[%run_scoped3A_105, %dma_start3A_120] : memref<8x2048xi32, #tpu.memory_space<vmem>> -> memref<1x2048xi32, #tpu.memory_space<vmem>>
      %dma_start3A_122 = tpu.memref_squeeze %dma_start3A_121 : memref<1x2048xi32, #tpu.memory_space<vmem>> -> memref<2048xi32, #tpu.memory_space<vmem>>
      %dma_start3A_123 = tpu.memref_slice %arg3[%add3A_104] : memref<819200xi32, #tpu.memory_space<hbm>> -> memref<2048xi32, #tpu.memory_space<hbm>>
      %dma_start3A_124 = tpu.memref_slice %arg3[%add3A_104] : memref<819200xi32, #tpu.memory_space<hbm>> -> memref<2048xi32, #tpu.memory_space<hbm>>
      %dma_start3A_125 = arith.constant 0 : i32
      %dma_start3A_126 = tpu.memref_slice %arg4[%run_scoped3A_105, %dma_start3A_125] : memref<8x2048xi32, #tpu.memory_space<vmem>> -> memref<1x2048xi32, #tpu.memory_space<vmem>>
      %dma_start3A_127 = tpu.memref_squeeze %dma_start3A_126 : memref<1x2048xi32, #tpu.memory_space<vmem>> -> memref<2048xi32, #tpu.memory_space<vmem>>
      tpu.enqueue_dma source(%dma_start3A_127 : memref<2048xi32, #tpu.memory_space<vmem>>) target(%dma_start3A_124 : memref<2048xi32, #tpu.memory_space<hbm>>) target_semaphore(%run_scoped3A_119 : memref<!tpu.dma_semaphore, #tpu.memory_space<semaphore_mem>>)
      %dma_wait3A_128 = arith.constant 0 : i32
      %dma_wait3A_129 = tpu.memref_slice %arg4[%run_scoped3A_105, %dma_wait3A_128] : memref<8x2048xi32, #tpu.memory_space<vmem>> -> memref<1x2048xi32, #tpu.memory_space<vmem>>
      %dma_wait3A_130 = tpu.memref_squeeze %dma_wait3A_129 : memref<1x2048xi32, #tpu.memory_space<vmem>> -> memref<2048xi32, #tpu.memory_space<vmem>>
      %dma_wait3A_131 = tpu.memref_slice %arg3[%add3A_104] : memref<819200xi32, #tpu.memory_space<hbm>> -> memref<2048xi32, #tpu.memory_space<hbm>>
      %dma_wait3A_132 = tpu.memref_slice %arg3[%add3A_104] : memref<819200xi32, #tpu.memory_space<hbm>> -> memref<2048xi32, #tpu.memory_space<hbm>>
      %dma_wait3A_133 = arith.constant 0 : i32
      %dma_wait3A_134 = tpu.memref_slice %arg4[%run_scoped3A_105, %dma_wait3A_133] : memref<8x2048xi32, #tpu.memory_space<vmem>> -> memref<1x2048xi32, #tpu.memory_space<vmem>>
      %dma_wait3A_135 = tpu.memref_squeeze %dma_wait3A_134 : memref<1x2048xi32, #tpu.memory_space<vmem>> -> memref<2048xi32, #tpu.memory_space<vmem>>
      tpu.wait_dma2 semaphore(%run_scoped3A_119 : memref<!tpu.dma_semaphore, #tpu.memory_space<semaphore_mem>>) src(%dma_wait3A_135 : memref<2048xi32, #tpu.memory_space<vmem>>) dst(%dma_wait3A_132 : memref<2048xi32, #tpu.memory_space<hbm>>)
      tpu.yield
    }) : () -> ()
    %mul3A_106 = arith.constant 8 : i32
    %mul3A_107 = arith.muli %select_n3A, %mul3A_106 : i32
    %add3A_108 = arith.constant 7 : i32
    %add3A_109 = arith.addi %mul3A_107, %add3A_108 : i32
    %mul3A_110 = arith.constant 4096 : i32
    %mul3A_111 = arith.muli %add3A_109, %mul3A_110 : i32
    %mul3A_112 = arith.constant 2048 : i32
    %mul3A_113 = arith.muli %select_n3A_30, %mul3A_112 : i32
    %add3A_114 = arith.addi %mul3A_111, %mul3A_113 : i32
    %run_scoped3A_115 = arith.constant 7 : i32
    "tpu.region"() ({
      %run_scoped3A_119 = tpu.sem_alloc : memref<!tpu.dma_semaphore, #tpu.memory_space<semaphore_mem>>
      %dma_start3A_120 = arith.constant 0 : i32
      %dma_start3A_121 = tpu.memref_slice %arg4[%run_scoped3A_115, %dma_start3A_120] : memref<8x2048xi32, #tpu.memory_space<vmem>> -> memref<1x2048xi32, #tpu.memory_space<vmem>>
      %dma_start3A_122 = tpu.memref_squeeze %dma_start3A_121 : memref<1x2048xi32, #tpu.memory_space<vmem>> -> memref<2048xi32, #tpu.memory_space<vmem>>
      %dma_start3A_123 = tpu.memref_slice %arg3[%add3A_114] : memref<819200xi32, #tpu.memory_space<hbm>> -> memref<2048xi32, #tpu.memory_space<hbm>>
      %dma_start3A_124 = tpu.memref_slice %arg3[%add3A_114] : memref<819200xi32, #tpu.memory_space<hbm>> -> memref<2048xi32, #tpu.memory_space<hbm>>
      %dma_start3A_125 = arith.constant 0 : i32
      %dma_start3A_126 = tpu.memref_slice %arg4[%run_scoped3A_115, %dma_start3A_125] : memref<8x2048xi32, #tpu.memory_space<vmem>> -> memref<1x2048xi32, #tpu.memory_space<vmem>>
      %dma_start3A_127 = tpu.memref_squeeze %dma_start3A_126 : memref<1x2048xi32, #tpu.memory_space<vmem>> -> memref<2048xi32, #tpu.memory_space<vmem>>
      tpu.enqueue_dma source(%dma_start3A_127 : memref<2048xi32, #tpu.memory_space<vmem>>) target(%dma_start3A_124 : memref<2048xi32, #tpu.memory_space<hbm>>) target_semaphore(%run_scoped3A_119 : memref<!tpu.dma_semaphore, #tpu.memory_space<semaphore_mem>>)
      %dma_wait3A_128 = arith.constant 0 : i32
      %dma_wait3A_129 = tpu.memref_slice %arg4[%run_scoped3A_115, %dma_wait3A_128] : memref<8x2048xi32, #tpu.memory_space<vmem>> -> memref<1x2048xi32, #tpu.memory_space<vmem>>
      %dma_wait3A_130 = tpu.memref_squeeze %dma_wait3A_129 : memref<1x2048xi32, #tpu.memory_space<vmem>> -> memref<2048xi32, #tpu.memory_space<vmem>>
      %dma_wait3A_131 = tpu.memref_slice %arg3[%add3A_114] : memref<819200xi32, #tpu.memory_space<hbm>> -> memref<2048xi32, #tpu.memory_space<hbm>>
      %dma_wait3A_132 = tpu.memref_slice %arg3[%add3A_114] : memref<819200xi32, #tpu.memory_space<hbm>> -> memref<2048xi32, #tpu.memory_space<hbm>>
      %dma_wait3A_133 = arith.constant 0 : i32
      %dma_wait3A_134 = tpu.memref_slice %arg4[%run_scoped3A_115, %dma_wait3A_133] : memref<8x2048xi32, #tpu.memory_space<vmem>> -> memref<1x2048xi32, #tpu.memory_space<vmem>>
      %dma_wait3A_135 = tpu.memref_squeeze %dma_wait3A_134 : memref<1x2048xi32, #tpu.memory_space<vmem>> -> memref<2048xi32, #tpu.memory_space<vmem>>
      tpu.wait_dma2 semaphore(%run_scoped3A_119 : memref<!tpu.dma_semaphore, #tpu.memory_space<semaphore_mem>>) src(%dma_wait3A_135 : memref<2048xi32, #tpu.memory_space<vmem>>) dst(%dma_wait3A_132 : memref<2048xi32, #tpu.memory_space<hbm>>)
      tpu.yield
    }) : () -> ()
    %lt3A_116 = arith.constant 18 : i32
    %lt3A_117 = arith.cmpi slt, %add3A, %lt3A_116 : i32
    %convert_element_type3A = arith.extui %lt3A_117 : i1 to i32
    %cond3A = arith.constant 0 : i32
    %cond3A_118 = arith.cmpi ne, %convert_element_type3A, %cond3A : i32
    scf.if %cond3A_118 {
      %add3A_119 = arith.constant 32 : i32
      %add3A_120 = arith.addi %add3A, %add3A_119 : i32
      %jit3A_121 = arith.constant 2 : i32
      %div3A_122 = arith.divsi %add3A_120, %jit3A_121 : i32
      %sign3A_123 = arith.constant 0 : i32
      %sign3A_124 = arith.cmpi sgt, %add3A_120, %sign3A_123 : i32
      %sign3A_125 = arith.extui %sign3A_124 : i1 to i32
      %sign3A_126 = arith.constant 0 : i32
      %sign3A_127 = arith.cmpi slt, %add3A_120, %sign3A_126 : i32
      %sign3A_128 = arith.extui %sign3A_127 : i1 to i32
      %sign3A_129 = arith.subi %sign3A_125, %sign3A_128 : i32
      %sign3A_130 = arith.constant 0 : i32
      %sign3A_131 = arith.cmpi sgt, %jit3A_121, %sign3A_130 : i32
      %sign3A_132 = arith.extui %sign3A_131 : i1 to i32
      %sign3A_133 = arith.constant 0 : i32
      %sign3A_134 = arith.cmpi slt, %jit3A_121, %sign3A_133 : i32
      %sign3A_135 = arith.extui %sign3A_134 : i1 to i32
      %sign3A_136 = arith.subi %sign3A_132, %sign3A_135 : i32
      %ne3A_137 = arith.cmpi ne, %sign3A_129, %sign3A_136 : i32
      %rem3A_138 = arith.remsi %add3A_120, %jit3A_121 : i32
      %ne3A_139 = arith.constant 0 : i32
      %ne3A_140 = arith.cmpi ne, %rem3A_138, %ne3A_139 : i32
      %and3A_141 = arith.andi %ne3A_137, %ne3A_140 : i1
      %sub3A_142 = arith.constant 1 : i32
      %sub3A_143 = arith.subi %div3A_122, %sub3A_142 : i32
      %select_n3A_144 = arith.select %and3A_141, %sub3A_143, %div3A_122 : i32
      %jit3A_145 = arith.constant 2 : i32
      %eq3A_146 = arith.constant 0 : i32
      %eq3A_147 = arith.cmpi eq, %jit3A_145, %eq3A_146 : i32
      %jit3A_148 = arith.constant 1 : i32
      %select_n3A_149 = arith.select %eq3A_147, %jit3A_148, %jit3A_145 : i32
      %rem3A_150 = arith.remsi %add3A_120, %select_n3A_149 : i32
      %ne3A_151 = arith.constant 0 : i32
      %ne3A_152 = arith.cmpi ne, %rem3A_150, %ne3A_151 : i32
      %lt3A_153 = arith.constant 0 : i32
      %lt3A_154 = arith.cmpi slt, %rem3A_150, %lt3A_153 : i32
      %lt3A_155 = arith.constant 0 : i32
      %lt3A_156 = arith.cmpi slt, %select_n3A_149, %lt3A_155 : i32
      %ne3A_157 = arith.xori %lt3A_154, %lt3A_156 : i1
      %and3A_158 = arith.andi %ne3A_157, %ne3A_152 : i1
      %add3A_159 = arith.addi %rem3A_150, %select_n3A_149 : i32
      %select_n3A_160 = arith.select %and3A_158, %add3A_159, %rem3A_150 : i32
      %mul3A_161 = arith.constant 8 : i32
      %mul3A_162 = arith.muli %select_n3A_144, %mul3A_161 : i32
      %mul3A_163 = arith.constant 2048 : i32
      %mul3A_164 = arith.muli %select_n3A_160, %mul3A_163 : i32
      %dma_start3A_165 = tpu.memref_slice %arg2[%mul3A_162, %mul3A_164] : memref<200x4096xi32, #tpu.memory_space<hbm>> -> memref<8x2048xi32, #tpu.memory_space<hbm>>
      %dma_start3A_166 = tpu.memref_slice %arg2[%mul3A_162, %mul3A_164] : memref<200x4096xi32, #tpu.memory_space<hbm>> -> memref<8x2048xi32, #tpu.memory_space<hbm>>
      tpu.enqueue_dma source(%dma_start3A_166 : memref<8x2048xi32, #tpu.memory_space<hbm>>) target(%arg4 : memref<8x2048xi32, #tpu.memory_space<vmem>>) target_semaphore(%arg5 : memref<!tpu.dma_semaphore, #tpu.memory_space<semaphore_mem>>)
      %dma_wait3A_167 = tpu.memref_slice %arg2[%mul3A_162, %mul3A_164] : memref<200x4096xi32, #tpu.memory_space<hbm>> -> memref<8x2048xi32, #tpu.memory_space<hbm>>
      %dma_wait3A_168 = tpu.memref_slice %arg2[%mul3A_162, %mul3A_164] : memref<200x4096xi32, #tpu.memory_space<hbm>> -> memref<8x2048xi32, #tpu.memory_space<hbm>>
      tpu.wait_dma2 semaphore(%arg5 : memref<!tpu.dma_semaphore, #tpu.memory_space<semaphore_mem>>) src(%dma_wait3A_168 : memref<8x2048xi32, #tpu.memory_space<hbm>>) dst(%arg4 : memref<8x2048xi32, #tpu.memory_space<vmem>>)
      %mul3A_169 = arith.constant 8 : i32
      %mul3A_170 = arith.muli %select_n3A_144, %mul3A_169 : i32
      %add3A_171 = arith.constant 0 : i32
      %add3A_172 = arith.addi %mul3A_170, %add3A_171 : i32
      %mul3A_173 = arith.constant 4096 : i32
      %mul3A_174 = arith.muli %add3A_172, %mul3A_173 : i32
      %mul3A_175 = arith.constant 2048 : i32
      %mul3A_176 = arith.muli %select_n3A_160, %mul3A_175 : i32
      %add3A_177 = arith.addi %mul3A_174, %mul3A_176 : i32
      %run_scoped3A_178 = arith.constant 0 : i32
      "tpu.region"() ({
        %run_scoped3A_249 = tpu.sem_alloc : memref<!tpu.dma_semaphore, #tpu.memory_space<semaphore_mem>>
        %dma_start3A_250 = arith.constant 0 : i32
        %dma_start3A_251 = tpu.memref_slice %arg4[%run_scoped3A_178, %dma_start3A_250] : memref<8x2048xi32, #tpu.memory_space<vmem>> -> memref<1x2048xi32, #tpu.memory_space<vmem>>
        %dma_start3A_252 = tpu.memref_squeeze %dma_start3A_251 : memref<1x2048xi32, #tpu.memory_space<vmem>> -> memref<2048xi32, #tpu.memory_space<vmem>>
        %dma_start3A_253 = tpu.memref_slice %arg3[%add3A_177] : memref<819200xi32, #tpu.memory_space<hbm>> -> memref<2048xi32, #tpu.memory_space<hbm>>
        %dma_start3A_254 = tpu.memref_slice %arg3[%add3A_177] : memref<819200xi32, #tpu.memory_space<hbm>> -> memref<2048xi32, #tpu.memory_space<hbm>>
        %dma_start3A_255 = arith.constant 0 : i32
        %dma_start3A_256 = tpu.memref_slice %arg4[%run_scoped3A_178, %dma_start3A_255] : memref<8x2048xi32, #tpu.memory_space<vmem>> -> memref<1x2048xi32, #tpu.memory_space<vmem>>
        %dma_start3A_257 = tpu.memref_squeeze %dma_start3A_256 : memref<1x2048xi32, #tpu.memory_space<vmem>> -> memref<2048xi32, #tpu.memory_space<vmem>>
        tpu.enqueue_dma source(%dma_start3A_257 : memref<2048xi32, #tpu.memory_space<vmem>>) target(%dma_start3A_254 : memref<2048xi32, #tpu.memory_space<hbm>>) target_semaphore(%run_scoped3A_249 : memref<!tpu.dma_semaphore, #tpu.memory_space<semaphore_mem>>)
        %dma_wait3A_258 = arith.constant 0 : i32
        %dma_wait3A_259 = tpu.memref_slice %arg4[%run_scoped3A_178, %dma_wait3A_258] : memref<8x2048xi32, #tpu.memory_space<vmem>> -> memref<1x2048xi32, #tpu.memory_space<vmem>>
        %dma_wait3A_260 = tpu.memref_squeeze %dma_wait3A_259 : memref<1x2048xi32, #tpu.memory_space<vmem>> -> memref<2048xi32, #tpu.memory_space<vmem>>
        %dma_wait3A_261 = tpu.memref_slice %arg3[%add3A_177] : memref<819200xi32, #tpu.memory_space<hbm>> -> memref<2048xi32, #tpu.memory_space<hbm>>
        %dma_wait3A_262 = tpu.memref_slice %arg3[%add3A_177] : memref<819200xi32, #tpu.memory_space<hbm>> -> memref<2048xi32, #tpu.memory_space<hbm>>
        %dma_wait3A_263 = arith.constant 0 : i32
        %dma_wait3A_264 = tpu.memref_slice %arg4[%run_scoped3A_178, %dma_wait3A_263] : memref<8x2048xi32, #tpu.memory_space<vmem>> -> memref<1x2048xi32, #tpu.memory_space<vmem>>
        %dma_wait3A_265 = tpu.memref_squeeze %dma_wait3A_264 : memref<1x2048xi32, #tpu.memory_space<vmem>> -> memref<2048xi32, #tpu.memory_space<vmem>>
        tpu.wait_dma2 semaphore(%run_scoped3A_249 : memref<!tpu.dma_semaphore, #tpu.memory_space<semaphore_mem>>) src(%dma_wait3A_265 : memref<2048xi32, #tpu.memory_space<vmem>>) dst(%dma_wait3A_262 : memref<2048xi32, #tpu.memory_space<hbm>>)
        tpu.yield
      }) : () -> ()
      %mul3A_179 = arith.constant 8 : i32
      %mul3A_180 = arith.muli %select_n3A_144, %mul3A_179 : i32
      %add3A_181 = arith.constant 1 : i32
      %add3A_182 = arith.addi %mul3A_180, %add3A_181 : i32
      %mul3A_183 = arith.constant 4096 : i32
      %mul3A_184 = arith.muli %add3A_182, %mul3A_183 : i32
      %mul3A_185 = arith.constant 2048 : i32
      %mul3A_186 = arith.muli %select_n3A_160, %mul3A_185 : i32
      %add3A_187 = arith.addi %mul3A_184, %mul3A_186 : i32
      %run_scoped3A_188 = arith.constant 1 : i32
      "tpu.region"() ({
        %run_scoped3A_249 = tpu.sem_alloc : memref<!tpu.dma_semaphore, #tpu.memory_space<semaphore_mem>>
        %dma_start3A_250 = arith.constant 0 : i32
        %dma_start3A_251 = tpu.memref_slice %arg4[%run_scoped3A_188, %dma_start3A_250] : memref<8x2048xi32, #tpu.memory_space<vmem>> -> memref<1x2048xi32, #tpu.memory_space<vmem>>
        %dma_start3A_252 = tpu.memref_squeeze %dma_start3A_251 : memref<1x2048xi32, #tpu.memory_space<vmem>> -> memref<2048xi32, #tpu.memory_space<vmem>>
        %dma_start3A_253 = tpu.memref_slice %arg3[%add3A_187] : memref<819200xi32, #tpu.memory_space<hbm>> -> memref<2048xi32, #tpu.memory_space<hbm>>
        %dma_start3A_254 = tpu.memref_slice %arg3[%add3A_187] : memref<819200xi32, #tpu.memory_space<hbm>> -> memref<2048xi32, #tpu.memory_space<hbm>>
        %dma_start3A_255 = arith.constant 0 : i32
        %dma_start3A_256 = tpu.memref_slice %arg4[%run_scoped3A_188, %dma_start3A_255] : memref<8x2048xi32, #tpu.memory_space<vmem>> -> memref<1x2048xi32, #tpu.memory_space<vmem>>
        %dma_start3A_257 = tpu.memref_squeeze %dma_start3A_256 : memref<1x2048xi32, #tpu.memory_space<vmem>> -> memref<2048xi32, #tpu.memory_space<vmem>>
        tpu.enqueue_dma source(%dma_start3A_257 : memref<2048xi32, #tpu.memory_space<vmem>>) target(%dma_start3A_254 : memref<2048xi32, #tpu.memory_space<hbm>>) target_semaphore(%run_scoped3A_249 : memref<!tpu.dma_semaphore, #tpu.memory_space<semaphore_mem>>)
        %dma_wait3A_258 = arith.constant 0 : i32
        %dma_wait3A_259 = tpu.memref_slice %arg4[%run_scoped3A_188, %dma_wait3A_258] : memref<8x2048xi32, #tpu.memory_space<vmem>> -> memref<1x2048xi32, #tpu.memory_space<vmem>>
        %dma_wait3A_260 = tpu.memref_squeeze %dma_wait3A_259 : memref<1x2048xi32, #tpu.memory_space<vmem>> -> memref<2048xi32, #tpu.memory_space<vmem>>
        %dma_wait3A_261 = tpu.memref_slice %arg3[%add3A_187] : memref<819200xi32, #tpu.memory_space<hbm>> -> memref<2048xi32, #tpu.memory_space<hbm>>
        %dma_wait3A_262 = tpu.memref_slice %arg3[%add3A_187] : memref<819200xi32, #tpu.memory_space<hbm>> -> memref<2048xi32, #tpu.memory_space<hbm>>
        %dma_wait3A_263 = arith.constant 0 : i32
        %dma_wait3A_264 = tpu.memref_slice %arg4[%run_scoped3A_188, %dma_wait3A_263] : memref<8x2048xi32, #tpu.memory_space<vmem>> -> memref<1x2048xi32, #tpu.memory_space<vmem>>
        %dma_wait3A_265 = tpu.memref_squeeze %dma_wait3A_264 : memref<1x2048xi32, #tpu.memory_space<vmem>> -> memref<2048xi32, #tpu.memory_space<vmem>>
        tpu.wait_dma2 semaphore(%run_scoped3A_249 : memref<!tpu.dma_semaphore, #tpu.memory_space<semaphore_mem>>) src(%dma_wait3A_265 : memref<2048xi32, #tpu.memory_space<vmem>>) dst(%dma_wait3A_262 : memref<2048xi32, #tpu.memory_space<hbm>>)
        tpu.yield
      }) : () -> ()
      %mul3A_189 = arith.constant 8 : i32
      %mul3A_190 = arith.muli %select_n3A_144, %mul3A_189 : i32
      %add3A_191 = arith.constant 2 : i32
      %add3A_192 = arith.addi %mul3A_190, %add3A_191 : i32
      %mul3A_193 = arith.constant 4096 : i32
      %mul3A_194 = arith.muli %add3A_192, %mul3A_193 : i32
      %mul3A_195 = arith.constant 2048 : i32
      %mul3A_196 = arith.muli %select_n3A_160, %mul3A_195 : i32
      %add3A_197 = arith.addi %mul3A_194, %mul3A_196 : i32
      %run_scoped3A_198 = arith.constant 2 : i32
      "tpu.region"() ({
        %run_scoped3A_249 = tpu.sem_alloc : memref<!tpu.dma_semaphore, #tpu.memory_space<semaphore_mem>>
        %dma_start3A_250 = arith.constant 0 : i32
        %dma_start3A_251 = tpu.memref_slice %arg4[%run_scoped3A_198, %dma_start3A_250] : memref<8x2048xi32, #tpu.memory_space<vmem>> -> memref<1x2048xi32, #tpu.memory_space<vmem>>
        %dma_start3A_252 = tpu.memref_squeeze %dma_start3A_251 : memref<1x2048xi32, #tpu.memory_space<vmem>> -> memref<2048xi32, #tpu.memory_space<vmem>>
        %dma_start3A_253 = tpu.memref_slice %arg3[%add3A_197] : memref<819200xi32, #tpu.memory_space<hbm>> -> memref<2048xi32, #tpu.memory_space<hbm>>
        %dma_start3A_254 = tpu.memref_slice %arg3[%add3A_197] : memref<819200xi32, #tpu.memory_space<hbm>> -> memref<2048xi32, #tpu.memory_space<hbm>>
        %dma_start3A_255 = arith.constant 0 : i32
        %dma_start3A_256 = tpu.memref_slice %arg4[%run_scoped3A_198, %dma_start3A_255] : memref<8x2048xi32, #tpu.memory_space<vmem>> -> memref<1x2048xi32, #tpu.memory_space<vmem>>
        %dma_start3A_257 = tpu.memref_squeeze %dma_start3A_256 : memref<1x2048xi32, #tpu.memory_space<vmem>> -> memref<2048xi32, #tpu.memory_space<vmem>>
        tpu.enqueue_dma source(%dma_start3A_257 : memref<2048xi32, #tpu.memory_space<vmem>>) target(%dma_start3A_254 : memref<2048xi32, #tpu.memory_space<hbm>>) target_semaphore(%run_scoped3A_249 : memref<!tpu.dma_semaphore, #tpu.memory_space<semaphore_mem>>)
        %dma_wait3A_258 = arith.constant 0 : i32
        %dma_wait3A_259 = tpu.memref_slice %arg4[%run_scoped3A_198, %dma_wait3A_258] : memref<8x2048xi32, #tpu.memory_space<vmem>> -> memref<1x2048xi32, #tpu.memory_space<vmem>>
        %dma_wait3A_260 = tpu.memref_squeeze %dma_wait3A_259 : memref<1x2048xi32, #tpu.memory_space<vmem>> -> memref<2048xi32, #tpu.memory_space<vmem>>
        %dma_wait3A_261 = tpu.memref_slice %arg3[%add3A_197] : memref<819200xi32, #tpu.memory_space<hbm>> -> memref<2048xi32, #tpu.memory_space<hbm>>
        %dma_wait3A_262 = tpu.memref_slice %arg3[%add3A_197] : memref<819200xi32, #tpu.memory_space<hbm>> -> memref<2048xi32, #tpu.memory_space<hbm>>
        %dma_wait3A_263 = arith.constant 0 : i32
        %dma_wait3A_264 = tpu.memref_slice %arg4[%run_scoped3A_198, %dma_wait3A_263] : memref<8x2048xi32, #tpu.memory_space<vmem>> -> memref<1x2048xi32, #tpu.memory_space<vmem>>
        %dma_wait3A_265 = tpu.memref_squeeze %dma_wait3A_264 : memref<1x2048xi32, #tpu.memory_space<vmem>> -> memref<2048xi32, #tpu.memory_space<vmem>>
        tpu.wait_dma2 semaphore(%run_scoped3A_249 : memref<!tpu.dma_semaphore, #tpu.memory_space<semaphore_mem>>) src(%dma_wait3A_265 : memref<2048xi32, #tpu.memory_space<vmem>>) dst(%dma_wait3A_262 : memref<2048xi32, #tpu.memory_space<hbm>>)
        tpu.yield
      }) : () -> ()
      %mul3A_199 = arith.constant 8 : i32
      %mul3A_200 = arith.muli %select_n3A_144, %mul3A_199 : i32
      %add3A_201 = arith.constant 3 : i32
      %add3A_202 = arith.addi %mul3A_200, %add3A_201 : i32
      %mul3A_203 = arith.constant 4096 : i32
      %mul3A_204 = arith.muli %add3A_202, %mul3A_203 : i32
      %mul3A_205 = arith.constant 2048 : i32
      %mul3A_206 = arith.muli %select_n3A_160, %mul3A_205 : i32
      %add3A_207 = arith.addi %mul3A_204, %mul3A_206 : i32
      %run_scoped3A_208 = arith.constant 3 : i32
      "tpu.region"() ({
        %run_scoped3A_249 = tpu.sem_alloc : memref<!tpu.dma_semaphore, #tpu.memory_space<semaphore_mem>>
        %dma_start3A_250 = arith.constant 0 : i32
        %dma_start3A_251 = tpu.memref_slice %arg4[%run_scoped3A_208, %dma_start3A_250] : memref<8x2048xi32, #tpu.memory_space<vmem>> -> memref<1x2048xi32, #tpu.memory_space<vmem>>
        %dma_start3A_252 = tpu.memref_squeeze %dma_start3A_251 : memref<1x2048xi32, #tpu.memory_space<vmem>> -> memref<2048xi32, #tpu.memory_space<vmem>>
        %dma_start3A_253 = tpu.memref_slice %arg3[%add3A_207] : memref<819200xi32, #tpu.memory_space<hbm>> -> memref<2048xi32, #tpu.memory_space<hbm>>
        %dma_start3A_254 = tpu.memref_slice %arg3[%add3A_207] : memref<819200xi32, #tpu.memory_space<hbm>> -> memref<2048xi32, #tpu.memory_space<hbm>>
        %dma_start3A_255 = arith.constant 0 : i32
        %dma_start3A_256 = tpu.memref_slice %arg4[%run_scoped3A_208, %dma_start3A_255] : memref<8x2048xi32, #tpu.memory_space<vmem>> -> memref<1x2048xi32, #tpu.memory_space<vmem>>
        %dma_start3A_257 = tpu.memref_squeeze %dma_start3A_256 : memref<1x2048xi32, #tpu.memory_space<vmem>> -> memref<2048xi32, #tpu.memory_space<vmem>>
        tpu.enqueue_dma source(%dma_start3A_257 : memref<2048xi32, #tpu.memory_space<vmem>>) target(%dma_start3A_254 : memref<2048xi32, #tpu.memory_space<hbm>>) target_semaphore(%run_scoped3A_249 : memref<!tpu.dma_semaphore, #tpu.memory_space<semaphore_mem>>)
        %dma_wait3A_258 = arith.constant 0 : i32
        %dma_wait3A_259 = tpu.memref_slice %arg4[%run_scoped3A_208, %dma_wait3A_258] : memref<8x2048xi32, #tpu.memory_space<vmem>> -> memref<1x2048xi32, #tpu.memory_space<vmem>>
        %dma_wait3A_260 = tpu.memref_squeeze %dma_wait3A_259 : memref<1x2048xi32, #tpu.memory_space<vmem>> -> memref<2048xi32, #tpu.memory_space<vmem>>
        %dma_wait3A_261 = tpu.memref_slice %arg3[%add3A_207] : memref<819200xi32, #tpu.memory_space<hbm>> -> memref<2048xi32, #tpu.memory_space<hbm>>
        %dma_wait3A_262 = tpu.memref_slice %arg3[%add3A_207] : memref<819200xi32, #tpu.memory_space<hbm>> -> memref<2048xi32, #tpu.memory_space<hbm>>
        %dma_wait3A_263 = arith.constant 0 : i32
        %dma_wait3A_264 = tpu.memref_slice %arg4[%run_scoped3A_208, %dma_wait3A_263] : memref<8x2048xi32, #tpu.memory_space<vmem>> -> memref<1x2048xi32, #tpu.memory_space<vmem>>
        %dma_wait3A_265 = tpu.memref_squeeze %dma_wait3A_264 : memref<1x2048xi32, #tpu.memory_space<vmem>> -> memref<2048xi32, #tpu.memory_space<vmem>>
        tpu.wait_dma2 semaphore(%run_scoped3A_249 : memref<!tpu.dma_semaphore, #tpu.memory_space<semaphore_mem>>) src(%dma_wait3A_265 : memref<2048xi32, #tpu.memory_space<vmem>>) dst(%dma_wait3A_262 : memref<2048xi32, #tpu.memory_space<hbm>>)
        tpu.yield
      }) : () -> ()
      %mul3A_209 = arith.constant 8 : i32
      %mul3A_210 = arith.muli %select_n3A_144, %mul3A_209 : i32
      %add3A_211 = arith.constant 4 : i32
      %add3A_212 = arith.addi %mul3A_210, %add3A_211 : i32
      %mul3A_213 = arith.constant 4096 : i32
      %mul3A_214 = arith.muli %add3A_212, %mul3A_213 : i32
      %mul3A_215 = arith.constant 2048 : i32
      %mul3A_216 = arith.muli %select_n3A_160, %mul3A_215 : i32
      %add3A_217 = arith.addi %mul3A_214, %mul3A_216 : i32
      %run_scoped3A_218 = arith.constant 4 : i32
      "tpu.region"() ({
        %run_scoped3A_249 = tpu.sem_alloc : memref<!tpu.dma_semaphore, #tpu.memory_space<semaphore_mem>>
        %dma_start3A_250 = arith.constant 0 : i32
        %dma_start3A_251 = tpu.memref_slice %arg4[%run_scoped3A_218, %dma_start3A_250] : memref<8x2048xi32, #tpu.memory_space<vmem>> -> memref<1x2048xi32, #tpu.memory_space<vmem>>
        %dma_start3A_252 = tpu.memref_squeeze %dma_start3A_251 : memref<1x2048xi32, #tpu.memory_space<vmem>> -> memref<2048xi32, #tpu.memory_space<vmem>>
        %dma_start3A_253 = tpu.memref_slice %arg3[%add3A_217] : memref<819200xi32, #tpu.memory_space<hbm>> -> memref<2048xi32, #tpu.memory_space<hbm>>
        %dma_start3A_254 = tpu.memref_slice %arg3[%add3A_217] : memref<819200xi32, #tpu.memory_space<hbm>> -> memref<2048xi32, #tpu.memory_space<hbm>>
        %dma_start3A_255 = arith.constant 0 : i32
        %dma_start3A_256 = tpu.memref_slice %arg4[%run_scoped3A_218, %dma_start3A_255] : memref<8x2048xi32, #tpu.memory_space<vmem>> -> memref<1x2048xi32, #tpu.memory_space<vmem>>
        %dma_start3A_257 = tpu.memref_squeeze %dma_start3A_256 : memref<1x2048xi32, #tpu.memory_space<vmem>> -> memref<2048xi32, #tpu.memory_space<vmem>>
        tpu.enqueue_dma source(%dma_start3A_257 : memref<2048xi32, #tpu.memory_space<vmem>>) target(%dma_start3A_254 : memref<2048xi32, #tpu.memory_space<hbm>>) target_semaphore(%run_scoped3A_249 : memref<!tpu.dma_semaphore, #tpu.memory_space<semaphore_mem>>)
        %dma_wait3A_258 = arith.constant 0 : i32
        %dma_wait3A_259 = tpu.memref_slice %arg4[%run_scoped3A_218, %dma_wait3A_258] : memref<8x2048xi32, #tpu.memory_space<vmem>> -> memref<1x2048xi32, #tpu.memory_space<vmem>>
        %dma_wait3A_260 = tpu.memref_squeeze %dma_wait3A_259 : memref<1x2048xi32, #tpu.memory_space<vmem>> -> memref<2048xi32, #tpu.memory_space<vmem>>
        %dma_wait3A_261 = tpu.memref_slice %arg3[%add3A_217] : memref<819200xi32, #tpu.memory_space<hbm>> -> memref<2048xi32, #tpu.memory_space<hbm>>
        %dma_wait3A_262 = tpu.memref_slice %arg3[%add3A_217] : memref<819200xi32, #tpu.memory_space<hbm>> -> memref<2048xi32, #tpu.memory_space<hbm>>
        %dma_wait3A_263 = arith.constant 0 : i32
        %dma_wait3A_264 = tpu.memref_slice %arg4[%run_scoped3A_218, %dma_wait3A_263] : memref<8x2048xi32, #tpu.memory_space<vmem>> -> memref<1x2048xi32, #tpu.memory_space<vmem>>
        %dma_wait3A_265 = tpu.memref_squeeze %dma_wait3A_264 : memref<1x2048xi32, #tpu.memory_space<vmem>> -> memref<2048xi32, #tpu.memory_space<vmem>>
        tpu.wait_dma2 semaphore(%run_scoped3A_249 : memref<!tpu.dma_semaphore, #tpu.memory_space<semaphore_mem>>) src(%dma_wait3A_265 : memref<2048xi32, #tpu.memory_space<vmem>>) dst(%dma_wait3A_262 : memref<2048xi32, #tpu.memory_space<hbm>>)
        tpu.yield
      }) : () -> ()
      %mul3A_219 = arith.constant 8 : i32
      %mul3A_220 = arith.muli %select_n3A_144, %mul3A_219 : i32
      %add3A_221 = arith.constant 5 : i32
      %add3A_222 = arith.addi %mul3A_220, %add3A_221 : i32
      %mul3A_223 = arith.constant 4096 : i32
      %mul3A_224 = arith.muli %add3A_222, %mul3A_223 : i32
      %mul3A_225 = arith.constant 2048 : i32
      %mul3A_226 = arith.muli %select_n3A_160, %mul3A_225 : i32
      %add3A_227 = arith.addi %mul3A_224, %mul3A_226 : i32
      %run_scoped3A_228 = arith.constant 5 : i32
      "tpu.region"() ({
        %run_scoped3A_249 = tpu.sem_alloc : memref<!tpu.dma_semaphore, #tpu.memory_space<semaphore_mem>>
        %dma_start3A_250 = arith.constant 0 : i32
        %dma_start3A_251 = tpu.memref_slice %arg4[%run_scoped3A_228, %dma_start3A_250] : memref<8x2048xi32, #tpu.memory_space<vmem>> -> memref<1x2048xi32, #tpu.memory_space<vmem>>
        %dma_start3A_252 = tpu.memref_squeeze %dma_start3A_251 : memref<1x2048xi32, #tpu.memory_space<vmem>> -> memref<2048xi32, #tpu.memory_space<vmem>>
        %dma_start3A_253 = tpu.memref_slice %arg3[%add3A_227] : memref<819200xi32, #tpu.memory_space<hbm>> -> memref<2048xi32, #tpu.memory_space<hbm>>
        %dma_start3A_254 = tpu.memref_slice %arg3[%add3A_227] : memref<819200xi32, #tpu.memory_space<hbm>> -> memref<2048xi32, #tpu.memory_space<hbm>>
        %dma_start3A_255 = arith.constant 0 : i32
        %dma_start3A_256 = tpu.memref_slice %arg4[%run_scoped3A_228, %dma_start3A_255] : memref<8x2048xi32, #tpu.memory_space<vmem>> -> memref<1x2048xi32, #tpu.memory_space<vmem>>
        %dma_start3A_257 = tpu.memref_squeeze %dma_start3A_256 : memref<1x2048xi32, #tpu.memory_space<vmem>> -> memref<2048xi32, #tpu.memory_space<vmem>>
        tpu.enqueue_dma source(%dma_start3A_257 : memref<2048xi32, #tpu.memory_space<vmem>>) target(%dma_start3A_254 : memref<2048xi32, #tpu.memory_space<hbm>>) target_semaphore(%run_scoped3A_249 : memref<!tpu.dma_semaphore, #tpu.memory_space<semaphore_mem>>)
        %dma_wait3A_258 = arith.constant 0 : i32
        %dma_wait3A_259 = tpu.memref_slice %arg4[%run_scoped3A_228, %dma_wait3A_258] : memref<8x2048xi32, #tpu.memory_space<vmem>> -> memref<1x2048xi32, #tpu.memory_space<vmem>>
        %dma_wait3A_260 = tpu.memref_squeeze %dma_wait3A_259 : memref<1x2048xi32, #tpu.memory_space<vmem>> -> memref<2048xi32, #tpu.memory_space<vmem>>
        %dma_wait3A_261 = tpu.memref_slice %arg3[%add3A_227] : memref<819200xi32, #tpu.memory_space<hbm>> -> memref<2048xi32, #tpu.memory_space<hbm>>
        %dma_wait3A_262 = tpu.memref_slice %arg3[%add3A_227] : memref<819200xi32, #tpu.memory_space<hbm>> -> memref<2048xi32, #tpu.memory_space<hbm>>
        %dma_wait3A_263 = arith.constant 0 : i32
        %dma_wait3A_264 = tpu.memref_slice %arg4[%run_scoped3A_228, %dma_wait3A_263] : memref<8x2048xi32, #tpu.memory_space<vmem>> -> memref<1x2048xi32, #tpu.memory_space<vmem>>
        %dma_wait3A_265 = tpu.memref_squeeze %dma_wait3A_264 : memref<1x2048xi32, #tpu.memory_space<vmem>> -> memref<2048xi32, #tpu.memory_space<vmem>>
        tpu.wait_dma2 semaphore(%run_scoped3A_249 : memref<!tpu.dma_semaphore, #tpu.memory_space<semaphore_mem>>) src(%dma_wait3A_265 : memref<2048xi32, #tpu.memory_space<vmem>>) dst(%dma_wait3A_262 : memref<2048xi32, #tpu.memory_space<hbm>>)
        tpu.yield
      }) : () -> ()
      %mul3A_229 = arith.constant 8 : i32
      %mul3A_230 = arith.muli %select_n3A_144, %mul3A_229 : i32
      %add3A_231 = arith.constant 6 : i32
      %add3A_232 = arith.addi %mul3A_230, %add3A_231 : i32
      %mul3A_233 = arith.constant 4096 : i32
      %mul3A_234 = arith.muli %add3A_232, %mul3A_233 : i32
      %mul3A_235 = arith.constant 2048 : i32
      %mul3A_236 = arith.muli %select_n3A_160, %mul3A_235 : i32
      %add3A_237 = arith.addi %mul3A_234, %mul3A_236 : i32
      %run_scoped3A_238 = arith.constant 6 : i32
      "tpu.region"() ({
        %run_scoped3A_249 = tpu.sem_alloc : memref<!tpu.dma_semaphore, #tpu.memory_space<semaphore_mem>>
        %dma_start3A_250 = arith.constant 0 : i32
        %dma_start3A_251 = tpu.memref_slice %arg4[%run_scoped3A_238, %dma_start3A_250] : memref<8x2048xi32, #tpu.memory_space<vmem>> -> memref<1x2048xi32, #tpu.memory_space<vmem>>
        %dma_start3A_252 = tpu.memref_squeeze %dma_start3A_251 : memref<1x2048xi32, #tpu.memory_space<vmem>> -> memref<2048xi32, #tpu.memory_space<vmem>>
        %dma_start3A_253 = tpu.memref_slice %arg3[%add3A_237] : memref<819200xi32, #tpu.memory_space<hbm>> -> memref<2048xi32, #tpu.memory_space<hbm>>
        %dma_start3A_254 = tpu.memref_slice %arg3[%add3A_237] : memref<819200xi32, #tpu.memory_space<hbm>> -> memref<2048xi32, #tpu.memory_space<hbm>>
        %dma_start3A_255 = arith.constant 0 : i32
        %dma_start3A_256 = tpu.memref_slice %arg4[%run_scoped3A_238, %dma_start3A_255] : memref<8x2048xi32, #tpu.memory_space<vmem>> -> memref<1x2048xi32, #tpu.memory_space<vmem>>
        %dma_start3A_257 = tpu.memref_squeeze %dma_start3A_256 : memref<1x2048xi32, #tpu.memory_space<vmem>> -> memref<2048xi32, #tpu.memory_space<vmem>>
        tpu.enqueue_dma source(%dma_start3A_257 : memref<2048xi32, #tpu.memory_space<vmem>>) target(%dma_start3A_254 : memref<2048xi32, #tpu.memory_space<hbm>>) target_semaphore(%run_scoped3A_249 : memref<!tpu.dma_semaphore, #tpu.memory_space<semaphore_mem>>)
        %dma_wait3A_258 = arith.constant 0 : i32
        %dma_wait3A_259 = tpu.memref_slice %arg4[%run_scoped3A_238, %dma_wait3A_258] : memref<8x2048xi32, #tpu.memory_space<vmem>> -> memref<1x2048xi32, #tpu.memory_space<vmem>>
        %dma_wait3A_260 = tpu.memref_squeeze %dma_wait3A_259 : memref<1x2048xi32, #tpu.memory_space<vmem>> -> memref<2048xi32, #tpu.memory_space<vmem>>
        %dma_wait3A_261 = tpu.memref_slice %arg3[%add3A_237] : memref<819200xi32, #tpu.memory_space<hbm>> -> memref<2048xi32, #tpu.memory_space<hbm>>
        %dma_wait3A_262 = tpu.memref_slice %arg3[%add3A_237] : memref<819200xi32, #tpu.memory_space<hbm>> -> memref<2048xi32, #tpu.memory_space<hbm>>
        %dma_wait3A_263 = arith.constant 0 : i32
        %dma_wait3A_264 = tpu.memref_slice %arg4[%run_scoped3A_238, %dma_wait3A_263] : memref<8x2048xi32, #tpu.memory_space<vmem>> -> memref<1x2048xi32, #tpu.memory_space<vmem>>
        %dma_wait3A_265 = tpu.memref_squeeze %dma_wait3A_264 : memref<1x2048xi32, #tpu.memory_space<vmem>> -> memref<2048xi32, #tpu.memory_space<vmem>>
        tpu.wait_dma2 semaphore(%run_scoped3A_249 : memref<!tpu.dma_semaphore, #tpu.memory_space<semaphore_mem>>) src(%dma_wait3A_265 : memref<2048xi32, #tpu.memory_space<vmem>>) dst(%dma_wait3A_262 : memref<2048xi32, #tpu.memory_space<hbm>>)
        tpu.yield
      }) : () -> ()
      %mul3A_239 = arith.constant 8 : i32
      %mul3A_240 = arith.muli %select_n3A_144, %mul3A_239 : i32
      %add3A_241 = arith.constant 7 : i32
      %add3A_242 = arith.addi %mul3A_240, %add3A_241 : i32
      %mul3A_243 = arith.constant 4096 : i32
      %mul3A_244 = arith.muli %add3A_242, %mul3A_243 : i32
      %mul3A_245 = arith.constant 2048 : i32
      %mul3A_246 = arith.muli %select_n3A_160, %mul3A_245 : i32
      %add3A_247 = arith.addi %mul3A_244, %mul3A_246 : i32
      %run_scoped3A_248 = arith.constant 7 : i32
      "tpu.region"() ({
        %run_scoped3A_249 = tpu.sem_alloc : memref<!tpu.dma_semaphore, #tpu.memory_space<semaphore_mem>>
        %dma_start3A_250 = arith.constant 0 : i32
        %dma_start3A_251 = tpu.memref_slice %arg4[%run_scoped3A_248, %dma_start3A_250] : memref<8x2048xi32, #tpu.memory_space<vmem>> -> memref<1x2048xi32, #tpu.memory_space<vmem>>
        %dma_start3A_252 = tpu.memref_squeeze %dma_start3A_251 : memref<1x2048xi32, #tpu.memory_space<vmem>> -> memref<2048xi32, #tpu.memory_space<vmem>>
        %dma_start3A_253 = tpu.memref_slice %arg3[%add3A_247] : memref<819200xi32, #tpu.memory_space<hbm>> -> memref<2048xi32, #tpu.memory_space<hbm>>
        %dma_start3A_254 = tpu.memref_slice %arg3[%add3A_247] : memref<819200xi32, #tpu.memory_space<hbm>> -> memref<2048xi32, #tpu.memory_space<hbm>>
        %dma_start3A_255 = arith.constant 0 : i32
        %dma_start3A_256 = tpu.memref_slice %arg4[%run_scoped3A_248, %dma_start3A_255] : memref<8x2048xi32, #tpu.memory_space<vmem>> -> memref<1x2048xi32, #tpu.memory_space<vmem>>
        %dma_start3A_257 = tpu.memref_squeeze %dma_start3A_256 : memref<1x2048xi32, #tpu.memory_space<vmem>> -> memref<2048xi32, #tpu.memory_space<vmem>>
        tpu.enqueue_dma source(%dma_start3A_257 : memref<2048xi32, #tpu.memory_space<vmem>>) target(%dma_start3A_254 : memref<2048xi32, #tpu.memory_space<hbm>>) target_semaphore(%run_scoped3A_249 : memref<!tpu.dma_semaphore, #tpu.memory_space<semaphore_mem>>)
        %dma_wait3A_258 = arith.constant 0 : i32
        %dma_wait3A_259 = tpu.memref_slice %arg4[%run_scoped3A_248, %dma_wait3A_258] : memref<8x2048xi32, #tpu.memory_space<vmem>> -> memref<1x2048xi32, #tpu.memory_space<vmem>>
        %dma_wait3A_260 = tpu.memref_squeeze %dma_wait3A_259 : memref<1x2048xi32, #tpu.memory_space<vmem>> -> memref<2048xi32, #tpu.memory_space<vmem>>
        %dma_wait3A_261 = tpu.memref_slice %arg3[%add3A_247] : memref<819200xi32, #tpu.memory_space<hbm>> -> memref<2048xi32, #tpu.memory_space<hbm>>
        %dma_wait3A_262 = tpu.memref_slice %arg3[%add3A_247] : memref<819200xi32, #tpu.memory_space<hbm>> -> memref<2048xi32, #tpu.memory_space<hbm>>
        %dma_wait3A_263 = arith.constant 0 : i32
        %dma_wait3A_264 = tpu.memref_slice %arg4[%run_scoped3A_248, %dma_wait3A_263] : memref<8x2048xi32, #tpu.memory_space<vmem>> -> memref<1x2048xi32, #tpu.memory_space<vmem>>
        %dma_wait3A_265 = tpu.memref_squeeze %dma_wait3A_264 : memref<1x2048xi32, #tpu.memory_space<vmem>> -> memref<2048xi32, #tpu.memory_space<vmem>>
        tpu.wait_dma2 semaphore(%run_scoped3A_249 : memref<!tpu.dma_semaphore, #tpu.memory_space<semaphore_mem>>) src(%dma_wait3A_265 : memref<2048xi32, #tpu.memory_space<vmem>>) dst(%dma_wait3A_262 : memref<2048xi32, #tpu.memory_space<hbm>>)
        tpu.yield
      }) : () -> ()
    } else {
    }
    return
  }
}

#map = affine_map<(d0, d1) -> (0)>
#map1 = affine_map<(d0, d1) -> (0, 0)>
#map2 = affine_map<(d0, d1) -> (0, 0, 0, 0, 0)>
module attributes {stable_mosaic.version = 14 : i64} {
  func.func @_gather_kernel(%arg0: i32, %arg1: i32, %arg2: memref<819200xi32, #tpu.memory_space<hbm>>, %arg3: memref<1000000x64xf32, #tpu.memory_space<hbm>>, %arg4: memref<200x8x32x8x128xf32, #tpu.memory_space<hbm>>, %arg5: memref<256xi32, #tpu.memory_space<vmem>>, %arg6: memref<256xi32, #tpu.memory_space<vmem>>, %arg7: memref<256x64xf32, #tpu.memory_space<vmem>>, %arg8: memref<256x64xf32, #tpu.memory_space<vmem>>, %arg9: memref<8x3x8x129xf32, #tpu.memory_space<vmem>>, %arg10: memref<8x3x8x129xf32, #tpu.memory_space<vmem>>, %arg11: memref<16x2x256x64xf32, #tpu.memory_space<vmem_shared>>, %arg12: memref<!tpu.dma_semaphore, #tpu.memory_space<semaphore_mem>>, %arg13: memref<!tpu.dma_semaphore, #tpu.memory_space<semaphore_mem>>, %arg14: memref<!tpu.dma_semaphore, #tpu.memory_space<semaphore_mem>>, %arg15: memref<!tpu.dma_semaphore, #tpu.memory_space<semaphore_mem>>, %arg16: memref<!tpu.dma_semaphore, #tpu.memory_space<semaphore_mem>>, %arg17: memref<!tpu.dma_semaphore, #tpu.memory_space<semaphore_mem>>) attributes {dimension_semantics = [#tpu.dimension_semantics<core_parallel>, #tpu.dimension_semantics<subcore_parallel>], iteration_bounds = array<i64: 2, 16>, scalar_prefetch = 0 : i64, scratch_operands = 13 : i64, tpu.core_type = #tpu.core_type<sc_vector_subcore>, window_params = [{transform_indices = #map}, {transform_indices = #map1}, {transform_indices = #map2}]} {
    %mul3A = arith.constant 2 : i32
    %mul3A_0 = arith.muli %arg1, %mul3A : i32
    %add3A = arith.addi %mul3A_0, %arg0 : i32
    %mul3A_1 = arith.constant 25600 : i32
    %mul3A_2 = arith.muli %add3A, %mul3A_1 : i32
    %iota3A = tpu.iota {dimensions = array<i32: 0>} : vector<16xi32>
    %jit3A = arith.constant 8 : i32
    %div3A = vector.broadcast %jit3A : i32 to vector<16xi32>
    %div3A_3 = arith.divsi %iota3A, %div3A : vector<16xi32>
    %sign3A = arith.constant 0 : i32
    %sign3A_4 = vector.broadcast %sign3A : i32 to vector<16xi32>
    %sign3A_5 = arith.cmpi sgt, %iota3A, %sign3A_4 : vector<16xi32>
    %sign3A_6 = arith.extui %sign3A_5 : vector<16xi1> to vector<16xi32>
    %sign3A_7 = arith.constant 0 : i32
    %sign3A_8 = vector.broadcast %sign3A_7 : i32 to vector<16xi32>
    %sign3A_9 = arith.cmpi slt, %iota3A, %sign3A_8 : vector<16xi32>
    %sign3A_10 = arith.extui %sign3A_9 : vector<16xi1> to vector<16xi32>
    %sign3A_11 = arith.subi %sign3A_6, %sign3A_10 : vector<16xi32>
    %sign3A_12 = arith.constant 0 : i32
    %sign3A_13 = arith.cmpi sgt, %jit3A, %sign3A_12 : i32
    %sign3A_14 = arith.extui %sign3A_13 : i1 to i32
    %sign3A_15 = arith.constant 0 : i32
    %sign3A_16 = arith.cmpi slt, %jit3A, %sign3A_15 : i32
    %sign3A_17 = arith.extui %sign3A_16 : i1 to i32
    %sign3A_18 = arith.subi %sign3A_14, %sign3A_17 : i32
    %ne3A = vector.broadcast %sign3A_18 : i32 to vector<16xi32>
    %ne3A_19 = arith.cmpi ne, %sign3A_11, %ne3A : vector<16xi32>
    %rem3A = vector.broadcast %jit3A : i32 to vector<16xi32>
    %rem3A_20 = arith.remsi %iota3A, %rem3A : vector<16xi32>
    %ne3A_21 = arith.constant 0 : i32
    %ne3A_22 = vector.broadcast %ne3A_21 : i32 to vector<16xi32>
    %ne3A_23 = arith.cmpi ne, %rem3A_20, %ne3A_22 : vector<16xi32>
    %and3A = arith.andi %ne3A_19, %ne3A_23 : vector<16xi1>
    %sub3A = arith.constant 1 : i32
    %sub3A_24 = vector.broadcast %sub3A : i32 to vector<16xi32>
    %sub3A_25 = arith.subi %div3A_3, %sub3A_24 : vector<16xi32>
    %select_n3A = arith.select %and3A, %sub3A_25, %div3A_3 : vector<16xi1>, vector<16xi32>
    %add3A_26 = arith.constant 0 : i32
    %add3A_27 = vector.broadcast %add3A_26 : i32 to vector<16xi32>
    %add3A_28 = arith.addi %add3A_27, %select_n3A : vector<16xi32>
    %jit3A_29 = arith.constant 8 : i32
    %div3A_30 = vector.broadcast %jit3A_29 : i32 to vector<16xi32>
    %div3A_31 = arith.divsi %iota3A, %div3A_30 : vector<16xi32>
    %sign3A_32 = arith.constant 0 : i32
    %sign3A_33 = vector.broadcast %sign3A_32 : i32 to vector<16xi32>
    %sign3A_34 = arith.cmpi sgt, %iota3A, %sign3A_33 : vector<16xi32>
    %sign3A_35 = arith.extui %sign3A_34 : vector<16xi1> to vector<16xi32>
    %sign3A_36 = arith.constant 0 : i32
    %sign3A_37 = vector.broadcast %sign3A_36 : i32 to vector<16xi32>
    %sign3A_38 = arith.cmpi slt, %iota3A, %sign3A_37 : vector<16xi32>
    %sign3A_39 = arith.extui %sign3A_38 : vector<16xi1> to vector<16xi32>
    %sign3A_40 = arith.subi %sign3A_35, %sign3A_39 : vector<16xi32>
    %sign3A_41 = arith.constant 0 : i32
    %sign3A_42 = arith.cmpi sgt, %jit3A_29, %sign3A_41 : i32
    %sign3A_43 = arith.extui %sign3A_42 : i1 to i32
    %sign3A_44 = arith.constant 0 : i32
    %sign3A_45 = arith.cmpi slt, %jit3A_29, %sign3A_44 : i32
    %sign3A_46 = arith.extui %sign3A_45 : i1 to i32
    %sign3A_47 = arith.subi %sign3A_43, %sign3A_46 : i32
    %ne3A_48 = vector.broadcast %sign3A_47 : i32 to vector<16xi32>
    %ne3A_49 = arith.cmpi ne, %sign3A_40, %ne3A_48 : vector<16xi32>
    %rem3A_50 = vector.broadcast %jit3A_29 : i32 to vector<16xi32>
    %rem3A_51 = arith.remsi %iota3A, %rem3A_50 : vector<16xi32>
    %ne3A_52 = arith.constant 0 : i32
    %ne3A_53 = vector.broadcast %ne3A_52 : i32 to vector<16xi32>
    %ne3A_54 = arith.cmpi ne, %rem3A_51, %ne3A_53 : vector<16xi32>
    %and3A_55 = arith.andi %ne3A_49, %ne3A_54 : vector<16xi1>
    %sub3A_56 = arith.constant 1 : i32
    %sub3A_57 = vector.broadcast %sub3A_56 : i32 to vector<16xi32>
    %sub3A_58 = arith.subi %div3A_31, %sub3A_57 : vector<16xi32>
    %select_n3A_59 = arith.select %and3A_55, %sub3A_58, %div3A_31 : vector<16xi1>, vector<16xi32>
    %add3A_60 = arith.constant 2 : i32
    %add3A_61 = vector.broadcast %add3A_60 : i32 to vector<16xi32>
    %add3A_62 = arith.addi %add3A_61, %select_n3A_59 : vector<16xi32>
    %jit3A_63 = arith.constant 8 : i32
    %div3A_64 = vector.broadcast %jit3A_63 : i32 to vector<16xi32>
    %div3A_65 = arith.divsi %iota3A, %div3A_64 : vector<16xi32>
    %sign3A_66 = arith.constant 0 : i32
    %sign3A_67 = vector.broadcast %sign3A_66 : i32 to vector<16xi32>
    %sign3A_68 = arith.cmpi sgt, %iota3A, %sign3A_67 : vector<16xi32>
    %sign3A_69 = arith.extui %sign3A_68 : vector<16xi1> to vector<16xi32>
    %sign3A_70 = arith.constant 0 : i32
    %sign3A_71 = vector.broadcast %sign3A_70 : i32 to vector<16xi32>
    %sign3A_72 = arith.cmpi slt, %iota3A, %sign3A_71 : vector<16xi32>
    %sign3A_73 = arith.extui %sign3A_72 : vector<16xi1> to vector<16xi32>
    %sign3A_74 = arith.subi %sign3A_69, %sign3A_73 : vector<16xi32>
    %sign3A_75 = arith.constant 0 : i32
    %sign3A_76 = arith.cmpi sgt, %jit3A_63, %sign3A_75 : i32
    %sign3A_77 = arith.extui %sign3A_76 : i1 to i32
    %sign3A_78 = arith.constant 0 : i32
    %sign3A_79 = arith.cmpi slt, %jit3A_63, %sign3A_78 : i32
    %sign3A_80 = arith.extui %sign3A_79 : i1 to i32
    %sign3A_81 = arith.subi %sign3A_77, %sign3A_80 : i32
    %ne3A_82 = vector.broadcast %sign3A_81 : i32 to vector<16xi32>
    %ne3A_83 = arith.cmpi ne, %sign3A_74, %ne3A_82 : vector<16xi32>
    %rem3A_84 = vector.broadcast %jit3A_63 : i32 to vector<16xi32>
    %rem3A_85 = arith.remsi %iota3A, %rem3A_84 : vector<16xi32>
    %ne3A_86 = arith.constant 0 : i32
    %ne3A_87 = vector.broadcast %ne3A_86 : i32 to vector<16xi32>
    %ne3A_88 = arith.cmpi ne, %rem3A_85, %ne3A_87 : vector<16xi32>
    %and3A_89 = arith.andi %ne3A_83, %ne3A_88 : vector<16xi1>
    %sub3A_90 = arith.constant 1 : i32
    %sub3A_91 = vector.broadcast %sub3A_90 : i32 to vector<16xi32>
    %sub3A_92 = arith.subi %div3A_65, %sub3A_91 : vector<16xi32>
    %select_n3A_93 = arith.select %and3A_89, %sub3A_92, %div3A_65 : vector<16xi1>, vector<16xi32>
    %add3A_94 = arith.constant 4 : i32
    %add3A_95 = vector.broadcast %add3A_94 : i32 to vector<16xi32>
    %add3A_96 = arith.addi %add3A_95, %select_n3A_93 : vector<16xi32>
    %jit3A_97 = arith.constant 8 : i32
    %div3A_98 = vector.broadcast %jit3A_97 : i32 to vector<16xi32>
    %div3A_99 = arith.divsi %iota3A, %div3A_98 : vector<16xi32>
    %sign3A_100 = arith.constant 0 : i32
    %sign3A_101 = vector.broadcast %sign3A_100 : i32 to vector<16xi32>
    %sign3A_102 = arith.cmpi sgt, %iota3A, %sign3A_101 : vector<16xi32>
    %sign3A_103 = arith.extui %sign3A_102 : vector<16xi1> to vector<16xi32>
    %sign3A_104 = arith.constant 0 : i32
    %sign3A_105 = vector.broadcast %sign3A_104 : i32 to vector<16xi32>
    %sign3A_106 = arith.cmpi slt, %iota3A, %sign3A_105 : vector<16xi32>
    %sign3A_107 = arith.extui %sign3A_106 : vector<16xi1> to vector<16xi32>
    %sign3A_108 = arith.subi %sign3A_103, %sign3A_107 : vector<16xi32>
    %sign3A_109 = arith.constant 0 : i32
    %sign3A_110 = arith.cmpi sgt, %jit3A_97, %sign3A_109 : i32
    %sign3A_111 = arith.extui %sign3A_110 : i1 to i32
    %sign3A_112 = arith.constant 0 : i32
    %sign3A_113 = arith.cmpi slt, %jit3A_97, %sign3A_112 : i32
    %sign3A_114 = arith.extui %sign3A_113 : i1 to i32
    %sign3A_115 = arith.subi %sign3A_111, %sign3A_114 : i32
    %ne3A_116 = vector.broadcast %sign3A_115 : i32 to vector<16xi32>
    %ne3A_117 = arith.cmpi ne, %sign3A_108, %ne3A_116 : vector<16xi32>
    %rem3A_118 = vector.broadcast %jit3A_97 : i32 to vector<16xi32>
    %rem3A_119 = arith.remsi %iota3A, %rem3A_118 : vector<16xi32>
    %ne3A_120 = arith.constant 0 : i32
    %ne3A_121 = vector.broadcast %ne3A_120 : i32 to vector<16xi32>
    %ne3A_122 = arith.cmpi ne, %rem3A_119, %ne3A_121 : vector<16xi32>
    %and3A_123 = arith.andi %ne3A_117, %ne3A_122 : vector<16xi1>
    %sub3A_124 = arith.constant 1 : i32
    %sub3A_125 = vector.broadcast %sub3A_124 : i32 to vector<16xi32>
    %sub3A_126 = arith.subi %div3A_99, %sub3A_125 : vector<16xi32>
    %select_n3A_127 = arith.select %and3A_123, %sub3A_126, %div3A_99 : vector<16xi1>, vector<16xi32>
    %add3A_128 = arith.constant 6 : i32
    %add3A_129 = vector.broadcast %add3A_128 : i32 to vector<16xi32>
    %add3A_130 = arith.addi %add3A_129, %select_n3A_127 : vector<16xi32>
    %jit3A_131 = arith.constant 8 : i32
    %eq3A = arith.constant 0 : i32
    %eq3A_132 = arith.cmpi eq, %jit3A_131, %eq3A : i32
    %jit3A_133 = arith.constant 1 : i32
    %select_n3A_134 = arith.select %eq3A_132, %jit3A_133, %jit3A_131 : i32
    %rem3A_135 = vector.broadcast %select_n3A_134 : i32 to vector<16xi32>
    %rem3A_136 = arith.remsi %iota3A, %rem3A_135 : vector<16xi32>
    %ne3A_137 = arith.constant 0 : i32
    %ne3A_138 = vector.broadcast %ne3A_137 : i32 to vector<16xi32>
    %ne3A_139 = arith.cmpi ne, %rem3A_136, %ne3A_138 : vector<16xi32>
    %lt3A = arith.constant 0 : i32
    %lt3A_140 = vector.broadcast %lt3A : i32 to vector<16xi32>
    %lt3A_141 = arith.cmpi slt, %rem3A_136, %lt3A_140 : vector<16xi32>
    %lt3A_142 = arith.constant 0 : i32
    %lt3A_143 = arith.cmpi slt, %select_n3A_134, %lt3A_142 : i32
    %ne3A_144 = vector.broadcast %lt3A_143 : i1 to vector<16xi1>
    %ne3A_145 = vector.broadcast %ne3A_144 : vector<16xi1> to vector<16xi1>
    %ne3A_146 = arith.xori %lt3A_141, %ne3A_145 : vector<16xi1>
    %and3A_147 = arith.andi %ne3A_146, %ne3A_139 : vector<16xi1>
    %add3A_148 = vector.broadcast %select_n3A_134 : i32 to vector<16xi32>
    %add3A_149 = arith.addi %rem3A_136, %add3A_148 : vector<16xi32>
    %select_n3A_150 = arith.select %and3A_147, %add3A_149, %rem3A_136 : vector<16xi1>, vector<16xi32>
    %dma_start3A = arith.constant 0 : i32
    %dma_start3A_151 = arith.constant 0 : i32
    %dma_start3A_152 = arith.constant 0 : i32
    %dma_start3A_153 = tpu.memref_slice %arg11[%arg1, %dma_start3A, %dma_start3A_151, %dma_start3A_152] : memref<16x2x256x64xf32, #tpu.memory_space<vmem_shared>> -> memref<1x1x256x64xf32, #tpu.memory_space<vmem_shared>>
    %dma_start3A_154 = tpu.memref_squeeze %dma_start3A_153 : memref<1x1x256x64xf32, #tpu.memory_space<vmem_shared>> -> memref<256x64xf32, #tpu.memory_space<vmem_shared>>
    %dma_start3A_155 = arith.constant 0 : i32
    %dma_start3A_156 = arith.constant 0 : i32
    %dma_start3A_157 = tpu.memref_slice %arg11[%arg1, %dma_start3A, %dma_start3A_155, %dma_start3A_156] : memref<16x2x256x64xf32, #tpu.memory_space<vmem_shared>> -> memref<1x1x256x64xf32, #tpu.memory_space<vmem_shared>>
    %dma_start3A_158 = tpu.memref_squeeze %dma_start3A_157 : memref<1x1x256x64xf32, #tpu.memory_space<vmem_shared>> -> memref<256x64xf32, #tpu.memory_space<vmem_shared>>
    tpu.enqueue_dma source(%arg7 : memref<256x64xf32, #tpu.memory_space<vmem>>) target(%dma_start3A_158 : memref<256x64xf32, #tpu.memory_space<vmem_shared>>) target_semaphore(%arg16 : memref<!tpu.dma_semaphore, #tpu.memory_space<semaphore_mem>>)
    %add3A_159 = arith.constant 0 : i32
    %add3A_160 = arith.addi %mul3A_2, %add3A_159 : i32
    %min3A = arith.constant 818944 : i32
    %min3A_161 = arith.minsi %add3A_160, %min3A : i32
    %dma_start3A_162 = tpu.memref_slice %arg2[%min3A_161] : memref<819200xi32, #tpu.memory_space<hbm>> -> memref<256xi32, #tpu.memory_space<hbm>>
    %dma_start3A_163 = tpu.memref_slice %arg2[%min3A_161] : memref<819200xi32, #tpu.memory_space<hbm>> -> memref<256xi32, #tpu.memory_space<hbm>>
    tpu.enqueue_dma source(%dma_start3A_163 : memref<256xi32, #tpu.memory_space<hbm>>) target(%arg5 : memref<256xi32, #tpu.memory_space<vmem>>) target_semaphore(%arg12 : memref<!tpu.dma_semaphore, #tpu.memory_space<semaphore_mem>>)
    %dma_start3A_164 = arith.constant 1 : i32
    %dma_start3A_165 = arith.constant 0 : i32
    %dma_start3A_166 = arith.constant 0 : i32
    %dma_start3A_167 = tpu.memref_slice %arg11[%arg1, %dma_start3A_164, %dma_start3A_165, %dma_start3A_166] : memref<16x2x256x64xf32, #tpu.memory_space<vmem_shared>> -> memref<1x1x256x64xf32, #tpu.memory_space<vmem_shared>>
    %dma_start3A_168 = tpu.memref_squeeze %dma_start3A_167 : memref<1x1x256x64xf32, #tpu.memory_space<vmem_shared>> -> memref<256x64xf32, #tpu.memory_space<vmem_shared>>
    %dma_start3A_169 = arith.constant 0 : i32
    %dma_start3A_170 = arith.constant 0 : i32
    %dma_start3A_171 = tpu.memref_slice %arg11[%arg1, %dma_start3A_164, %dma_start3A_169, %dma_start3A_170] : memref<16x2x256x64xf32, #tpu.memory_space<vmem_shared>> -> memref<1x1x256x64xf32, #tpu.memory_space<vmem_shared>>
    %dma_start3A_172 = tpu.memref_squeeze %dma_start3A_171 : memref<1x1x256x64xf32, #tpu.memory_space<vmem_shared>> -> memref<256x64xf32, #tpu.memory_space<vmem_shared>>
    tpu.enqueue_dma source(%arg8 : memref<256x64xf32, #tpu.memory_space<vmem>>) target(%dma_start3A_172 : memref<256x64xf32, #tpu.memory_space<vmem_shared>>) target_semaphore(%arg17 : memref<!tpu.dma_semaphore, #tpu.memory_space<semaphore_mem>>)
    %add3A_173 = arith.constant 256 : i32
    %add3A_174 = arith.addi %mul3A_2, %add3A_173 : i32
    %min3A_175 = arith.constant 818944 : i32
    %min3A_176 = arith.minsi %add3A_174, %min3A_175 : i32
    %dma_start3A_177 = tpu.memref_slice %arg2[%min3A_176] : memref<819200xi32, #tpu.memory_space<hbm>> -> memref<256xi32, #tpu.memory_space<hbm>>
    %dma_start3A_178 = tpu.memref_slice %arg2[%min3A_176] : memref<819200xi32, #tpu.memory_space<hbm>> -> memref<256xi32, #tpu.memory_space<hbm>>
    tpu.enqueue_dma source(%dma_start3A_178 : memref<256xi32, #tpu.memory_space<hbm>>) target(%arg6 : memref<256xi32, #tpu.memory_space<vmem>>) target_semaphore(%arg13 : memref<!tpu.dma_semaphore, #tpu.memory_space<semaphore_mem>>)
    %scan3A = arith.constant 0 : i32
    %scan3A_179 = arith.constant 0 : i32
    %scan3A_180 = arith.constant 50 : i32
    %scan3A_181 = arith.addi %scan3A_179, %scan3A_180 : i32
    %scan3A_182 = arith.constant 1 : i32
    scf.for %scan3A_368 = %scan3A_179 to %scan3A_181 step %scan3A_182  : i32 {
      %mul3A_369 = arith.constant 2 : i32
      %mul3A_370 = arith.muli %scan3A_368, %mul3A_369 : i32
      %add3A_371 = arith.constant 0 : i32
      %add3A_372 = arith.addi %mul3A_370, %add3A_371 : i32
      %mul3A_373 = arith.constant 256 : i32
      %mul3A_374 = arith.muli %add3A_372, %mul3A_373 : i32
      %add3A_375 = arith.addi %mul3A_2, %mul3A_374 : i32
      %min3A_376 = arith.constant 818944 : i32
      %min3A_377 = arith.minsi %add3A_375, %min3A_376 : i32
      %dma_wait3A_378 = tpu.memref_slice %arg2[%min3A_377] : memref<819200xi32, #tpu.memory_space<hbm>> -> memref<256xi32, #tpu.memory_space<hbm>>
      %dma_wait3A_379 = tpu.memref_slice %arg2[%min3A_377] : memref<819200xi32, #tpu.memory_space<hbm>> -> memref<256xi32, #tpu.memory_space<hbm>>
      tpu.wait_dma2 semaphore(%arg12 : memref<!tpu.dma_semaphore, #tpu.memory_space<semaphore_mem>>) src(%dma_wait3A_379 : memref<256xi32, #tpu.memory_space<hbm>>) dst(%arg5 : memref<256xi32, #tpu.memory_space<vmem>>)
      %dma_start3A_380 = arith.constant 0 : i32
      %dma_start3A_381 = arith.constant 0 : i32
      %dma_start3A_382 = tpu.memref_slice %arg3[%dma_start3A_380, %dma_start3A_381] : memref<1000000x64xf32, #tpu.memory_space<hbm>> -> memref<1000000x64xf32, #tpu.memory_space<hbm>>
      tpu.enqueue_indirect_dma source(%dma_start3A_382 : memref<1000000x64xf32, #tpu.memory_space<hbm>>) target(%arg7 : memref<256x64xf32, #tpu.memory_space<vmem>>) offsets(%arg5 : memref<256xi32, #tpu.memory_space<vmem>>) semaphore(%arg14 : memref<!tpu.dma_semaphore, #tpu.memory_space<semaphore_mem>>)
      %dma_wait3A_383 = arith.constant 0 : i32
      %dma_wait3A_384 = arith.constant 0 : i32
      %dma_wait3A_385 = tpu.memref_slice %arg3[%dma_wait3A_383, %dma_wait3A_384] : memref<1000000x64xf32, #tpu.memory_space<hbm>> -> memref<1000000x64xf32, #tpu.memory_space<hbm>>
      tpu.wait_indirect_dma semaphore(%arg14 : memref<!tpu.dma_semaphore, #tpu.memory_space<semaphore_mem>>) src(%dma_wait3A_385 : memref<1000000x64xf32, #tpu.memory_space<hbm>>) dst(%arg7 : memref<256x64xf32, #tpu.memory_space<vmem>>)
      %add3A_386 = arith.constant 512 : i32
      %add3A_387 = arith.addi %add3A_375, %add3A_386 : i32
      %min3A_388 = arith.constant 818944 : i32
      %min3A_389 = arith.minsi %add3A_387, %min3A_388 : i32
      %dma_start3A_390 = tpu.memref_slice %arg2[%min3A_389] : memref<819200xi32, #tpu.memory_space<hbm>> -> memref<256xi32, #tpu.memory_space<hbm>>
      %dma_start3A_391 = tpu.memref_slice %arg2[%min3A_389] : memref<819200xi32, #tpu.memory_space<hbm>> -> memref<256xi32, #tpu.memory_space<hbm>>
      tpu.enqueue_dma source(%dma_start3A_391 : memref<256xi32, #tpu.memory_space<hbm>>) target(%arg5 : memref<256xi32, #tpu.memory_space<vmem>>) target_semaphore(%arg12 : memref<!tpu.dma_semaphore, #tpu.memory_space<semaphore_mem>>)
      %sub3A_392 = arith.constant 512 : i32
      %sub3A_393 = arith.subi %add3A_375, %sub3A_392 : i32
      %max3A_394 = arith.constant 0 : i32
      %max3A_395 = arith.maxsi %sub3A_393, %max3A_394 : i32
      %jit3A_396 = arith.constant 4096 : i32
      %div3A_397 = arith.divsi %max3A_395, %jit3A_396 : i32
      %sign3A_398 = arith.constant 0 : i32
      %sign3A_399 = arith.cmpi sgt, %max3A_395, %sign3A_398 : i32
      %sign3A_400 = arith.extui %sign3A_399 : i1 to i32
      %sign3A_401 = arith.constant 0 : i32
      %sign3A_402 = arith.cmpi slt, %max3A_395, %sign3A_401 : i32
      %sign3A_403 = arith.extui %sign3A_402 : i1 to i32
      %sign3A_404 = arith.subi %sign3A_400, %sign3A_403 : i32
      %sign3A_405 = arith.constant 0 : i32
      %sign3A_406 = arith.cmpi sgt, %jit3A_396, %sign3A_405 : i32
      %sign3A_407 = arith.extui %sign3A_406 : i1 to i32
      %sign3A_408 = arith.constant 0 : i32
      %sign3A_409 = arith.cmpi slt, %jit3A_396, %sign3A_408 : i32
      %sign3A_410 = arith.extui %sign3A_409 : i1 to i32
      %sign3A_411 = arith.subi %sign3A_407, %sign3A_410 : i32
      %ne3A_412 = arith.cmpi ne, %sign3A_404, %sign3A_411 : i32
      %rem3A_413 = arith.remsi %max3A_395, %jit3A_396 : i32
      %ne3A_414 = arith.constant 0 : i32
      %ne3A_415 = arith.cmpi ne, %rem3A_413, %ne3A_414 : i32
      %and3A_416 = arith.andi %ne3A_412, %ne3A_415 : i1
      %sub3A_417 = arith.constant 1 : i32
      %sub3A_418 = arith.subi %div3A_397, %sub3A_417 : i32
      %select_n3A_419 = arith.select %and3A_416, %sub3A_418, %div3A_397 : i32
      %jit3A_420 = arith.constant 4096 : i32
      %eq3A_421 = arith.constant 0 : i32
      %eq3A_422 = arith.cmpi eq, %jit3A_420, %eq3A_421 : i32
      %jit3A_423 = arith.constant 1 : i32
      %select_n3A_424 = arith.select %eq3A_422, %jit3A_423, %jit3A_420 : i32
      %rem3A_425 = arith.remsi %max3A_395, %select_n3A_424 : i32
      %ne3A_426 = arith.constant 0 : i32
      %ne3A_427 = arith.cmpi ne, %rem3A_425, %ne3A_426 : i32
      %lt3A_428 = arith.constant 0 : i32
      %lt3A_429 = arith.cmpi slt, %rem3A_425, %lt3A_428 : i32
      %lt3A_430 = arith.constant 0 : i32
      %lt3A_431 = arith.cmpi slt, %select_n3A_424, %lt3A_430 : i32
      %ne3A_432 = arith.xori %lt3A_429, %lt3A_431 : i1
      %and3A_433 = arith.andi %ne3A_432, %ne3A_427 : i1
      %add3A_434 = arith.addi %rem3A_425, %select_n3A_424 : i32
      %select_n3A_435 = arith.select %and3A_433, %add3A_434, %rem3A_425 : i32
      %jit3A_436 = arith.constant 128 : i32
      %div3A_437 = arith.divsi %select_n3A_435, %jit3A_436 : i32
      %sign3A_438 = arith.constant 0 : i32
      %sign3A_439 = arith.cmpi sgt, %select_n3A_435, %sign3A_438 : i32
      %sign3A_440 = arith.extui %sign3A_439 : i1 to i32
      %sign3A_441 = arith.constant 0 : i32
      %sign3A_442 = arith.cmpi slt, %select_n3A_435, %sign3A_441 : i32
      %sign3A_443 = arith.extui %sign3A_442 : i1 to i32
      %sign3A_444 = arith.subi %sign3A_440, %sign3A_443 : i32
      %sign3A_445 = arith.constant 0 : i32
      %sign3A_446 = arith.cmpi sgt, %jit3A_436, %sign3A_445 : i32
      %sign3A_447 = arith.extui %sign3A_446 : i1 to i32
      %sign3A_448 = arith.constant 0 : i32
      %sign3A_449 = arith.cmpi slt, %jit3A_436, %sign3A_448 : i32
      %sign3A_450 = arith.extui %sign3A_449 : i1 to i32
      %sign3A_451 = arith.subi %sign3A_447, %sign3A_450 : i32
      %ne3A_452 = arith.cmpi ne, %sign3A_444, %sign3A_451 : i32
      %rem3A_453 = arith.remsi %select_n3A_435, %jit3A_436 : i32
      %ne3A_454 = arith.constant 0 : i32
      %ne3A_455 = arith.cmpi ne, %rem3A_453, %ne3A_454 : i32
      %and3A_456 = arith.andi %ne3A_452, %ne3A_455 : i1
      %sub3A_457 = arith.constant 1 : i32
      %sub3A_458 = arith.subi %div3A_437, %sub3A_457 : i32
      %select_n3A_459 = arith.select %and3A_456, %sub3A_458, %div3A_437 : i32
      %dma_wait3A_460 = arith.constant 0 : i32
      %dma_wait3A_461 = arith.constant 0 : i32
      %dma_wait3A_462 = arith.constant 0 : i32
      %dma_wait3A_463 = arith.constant 0 : i32
      %dma_wait3A_464 = tpu.memref_slice %arg9[%dma_wait3A_460, %dma_wait3A_461, %dma_wait3A_462, %dma_wait3A_463] : memref<8x3x8x129xf32, #tpu.memory_space<vmem>> -> memref<8x2x8x128xf32, #tpu.memory_space<vmem>>
      %dma_wait3A_465 = arith.constant 0 : i32
      %dma_wait3A_466 = arith.constant 0 : i32
      %dma_wait3A_467 = arith.constant 0 : i32
      %dma_wait3A_468 = tpu.memref_slice %arg4[%select_n3A_419, %dma_wait3A_465, %select_n3A_459, %dma_wait3A_466, %dma_wait3A_467] : memref<200x8x32x8x128xf32, #tpu.memory_space<hbm>> -> memref<1x8x2x8x128xf32, #tpu.memory_space<hbm>>
      %dma_wait3A_469 = tpu.memref_squeeze %dma_wait3A_468 : memref<1x8x2x8x128xf32, #tpu.memory_space<hbm>> -> memref<8x2x8x128xf32, #tpu.memory_space<hbm>>
      %dma_wait3A_470 = arith.constant 0 : i32
      %dma_wait3A_471 = arith.constant 0 : i32
      %dma_wait3A_472 = arith.constant 0 : i32
      %dma_wait3A_473 = tpu.memref_slice %arg4[%select_n3A_419, %dma_wait3A_470, %select_n3A_459, %dma_wait3A_471, %dma_wait3A_472] : memref<200x8x32x8x128xf32, #tpu.memory_space<hbm>> -> memref<1x8x2x8x128xf32, #tpu.memory_space<hbm>>
      %dma_wait3A_474 = tpu.memref_squeeze %dma_wait3A_473 : memref<1x8x2x8x128xf32, #tpu.memory_space<hbm>> -> memref<8x2x8x128xf32, #tpu.memory_space<hbm>>
      %dma_wait3A_475 = arith.constant 0 : i32
      %dma_wait3A_476 = arith.constant 0 : i32
      %dma_wait3A_477 = arith.constant 0 : i32
      %dma_wait3A_478 = arith.constant 0 : i32
      %dma_wait3A_479 = tpu.memref_slice %arg9[%dma_wait3A_475, %dma_wait3A_476, %dma_wait3A_477, %dma_wait3A_478] : memref<8x3x8x129xf32, #tpu.memory_space<vmem>> -> memref<8x2x8x128xf32, #tpu.memory_space<vmem>>
      tpu.wait_dma2 semaphore(%arg16 : memref<!tpu.dma_semaphore, #tpu.memory_space<semaphore_mem>>) src(%dma_wait3A_479 : memref<8x2x8x128xf32, #tpu.memory_space<vmem>>) dst(%dma_wait3A_474 : memref<8x2x8x128xf32, #tpu.memory_space<hbm>>)
      %scan3A_480 = arith.constant 0 : i32
      %scan3A_481 = arith.constant 0 : i32
      %scan3A_482 = arith.constant 32 : i32
      %scan3A_483 = arith.addi %scan3A_481, %scan3A_482 : i32
      %scan3A_484 = arith.constant 1 : i32
      scf.for %scan3A_1403 = %scan3A_481 to %scan3A_483 step %scan3A_484  : i32 {
        %mul3A_1404 = arith.constant 8 : i32
        %mul3A_1405 = arith.muli %scan3A_1403, %mul3A_1404 : i32
        %add3A_1406 = arith.constant 0 : i32
        %add3A_1407 = arith.addi %mul3A_1405, %add3A_1406 : i32
        %jit3A_1408 = arith.constant 128 : i32
        %div3A_1409 = arith.divsi %add3A_1407, %jit3A_1408 : i32
        %sign3A_1410 = arith.constant 0 : i32
        %sign3A_1411 = arith.cmpi sgt, %add3A_1407, %sign3A_1410 : i32
        %sign3A_1412 = arith.extui %sign3A_1411 : i1 to i32
        %sign3A_1413 = arith.constant 0 : i32
        %sign3A_1414 = arith.cmpi slt, %add3A_1407, %sign3A_1413 : i32
        %sign3A_1415 = arith.extui %sign3A_1414 : i1 to i32
        %sign3A_1416 = arith.subi %sign3A_1412, %sign3A_1415 : i32
        %sign3A_1417 = arith.constant 0 : i32
        %sign3A_1418 = arith.cmpi sgt, %jit3A_1408, %sign3A_1417 : i32
        %sign3A_1419 = arith.extui %sign3A_1418 : i1 to i32
        %sign3A_1420 = arith.constant 0 : i32
        %sign3A_1421 = arith.cmpi slt, %jit3A_1408, %sign3A_1420 : i32
        %sign3A_1422 = arith.extui %sign3A_1421 : i1 to i32
        %sign3A_1423 = arith.subi %sign3A_1419, %sign3A_1422 : i32
        %ne3A_1424 = arith.cmpi ne, %sign3A_1416, %sign3A_1423 : i32
        %rem3A_1425 = arith.remsi %add3A_1407, %jit3A_1408 : i32
        %ne3A_1426 = arith.constant 0 : i32
        %ne3A_1427 = arith.cmpi ne, %rem3A_1425, %ne3A_1426 : i32
        %and3A_1428 = arith.andi %ne3A_1424, %ne3A_1427 : i1
        %sub3A_1429 = arith.constant 1 : i32
        %sub3A_1430 = arith.subi %div3A_1409, %sub3A_1429 : i32
        %select_n3A_1431 = arith.select %and3A_1428, %sub3A_1430, %div3A_1409 : i32
        %broadcast_in_dim3A = vector.broadcast %select_n3A_1431 : i32 to vector<16xi32>
        %jit3A_1432 = arith.constant 128 : i32
        %eq3A_1433 = arith.constant 0 : i32
        %eq3A_1434 = arith.cmpi eq, %jit3A_1432, %eq3A_1433 : i32
        %jit3A_1435 = arith.constant 1 : i32
        %select_n3A_1436 = arith.select %eq3A_1434, %jit3A_1435, %jit3A_1432 : i32
        %rem3A_1437 = arith.remsi %add3A_1407, %select_n3A_1436 : i32
        %ne3A_1438 = arith.constant 0 : i32
        %ne3A_1439 = arith.cmpi ne, %rem3A_1437, %ne3A_1438 : i32
        %lt3A_1440 = arith.constant 0 : i32
        %lt3A_1441 = arith.cmpi slt, %rem3A_1437, %lt3A_1440 : i32
        %lt3A_1442 = arith.constant 0 : i32
        %lt3A_1443 = arith.cmpi slt, %select_n3A_1436, %lt3A_1442 : i32
        %ne3A_1444 = arith.xori %lt3A_1441, %lt3A_1443 : i1
        %and3A_1445 = arith.andi %ne3A_1444, %ne3A_1439 : i1
        %add3A_1446 = arith.addi %rem3A_1437, %select_n3A_1436 : i32
        %select_n3A_1447 = arith.select %and3A_1445, %add3A_1446, %rem3A_1437 : i32
        %broadcast_in_dim3A_1448 = vector.broadcast %select_n3A_1447 : i32 to vector<16xi32>
        %get3A = arith.index_cast %add3A_1407 : i32 to index
        %get3A_1449 = arith.constant 0 : index
        %get3A_1450 = tpu.vector_load %arg7[%get3A, %get3A_1449] {strides = array<i32>} : memref<256x64xf32, #tpu.memory_space<vmem>>, vector<16xf32>,
        tpu.vector_store_idx %arg9[%add3A_28, %broadcast_in_dim3A, %select_n3A_150, %broadcast_in_dim3A_1448], %get3A_1450 : memref<8x3x8x129xf32, #tpu.memory_space<vmem>>[vector<16xi32>, vector<16xi32>, vector<16xi32>, vector<16xi32>], vector<16xf32>,
        %get3A_1451 = arith.index_cast %add3A_1407 : i32 to index
        %get3A_1452 = arith.constant 16 : index
        %get3A_1453 = tpu.vector_load %arg7[%get3A_1451, %get3A_1452] {strides = array<i32>} : memref<256x64xf32, #tpu.memory_space<vmem>>, vector<16xf32>,
        tpu.vector_store_idx %arg9[%add3A_62, %broadcast_in_dim3A, %select_n3A_150, %broadcast_in_dim3A_1448], %get3A_1453 : memref<8x3x8x129xf32, #tpu.memory_space<vmem>>[vector<16xi32>, vector<16xi32>, vector<16xi32>, vector<16xi32>], vector<16xf32>,
        %get3A_1454 = arith.index_cast %add3A_1407 : i32 to index
        %get3A_1455 = arith.constant 32 : index
        %get3A_1456 = tpu.vector_load %arg7[%get3A_1454, %get3A_1455] {strides = array<i32>} : memref<256x64xf32, #tpu.memory_space<vmem>>, vector<16xf32>,
        tpu.vector_store_idx %arg9[%add3A_96, %broadcast_in_dim3A, %select_n3A_150, %broadcast_in_dim3A_1448], %get3A_1456 : memref<8x3x8x129xf32, #tpu.memory_space<vmem>>[vector<16xi32>, vector<16xi32>, vector<16xi32>, vector<16xi32>], vector<16xf32>,
        %get3A_1457 = arith.index_cast %add3A_1407 : i32 to index
        %get3A_1458 = arith.constant 48 : index
        %get3A_1459 = tpu.vector_load %arg7[%get3A_1457, %get3A_1458] {strides = array<i32>} : memref<256x64xf32, #tpu.memory_space<vmem>>, vector<16xf32>,
        tpu.vector_store_idx %arg9[%add3A_130, %broadcast_in_dim3A, %select_n3A_150, %broadcast_in_dim3A_1448], %get3A_1459 : memref<8x3x8x129xf32, #tpu.memory_space<vmem>>[vector<16xi32>, vector<16xi32>, vector<16xi32>, vector<16xi32>], vector<16xf32>,
        %mul3A_1460 = arith.constant 8 : i32
        %mul3A_1461 = arith.muli %scan3A_1403, %mul3A_1460 : i32
        %add3A_1462 = arith.constant 1 : i32
        %add3A_1463 = arith.addi %mul3A_1461, %add3A_1462 : i32
        %jit3A_1464 = arith.constant 128 : i32
        %div3A_1465 = arith.divsi %add3A_1463, %jit3A_1464 : i32
        %sign3A_1466 = arith.constant 0 : i32
        %sign3A_1467 = arith.cmpi sgt, %add3A_1463, %sign3A_1466 : i32
        %sign3A_1468 = arith.extui %sign3A_1467 : i1 to i32
        %sign3A_1469 = arith.constant 0 : i32
        %sign3A_1470 = arith.cmpi slt, %add3A_1463, %sign3A_1469 : i32
        %sign3A_1471 = arith.extui %sign3A_1470 : i1 to i32
        %sign3A_1472 = arith.subi %sign3A_1468, %sign3A_1471 : i32
        %sign3A_1473 = arith.constant 0 : i32
        %sign3A_1474 = arith.cmpi sgt, %jit3A_1464, %sign3A_1473 : i32
        %sign3A_1475 = arith.extui %sign3A_1474 : i1 to i32
        %sign3A_1476 = arith.constant 0 : i32
        %sign3A_1477 = arith.cmpi slt, %jit3A_1464, %sign3A_1476 : i32
        %sign3A_1478 = arith.extui %sign3A_1477 : i1 to i32
        %sign3A_1479 = arith.subi %sign3A_1475, %sign3A_1478 : i32
        %ne3A_1480 = arith.cmpi ne, %sign3A_1472, %sign3A_1479 : i32
        %rem3A_1481 = arith.remsi %add3A_1463, %jit3A_1464 : i32
        %ne3A_1482 = arith.constant 0 : i32
        %ne3A_1483 = arith.cmpi ne, %rem3A_1481, %ne3A_1482 : i32
        %and3A_1484 = arith.andi %ne3A_1480, %ne3A_1483 : i1
        %sub3A_1485 = arith.constant 1 : i32
        %sub3A_1486 = arith.subi %div3A_1465, %sub3A_1485 : i32
        %select_n3A_1487 = arith.select %and3A_1484, %sub3A_1486, %div3A_1465 : i32
        %broadcast_in_dim3A_1488 = vector.broadcast %select_n3A_1487 : i32 to vector<16xi32>
        %jit3A_1489 = arith.constant 128 : i32
        %eq3A_1490 = arith.constant 0 : i32
        %eq3A_1491 = arith.cmpi eq, %jit3A_1489, %eq3A_1490 : i32
        %jit3A_1492 = arith.constant 1 : i32
        %select_n3A_1493 = arith.select %eq3A_1491, %jit3A_1492, %jit3A_1489 : i32
        %rem3A_1494 = arith.remsi %add3A_1463, %select_n3A_1493 : i32
        %ne3A_1495 = arith.constant 0 : i32
        %ne3A_1496 = arith.cmpi ne, %rem3A_1494, %ne3A_1495 : i32
        %lt3A_1497 = arith.constant 0 : i32
        %lt3A_1498 = arith.cmpi slt, %rem3A_1494, %lt3A_1497 : i32
        %lt3A_1499 = arith.constant 0 : i32
        %lt3A_1500 = arith.cmpi slt, %select_n3A_1493, %lt3A_1499 : i32
        %ne3A_1501 = arith.xori %lt3A_1498, %lt3A_1500 : i1
        %and3A_1502 = arith.andi %ne3A_1501, %ne3A_1496 : i1
        %add3A_1503 = arith.addi %rem3A_1494, %select_n3A_1493 : i32
        %select_n3A_1504 = arith.select %and3A_1502, %add3A_1503, %rem3A_1494 : i32
        %broadcast_in_dim3A_1505 = vector.broadcast %select_n3A_1504 : i32 to vector<16xi32>
        %get3A_1506 = arith.index_cast %add3A_1463 : i32 to index
        %get3A_1507 = arith.constant 0 : index
        %get3A_1508 = tpu.vector_load %arg7[%get3A_1506, %get3A_1507] {strides = array<i32>} : memref<256x64xf32, #tpu.memory_space<vmem>>, vector<16xf32>,
        tpu.vector_store_idx %arg9[%add3A_28, %broadcast_in_dim3A_1488, %select_n3A_150, %broadcast_in_dim3A_1505], %get3A_1508 : memref<8x3x8x129xf32, #tpu.memory_space<vmem>>[vector<16xi32>, vector<16xi32>, vector<16xi32>, vector<16xi32>], vector<16xf32>,
        %get3A_1509 = arith.index_cast %add3A_1463 : i32 to index
        %get3A_1510 = arith.constant 16 : index
        %get3A_1511 = tpu.vector_load %arg7[%get3A_1509, %get3A_1510] {strides = array<i32>} : memref<256x64xf32, #tpu.memory_space<vmem>>, vector<16xf32>,
        tpu.vector_store_idx %arg9[%add3A_62, %broadcast_in_dim3A_1488, %select_n3A_150, %broadcast_in_dim3A_1505], %get3A_1511 : memref<8x3x8x129xf32, #tpu.memory_space<vmem>>[vector<16xi32>, vector<16xi32>, vector<16xi32>, vector<16xi32>], vector<16xf32>,
        %get3A_1512 = arith.index_cast %add3A_1463 : i32 to index
        %get3A_1513 = arith.constant 32 : index
        %get3A_1514 = tpu.vector_load %arg7[%get3A_1512, %get3A_1513] {strides = array<i32>} : memref<256x64xf32, #tpu.memory_space<vmem>>, vector<16xf32>,
        tpu.vector_store_idx %arg9[%add3A_96, %broadcast_in_dim3A_1488, %select_n3A_150, %broadcast_in_dim3A_1505], %get3A_1514 : memref<8x3x8x129xf32, #tpu.memory_space<vmem>>[vector<16xi32>, vector<16xi32>, vector<16xi32>, vector<16xi32>], vector<16xf32>,
        %get3A_1515 = arith.index_cast %add3A_1463 : i32 to index
        %get3A_1516 = arith.constant 48 : index
        %get3A_1517 = tpu.vector_load %arg7[%get3A_1515, %get3A_1516] {strides = array<i32>} : memref<256x64xf32, #tpu.memory_space<vmem>>, vector<16xf32>,
        tpu.vector_store_idx %arg9[%add3A_130, %broadcast_in_dim3A_1488, %select_n3A_150, %broadcast_in_dim3A_1505], %get3A_1517 : memref<8x3x8x129xf32, #tpu.memory_space<vmem>>[vector<16xi32>, vector<16xi32>, vector<16xi32>, vector<16xi32>], vector<16xf32>,
        %mul3A_1518 = arith.constant 8 : i32
        %mul3A_1519 = arith.muli %scan3A_1403, %mul3A_1518 : i32
        %add3A_1520 = arith.constant 2 : i32
        %add3A_1521 = arith.addi %mul3A_1519, %add3A_1520 : i32
        %jit3A_1522 = arith.constant 128 : i32
        %div3A_1523 = arith.divsi %add3A_1521, %jit3A_1522 : i32
        %sign3A_1524 = arith.constant 0 : i32
        %sign3A_1525 = arith.cmpi sgt, %add3A_1521, %sign3A_1524 : i32
        %sign3A_1526 = arith.extui %sign3A_1525 : i1 to i32
        %sign3A_1527 = arith.constant 0 : i32
        %sign3A_1528 = arith.cmpi slt, %add3A_1521, %sign3A_1527 : i32
        %sign3A_1529 = arith.extui %sign3A_1528 : i1 to i32
        %sign3A_1530 = arith.subi %sign3A_1526, %sign3A_1529 : i32
        %sign3A_1531 = arith.constant 0 : i32
        %sign3A_1532 = arith.cmpi sgt, %jit3A_1522, %sign3A_1531 : i32
        %sign3A_1533 = arith.extui %sign3A_1532 : i1 to i32
        %sign3A_1534 = arith.constant 0 : i32
        %sign3A_1535 = arith.cmpi slt, %jit3A_1522, %sign3A_1534 : i32
        %sign3A_1536 = arith.extui %sign3A_1535 : i1 to i32
        %sign3A_1537 = arith.subi %sign3A_1533, %sign3A_1536 : i32
        %ne3A_1538 = arith.cmpi ne, %sign3A_1530, %sign3A_1537 : i32
        %rem3A_1539 = arith.remsi %add3A_1521, %jit3A_1522 : i32
        %ne3A_1540 = arith.constant 0 : i32
        %ne3A_1541 = arith.cmpi ne, %rem3A_1539, %ne3A_1540 : i32
        %and3A_1542 = arith.andi %ne3A_1538, %ne3A_1541 : i1
        %sub3A_1543 = arith.constant 1 : i32
        %sub3A_1544 = arith.subi %div3A_1523, %sub3A_1543 : i32
        %select_n3A_1545 = arith.select %and3A_1542, %sub3A_1544, %div3A_1523 : i32
        %broadcast_in_dim3A_1546 = vector.broadcast %select_n3A_1545 : i32 to vector<16xi32>
        %jit3A_1547 = arith.constant 128 : i32
        %eq3A_1548 = arith.constant 0 : i32
        %eq3A_1549 = arith.cmpi eq, %jit3A_1547, %eq3A_1548 : i32
        %jit3A_1550 = arith.constant 1 : i32
        %select_n3A_1551 = arith.select %eq3A_1549, %jit3A_1550, %jit3A_1547 : i32
        %rem3A_1552 = arith.remsi %add3A_1521, %select_n3A_1551 : i32
        %ne3A_1553 = arith.constant 0 : i32
        %ne3A_1554 = arith.cmpi ne, %rem3A_1552, %ne3A_1553 : i32
        %lt3A_1555 = arith.constant 0 : i32
        %lt3A_1556 = arith.cmpi slt, %rem3A_1552, %lt3A_1555 : i32
        %lt3A_1557 = arith.constant 0 : i32
        %lt3A_1558 = arith.cmpi slt, %select_n3A_1551, %lt3A_1557 : i32
        %ne3A_1559 = arith.xori %lt3A_1556, %lt3A_1558 : i1
        %and3A_1560 = arith.andi %ne3A_1559, %ne3A_1554 : i1
        %add3A_1561 = arith.addi %rem3A_1552, %select_n3A_1551 : i32
        %select_n3A_1562 = arith.select %and3A_1560, %add3A_1561, %rem3A_1552 : i32
        %broadcast_in_dim3A_1563 = vector.broadcast %select_n3A_1562 : i32 to vector<16xi32>
        %get3A_1564 = arith.index_cast %add3A_1521 : i32 to index
        %get3A_1565 = arith.constant 0 : index
        %get3A_1566 = tpu.vector_load %arg7[%get3A_1564, %get3A_1565] {strides = array<i32>} : memref<256x64xf32, #tpu.memory_space<vmem>>, vector<16xf32>,
        tpu.vector_store_idx %arg9[%add3A_28, %broadcast_in_dim3A_1546, %select_n3A_150, %broadcast_in_dim3A_1563], %get3A_1566 : memref<8x3x8x129xf32, #tpu.memory_space<vmem>>[vector<16xi32>, vector<16xi32>, vector<16xi32>, vector<16xi32>], vector<16xf32>,
        %get3A_1567 = arith.index_cast %add3A_1521 : i32 to index
        %get3A_1568 = arith.constant 16 : index
        %get3A_1569 = tpu.vector_load %arg7[%get3A_1567, %get3A_1568] {strides = array<i32>} : memref<256x64xf32, #tpu.memory_space<vmem>>, vector<16xf32>,
        tpu.vector_store_idx %arg9[%add3A_62, %broadcast_in_dim3A_1546, %select_n3A_150, %broadcast_in_dim3A_1563], %get3A_1569 : memref<8x3x8x129xf32, #tpu.memory_space<vmem>>[vector<16xi32>, vector<16xi32>, vector<16xi32>, vector<16xi32>], vector<16xf32>,
        %get3A_1570 = arith.index_cast %add3A_1521 : i32 to index
        %get3A_1571 = arith.constant 32 : index
        %get3A_1572 = tpu.vector_load %arg7[%get3A_1570, %get3A_1571] {strides = array<i32>} : memref<256x64xf32, #tpu.memory_space<vmem>>, vector<16xf32>,
        tpu.vector_store_idx %arg9[%add3A_96, %broadcast_in_dim3A_1546, %select_n3A_150, %broadcast_in_dim3A_1563], %get3A_1572 : memref<8x3x8x129xf32, #tpu.memory_space<vmem>>[vector<16xi32>, vector<16xi32>, vector<16xi32>, vector<16xi32>], vector<16xf32>,
        %get3A_1573 = arith.index_cast %add3A_1521 : i32 to index
        %get3A_1574 = arith.constant 48 : index
        %get3A_1575 = tpu.vector_load %arg7[%get3A_1573, %get3A_1574] {strides = array<i32>} : memref<256x64xf32, #tpu.memory_space<vmem>>, vector<16xf32>,
        tpu.vector_store_idx %arg9[%add3A_130, %broadcast_in_dim3A_1546, %select_n3A_150, %broadcast_in_dim3A_1563], %get3A_1575 : memref<8x3x8x129xf32, #tpu.memory_space<vmem>>[vector<16xi32>, vector<16xi32>, vector<16xi32>, vector<16xi32>], vector<16xf32>,
        %mul3A_1576 = arith.constant 8 : i32
        %mul3A_1577 = arith.muli %scan3A_1403, %mul3A_1576 : i32
        %add3A_1578 = arith.constant 3 : i32
        %add3A_1579 = arith.addi %mul3A_1577, %add3A_1578 : i32
        %jit3A_1580 = arith.constant 128 : i32
        %div3A_1581 = arith.divsi %add3A_1579, %jit3A_1580 : i32
        %sign3A_1582 = arith.constant 0 : i32
        %sign3A_1583 = arith.cmpi sgt, %add3A_1579, %sign3A_1582 : i32
        %sign3A_1584 = arith.extui %sign3A_1583 : i1 to i32
        %sign3A_1585 = arith.constant 0 : i32
        %sign3A_1586 = arith.cmpi slt, %add3A_1579, %sign3A_1585 : i32
        %sign3A_1587 = arith.extui %sign3A_1586 : i1 to i32
        %sign3A_1588 = arith.subi %sign3A_1584, %sign3A_1587 : i32
        %sign3A_1589 = arith.constant 0 : i32
        %sign3A_1590 = arith.cmpi sgt, %jit3A_1580, %sign3A_1589 : i32
        %sign3A_1591 = arith.extui %sign3A_1590 : i1 to i32
        %sign3A_1592 = arith.constant 0 : i32
        %sign3A_1593 = arith.cmpi slt, %jit3A_1580, %sign3A_1592 : i32
        %sign3A_1594 = arith.extui %sign3A_1593 : i1 to i32
        %sign3A_1595 = arith.subi %sign3A_1591, %sign3A_1594 : i32
        %ne3A_1596 = arith.cmpi ne, %sign3A_1588, %sign3A_1595 : i32
        %rem3A_1597 = arith.remsi %add3A_1579, %jit3A_1580 : i32
        %ne3A_1598 = arith.constant 0 : i32
        %ne3A_1599 = arith.cmpi ne, %rem3A_1597, %ne3A_1598 : i32
        %and3A_1600 = arith.andi %ne3A_1596, %ne3A_1599 : i1
        %sub3A_1601 = arith.constant 1 : i32
        %sub3A_1602 = arith.subi %div3A_1581, %sub3A_1601 : i32
        %select_n3A_1603 = arith.select %and3A_1600, %sub3A_1602, %div3A_1581 : i32
        %broadcast_in_dim3A_1604 = vector.broadcast %select_n3A_1603 : i32 to vector<16xi32>
        %jit3A_1605 = arith.constant 128 : i32
        %eq3A_1606 = arith.constant 0 : i32
        %eq3A_1607 = arith.cmpi eq, %jit3A_1605, %eq3A_1606 : i32
        %jit3A_1608 = arith.constant 1 : i32
        %select_n3A_1609 = arith.select %eq3A_1607, %jit3A_1608, %jit3A_1605 : i32
        %rem3A_1610 = arith.remsi %add3A_1579, %select_n3A_1609 : i32
        %ne3A_1611 = arith.constant 0 : i32
        %ne3A_1612 = arith.cmpi ne, %rem3A_1610, %ne3A_1611 : i32
        %lt3A_1613 = arith.constant 0 : i32
        %lt3A_1614 = arith.cmpi slt, %rem3A_1610, %lt3A_1613 : i32
        %lt3A_1615 = arith.constant 0 : i32
        %lt3A_1616 = arith.cmpi slt, %select_n3A_1609, %lt3A_1615 : i32
        %ne3A_1617 = arith.xori %lt3A_1614, %lt3A_1616 : i1
        %and3A_1618 = arith.andi %ne3A_1617, %ne3A_1612 : i1
        %add3A_1619 = arith.addi %rem3A_1610, %select_n3A_1609 : i32
        %select_n3A_1620 = arith.select %and3A_1618, %add3A_1619, %rem3A_1610 : i32
        %broadcast_in_dim3A_1621 = vector.broadcast %select_n3A_1620 : i32 to vector<16xi32>
        %get3A_1622 = arith.index_cast %add3A_1579 : i32 to index
        %get3A_1623 = arith.constant 0 : index
        %get3A_1624 = tpu.vector_load %arg7[%get3A_1622, %get3A_1623] {strides = array<i32>} : memref<256x64xf32, #tpu.memory_space<vmem>>, vector<16xf32>,
        tpu.vector_store_idx %arg9[%add3A_28, %broadcast_in_dim3A_1604, %select_n3A_150, %broadcast_in_dim3A_1621], %get3A_1624 : memref<8x3x8x129xf32, #tpu.memory_space<vmem>>[vector<16xi32>, vector<16xi32>, vector<16xi32>, vector<16xi32>], vector<16xf32>,
        %get3A_1625 = arith.index_cast %add3A_1579 : i32 to index
        %get3A_1626 = arith.constant 16 : index
        %get3A_1627 = tpu.vector_load %arg7[%get3A_1625, %get3A_1626] {strides = array<i32>} : memref<256x64xf32, #tpu.memory_space<vmem>>, vector<16xf32>,
        tpu.vector_store_idx %arg9[%add3A_62, %broadcast_in_dim3A_1604, %select_n3A_150, %broadcast_in_dim3A_1621], %get3A_1627 : memref<8x3x8x129xf32, #tpu.memory_space<vmem>>[vector<16xi32>, vector<16xi32>, vector<16xi32>, vector<16xi32>], vector<16xf32>,
        %get3A_1628 = arith.index_cast %add3A_1579 : i32 to index
        %get3A_1629 = arith.constant 32 : index
        %get3A_1630 = tpu.vector_load %arg7[%get3A_1628, %get3A_1629] {strides = array<i32>} : memref<256x64xf32, #tpu.memory_space<vmem>>, vector<16xf32>,
        tpu.vector_store_idx %arg9[%add3A_96, %broadcast_in_dim3A_1604, %select_n3A_150, %broadcast_in_dim3A_1621], %get3A_1630 : memref<8x3x8x129xf32, #tpu.memory_space<vmem>>[vector<16xi32>, vector<16xi32>, vector<16xi32>, vector<16xi32>], vector<16xf32>,
        %get3A_1631 = arith.index_cast %add3A_1579 : i32 to index
        %get3A_1632 = arith.constant 48 : index
        %get3A_1633 = tpu.vector_load %arg7[%get3A_1631, %get3A_1632] {strides = array<i32>} : memref<256x64xf32, #tpu.memory_space<vmem>>, vector<16xf32>,
        tpu.vector_store_idx %arg9[%add3A_130, %broadcast_in_dim3A_1604, %select_n3A_150, %broadcast_in_dim3A_1621], %get3A_1633 : memref<8x3x8x129xf32, #tpu.memory_space<vmem>>[vector<16xi32>, vector<16xi32>, vector<16xi32>, vector<16xi32>], vector<16xf32>,
        %mul3A_1634 = arith.constant 8 : i32
        %mul3A_1635 = arith.muli %scan3A_1403, %mul3A_1634 : i32
        %add3A_1636 = arith.constant 4 : i32
        %add3A_1637 = arith.addi %mul3A_1635, %add3A_1636 : i32
        %jit3A_1638 = arith.constant 128 : i32
        %div3A_1639 = arith.divsi %add3A_1637, %jit3A_1638 : i32
        %sign3A_1640 = arith.constant 0 : i32
        %sign3A_1641 = arith.cmpi sgt, %add3A_1637, %sign3A_1640 : i32
        %sign3A_1642 = arith.extui %sign3A_1641 : i1 to i32
        %sign3A_1643 = arith.constant 0 : i32
        %sign3A_1644 = arith.cmpi slt, %add3A_1637, %sign3A_1643 : i32
        %sign3A_1645 = arith.extui %sign3A_1644 : i1 to i32
        %sign3A_1646 = arith.subi %sign3A_1642, %sign3A_1645 : i32
        %sign3A_1647 = arith.constant 0 : i32
        %sign3A_1648 = arith.cmpi sgt, %jit3A_1638, %sign3A_1647 : i32
        %sign3A_1649 = arith.extui %sign3A_1648 : i1 to i32
        %sign3A_1650 = arith.constant 0 : i32
        %sign3A_1651 = arith.cmpi slt, %jit3A_1638, %sign3A_1650 : i32
        %sign3A_1652 = arith.extui %sign3A_1651 : i1 to i32
        %sign3A_1653 = arith.subi %sign3A_1649, %sign3A_1652 : i32
        %ne3A_1654 = arith.cmpi ne, %sign3A_1646, %sign3A_1653 : i32
        %rem3A_1655 = arith.remsi %add3A_1637, %jit3A_1638 : i32
        %ne3A_1656 = arith.constant 0 : i32
        %ne3A_1657 = arith.cmpi ne, %rem3A_1655, %ne3A_1656 : i32
        %and3A_1658 = arith.andi %ne3A_1654, %ne3A_1657 : i1
        %sub3A_1659 = arith.constant 1 : i32
        %sub3A_1660 = arith.subi %div3A_1639, %sub3A_1659 : i32
        %select_n3A_1661 = arith.select %and3A_1658, %sub3A_1660, %div3A_1639 : i32
        %broadcast_in_dim3A_1662 = vector.broadcast %select_n3A_1661 : i32 to vector<16xi32>
        %jit3A_1663 = arith.constant 128 : i32
        %eq3A_1664 = arith.constant 0 : i32
        %eq3A_1665 = arith.cmpi eq, %jit3A_1663, %eq3A_1664 : i32
        %jit3A_1666 = arith.constant 1 : i32
        %select_n3A_1667 = arith.select %eq3A_1665, %jit3A_1666, %jit3A_1663 : i32
        %rem3A_1668 = arith.remsi %add3A_1637, %select_n3A_1667 : i32
        %ne3A_1669 = arith.constant 0 : i32
        %ne3A_1670 = arith.cmpi ne, %rem3A_1668, %ne3A_1669 : i32
        %lt3A_1671 = arith.constant 0 : i32
        %lt3A_1672 = arith.cmpi slt, %rem3A_1668, %lt3A_1671 : i32
        %lt3A_1673 = arith.constant 0 : i32
        %lt3A_1674 = arith.cmpi slt, %select_n3A_1667, %lt3A_1673 : i32
        %ne3A_1675 = arith.xori %lt3A_1672, %lt3A_1674 : i1
        %and3A_1676 = arith.andi %ne3A_1675, %ne3A_1670 : i1
        %add3A_1677 = arith.addi %rem3A_1668, %select_n3A_1667 : i32
        %select_n3A_1678 = arith.select %and3A_1676, %add3A_1677, %rem3A_1668 : i32
        %broadcast_in_dim3A_1679 = vector.broadcast %select_n3A_1678 : i32 to vector<16xi32>
        %get3A_1680 = arith.index_cast %add3A_1637 : i32 to index
        %get3A_1681 = arith.constant 0 : index
        %get3A_1682 = tpu.vector_load %arg7[%get3A_1680, %get3A_1681] {strides = array<i32>} : memref<256x64xf32, #tpu.memory_space<vmem>>, vector<16xf32>,
        tpu.vector_store_idx %arg9[%add3A_28, %broadcast_in_dim3A_1662, %select_n3A_150, %broadcast_in_dim3A_1679], %get3A_1682 : memref<8x3x8x129xf32, #tpu.memory_space<vmem>>[vector<16xi32>, vector<16xi32>, vector<16xi32>, vector<16xi32>], vector<16xf32>,
        %get3A_1683 = arith.index_cast %add3A_1637 : i32 to index
        %get3A_1684 = arith.constant 16 : index
        %get3A_1685 = tpu.vector_load %arg7[%get3A_1683, %get3A_1684] {strides = array<i32>} : memref<256x64xf32, #tpu.memory_space<vmem>>, vector<16xf32>,
        tpu.vector_store_idx %arg9[%add3A_62, %broadcast_in_dim3A_1662, %select_n3A_150, %broadcast_in_dim3A_1679], %get3A_1685 : memref<8x3x8x129xf32, #tpu.memory_space<vmem>>[vector<16xi32>, vector<16xi32>, vector<16xi32>, vector<16xi32>], vector<16xf32>,
        %get3A_1686 = arith.index_cast %add3A_1637 : i32 to index
        %get3A_1687 = arith.constant 32 : index
        %get3A_1688 = tpu.vector_load %arg7[%get3A_1686, %get3A_1687] {strides = array<i32>} : memref<256x64xf32, #tpu.memory_space<vmem>>, vector<16xf32>,
        tpu.vector_store_idx %arg9[%add3A_96, %broadcast_in_dim3A_1662, %select_n3A_150, %broadcast_in_dim3A_1679], %get3A_1688 : memref<8x3x8x129xf32, #tpu.memory_space<vmem>>[vector<16xi32>, vector<16xi32>, vector<16xi32>, vector<16xi32>], vector<16xf32>,
        %get3A_1689 = arith.index_cast %add3A_1637 : i32 to index
        %get3A_1690 = arith.constant 48 : index
        %get3A_1691 = tpu.vector_load %arg7[%get3A_1689, %get3A_1690] {strides = array<i32>} : memref<256x64xf32, #tpu.memory_space<vmem>>, vector<16xf32>,
        tpu.vector_store_idx %arg9[%add3A_130, %broadcast_in_dim3A_1662, %select_n3A_150, %broadcast_in_dim3A_1679], %get3A_1691 : memref<8x3x8x129xf32, #tpu.memory_space<vmem>>[vector<16xi32>, vector<16xi32>, vector<16xi32>, vector<16xi32>], vector<16xf32>,
        %mul3A_1692 = arith.constant 8 : i32
        %mul3A_1693 = arith.muli %scan3A_1403, %mul3A_1692 : i32
        %add3A_1694 = arith.constant 5 : i32
        %add3A_1695 = arith.addi %mul3A_1693, %add3A_1694 : i32
        %jit3A_1696 = arith.constant 128 : i32
        %div3A_1697 = arith.divsi %add3A_1695, %jit3A_1696 : i32
        %sign3A_1698 = arith.constant 0 : i32
        %sign3A_1699 = arith.cmpi sgt, %add3A_1695, %sign3A_1698 : i32
        %sign3A_1700 = arith.extui %sign3A_1699 : i1 to i32
        %sign3A_1701 = arith.constant 0 : i32
        %sign3A_1702 = arith.cmpi slt, %add3A_1695, %sign3A_1701 : i32
        %sign3A_1703 = arith.extui %sign3A_1702 : i1 to i32
        %sign3A_1704 = arith.subi %sign3A_1700, %sign3A_1703 : i32
        %sign3A_1705 = arith.constant 0 : i32
        %sign3A_1706 = arith.cmpi sgt, %jit3A_1696, %sign3A_1705 : i32
        %sign3A_1707 = arith.extui %sign3A_1706 : i1 to i32
        %sign3A_1708 = arith.constant 0 : i32
        %sign3A_1709 = arith.cmpi slt, %jit3A_1696, %sign3A_1708 : i32
        %sign3A_1710 = arith.extui %sign3A_1709 : i1 to i32
        %sign3A_1711 = arith.subi %sign3A_1707, %sign3A_1710 : i32
        %ne3A_1712 = arith.cmpi ne, %sign3A_1704, %sign3A_1711 : i32
        %rem3A_1713 = arith.remsi %add3A_1695, %jit3A_1696 : i32
        %ne3A_1714 = arith.constant 0 : i32
        %ne3A_1715 = arith.cmpi ne, %rem3A_1713, %ne3A_1714 : i32
        %and3A_1716 = arith.andi %ne3A_1712, %ne3A_1715 : i1
        %sub3A_1717 = arith.constant 1 : i32
        %sub3A_1718 = arith.subi %div3A_1697, %sub3A_1717 : i32
        %select_n3A_1719 = arith.select %and3A_1716, %sub3A_1718, %div3A_1697 : i32
        %broadcast_in_dim3A_1720 = vector.broadcast %select_n3A_1719 : i32 to vector<16xi32>
        %jit3A_1721 = arith.constant 128 : i32
        %eq3A_1722 = arith.constant 0 : i32
        %eq3A_1723 = arith.cmpi eq, %jit3A_1721, %eq3A_1722 : i32
        %jit3A_1724 = arith.constant 1 : i32
        %select_n3A_1725 = arith.select %eq3A_1723, %jit3A_1724, %jit3A_1721 : i32
        %rem3A_1726 = arith.remsi %add3A_1695, %select_n3A_1725 : i32
        %ne3A_1727 = arith.constant 0 : i32
        %ne3A_1728 = arith.cmpi ne, %rem3A_1726, %ne3A_1727 : i32
        %lt3A_1729 = arith.constant 0 : i32
        %lt3A_1730 = arith.cmpi slt, %rem3A_1726, %lt3A_1729 : i32
        %lt3A_1731 = arith.constant 0 : i32
        %lt3A_1732 = arith.cmpi slt, %select_n3A_1725, %lt3A_1731 : i32
        %ne3A_1733 = arith.xori %lt3A_1730, %lt3A_1732 : i1
        %and3A_1734 = arith.andi %ne3A_1733, %ne3A_1728 : i1
        %add3A_1735 = arith.addi %rem3A_1726, %select_n3A_1725 : i32
        %select_n3A_1736 = arith.select %and3A_1734, %add3A_1735, %rem3A_1726 : i32
        %broadcast_in_dim3A_1737 = vector.broadcast %select_n3A_1736 : i32 to vector<16xi32>
        %get3A_1738 = arith.index_cast %add3A_1695 : i32 to index
        %get3A_1739 = arith.constant 0 : index
        %get3A_1740 = tpu.vector_load %arg7[%get3A_1738, %get3A_1739] {strides = array<i32>} : memref<256x64xf32, #tpu.memory_space<vmem>>, vector<16xf32>,
        tpu.vector_store_idx %arg9[%add3A_28, %broadcast_in_dim3A_1720, %select_n3A_150, %broadcast_in_dim3A_1737], %get3A_1740 : memref<8x3x8x129xf32, #tpu.memory_space<vmem>>[vector<16xi32>, vector<16xi32>, vector<16xi32>, vector<16xi32>], vector<16xf32>,
        %get3A_1741 = arith.index_cast %add3A_1695 : i32 to index
        %get3A_1742 = arith.constant 16 : index
        %get3A_1743 = tpu.vector_load %arg7[%get3A_1741, %get3A_1742] {strides = array<i32>} : memref<256x64xf32, #tpu.memory_space<vmem>>, vector<16xf32>,
        tpu.vector_store_idx %arg9[%add3A_62, %broadcast_in_dim3A_1720, %select_n3A_150, %broadcast_in_dim3A_1737], %get3A_1743 : memref<8x3x8x129xf32, #tpu.memory_space<vmem>>[vector<16xi32>, vector<16xi32>, vector<16xi32>, vector<16xi32>], vector<16xf32>,
        %get3A_1744 = arith.index_cast %add3A_1695 : i32 to index
        %get3A_1745 = arith.constant 32 : index
        %get3A_1746 = tpu.vector_load %arg7[%get3A_1744, %get3A_1745] {strides = array<i32>} : memref<256x64xf32, #tpu.memory_space<vmem>>, vector<16xf32>,
        tpu.vector_store_idx %arg9[%add3A_96, %broadcast_in_dim3A_1720, %select_n3A_150, %broadcast_in_dim3A_1737], %get3A_1746 : memref<8x3x8x129xf32, #tpu.memory_space<vmem>>[vector<16xi32>, vector<16xi32>, vector<16xi32>, vector<16xi32>], vector<16xf32>,
        %get3A_1747 = arith.index_cast %add3A_1695 : i32 to index
        %get3A_1748 = arith.constant 48 : index
        %get3A_1749 = tpu.vector_load %arg7[%get3A_1747, %get3A_1748] {strides = array<i32>} : memref<256x64xf32, #tpu.memory_space<vmem>>, vector<16xf32>,
        tpu.vector_store_idx %arg9[%add3A_130, %broadcast_in_dim3A_1720, %select_n3A_150, %broadcast_in_dim3A_1737], %get3A_1749 : memref<8x3x8x129xf32, #tpu.memory_space<vmem>>[vector<16xi32>, vector<16xi32>, vector<16xi32>, vector<16xi32>], vector<16xf32>,
        %mul3A_1750 = arith.constant 8 : i32
        %mul3A_1751 = arith.muli %scan3A_1403, %mul3A_1750 : i32
        %add3A_1752 = arith.constant 6 : i32
        %add3A_1753 = arith.addi %mul3A_1751, %add3A_1752 : i32
        %jit3A_1754 = arith.constant 128 : i32
        %div3A_1755 = arith.divsi %add3A_1753, %jit3A_1754 : i32
        %sign3A_1756 = arith.constant 0 : i32
        %sign3A_1757 = arith.cmpi sgt, %add3A_1753, %sign3A_1756 : i32
        %sign3A_1758 = arith.extui %sign3A_1757 : i1 to i32
        %sign3A_1759 = arith.constant 0 : i32
        %sign3A_1760 = arith.cmpi slt, %add3A_1753, %sign3A_1759 : i32
        %sign3A_1761 = arith.extui %sign3A_1760 : i1 to i32
        %sign3A_1762 = arith.subi %sign3A_1758, %sign3A_1761 : i32
        %sign3A_1763 = arith.constant 0 : i32
        %sign3A_1764 = arith.cmpi sgt, %jit3A_1754, %sign3A_1763 : i32
        %sign3A_1765 = arith.extui %sign3A_1764 : i1 to i32
        %sign3A_1766 = arith.constant 0 : i32
        %sign3A_1767 = arith.cmpi slt, %jit3A_1754, %sign3A_1766 : i32
        %sign3A_1768 = arith.extui %sign3A_1767 : i1 to i32
        %sign3A_1769 = arith.subi %sign3A_1765, %sign3A_1768 : i32
        %ne3A_1770 = arith.cmpi ne, %sign3A_1762, %sign3A_1769 : i32
        %rem3A_1771 = arith.remsi %add3A_1753, %jit3A_1754 : i32
        %ne3A_1772 = arith.constant 0 : i32
        %ne3A_1773 = arith.cmpi ne, %rem3A_1771, %ne3A_1772 : i32
        %and3A_1774 = arith.andi %ne3A_1770, %ne3A_1773 : i1
        %sub3A_1775 = arith.constant 1 : i32
        %sub3A_1776 = arith.subi %div3A_1755, %sub3A_1775 : i32
        %select_n3A_1777 = arith.select %and3A_1774, %sub3A_1776, %div3A_1755 : i32
        %broadcast_in_dim3A_1778 = vector.broadcast %select_n3A_1777 : i32 to vector<16xi32>
        %jit3A_1779 = arith.constant 128 : i32
        %eq3A_1780 = arith.constant 0 : i32
        %eq3A_1781 = arith.cmpi eq, %jit3A_1779, %eq3A_1780 : i32
        %jit3A_1782 = arith.constant 1 : i32
        %select_n3A_1783 = arith.select %eq3A_1781, %jit3A_1782, %jit3A_1779 : i32
        %rem3A_1784 = arith.remsi %add3A_1753, %select_n3A_1783 : i32
        %ne3A_1785 = arith.constant 0 : i32
        %ne3A_1786 = arith.cmpi ne, %rem3A_1784, %ne3A_1785 : i32
        %lt3A_1787 = arith.constant 0 : i32
        %lt3A_1788 = arith.cmpi slt, %rem3A_1784, %lt3A_1787 : i32
        %lt3A_1789 = arith.constant 0 : i32
        %lt3A_1790 = arith.cmpi slt, %select_n3A_1783, %lt3A_1789 : i32
        %ne3A_1791 = arith.xori %lt3A_1788, %lt3A_1790 : i1
        %and3A_1792 = arith.andi %ne3A_1791, %ne3A_1786 : i1
        %add3A_1793 = arith.addi %rem3A_1784, %select_n3A_1783 : i32
        %select_n3A_1794 = arith.select %and3A_1792, %add3A_1793, %rem3A_1784 : i32
        %broadcast_in_dim3A_1795 = vector.broadcast %select_n3A_1794 : i32 to vector<16xi32>
        %get3A_1796 = arith.index_cast %add3A_1753 : i32 to index
        %get3A_1797 = arith.constant 0 : index
        %get3A_1798 = tpu.vector_load %arg7[%get3A_1796, %get3A_1797] {strides = array<i32>} : memref<256x64xf32, #tpu.memory_space<vmem>>, vector<16xf32>,
        tpu.vector_store_idx %arg9[%add3A_28, %broadcast_in_dim3A_1778, %select_n3A_150, %broadcast_in_dim3A_1795], %get3A_1798 : memref<8x3x8x129xf32, #tpu.memory_space<vmem>>[vector<16xi32>, vector<16xi32>, vector<16xi32>, vector<16xi32>], vector<16xf32>,
        %get3A_1799 = arith.index_cast %add3A_1753 : i32 to index
        %get3A_1800 = arith.constant 16 : index
        %get3A_1801 = tpu.vector_load %arg7[%get3A_1799, %get3A_1800] {strides = array<i32>} : memref<256x64xf32, #tpu.memory_space<vmem>>, vector<16xf32>,
        tpu.vector_store_idx %arg9[%add3A_62, %broadcast_in_dim3A_1778, %select_n3A_150, %broadcast_in_dim3A_1795], %get3A_1801 : memref<8x3x8x129xf32, #tpu.memory_space<vmem>>[vector<16xi32>, vector<16xi32>, vector<16xi32>, vector<16xi32>], vector<16xf32>,
        %get3A_1802 = arith.index_cast %add3A_1753 : i32 to index
        %get3A_1803 = arith.constant 32 : index
        %get3A_1804 = tpu.vector_load %arg7[%get3A_1802, %get3A_1803] {strides = array<i32>} : memref<256x64xf32, #tpu.memory_space<vmem>>, vector<16xf32>,
        tpu.vector_store_idx %arg9[%add3A_96, %broadcast_in_dim3A_1778, %select_n3A_150, %broadcast_in_dim3A_1795], %get3A_1804 : memref<8x3x8x129xf32, #tpu.memory_space<vmem>>[vector<16xi32>, vector<16xi32>, vector<16xi32>, vector<16xi32>], vector<16xf32>,
        %get3A_1805 = arith.index_cast %add3A_1753 : i32 to index
        %get3A_1806 = arith.constant 48 : index
        %get3A_1807 = tpu.vector_load %arg7[%get3A_1805, %get3A_1806] {strides = array<i32>} : memref<256x64xf32, #tpu.memory_space<vmem>>, vector<16xf32>,
        tpu.vector_store_idx %arg9[%add3A_130, %broadcast_in_dim3A_1778, %select_n3A_150, %broadcast_in_dim3A_1795], %get3A_1807 : memref<8x3x8x129xf32, #tpu.memory_space<vmem>>[vector<16xi32>, vector<16xi32>, vector<16xi32>, vector<16xi32>], vector<16xf32>,
        %mul3A_1808 = arith.constant 8 : i32
        %mul3A_1809 = arith.muli %scan3A_1403, %mul3A_1808 : i32
        %add3A_1810 = arith.constant 7 : i32
        %add3A_1811 = arith.addi %mul3A_1809, %add3A_1810 : i32
        %jit3A_1812 = arith.constant 128 : i32
        %div3A_1813 = arith.divsi %add3A_1811, %jit3A_1812 : i32
        %sign3A_1814 = arith.constant 0 : i32
        %sign3A_1815 = arith.cmpi sgt, %add3A_1811, %sign3A_1814 : i32
        %sign3A_1816 = arith.extui %sign3A_1815 : i1 to i32
        %sign3A_1817 = arith.constant 0 : i32
        %sign3A_1818 = arith.cmpi slt, %add3A_1811, %sign3A_1817 : i32
        %sign3A_1819 = arith.extui %sign3A_1818 : i1 to i32
        %sign3A_1820 = arith.subi %sign3A_1816, %sign3A_1819 : i32
        %sign3A_1821 = arith.constant 0 : i32
        %sign3A_1822 = arith.cmpi sgt, %jit3A_1812, %sign3A_1821 : i32
        %sign3A_1823 = arith.extui %sign3A_1822 : i1 to i32
        %sign3A_1824 = arith.constant 0 : i32
        %sign3A_1825 = arith.cmpi slt, %jit3A_1812, %sign3A_1824 : i32
        %sign3A_1826 = arith.extui %sign3A_1825 : i1 to i32
        %sign3A_1827 = arith.subi %sign3A_1823, %sign3A_1826 : i32
        %ne3A_1828 = arith.cmpi ne, %sign3A_1820, %sign3A_1827 : i32
        %rem3A_1829 = arith.remsi %add3A_1811, %jit3A_1812 : i32
        %ne3A_1830 = arith.constant 0 : i32
        %ne3A_1831 = arith.cmpi ne, %rem3A_1829, %ne3A_1830 : i32
        %and3A_1832 = arith.andi %ne3A_1828, %ne3A_1831 : i1
        %sub3A_1833 = arith.constant 1 : i32
        %sub3A_1834 = arith.subi %div3A_1813, %sub3A_1833 : i32
        %select_n3A_1835 = arith.select %and3A_1832, %sub3A_1834, %div3A_1813 : i32
        %broadcast_in_dim3A_1836 = vector.broadcast %select_n3A_1835 : i32 to vector<16xi32>
        %jit3A_1837 = arith.constant 128 : i32
        %eq3A_1838 = arith.constant 0 : i32
        %eq3A_1839 = arith.cmpi eq, %jit3A_1837, %eq3A_1838 : i32
        %jit3A_1840 = arith.constant 1 : i32
        %select_n3A_1841 = arith.select %eq3A_1839, %jit3A_1840, %jit3A_1837 : i32
        %rem3A_1842 = arith.remsi %add3A_1811, %select_n3A_1841 : i32
        %ne3A_1843 = arith.constant 0 : i32
        %ne3A_1844 = arith.cmpi ne, %rem3A_1842, %ne3A_1843 : i32
        %lt3A_1845 = arith.constant 0 : i32
        %lt3A_1846 = arith.cmpi slt, %rem3A_1842, %lt3A_1845 : i32
        %lt3A_1847 = arith.constant 0 : i32
        %lt3A_1848 = arith.cmpi slt, %select_n3A_1841, %lt3A_1847 : i32
        %ne3A_1849 = arith.xori %lt3A_1846, %lt3A_1848 : i1
        %and3A_1850 = arith.andi %ne3A_1849, %ne3A_1844 : i1
        %add3A_1851 = arith.addi %rem3A_1842, %select_n3A_1841 : i32
        %select_n3A_1852 = arith.select %and3A_1850, %add3A_1851, %rem3A_1842 : i32
        %broadcast_in_dim3A_1853 = vector.broadcast %select_n3A_1852 : i32 to vector<16xi32>
        %get3A_1854 = arith.index_cast %add3A_1811 : i32 to index
        %get3A_1855 = arith.constant 0 : index
        %get3A_1856 = tpu.vector_load %arg7[%get3A_1854, %get3A_1855] {strides = array<i32>} : memref<256x64xf32, #tpu.memory_space<vmem>>, vector<16xf32>,
        tpu.vector_store_idx %arg9[%add3A_28, %broadcast_in_dim3A_1836, %select_n3A_150, %broadcast_in_dim3A_1853], %get3A_1856 : memref<8x3x8x129xf32, #tpu.memory_space<vmem>>[vector<16xi32>, vector<16xi32>, vector<16xi32>, vector<16xi32>], vector<16xf32>,
        %get3A_1857 = arith.index_cast %add3A_1811 : i32 to index
        %get3A_1858 = arith.constant 16 : index
        %get3A_1859 = tpu.vector_load %arg7[%get3A_1857, %get3A_1858] {strides = array<i32>} : memref<256x64xf32, #tpu.memory_space<vmem>>, vector<16xf32>,
        tpu.vector_store_idx %arg9[%add3A_62, %broadcast_in_dim3A_1836, %select_n3A_150, %broadcast_in_dim3A_1853], %get3A_1859 : memref<8x3x8x129xf32, #tpu.memory_space<vmem>>[vector<16xi32>, vector<16xi32>, vector<16xi32>, vector<16xi32>], vector<16xf32>,
        %get3A_1860 = arith.index_cast %add3A_1811 : i32 to index
        %get3A_1861 = arith.constant 32 : index
        %get3A_1862 = tpu.vector_load %arg7[%get3A_1860, %get3A_1861] {strides = array<i32>} : memref<256x64xf32, #tpu.memory_space<vmem>>, vector<16xf32>,
        tpu.vector_store_idx %arg9[%add3A_96, %broadcast_in_dim3A_1836, %select_n3A_150, %broadcast_in_dim3A_1853], %get3A_1862 : memref<8x3x8x129xf32, #tpu.memory_space<vmem>>[vector<16xi32>, vector<16xi32>, vector<16xi32>, vector<16xi32>], vector<16xf32>,
        %get3A_1863 = arith.index_cast %add3A_1811 : i32 to index
        %get3A_1864 = arith.constant 48 : index
        %get3A_1865 = tpu.vector_load %arg7[%get3A_1863, %get3A_1864] {strides = array<i32>} : memref<256x64xf32, #tpu.memory_space<vmem>>, vector<16xf32>,
        tpu.vector_store_idx %arg9[%add3A_130, %broadcast_in_dim3A_1836, %select_n3A_150, %broadcast_in_dim3A_1853], %get3A_1865 : memref<8x3x8x129xf32, #tpu.memory_space<vmem>>[vector<16xi32>, vector<16xi32>, vector<16xi32>, vector<16xi32>], vector<16xf32>,
      }
      %scan3A_485 = arith.constant 32 : i32
      %jit3A_486 = arith.constant 4096 : i32
      %div3A_487 = arith.divsi %add3A_375, %jit3A_486 : i32
      %sign3A_488 = arith.constant 0 : i32
      %sign3A_489 = arith.cmpi sgt, %add3A_375, %sign3A_488 : i32
      %sign3A_490 = arith.extui %sign3A_489 : i1 to i32
      %sign3A_491 = arith.constant 0 : i32
      %sign3A_492 = arith.cmpi slt, %add3A_375, %sign3A_491 : i32
      %sign3A_493 = arith.extui %sign3A_492 : i1 to i32
      %sign3A_494 = arith.subi %sign3A_490, %sign3A_493 : i32
      %sign3A_495 = arith.constant 0 : i32
      %sign3A_496 = arith.cmpi sgt, %jit3A_486, %sign3A_495 : i32
      %sign3A_497 = arith.extui %sign3A_496 : i1 to i32
      %sign3A_498 = arith.constant 0 : i32
      %sign3A_499 = arith.cmpi slt, %jit3A_486, %sign3A_498 : i32
      %sign3A_500 = arith.extui %sign3A_499 : i1 to i32
      %sign3A_501 = arith.subi %sign3A_497, %sign3A_500 : i32
      %ne3A_502 = arith.cmpi ne, %sign3A_494, %sign3A_501 : i32
      %rem3A_503 = arith.remsi %add3A_375, %jit3A_486 : i32
      %ne3A_504 = arith.constant 0 : i32
      %ne3A_505 = arith.cmpi ne, %rem3A_503, %ne3A_504 : i32
      %and3A_506 = arith.andi %ne3A_502, %ne3A_505 : i1
      %sub3A_507 = arith.constant 1 : i32
      %sub3A_508 = arith.subi %div3A_487, %sub3A_507 : i32
      %select_n3A_509 = arith.select %and3A_506, %sub3A_508, %div3A_487 : i32
      %jit3A_510 = arith.constant 4096 : i32
      %eq3A_511 = arith.constant 0 : i32
      %eq3A_512 = arith.cmpi eq, %jit3A_510, %eq3A_511 : i32
      %jit3A_513 = arith.constant 1 : i32
      %select_n3A_514 = arith.select %eq3A_512, %jit3A_513, %jit3A_510 : i32
      %rem3A_515 = arith.remsi %add3A_375, %select_n3A_514 : i32
      %ne3A_516 = arith.constant 0 : i32
      %ne3A_517 = arith.cmpi ne, %rem3A_515, %ne3A_516 : i32
      %lt3A_518 = arith.constant 0 : i32
      %lt3A_519 = arith.cmpi slt, %rem3A_515, %lt3A_518 : i32
      %lt3A_520 = arith.constant 0 : i32
      %lt3A_521 = arith.cmpi slt, %select_n3A_514, %lt3A_520 : i32
      %ne3A_522 = arith.xori %lt3A_519, %lt3A_521 : i1
      %and3A_523 = arith.andi %ne3A_522, %ne3A_517 : i1
      %add3A_524 = arith.addi %rem3A_515, %select_n3A_514 : i32
      %select_n3A_525 = arith.select %and3A_523, %add3A_524, %rem3A_515 : i32
      %jit3A_526 = arith.constant 128 : i32
      %div3A_527 = arith.divsi %select_n3A_525, %jit3A_526 : i32
      %sign3A_528 = arith.constant 0 : i32
      %sign3A_529 = arith.cmpi sgt, %select_n3A_525, %sign3A_528 : i32
      %sign3A_530 = arith.extui %sign3A_529 : i1 to i32
      %sign3A_531 = arith.constant 0 : i32
      %sign3A_532 = arith.cmpi slt, %select_n3A_525, %sign3A_531 : i32
      %sign3A_533 = arith.extui %sign3A_532 : i1 to i32
      %sign3A_534 = arith.subi %sign3A_530, %sign3A_533 : i32
      %sign3A_535 = arith.constant 0 : i32
      %sign3A_536 = arith.cmpi sgt, %jit3A_526, %sign3A_535 : i32
      %sign3A_537 = arith.extui %sign3A_536 : i1 to i32
      %sign3A_538 = arith.constant 0 : i32
      %sign3A_539 = arith.cmpi slt, %jit3A_526, %sign3A_538 : i32
      %sign3A_540 = arith.extui %sign3A_539 : i1 to i32
      %sign3A_541 = arith.subi %sign3A_537, %sign3A_540 : i32
      %ne3A_542 = arith.cmpi ne, %sign3A_534, %sign3A_541 : i32
      %rem3A_543 = arith.remsi %select_n3A_525, %jit3A_526 : i32
      %ne3A_544 = arith.constant 0 : i32
      %ne3A_545 = arith.cmpi ne, %rem3A_543, %ne3A_544 : i32
      %and3A_546 = arith.andi %ne3A_542, %ne3A_545 : i1
      %sub3A_547 = arith.constant 1 : i32
      %sub3A_548 = arith.subi %div3A_527, %sub3A_547 : i32
      %select_n3A_549 = arith.select %and3A_546, %sub3A_548, %div3A_527 : i32
      %add3A_550 = arith.constant 0 : i32
      %add3A_551 = arith.addi %select_n3A_549, %add3A_550 : i32
      %dma_start3A_552 = arith.constant 0 : i32
      %dma_start3A_553 = arith.constant 0 : i32
      %dma_start3A_554 = arith.constant 0 : i32
      %dma_start3A_555 = arith.constant 0 : i32
      %dma_start3A_556 = arith.constant 0 : i32
      %dma_start3A_557 = tpu.memref_slice %arg9[%dma_start3A_552, %dma_start3A_553, %dma_start3A_555, %dma_start3A_556] : memref<8x3x8x129xf32, #tpu.memory_space<vmem>> -> memref<1x1x8x128xf32, #tpu.memory_space<vmem>>
      %dma_start3A_558 = tpu.memref_squeeze %dma_start3A_557 : memref<1x1x8x128xf32, #tpu.memory_space<vmem>> -> memref<8x128xf32, #tpu.memory_space<vmem>>
      %dma_start3A_559 = arith.constant 0 : i32
      %dma_start3A_560 = arith.constant 0 : i32
      %dma_start3A_561 = tpu.memref_slice %arg4[%select_n3A_509, %dma_start3A_554, %add3A_551, %dma_start3A_559, %dma_start3A_560] : memref<200x8x32x8x128xf32, #tpu.memory_space<hbm>> -> memref<1x1x1x8x128xf32, #tpu.memory_space<hbm>>
      %dma_start3A_562 = tpu.memref_squeeze %dma_start3A_561 : memref<1x1x1x8x128xf32, #tpu.memory_space<hbm>> -> memref<8x128xf32, #tpu.memory_space<hbm>>
      %dma_start3A_563 = arith.constant 0 : i32
      %dma_start3A_564 = arith.constant 0 : i32
      %dma_start3A_565 = tpu.memref_slice %arg4[%select_n3A_509, %dma_start3A_554, %add3A_551, %dma_start3A_563, %dma_start3A_564] : memref<200x8x32x8x128xf32, #tpu.memory_space<hbm>> -> memref<1x1x1x8x128xf32, #tpu.memory_space<hbm>>
      %dma_start3A_566 = tpu.memref_squeeze %dma_start3A_565 : memref<1x1x1x8x128xf32, #tpu.memory_space<hbm>> -> memref<8x128xf32, #tpu.memory_space<hbm>>
      %dma_start3A_567 = arith.constant 0 : i32
      %dma_start3A_568 = arith.constant 0 : i32
      %dma_start3A_569 = tpu.memref_slice %arg9[%dma_start3A_552, %dma_start3A_553, %dma_start3A_567, %dma_start3A_568] : memref<8x3x8x129xf32, #tpu.memory_space<vmem>> -> memref<1x1x8x128xf32, #tpu.memory_space<vmem>>
      %dma_start3A_570 = tpu.memref_squeeze %dma_start3A_569 : memref<1x1x8x128xf32, #tpu.memory_space<vmem>> -> memref<8x128xf32, #tpu.memory_space<vmem>>
      tpu.enqueue_dma source(%dma_start3A_570 : memref<8x128xf32, #tpu.memory_space<vmem>>) target(%dma_start3A_566 : memref<8x128xf32, #tpu.memory_space<hbm>>) target_semaphore(%arg16 : memref<!tpu.dma_semaphore, #tpu.memory_space<semaphore_mem>>)
      %add3A_571 = arith.constant 1 : i32
      %add3A_572 = arith.addi %select_n3A_549, %add3A_571 : i32
      %dma_start3A_573 = arith.constant 0 : i32
      %dma_start3A_574 = arith.constant 1 : i32
      %dma_start3A_575 = arith.constant 0 : i32
      %dma_start3A_576 = arith.constant 0 : i32
      %dma_start3A_577 = arith.constant 0 : i32
      %dma_start3A_578 = tpu.memref_slice %arg9[%dma_start3A_573, %dma_start3A_574, %dma_start3A_576, %dma_start3A_577] : memref<8x3x8x129xf32, #tpu.memory_space<vmem>> -> memref<1x1x8x128xf32, #tpu.memory_space<vmem>>
      %dma_start3A_579 = tpu.memref_squeeze %dma_start3A_578 : memref<1x1x8x128xf32, #tpu.memory_space<vmem>> -> memref<8x128xf32, #tpu.memory_space<vmem>>
      %dma_start3A_580 = arith.constant 0 : i32
      %dma_start3A_581 = arith.constant 0 : i32
      %dma_start3A_582 = tpu.memref_slice %arg4[%select_n3A_509, %dma_start3A_575, %add3A_572, %dma_start3A_580, %dma_start3A_581] : memref<200x8x32x8x128xf32, #tpu.memory_space<hbm>> -> memref<1x1x1x8x128xf32, #tpu.memory_space<hbm>>
      %dma_start3A_583 = tpu.memref_squeeze %dma_start3A_582 : memref<1x1x1x8x128xf32, #tpu.memory_space<hbm>> -> memref<8x128xf32, #tpu.memory_space<hbm>>
      %dma_start3A_584 = arith.constant 0 : i32
      %dma_start3A_585 = arith.constant 0 : i32
      %dma_start3A_586 = tpu.memref_slice %arg4[%select_n3A_509, %dma_start3A_575, %add3A_572, %dma_start3A_584, %dma_start3A_585] : memref<200x8x32x8x128xf32, #tpu.memory_space<hbm>> -> memref<1x1x1x8x128xf32, #tpu.memory_space<hbm>>
      %dma_start3A_587 = tpu.memref_squeeze %dma_start3A_586 : memref<1x1x1x8x128xf32, #tpu.memory_space<hbm>> -> memref<8x128xf32, #tpu.memory_space<hbm>>
      %dma_start3A_588 = arith.constant 0 : i32
      %dma_start3A_589 = arith.constant 0 : i32
      %dma_start3A_590 = tpu.memref_slice %arg9[%dma_start3A_573, %dma_start3A_574, %dma_start3A_588, %dma_start3A_589] : memref<8x3x8x129xf32, #tpu.memory_space<vmem>> -> memref<1x1x8x128xf32, #tpu.memory_space<vmem>>
      %dma_start3A_591 = tpu.memref_squeeze %dma_start3A_590 : memref<1x1x8x128xf32, #tpu.memory_space<vmem>> -> memref<8x128xf32, #tpu.memory_space<vmem>>
      tpu.enqueue_dma source(%dma_start3A_591 : memref<8x128xf32, #tpu.memory_space<vmem>>) target(%dma_start3A_587 : memref<8x128xf32, #tpu.memory_space<hbm>>) target_semaphore(%arg16 : memref<!tpu.dma_semaphore, #tpu.memory_space<semaphore_mem>>)
      %add3A_592 = arith.constant 0 : i32
      %add3A_593 = arith.addi %select_n3A_549, %add3A_592 : i32
      %dma_start3A_594 = arith.constant 1 : i32
      %dma_start3A_595 = arith.constant 0 : i32
      %dma_start3A_596 = arith.constant 1 : i32
      %dma_start3A_597 = arith.constant 0 : i32
      %dma_start3A_598 = arith.constant 0 : i32
      %dma_start3A_599 = tpu.memref_slice %arg9[%dma_start3A_594, %dma_start3A_595, %dma_start3A_597, %dma_start3A_598] : memref<8x3x8x129xf32, #tpu.memory_space<vmem>> -> memref<1x1x8x128xf32, #tpu.memory_space<vmem>>
      %dma_start3A_600 = tpu.memref_squeeze %dma_start3A_599 : memref<1x1x8x128xf32, #tpu.memory_space<vmem>> -> memref<8x128xf32, #tpu.memory_space<vmem>>
      %dma_start3A_601 = arith.constant 0 : i32
      %dma_start3A_602 = arith.constant 0 : i32
      %dma_start3A_603 = tpu.memref_slice %arg4[%select_n3A_509, %dma_start3A_596, %add3A_593, %dma_start3A_601, %dma_start3A_602] : memref<200x8x32x8x128xf32, #tpu.memory_space<hbm>> -> memref<1x1x1x8x128xf32, #tpu.memory_space<hbm>>
      %dma_start3A_604 = tpu.memref_squeeze %dma_start3A_603 : memref<1x1x1x8x128xf32, #tpu.memory_space<hbm>> -> memref<8x128xf32, #tpu.memory_space<hbm>>
      %dma_start3A_605 = arith.constant 0 : i32
      %dma_start3A_606 = arith.constant 0 : i32
      %dma_start3A_607 = tpu.memref_slice %arg4[%select_n3A_509, %dma_start3A_596, %add3A_593, %dma_start3A_605, %dma_start3A_606] : memref<200x8x32x8x128xf32, #tpu.memory_space<hbm>> -> memref<1x1x1x8x128xf32, #tpu.memory_space<hbm>>
      %dma_start3A_608 = tpu.memref_squeeze %dma_start3A_607 : memref<1x1x1x8x128xf32, #tpu.memory_space<hbm>> -> memref<8x128xf32, #tpu.memory_space<hbm>>
      %dma_start3A_609 = arith.constant 0 : i32
      %dma_start3A_610 = arith.constant 0 : i32
      %dma_start3A_611 = tpu.memref_slice %arg9[%dma_start3A_594, %dma_start3A_595, %dma_start3A_609, %dma_start3A_610] : memref<8x3x8x129xf32, #tpu.memory_space<vmem>> -> memref<1x1x8x128xf32, #tpu.memory_space<vmem>>
      %dma_start3A_612 = tpu.memref_squeeze %dma_start3A_611 : memref<1x1x8x128xf32, #tpu.memory_space<vmem>> -> memref<8x128xf32, #tpu.memory_space<vmem>>
      tpu.enqueue_dma source(%dma_start3A_612 : memref<8x128xf32, #tpu.memory_space<vmem>>) target(%dma_start3A_608 : memref<8x128xf32, #tpu.memory_space<hbm>>) target_semaphore(%arg16 : memref<!tpu.dma_semaphore, #tpu.memory_space<semaphore_mem>>)
      %add3A_613 = arith.constant 1 : i32
      %add3A_614 = arith.addi %select_n3A_549, %add3A_613 : i32
      %dma_start3A_615 = arith.constant 1 : i32
      %dma_start3A_616 = arith.constant 1 : i32
      %dma_start3A_617 = arith.constant 1 : i32
      %dma_start3A_618 = arith.constant 0 : i32
      %dma_start3A_619 = arith.constant 0 : i32
      %dma_start3A_620 = tpu.memref_slice %arg9[%dma_start3A_615, %dma_start3A_616, %dma_start3A_618, %dma_start3A_619] : memref<8x3x8x129xf32, #tpu.memory_space<vmem>> -> memref<1x1x8x128xf32, #tpu.memory_space<vmem>>
      %dma_start3A_621 = tpu.memref_squeeze %dma_start3A_620 : memref<1x1x8x128xf32, #tpu.memory_space<vmem>> -> memref<8x128xf32, #tpu.memory_space<vmem>>
      %dma_start3A_622 = arith.constant 0 : i32
      %dma_start3A_623 = arith.constant 0 : i32
      %dma_start3A_624 = tpu.memref_slice %arg4[%select_n3A_509, %dma_start3A_617, %add3A_614, %dma_start3A_622, %dma_start3A_623] : memref<200x8x32x8x128xf32, #tpu.memory_space<hbm>> -> memref<1x1x1x8x128xf32, #tpu.memory_space<hbm>>
      %dma_start3A_625 = tpu.memref_squeeze %dma_start3A_624 : memref<1x1x1x8x128xf32, #tpu.memory_space<hbm>> -> memref<8x128xf32, #tpu.memory_space<hbm>>
      %dma_start3A_626 = arith.constant 0 : i32
      %dma_start3A_627 = arith.constant 0 : i32
      %dma_start3A_628 = tpu.memref_slice %arg4[%select_n3A_509, %dma_start3A_617, %add3A_614, %dma_start3A_626, %dma_start3A_627] : memref<200x8x32x8x128xf32, #tpu.memory_space<hbm>> -> memref<1x1x1x8x128xf32, #tpu.memory_space<hbm>>
      %dma_start3A_629 = tpu.memref_squeeze %dma_start3A_628 : memref<1x1x1x8x128xf32, #tpu.memory_space<hbm>> -> memref<8x128xf32, #tpu.memory_space<hbm>>
      %dma_start3A_630 = arith.constant 0 : i32
      %dma_start3A_631 = arith.constant 0 : i32
      %dma_start3A_632 = tpu.memref_slice %arg9[%dma_start3A_615, %dma_start3A_616, %dma_start3A_630, %dma_start3A_631] : memref<8x3x8x129xf32, #tpu.memory_space<vmem>> -> memref<1x1x8x128xf32, #tpu.memory_space<vmem>>
      %dma_start3A_633 = tpu.memref_squeeze %dma_start3A_632 : memref<1x1x8x128xf32, #tpu.memory_space<vmem>> -> memref<8x128xf32, #tpu.memory_space<vmem>>
      tpu.enqueue_dma source(%dma_start3A_633 : memref<8x128xf32, #tpu.memory_space<vmem>>) target(%dma_start3A_629 : memref<8x128xf32, #tpu.memory_space<hbm>>) target_semaphore(%arg16 : memref<!tpu.dma_semaphore, #tpu.memory_space<semaphore_mem>>)
      %add3A_634 = arith.constant 0 : i32
      %add3A_635 = arith.addi %select_n3A_549, %add3A_634 : i32
      %dma_start3A_636 = arith.constant 2 : i32
      %dma_start3A_637 = arith.constant 0 : i32
      %dma_start3A_638 = arith.constant 2 : i32
      %dma_start3A_639 = arith.constant 0 : i32
      %dma_start3A_640 = arith.constant 0 : i32
      %dma_start3A_641 = tpu.memref_slice %arg9[%dma_start3A_636, %dma_start3A_637, %dma_start3A_639, %dma_start3A_640] : memref<8x3x8x129xf32, #tpu.memory_space<vmem>> -> memref<1x1x8x128xf32, #tpu.memory_space<vmem>>
      %dma_start3A_642 = tpu.memref_squeeze %dma_start3A_641 : memref<1x1x8x128xf32, #tpu.memory_space<vmem>> -> memref<8x128xf32, #tpu.memory_space<vmem>>
      %dma_start3A_643 = arith.constant 0 : i32
      %dma_start3A_644 = arith.constant 0 : i32
      %dma_start3A_645 = tpu.memref_slice %arg4[%select_n3A_509, %dma_start3A_638, %add3A_635, %dma_start3A_643, %dma_start3A_644] : memref<200x8x32x8x128xf32, #tpu.memory_space<hbm>> -> memref<1x1x1x8x128xf32, #tpu.memory_space<hbm>>
      %dma_start3A_646 = tpu.memref_squeeze %dma_start3A_645 : memref<1x1x1x8x128xf32, #tpu.memory_space<hbm>> -> memref<8x128xf32, #tpu.memory_space<hbm>>
      %dma_start3A_647 = arith.constant 0 : i32
      %dma_start3A_648 = arith.constant 0 : i32
      %dma_start3A_649 = tpu.memref_slice %arg4[%select_n3A_509, %dma_start3A_638, %add3A_635, %dma_start3A_647, %dma_start3A_648] : memref<200x8x32x8x128xf32, #tpu.memory_space<hbm>> -> memref<1x1x1x8x128xf32, #tpu.memory_space<hbm>>
      %dma_start3A_650 = tpu.memref_squeeze %dma_start3A_649 : memref<1x1x1x8x128xf32, #tpu.memory_space<hbm>> -> memref<8x128xf32, #tpu.memory_space<hbm>>
      %dma_start3A_651 = arith.constant 0 : i32
      %dma_start3A_652 = arith.constant 0 : i32
      %dma_start3A_653 = tpu.memref_slice %arg9[%dma_start3A_636, %dma_start3A_637, %dma_start3A_651, %dma_start3A_652] : memref<8x3x8x129xf32, #tpu.memory_space<vmem>> -> memref<1x1x8x128xf32, #tpu.memory_space<vmem>>
      %dma_start3A_654 = tpu.memref_squeeze %dma_start3A_653 : memref<1x1x8x128xf32, #tpu.memory_space<vmem>> -> memref<8x128xf32, #tpu.memory_space<vmem>>
      tpu.enqueue_dma source(%dma_start3A_654 : memref<8x128xf32, #tpu.memory_space<vmem>>) target(%dma_start3A_650 : memref<8x128xf32, #tpu.memory_space<hbm>>) target_semaphore(%arg16 : memref<!tpu.dma_semaphore, #tpu.memory_space<semaphore_mem>>)
      %add3A_655 = arith.constant 1 : i32
      %add3A_656 = arith.addi %select_n3A_549, %add3A_655 : i32
      %dma_start3A_657 = arith.constant 2 : i32
      %dma_start3A_658 = arith.constant 1 : i32
      %dma_start3A_659 = arith.constant 2 : i32
      %dma_start3A_660 = arith.constant 0 : i32
      %dma_start3A_661 = arith.constant 0 : i32
      %dma_start3A_662 = tpu.memref_slice %arg9[%dma_start3A_657, %dma_start3A_658, %dma_start3A_660, %dma_start3A_661] : memref<8x3x8x129xf32, #tpu.memory_space<vmem>> -> memref<1x1x8x128xf32, #tpu.memory_space<vmem>>
      %dma_start3A_663 = tpu.memref_squeeze %dma_start3A_662 : memref<1x1x8x128xf32, #tpu.memory_space<vmem>> -> memref<8x128xf32, #tpu.memory_space<vmem>>
      %dma_start3A_664 = arith.constant 0 : i32
      %dma_start3A_665 = arith.constant 0 : i32
      %dma_start3A_666 = tpu.memref_slice %arg4[%select_n3A_509, %dma_start3A_659, %add3A_656, %dma_start3A_664, %dma_start3A_665] : memref<200x8x32x8x128xf32, #tpu.memory_space<hbm>> -> memref<1x1x1x8x128xf32, #tpu.memory_space<hbm>>
      %dma_start3A_667 = tpu.memref_squeeze %dma_start3A_666 : memref<1x1x1x8x128xf32, #tpu.memory_space<hbm>> -> memref<8x128xf32, #tpu.memory_space<hbm>>
      %dma_start3A_668 = arith.constant 0 : i32
      %dma_start3A_669 = arith.constant 0 : i32
      %dma_start3A_670 = tpu.memref_slice %arg4[%select_n3A_509, %dma_start3A_659, %add3A_656, %dma_start3A_668, %dma_start3A_669] : memref<200x8x32x8x128xf32, #tpu.memory_space<hbm>> -> memref<1x1x1x8x128xf32, #tpu.memory_space<hbm>>
      %dma_start3A_671 = tpu.memref_squeeze %dma_start3A_670 : memref<1x1x1x8x128xf32, #tpu.memory_space<hbm>> -> memref<8x128xf32, #tpu.memory_space<hbm>>
      %dma_start3A_672 = arith.constant 0 : i32
      %dma_start3A_673 = arith.constant 0 : i32
      %dma_start3A_674 = tpu.memref_slice %arg9[%dma_start3A_657, %dma_start3A_658, %dma_start3A_672, %dma_start3A_673] : memref<8x3x8x129xf32, #tpu.memory_space<vmem>> -> memref<1x1x8x128xf32, #tpu.memory_space<vmem>>
      %dma_start3A_675 = tpu.memref_squeeze %dma_start3A_674 : memref<1x1x8x128xf32, #tpu.memory_space<vmem>> -> memref<8x128xf32, #tpu.memory_space<vmem>>
      tpu.enqueue_dma source(%dma_start3A_675 : memref<8x128xf32, #tpu.memory_space<vmem>>) target(%dma_start3A_671 : memref<8x128xf32, #tpu.memory_space<hbm>>) target_semaphore(%arg16 : memref<!tpu.dma_semaphore, #tpu.memory_space<semaphore_mem>>)
      %add3A_676 = arith.constant 0 : i32
      %add3A_677 = arith.addi %select_n3A_549, %add3A_676 : i32
      %dma_start3A_678 = arith.constant 3 : i32
      %dma_start3A_679 = arith.constant 0 : i32
      %dma_start3A_680 = arith.constant 3 : i32
      %dma_start3A_681 = arith.constant 0 : i32
      %dma_start3A_682 = arith.constant 0 : i32
      %dma_start3A_683 = tpu.memref_slice %arg9[%dma_start3A_678, %dma_start3A_679, %dma_start3A_681, %dma_start3A_682] : memref<8x3x8x129xf32, #tpu.memory_space<vmem>> -> memref<1x1x8x128xf32, #tpu.memory_space<vmem>>
      %dma_start3A_684 = tpu.memref_squeeze %dma_start3A_683 : memref<1x1x8x128xf32, #tpu.memory_space<vmem>> -> memref<8x128xf32, #tpu.memory_space<vmem>>
      %dma_start3A_685 = arith.constant 0 : i32
      %dma_start3A_686 = arith.constant 0 : i32
      %dma_start3A_687 = tpu.memref_slice %arg4[%select_n3A_509, %dma_start3A_680, %add3A_677, %dma_start3A_685, %dma_start3A_686] : memref<200x8x32x8x128xf32, #tpu.memory_space<hbm>> -> memref<1x1x1x8x128xf32, #tpu.memory_space<hbm>>
      %dma_start3A_688 = tpu.memref_squeeze %dma_start3A_687 : memref<1x1x1x8x128xf32, #tpu.memory_space<hbm>> -> memref<8x128xf32, #tpu.memory_space<hbm>>
      %dma_start3A_689 = arith.constant 0 : i32
      %dma_start3A_690 = arith.constant 0 : i32
      %dma_start3A_691 = tpu.memref_slice %arg4[%select_n3A_509, %dma_start3A_680, %add3A_677, %dma_start3A_689, %dma_start3A_690] : memref<200x8x32x8x128xf32, #tpu.memory_space<hbm>> -> memref<1x1x1x8x128xf32, #tpu.memory_space<hbm>>
      %dma_start3A_692 = tpu.memref_squeeze %dma_start3A_691 : memref<1x1x1x8x128xf32, #tpu.memory_space<hbm>> -> memref<8x128xf32, #tpu.memory_space<hbm>>
      %dma_start3A_693 = arith.constant 0 : i32
      %dma_start3A_694 = arith.constant 0 : i32
      %dma_start3A_695 = tpu.memref_slice %arg9[%dma_start3A_678, %dma_start3A_679, %dma_start3A_693, %dma_start3A_694] : memref<8x3x8x129xf32, #tpu.memory_space<vmem>> -> memref<1x1x8x128xf32, #tpu.memory_space<vmem>>
      %dma_start3A_696 = tpu.memref_squeeze %dma_start3A_695 : memref<1x1x8x128xf32, #tpu.memory_space<vmem>> -> memref<8x128xf32, #tpu.memory_space<vmem>>
      tpu.enqueue_dma source(%dma_start3A_696 : memref<8x128xf32, #tpu.memory_space<vmem>>) target(%dma_start3A_692 : memref<8x128xf32, #tpu.memory_space<hbm>>) target_semaphore(%arg16 : memref<!tpu.dma_semaphore, #tpu.memory_space<semaphore_mem>>)
      %add3A_697 = arith.constant 1 : i32
      %add3A_698 = arith.addi %select_n3A_549, %add3A_697 : i32
      %dma_start3A_699 = arith.constant 3 : i32
      %dma_start3A_700 = arith.constant 1 : i32
      %dma_start3A_701 = arith.constant 3 : i32
      %dma_start3A_702 = arith.constant 0 : i32
      %dma_start3A_703 = arith.constant 0 : i32
      %dma_start3A_704 = tpu.memref_slice %arg9[%dma_start3A_699, %dma_start3A_700, %dma_start3A_702, %dma_start3A_703] : memref<8x3x8x129xf32, #tpu.memory_space<vmem>> -> memref<1x1x8x128xf32, #tpu.memory_space<vmem>>
      %dma_start3A_705 = tpu.memref_squeeze %dma_start3A_704 : memref<1x1x8x128xf32, #tpu.memory_space<vmem>> -> memref<8x128xf32, #tpu.memory_space<vmem>>
      %dma_start3A_706 = arith.constant 0 : i32
      %dma_start3A_707 = arith.constant 0 : i32
      %dma_start3A_708 = tpu.memref_slice %arg4[%select_n3A_509, %dma_start3A_701, %add3A_698, %dma_start3A_706, %dma_start3A_707] : memref<200x8x32x8x128xf32, #tpu.memory_space<hbm>> -> memref<1x1x1x8x128xf32, #tpu.memory_space<hbm>>
      %dma_start3A_709 = tpu.memref_squeeze %dma_start3A_708 : memref<1x1x1x8x128xf32, #tpu.memory_space<hbm>> -> memref<8x128xf32, #tpu.memory_space<hbm>>
      %dma_start3A_710 = arith.constant 0 : i32
      %dma_start3A_711 = arith.constant 0 : i32
      %dma_start3A_712 = tpu.memref_slice %arg4[%select_n3A_509, %dma_start3A_701, %add3A_698, %dma_start3A_710, %dma_start3A_711] : memref<200x8x32x8x128xf32, #tpu.memory_space<hbm>> -> memref<1x1x1x8x128xf32, #tpu.memory_space<hbm>>
      %dma_start3A_713 = tpu.memref_squeeze %dma_start3A_712 : memref<1x1x1x8x128xf32, #tpu.memory_space<hbm>> -> memref<8x128xf32, #tpu.memory_space<hbm>>
      %dma_start3A_714 = arith.constant 0 : i32
      %dma_start3A_715 = arith.constant 0 : i32
      %dma_start3A_716 = tpu.memref_slice %arg9[%dma_start3A_699, %dma_start3A_700, %dma_start3A_714, %dma_start3A_715] : memref<8x3x8x129xf32, #tpu.memory_space<vmem>> -> memref<1x1x8x128xf32, #tpu.memory_space<vmem>>
      %dma_start3A_717 = tpu.memref_squeeze %dma_start3A_716 : memref<1x1x8x128xf32, #tpu.memory_space<vmem>> -> memref<8x128xf32, #tpu.memory_space<vmem>>
      tpu.enqueue_dma source(%dma_start3A_717 : memref<8x128xf32, #tpu.memory_space<vmem>>) target(%dma_start3A_713 : memref<8x128xf32, #tpu.memory_space<hbm>>) target_semaphore(%arg16 : memref<!tpu.dma_semaphore, #tpu.memory_space<semaphore_mem>>)
      %add3A_718 = arith.constant 0 : i32
      %add3A_719 = arith.addi %select_n3A_549, %add3A_718 : i32
      %dma_start3A_720 = arith.constant 4 : i32
      %dma_start3A_721 = arith.constant 0 : i32
      %dma_start3A_722 = arith.constant 4 : i32
      %dma_start3A_723 = arith.constant 0 : i32
      %dma_start3A_724 = arith.constant 0 : i32
      %dma_start3A_725 = tpu.memref_slice %arg9[%dma_start3A_720, %dma_start3A_721, %dma_start3A_723, %dma_start3A_724] : memref<8x3x8x129xf32, #tpu.memory_space<vmem>> -> memref<1x1x8x128xf32, #tpu.memory_space<vmem>>
      %dma_start3A_726 = tpu.memref_squeeze %dma_start3A_725 : memref<1x1x8x128xf32, #tpu.memory_space<vmem>> -> memref<8x128xf32, #tpu.memory_space<vmem>>
      %dma_start3A_727 = arith.constant 0 : i32
      %dma_start3A_728 = arith.constant 0 : i32
      %dma_start3A_729 = tpu.memref_slice %arg4[%select_n3A_509, %dma_start3A_722, %add3A_719, %dma_start3A_727, %dma_start3A_728] : memref<200x8x32x8x128xf32, #tpu.memory_space<hbm>> -> memref<1x1x1x8x128xf32, #tpu.memory_space<hbm>>
      %dma_start3A_730 = tpu.memref_squeeze %dma_start3A_729 : memref<1x1x1x8x128xf32, #tpu.memory_space<hbm>> -> memref<8x128xf32, #tpu.memory_space<hbm>>
      %dma_start3A_731 = arith.constant 0 : i32
      %dma_start3A_732 = arith.constant 0 : i32
      %dma_start3A_733 = tpu.memref_slice %arg4[%select_n3A_509, %dma_start3A_722, %add3A_719, %dma_start3A_731, %dma_start3A_732] : memref<200x8x32x8x128xf32, #tpu.memory_space<hbm>> -> memref<1x1x1x8x128xf32, #tpu.memory_space<hbm>>
      %dma_start3A_734 = tpu.memref_squeeze %dma_start3A_733 : memref<1x1x1x8x128xf32, #tpu.memory_space<hbm>> -> memref<8x128xf32, #tpu.memory_space<hbm>>
      %dma_start3A_735 = arith.constant 0 : i32
      %dma_start3A_736 = arith.constant 0 : i32
      %dma_start3A_737 = tpu.memref_slice %arg9[%dma_start3A_720, %dma_start3A_721, %dma_start3A_735, %dma_start3A_736] : memref<8x3x8x129xf32, #tpu.memory_space<vmem>> -> memref<1x1x8x128xf32, #tpu.memory_space<vmem>>
      %dma_start3A_738 = tpu.memref_squeeze %dma_start3A_737 : memref<1x1x8x128xf32, #tpu.memory_space<vmem>> -> memref<8x128xf32, #tpu.memory_space<vmem>>
      tpu.enqueue_dma source(%dma_start3A_738 : memref<8x128xf32, #tpu.memory_space<vmem>>) target(%dma_start3A_734 : memref<8x128xf32, #tpu.memory_space<hbm>>) target_semaphore(%arg16 : memref<!tpu.dma_semaphore, #tpu.memory_space<semaphore_mem>>)
      %add3A_739 = arith.constant 1 : i32
      %add3A_740 = arith.addi %select_n3A_549, %add3A_739 : i32
      %dma_start3A_741 = arith.constant 4 : i32
      %dma_start3A_742 = arith.constant 1 : i32
      %dma_start3A_743 = arith.constant 4 : i32
      %dma_start3A_744 = arith.constant 0 : i32
      %dma_start3A_745 = arith.constant 0 : i32
      %dma_start3A_746 = tpu.memref_slice %arg9[%dma_start3A_741, %dma_start3A_742, %dma_start3A_744, %dma_start3A_745] : memref<8x3x8x129xf32, #tpu.memory_space<vmem>> -> memref<1x1x8x128xf32, #tpu.memory_space<vmem>>
      %dma_start3A_747 = tpu.memref_squeeze %dma_start3A_746 : memref<1x1x8x128xf32, #tpu.memory_space<vmem>> -> memref<8x128xf32, #tpu.memory_space<vmem>>
      %dma_start3A_748 = arith.constant 0 : i32
      %dma_start3A_749 = arith.constant 0 : i32
      %dma_start3A_750 = tpu.memref_slice %arg4[%select_n3A_509, %dma_start3A_743, %add3A_740, %dma_start3A_748, %dma_start3A_749] : memref<200x8x32x8x128xf32, #tpu.memory_space<hbm>> -> memref<1x1x1x8x128xf32, #tpu.memory_space<hbm>>
      %dma_start3A_751 = tpu.memref_squeeze %dma_start3A_750 : memref<1x1x1x8x128xf32, #tpu.memory_space<hbm>> -> memref<8x128xf32, #tpu.memory_space<hbm>>
      %dma_start3A_752 = arith.constant 0 : i32
      %dma_start3A_753 = arith.constant 0 : i32
      %dma_start3A_754 = tpu.memref_slice %arg4[%select_n3A_509, %dma_start3A_743, %add3A_740, %dma_start3A_752, %dma_start3A_753] : memref<200x8x32x8x128xf32, #tpu.memory_space<hbm>> -> memref<1x1x1x8x128xf32, #tpu.memory_space<hbm>>
      %dma_start3A_755 = tpu.memref_squeeze %dma_start3A_754 : memref<1x1x1x8x128xf32, #tpu.memory_space<hbm>> -> memref<8x128xf32, #tpu.memory_space<hbm>>
      %dma_start3A_756 = arith.constant 0 : i32
      %dma_start3A_757 = arith.constant 0 : i32
      %dma_start3A_758 = tpu.memref_slice %arg9[%dma_start3A_741, %dma_start3A_742, %dma_start3A_756, %dma_start3A_757] : memref<8x3x8x129xf32, #tpu.memory_space<vmem>> -> memref<1x1x8x128xf32, #tpu.memory_space<vmem>>
      %dma_start3A_759 = tpu.memref_squeeze %dma_start3A_758 : memref<1x1x8x128xf32, #tpu.memory_space<vmem>> -> memref<8x128xf32, #tpu.memory_space<vmem>>
      tpu.enqueue_dma source(%dma_start3A_759 : memref<8x128xf32, #tpu.memory_space<vmem>>) target(%dma_start3A_755 : memref<8x128xf32, #tpu.memory_space<hbm>>) target_semaphore(%arg16 : memref<!tpu.dma_semaphore, #tpu.memory_space<semaphore_mem>>)
      %add3A_760 = arith.constant 0 : i32
      %add3A_761 = arith.addi %select_n3A_549, %add3A_760 : i32
      %dma_start3A_762 = arith.constant 5 : i32
      %dma_start3A_763 = arith.constant 0 : i32
      %dma_start3A_764 = arith.constant 5 : i32
      %dma_start3A_765 = arith.constant 0 : i32
      %dma_start3A_766 = arith.constant 0 : i32
      %dma_start3A_767 = tpu.memref_slice %arg9[%dma_start3A_762, %dma_start3A_763, %dma_start3A_765, %dma_start3A_766] : memref<8x3x8x129xf32, #tpu.memory_space<vmem>> -> memref<1x1x8x128xf32, #tpu.memory_space<vmem>>
      %dma_start3A_768 = tpu.memref_squeeze %dma_start3A_767 : memref<1x1x8x128xf32, #tpu.memory_space<vmem>> -> memref<8x128xf32, #tpu.memory_space<vmem>>
      %dma_start3A_769 = arith.constant 0 : i32
      %dma_start3A_770 = arith.constant 0 : i32
      %dma_start3A_771 = tpu.memref_slice %arg4[%select_n3A_509, %dma_start3A_764, %add3A_761, %dma_start3A_769, %dma_start3A_770] : memref<200x8x32x8x128xf32, #tpu.memory_space<hbm>> -> memref<1x1x1x8x128xf32, #tpu.memory_space<hbm>>
      %dma_start3A_772 = tpu.memref_squeeze %dma_start3A_771 : memref<1x1x1x8x128xf32, #tpu.memory_space<hbm>> -> memref<8x128xf32, #tpu.memory_space<hbm>>
      %dma_start3A_773 = arith.constant 0 : i32
      %dma_start3A_774 = arith.constant 0 : i32
      %dma_start3A_775 = tpu.memref_slice %arg4[%select_n3A_509, %dma_start3A_764, %add3A_761, %dma_start3A_773, %dma_start3A_774] : memref<200x8x32x8x128xf32, #tpu.memory_space<hbm>> -> memref<1x1x1x8x128xf32, #tpu.memory_space<hbm>>
      %dma_start3A_776 = tpu.memref_squeeze %dma_start3A_775 : memref<1x1x1x8x128xf32, #tpu.memory_space<hbm>> -> memref<8x128xf32, #tpu.memory_space<hbm>>
      %dma_start3A_777 = arith.constant 0 : i32
      %dma_start3A_778 = arith.constant 0 : i32
      %dma_start3A_779 = tpu.memref_slice %arg9[%dma_start3A_762, %dma_start3A_763, %dma_start3A_777, %dma_start3A_778] : memref<8x3x8x129xf32, #tpu.memory_space<vmem>> -> memref<1x1x8x128xf32, #tpu.memory_space<vmem>>
      %dma_start3A_780 = tpu.memref_squeeze %dma_start3A_779 : memref<1x1x8x128xf32, #tpu.memory_space<vmem>> -> memref<8x128xf32, #tpu.memory_space<vmem>>
      tpu.enqueue_dma source(%dma_start3A_780 : memref<8x128xf32, #tpu.memory_space<vmem>>) target(%dma_start3A_776 : memref<8x128xf32, #tpu.memory_space<hbm>>) target_semaphore(%arg16 : memref<!tpu.dma_semaphore, #tpu.memory_space<semaphore_mem>>)
      %add3A_781 = arith.constant 1 : i32
      %add3A_782 = arith.addi %select_n3A_549, %add3A_781 : i32
      %dma_start3A_783 = arith.constant 5 : i32
      %dma_start3A_784 = arith.constant 1 : i32
      %dma_start3A_785 = arith.constant 5 : i32
      %dma_start3A_786 = arith.constant 0 : i32
      %dma_start3A_787 = arith.constant 0 : i32
      %dma_start3A_788 = tpu.memref_slice %arg9[%dma_start3A_783, %dma_start3A_784, %dma_start3A_786, %dma_start3A_787] : memref<8x3x8x129xf32, #tpu.memory_space<vmem>> -> memref<1x1x8x128xf32, #tpu.memory_space<vmem>>
      %dma_start3A_789 = tpu.memref_squeeze %dma_start3A_788 : memref<1x1x8x128xf32, #tpu.memory_space<vmem>> -> memref<8x128xf32, #tpu.memory_space<vmem>>
      %dma_start3A_790 = arith.constant 0 : i32
      %dma_start3A_791 = arith.constant 0 : i32
      %dma_start3A_792 = tpu.memref_slice %arg4[%select_n3A_509, %dma_start3A_785, %add3A_782, %dma_start3A_790, %dma_start3A_791] : memref<200x8x32x8x128xf32, #tpu.memory_space<hbm>> -> memref<1x1x1x8x128xf32, #tpu.memory_space<hbm>>
      %dma_start3A_793 = tpu.memref_squeeze %dma_start3A_792 : memref<1x1x1x8x128xf32, #tpu.memory_space<hbm>> -> memref<8x128xf32, #tpu.memory_space<hbm>>
      %dma_start3A_794 = arith.constant 0 : i32
      %dma_start3A_795 = arith.constant 0 : i32
      %dma_start3A_796 = tpu.memref_slice %arg4[%select_n3A_509, %dma_start3A_785, %add3A_782, %dma_start3A_794, %dma_start3A_795] : memref<200x8x32x8x128xf32, #tpu.memory_space<hbm>> -> memref<1x1x1x8x128xf32, #tpu.memory_space<hbm>>
      %dma_start3A_797 = tpu.memref_squeeze %dma_start3A_796 : memref<1x1x1x8x128xf32, #tpu.memory_space<hbm>> -> memref<8x128xf32, #tpu.memory_space<hbm>>
      %dma_start3A_798 = arith.constant 0 : i32
      %dma_start3A_799 = arith.constant 0 : i32
      %dma_start3A_800 = tpu.memref_slice %arg9[%dma_start3A_783, %dma_start3A_784, %dma_start3A_798, %dma_start3A_799] : memref<8x3x8x129xf32, #tpu.memory_space<vmem>> -> memref<1x1x8x128xf32, #tpu.memory_space<vmem>>
      %dma_start3A_801 = tpu.memref_squeeze %dma_start3A_800 : memref<1x1x8x128xf32, #tpu.memory_space<vmem>> -> memref<8x128xf32, #tpu.memory_space<vmem>>
      tpu.enqueue_dma source(%dma_start3A_801 : memref<8x128xf32, #tpu.memory_space<vmem>>) target(%dma_start3A_797 : memref<8x128xf32, #tpu.memory_space<hbm>>) target_semaphore(%arg16 : memref<!tpu.dma_semaphore, #tpu.memory_space<semaphore_mem>>)
      %add3A_802 = arith.constant 0 : i32
      %add3A_803 = arith.addi %select_n3A_549, %add3A_802 : i32
      %dma_start3A_804 = arith.constant 6 : i32
      %dma_start3A_805 = arith.constant 0 : i32
      %dma_start3A_806 = arith.constant 6 : i32
      %dma_start3A_807 = arith.constant 0 : i32
      %dma_start3A_808 = arith.constant 0 : i32
      %dma_start3A_809 = tpu.memref_slice %arg9[%dma_start3A_804, %dma_start3A_805, %dma_start3A_807, %dma_start3A_808] : memref<8x3x8x129xf32, #tpu.memory_space<vmem>> -> memref<1x1x8x128xf32, #tpu.memory_space<vmem>>
      %dma_start3A_810 = tpu.memref_squeeze %dma_start3A_809 : memref<1x1x8x128xf32, #tpu.memory_space<vmem>> -> memref<8x128xf32, #tpu.memory_space<vmem>>
      %dma_start3A_811 = arith.constant 0 : i32
      %dma_start3A_812 = arith.constant 0 : i32
      %dma_start3A_813 = tpu.memref_slice %arg4[%select_n3A_509, %dma_start3A_806, %add3A_803, %dma_start3A_811, %dma_start3A_812] : memref<200x8x32x8x128xf32, #tpu.memory_space<hbm>> -> memref<1x1x1x8x128xf32, #tpu.memory_space<hbm>>
      %dma_start3A_814 = tpu.memref_squeeze %dma_start3A_813 : memref<1x1x1x8x128xf32, #tpu.memory_space<hbm>> -> memref<8x128xf32, #tpu.memory_space<hbm>>
      %dma_start3A_815 = arith.constant 0 : i32
      %dma_start3A_816 = arith.constant 0 : i32
      %dma_start3A_817 = tpu.memref_slice %arg4[%select_n3A_509, %dma_start3A_806, %add3A_803, %dma_start3A_815, %dma_start3A_816] : memref<200x8x32x8x128xf32, #tpu.memory_space<hbm>> -> memref<1x1x1x8x128xf32, #tpu.memory_space<hbm>>
      %dma_start3A_818 = tpu.memref_squeeze %dma_start3A_817 : memref<1x1x1x8x128xf32, #tpu.memory_space<hbm>> -> memref<8x128xf32, #tpu.memory_space<hbm>>
      %dma_start3A_819 = arith.constant 0 : i32
      %dma_start3A_820 = arith.constant 0 : i32
      %dma_start3A_821 = tpu.memref_slice %arg9[%dma_start3A_804, %dma_start3A_805, %dma_start3A_819, %dma_start3A_820] : memref<8x3x8x129xf32, #tpu.memory_space<vmem>> -> memref<1x1x8x128xf32, #tpu.memory_space<vmem>>
      %dma_start3A_822 = tpu.memref_squeeze %dma_start3A_821 : memref<1x1x8x128xf32, #tpu.memory_space<vmem>> -> memref<8x128xf32, #tpu.memory_space<vmem>>
      tpu.enqueue_dma source(%dma_start3A_822 : memref<8x128xf32, #tpu.memory_space<vmem>>) target(%dma_start3A_818 : memref<8x128xf32, #tpu.memory_space<hbm>>) target_semaphore(%arg16 : memref<!tpu.dma_semaphore, #tpu.memory_space<semaphore_mem>>)
      %add3A_823 = arith.constant 1 : i32
      %add3A_824 = arith.addi %select_n3A_549, %add3A_823 : i32
      %dma_start3A_825 = arith.constant 6 : i32
      %dma_start3A_826 = arith.constant 1 : i32
      %dma_start3A_827 = arith.constant 6 : i32
      %dma_start3A_828 = arith.constant 0 : i32
      %dma_start3A_829 = arith.constant 0 : i32
      %dma_start3A_830 = tpu.memref_slice %arg9[%dma_start3A_825, %dma_start3A_826, %dma_start3A_828, %dma_start3A_829] : memref<8x3x8x129xf32, #tpu.memory_space<vmem>> -> memref<1x1x8x128xf32, #tpu.memory_space<vmem>>
      %dma_start3A_831 = tpu.memref_squeeze %dma_start3A_830 : memref<1x1x8x128xf32, #tpu.memory_space<vmem>> -> memref<8x128xf32, #tpu.memory_space<vmem>>
      %dma_start3A_832 = arith.constant 0 : i32
      %dma_start3A_833 = arith.constant 0 : i32
      %dma_start3A_834 = tpu.memref_slice %arg4[%select_n3A_509, %dma_start3A_827, %add3A_824, %dma_start3A_832, %dma_start3A_833] : memref<200x8x32x8x128xf32, #tpu.memory_space<hbm>> -> memref<1x1x1x8x128xf32, #tpu.memory_space<hbm>>
      %dma_start3A_835 = tpu.memref_squeeze %dma_start3A_834 : memref<1x1x1x8x128xf32, #tpu.memory_space<hbm>> -> memref<8x128xf32, #tpu.memory_space<hbm>>
      %dma_start3A_836 = arith.constant 0 : i32
      %dma_start3A_837 = arith.constant 0 : i32
      %dma_start3A_838 = tpu.memref_slice %arg4[%select_n3A_509, %dma_start3A_827, %add3A_824, %dma_start3A_836, %dma_start3A_837] : memref<200x8x32x8x128xf32, #tpu.memory_space<hbm>> -> memref<1x1x1x8x128xf32, #tpu.memory_space<hbm>>
      %dma_start3A_839 = tpu.memref_squeeze %dma_start3A_838 : memref<1x1x1x8x128xf32, #tpu.memory_space<hbm>> -> memref<8x128xf32, #tpu.memory_space<hbm>>
      %dma_start3A_840 = arith.constant 0 : i32
      %dma_start3A_841 = arith.constant 0 : i32
      %dma_start3A_842 = tpu.memref_slice %arg9[%dma_start3A_825, %dma_start3A_826, %dma_start3A_840, %dma_start3A_841] : memref<8x3x8x129xf32, #tpu.memory_space<vmem>> -> memref<1x1x8x128xf32, #tpu.memory_space<vmem>>
      %dma_start3A_843 = tpu.memref_squeeze %dma_start3A_842 : memref<1x1x8x128xf32, #tpu.memory_space<vmem>> -> memref<8x128xf32, #tpu.memory_space<vmem>>
      tpu.enqueue_dma source(%dma_start3A_843 : memref<8x128xf32, #tpu.memory_space<vmem>>) target(%dma_start3A_839 : memref<8x128xf32, #tpu.memory_space<hbm>>) target_semaphore(%arg16 : memref<!tpu.dma_semaphore, #tpu.memory_space<semaphore_mem>>)
      %add3A_844 = arith.constant 0 : i32
      %add3A_845 = arith.addi %select_n3A_549, %add3A_844 : i32
      %dma_start3A_846 = arith.constant 7 : i32
      %dma_start3A_847 = arith.constant 0 : i32
      %dma_start3A_848 = arith.constant 7 : i32
      %dma_start3A_849 = arith.constant 0 : i32
      %dma_start3A_850 = arith.constant 0 : i32
      %dma_start3A_851 = tpu.memref_slice %arg9[%dma_start3A_846, %dma_start3A_847, %dma_start3A_849, %dma_start3A_850] : memref<8x3x8x129xf32, #tpu.memory_space<vmem>> -> memref<1x1x8x128xf32, #tpu.memory_space<vmem>>
      %dma_start3A_852 = tpu.memref_squeeze %dma_start3A_851 : memref<1x1x8x128xf32, #tpu.memory_space<vmem>> -> memref<8x128xf32, #tpu.memory_space<vmem>>
      %dma_start3A_853 = arith.constant 0 : i32
      %dma_start3A_854 = arith.constant 0 : i32
      %dma_start3A_855 = tpu.memref_slice %arg4[%select_n3A_509, %dma_start3A_848, %add3A_845, %dma_start3A_853, %dma_start3A_854] : memref<200x8x32x8x128xf32, #tpu.memory_space<hbm>> -> memref<1x1x1x8x128xf32, #tpu.memory_space<hbm>>
      %dma_start3A_856 = tpu.memref_squeeze %dma_start3A_855 : memref<1x1x1x8x128xf32, #tpu.memory_space<hbm>> -> memref<8x128xf32, #tpu.memory_space<hbm>>
      %dma_start3A_857 = arith.constant 0 : i32
      %dma_start3A_858 = arith.constant 0 : i32
      %dma_start3A_859 = tpu.memref_slice %arg4[%select_n3A_509, %dma_start3A_848, %add3A_845, %dma_start3A_857, %dma_start3A_858] : memref<200x8x32x8x128xf32, #tpu.memory_space<hbm>> -> memref<1x1x1x8x128xf32, #tpu.memory_space<hbm>>
      %dma_start3A_860 = tpu.memref_squeeze %dma_start3A_859 : memref<1x1x1x8x128xf32, #tpu.memory_space<hbm>> -> memref<8x128xf32, #tpu.memory_space<hbm>>
      %dma_start3A_861 = arith.constant 0 : i32
      %dma_start3A_862 = arith.constant 0 : i32
      %dma_start3A_863 = tpu.memref_slice %arg9[%dma_start3A_846, %dma_start3A_847, %dma_start3A_861, %dma_start3A_862] : memref<8x3x8x129xf32, #tpu.memory_space<vmem>> -> memref<1x1x8x128xf32, #tpu.memory_space<vmem>>
      %dma_start3A_864 = tpu.memref_squeeze %dma_start3A_863 : memref<1x1x8x128xf32, #tpu.memory_space<vmem>> -> memref<8x128xf32, #tpu.memory_space<vmem>>
      tpu.enqueue_dma source(%dma_start3A_864 : memref<8x128xf32, #tpu.memory_space<vmem>>) target(%dma_start3A_860 : memref<8x128xf32, #tpu.memory_space<hbm>>) target_semaphore(%arg16 : memref<!tpu.dma_semaphore, #tpu.memory_space<semaphore_mem>>)
      %add3A_865 = arith.constant 1 : i32
      %add3A_866 = arith.addi %select_n3A_549, %add3A_865 : i32
      %dma_start3A_867 = arith.constant 7 : i32
      %dma_start3A_868 = arith.constant 1 : i32
      %dma_start3A_869 = arith.constant 7 : i32
      %dma_start3A_870 = arith.constant 0 : i32
      %dma_start3A_871 = arith.constant 0 : i32
      %dma_start3A_872 = tpu.memref_slice %arg9[%dma_start3A_867, %dma_start3A_868, %dma_start3A_870, %dma_start3A_871] : memref<8x3x8x129xf32, #tpu.memory_space<vmem>> -> memref<1x1x8x128xf32, #tpu.memory_space<vmem>>
      %dma_start3A_873 = tpu.memref_squeeze %dma_start3A_872 : memref<1x1x8x128xf32, #tpu.memory_space<vmem>> -> memref<8x128xf32, #tpu.memory_space<vmem>>
      %dma_start3A_874 = arith.constant 0 : i32
      %dma_start3A_875 = arith.constant 0 : i32
      %dma_start3A_876 = tpu.memref_slice %arg4[%select_n3A_509, %dma_start3A_869, %add3A_866, %dma_start3A_874, %dma_start3A_875] : memref<200x8x32x8x128xf32, #tpu.memory_space<hbm>> -> memref<1x1x1x8x128xf32, #tpu.memory_space<hbm>>
      %dma_start3A_877 = tpu.memref_squeeze %dma_start3A_876 : memref<1x1x1x8x128xf32, #tpu.memory_space<hbm>> -> memref<8x128xf32, #tpu.memory_space<hbm>>
      %dma_start3A_878 = arith.constant 0 : i32
      %dma_start3A_879 = arith.constant 0 : i32
      %dma_start3A_880 = tpu.memref_slice %arg4[%select_n3A_509, %dma_start3A_869, %add3A_866, %dma_start3A_878, %dma_start3A_879] : memref<200x8x32x8x128xf32, #tpu.memory_space<hbm>> -> memref<1x1x1x8x128xf32, #tpu.memory_space<hbm>>
      %dma_start3A_881 = tpu.memref_squeeze %dma_start3A_880 : memref<1x1x1x8x128xf32, #tpu.memory_space<hbm>> -> memref<8x128xf32, #tpu.memory_space<hbm>>
      %dma_start3A_882 = arith.constant 0 : i32
      %dma_start3A_883 = arith.constant 0 : i32
      %dma_start3A_884 = tpu.memref_slice %arg9[%dma_start3A_867, %dma_start3A_868, %dma_start3A_882, %dma_start3A_883] : memref<8x3x8x129xf32, #tpu.memory_space<vmem>> -> memref<1x1x8x128xf32, #tpu.memory_space<vmem>>
      %dma_start3A_885 = tpu.memref_squeeze %dma_start3A_884 : memref<1x1x8x128xf32, #tpu.memory_space<vmem>> -> memref<8x128xf32, #tpu.memory_space<vmem>>
      tpu.enqueue_dma source(%dma_start3A_885 : memref<8x128xf32, #tpu.memory_space<vmem>>) target(%dma_start3A_881 : memref<8x128xf32, #tpu.memory_space<hbm>>) target_semaphore(%arg16 : memref<!tpu.dma_semaphore, #tpu.memory_space<semaphore_mem>>)
      %mul3A_886 = arith.constant 2 : i32
      %mul3A_887 = arith.muli %scan3A_368, %mul3A_886 : i32
      %add3A_888 = arith.constant 1 : i32
      %add3A_889 = arith.addi %mul3A_887, %add3A_888 : i32
      %mul3A_890 = arith.constant 256 : i32
      %mul3A_891 = arith.muli %add3A_889, %mul3A_890 : i32
      %add3A_892 = arith.addi %mul3A_2, %mul3A_891 : i32
      %min3A_893 = arith.constant 818944 : i32
      %min3A_894 = arith.minsi %add3A_892, %min3A_893 : i32
      %dma_wait3A_895 = tpu.memref_slice %arg2[%min3A_894] : memref<819200xi32, #tpu.memory_space<hbm>> -> memref<256xi32, #tpu.memory_space<hbm>>
      %dma_wait3A_896 = tpu.memref_slice %arg2[%min3A_894] : memref<819200xi32, #tpu.memory_space<hbm>> -> memref<256xi32, #tpu.memory_space<hbm>>
      tpu.wait_dma2 semaphore(%arg13 : memref<!tpu.dma_semaphore, #tpu.memory_space<semaphore_mem>>) src(%dma_wait3A_896 : memref<256xi32, #tpu.memory_space<hbm>>) dst(%arg6 : memref<256xi32, #tpu.memory_space<vmem>>)
      %dma_start3A_897 = arith.constant 0 : i32
      %dma_start3A_898 = arith.constant 0 : i32
      %dma_start3A_899 = tpu.memref_slice %arg3[%dma_start3A_897, %dma_start3A_898] : memref<1000000x64xf32, #tpu.memory_space<hbm>> -> memref<1000000x64xf32, #tpu.memory_space<hbm>>
      tpu.enqueue_indirect_dma source(%dma_start3A_899 : memref<1000000x64xf32, #tpu.memory_space<hbm>>) target(%arg8 : memref<256x64xf32, #tpu.memory_space<vmem>>) offsets(%arg6 : memref<256xi32, #tpu.memory_space<vmem>>) semaphore(%arg15 : memref<!tpu.dma_semaphore, #tpu.memory_space<semaphore_mem>>)
      %dma_wait3A_900 = arith.constant 0 : i32
      %dma_wait3A_901 = arith.constant 0 : i32
      %dma_wait3A_902 = tpu.memref_slice %arg3[%dma_wait3A_900, %dma_wait3A_901] : memref<1000000x64xf32, #tpu.memory_space<hbm>> -> memref<1000000x64xf32, #tpu.memory_space<hbm>>
      tpu.wait_indirect_dma semaphore(%arg15 : memref<!tpu.dma_semaphore, #tpu.memory_space<semaphore_mem>>) src(%dma_wait3A_902 : memref<1000000x64xf32, #tpu.memory_space<hbm>>) dst(%arg8 : memref<256x64xf32, #tpu.memory_space<vmem>>)
      %add3A_903 = arith.constant 512 : i32
      %add3A_904 = arith.addi %add3A_892, %add3A_903 : i32
      %min3A_905 = arith.constant 818944 : i32
      %min3A_906 = arith.minsi %add3A_904, %min3A_905 : i32
      %dma_start3A_907 = tpu.memref_slice %arg2[%min3A_906] : memref<819200xi32, #tpu.memory_space<hbm>> -> memref<256xi32, #tpu.memory_space<hbm>>
      %dma_start3A_908 = tpu.memref_slice %arg2[%min3A_906] : memref<819200xi32, #tpu.memory_space<hbm>> -> memref<256xi32, #tpu.memory_space<hbm>>
      tpu.enqueue_dma source(%dma_start3A_908 : memref<256xi32, #tpu.memory_space<hbm>>) target(%arg6 : memref<256xi32, #tpu.memory_space<vmem>>) target_semaphore(%arg13 : memref<!tpu.dma_semaphore, #tpu.memory_space<semaphore_mem>>)
      %sub3A_909 = arith.constant 512 : i32
      %sub3A_910 = arith.subi %add3A_892, %sub3A_909 : i32
      %max3A_911 = arith.constant 0 : i32
      %max3A_912 = arith.maxsi %sub3A_910, %max3A_911 : i32
      %jit3A_913 = arith.constant 4096 : i32
      %div3A_914 = arith.divsi %max3A_912, %jit3A_913 : i32
      %sign3A_915 = arith.constant 0 : i32
      %sign3A_916 = arith.cmpi sgt, %max3A_912, %sign3A_915 : i32
      %sign3A_917 = arith.extui %sign3A_916 : i1 to i32
      %sign3A_918 = arith.constant 0 : i32
      %sign3A_919 = arith.cmpi slt, %max3A_912, %sign3A_918 : i32
      %sign3A_920 = arith.extui %sign3A_919 : i1 to i32
      %sign3A_921 = arith.subi %sign3A_917, %sign3A_920 : i32
      %sign3A_922 = arith.constant 0 : i32
      %sign3A_923 = arith.cmpi sgt, %jit3A_913, %sign3A_922 : i32
      %sign3A_924 = arith.extui %sign3A_923 : i1 to i32
      %sign3A_925 = arith.constant 0 : i32
      %sign3A_926 = arith.cmpi slt, %jit3A_913, %sign3A_925 : i32
      %sign3A_927 = arith.extui %sign3A_926 : i1 to i32
      %sign3A_928 = arith.subi %sign3A_924, %sign3A_927 : i32
      %ne3A_929 = arith.cmpi ne, %sign3A_921, %sign3A_928 : i32
      %rem3A_930 = arith.remsi %max3A_912, %jit3A_913 : i32
      %ne3A_931 = arith.constant 0 : i32
      %ne3A_932 = arith.cmpi ne, %rem3A_930, %ne3A_931 : i32
      %and3A_933 = arith.andi %ne3A_929, %ne3A_932 : i1
      %sub3A_934 = arith.constant 1 : i32
      %sub3A_935 = arith.subi %div3A_914, %sub3A_934 : i32
      %select_n3A_936 = arith.select %and3A_933, %sub3A_935, %div3A_914 : i32
      %jit3A_937 = arith.constant 4096 : i32
      %eq3A_938 = arith.constant 0 : i32
      %eq3A_939 = arith.cmpi eq, %jit3A_937, %eq3A_938 : i32
      %jit3A_940 = arith.constant 1 : i32
      %select_n3A_941 = arith.select %eq3A_939, %jit3A_940, %jit3A_937 : i32
      %rem3A_942 = arith.remsi %max3A_912, %select_n3A_941 : i32
      %ne3A_943 = arith.constant 0 : i32
      %ne3A_944 = arith.cmpi ne, %rem3A_942, %ne3A_943 : i32
      %lt3A_945 = arith.constant 0 : i32
      %lt3A_946 = arith.cmpi slt, %rem3A_942, %lt3A_945 : i32
      %lt3A_947 = arith.constant 0 : i32
      %lt3A_948 = arith.cmpi slt, %select_n3A_941, %lt3A_947 : i32
      %ne3A_949 = arith.xori %lt3A_946, %lt3A_948 : i1
      %and3A_950 = arith.andi %ne3A_949, %ne3A_944 : i1
      %add3A_951 = arith.addi %rem3A_942, %select_n3A_941 : i32
      %select_n3A_952 = arith.select %and3A_950, %add3A_951, %rem3A_942 : i32
      %jit3A_953 = arith.constant 128 : i32
      %div3A_954 = arith.divsi %select_n3A_952, %jit3A_953 : i32
      %sign3A_955 = arith.constant 0 : i32
      %sign3A_956 = arith.cmpi sgt, %select_n3A_952, %sign3A_955 : i32
      %sign3A_957 = arith.extui %sign3A_956 : i1 to i32
      %sign3A_958 = arith.constant 0 : i32
      %sign3A_959 = arith.cmpi slt, %select_n3A_952, %sign3A_958 : i32
      %sign3A_960 = arith.extui %sign3A_959 : i1 to i32
      %sign3A_961 = arith.subi %sign3A_957, %sign3A_960 : i32
      %sign3A_962 = arith.constant 0 : i32
      %sign3A_963 = arith.cmpi sgt, %jit3A_953, %sign3A_962 : i32
      %sign3A_964 = arith.extui %sign3A_963 : i1 to i32
      %sign3A_965 = arith.constant 0 : i32
      %sign3A_966 = arith.cmpi slt, %jit3A_953, %sign3A_965 : i32
      %sign3A_967 = arith.extui %sign3A_966 : i1 to i32
      %sign3A_968 = arith.subi %sign3A_964, %sign3A_967 : i32
      %ne3A_969 = arith.cmpi ne, %sign3A_961, %sign3A_968 : i32
      %rem3A_970 = arith.remsi %select_n3A_952, %jit3A_953 : i32
      %ne3A_971 = arith.constant 0 : i32
      %ne3A_972 = arith.cmpi ne, %rem3A_970, %ne3A_971 : i32
      %and3A_973 = arith.andi %ne3A_969, %ne3A_972 : i1
      %sub3A_974 = arith.constant 1 : i32
      %sub3A_975 = arith.subi %div3A_954, %sub3A_974 : i32
      %select_n3A_976 = arith.select %and3A_973, %sub3A_975, %div3A_954 : i32
      %dma_wait3A_977 = arith.constant 0 : i32
      %dma_wait3A_978 = arith.constant 0 : i32
      %dma_wait3A_979 = arith.constant 0 : i32
      %dma_wait3A_980 = arith.constant 0 : i32
      %dma_wait3A_981 = tpu.memref_slice %arg10[%dma_wait3A_977, %dma_wait3A_978, %dma_wait3A_979, %dma_wait3A_980] : memref<8x3x8x129xf32, #tpu.memory_space<vmem>> -> memref<8x2x8x128xf32, #tpu.memory_space<vmem>>
      %dma_wait3A_982 = arith.constant 0 : i32
      %dma_wait3A_983 = arith.constant 0 : i32
      %dma_wait3A_984 = arith.constant 0 : i32
      %dma_wait3A_985 = tpu.memref_slice %arg4[%select_n3A_936, %dma_wait3A_982, %select_n3A_976, %dma_wait3A_983, %dma_wait3A_984] : memref<200x8x32x8x128xf32, #tpu.memory_space<hbm>> -> memref<1x8x2x8x128xf32, #tpu.memory_space<hbm>>
      %dma_wait3A_986 = tpu.memref_squeeze %dma_wait3A_985 : memref<1x8x2x8x128xf32, #tpu.memory_space<hbm>> -> memref<8x2x8x128xf32, #tpu.memory_space<hbm>>
      %dma_wait3A_987 = arith.constant 0 : i32
      %dma_wait3A_988 = arith.constant 0 : i32
      %dma_wait3A_989 = arith.constant 0 : i32
      %dma_wait3A_990 = tpu.memref_slice %arg4[%select_n3A_936, %dma_wait3A_987, %select_n3A_976, %dma_wait3A_988, %dma_wait3A_989] : memref<200x8x32x8x128xf32, #tpu.memory_space<hbm>> -> memref<1x8x2x8x128xf32, #tpu.memory_space<hbm>>
      %dma_wait3A_991 = tpu.memref_squeeze %dma_wait3A_990 : memref<1x8x2x8x128xf32, #tpu.memory_space<hbm>> -> memref<8x2x8x128xf32, #tpu.memory_space<hbm>>
      %dma_wait3A_992 = arith.constant 0 : i32
      %dma_wait3A_993 = arith.constant 0 : i32
      %dma_wait3A_994 = arith.constant 0 : i32
      %dma_wait3A_995 = arith.constant 0 : i32
      %dma_wait3A_996 = tpu.memref_slice %arg10[%dma_wait3A_992, %dma_wait3A_993, %dma_wait3A_994, %dma_wait3A_995] : memref<8x3x8x129xf32, #tpu.memory_space<vmem>> -> memref<8x2x8x128xf32, #tpu.memory_space<vmem>>
      tpu.wait_dma2 semaphore(%arg17 : memref<!tpu.dma_semaphore, #tpu.memory_space<semaphore_mem>>) src(%dma_wait3A_996 : memref<8x2x8x128xf32, #tpu.memory_space<vmem>>) dst(%dma_wait3A_991 : memref<8x2x8x128xf32, #tpu.memory_space<hbm>>)
      %scan3A_997 = arith.constant 0 : i32
      %scan3A_998 = arith.constant 0 : i32
      %scan3A_999 = arith.constant 32 : i32
      %scan3A_1000 = arith.addi %scan3A_998, %scan3A_999 : i32
      %scan3A_1001 = arith.constant 1 : i32
      scf.for %scan3A_1403 = %scan3A_998 to %scan3A_1000 step %scan3A_1001  : i32 {
        %mul3A_1404 = arith.constant 8 : i32
        %mul3A_1405 = arith.muli %scan3A_1403, %mul3A_1404 : i32
        %add3A_1406 = arith.constant 0 : i32
        %add3A_1407 = arith.addi %mul3A_1405, %add3A_1406 : i32
        %jit3A_1408 = arith.constant 128 : i32
        %div3A_1409 = arith.divsi %add3A_1407, %jit3A_1408 : i32
        %sign3A_1410 = arith.constant 0 : i32
        %sign3A_1411 = arith.cmpi sgt, %add3A_1407, %sign3A_1410 : i32
        %sign3A_1412 = arith.extui %sign3A_1411 : i1 to i32
        %sign3A_1413 = arith.constant 0 : i32
        %sign3A_1414 = arith.cmpi slt, %add3A_1407, %sign3A_1413 : i32
        %sign3A_1415 = arith.extui %sign3A_1414 : i1 to i32
        %sign3A_1416 = arith.subi %sign3A_1412, %sign3A_1415 : i32
        %sign3A_1417 = arith.constant 0 : i32
        %sign3A_1418 = arith.cmpi sgt, %jit3A_1408, %sign3A_1417 : i32
        %sign3A_1419 = arith.extui %sign3A_1418 : i1 to i32
        %sign3A_1420 = arith.constant 0 : i32
        %sign3A_1421 = arith.cmpi slt, %jit3A_1408, %sign3A_1420 : i32
        %sign3A_1422 = arith.extui %sign3A_1421 : i1 to i32
        %sign3A_1423 = arith.subi %sign3A_1419, %sign3A_1422 : i32
        %ne3A_1424 = arith.cmpi ne, %sign3A_1416, %sign3A_1423 : i32
        %rem3A_1425 = arith.remsi %add3A_1407, %jit3A_1408 : i32
        %ne3A_1426 = arith.constant 0 : i32
        %ne3A_1427 = arith.cmpi ne, %rem3A_1425, %ne3A_1426 : i32
        %and3A_1428 = arith.andi %ne3A_1424, %ne3A_1427 : i1
        %sub3A_1429 = arith.constant 1 : i32
        %sub3A_1430 = arith.subi %div3A_1409, %sub3A_1429 : i32
        %select_n3A_1431 = arith.select %and3A_1428, %sub3A_1430, %div3A_1409 : i32
        %broadcast_in_dim3A = vector.broadcast %select_n3A_1431 : i32 to vector<16xi32>
        %jit3A_1432 = arith.constant 128 : i32
        %eq3A_1433 = arith.constant 0 : i32
        %eq3A_1434 = arith.cmpi eq, %jit3A_1432, %eq3A_1433 : i32
        %jit3A_1435 = arith.constant 1 : i32
        %select_n3A_1436 = arith.select %eq3A_1434, %jit3A_1435, %jit3A_1432 : i32
        %rem3A_1437 = arith.remsi %add3A_1407, %select_n3A_1436 : i32
        %ne3A_1438 = arith.constant 0 : i32
        %ne3A_1439 = arith.cmpi ne, %rem3A_1437, %ne3A_1438 : i32
        %lt3A_1440 = arith.constant 0 : i32
        %lt3A_1441 = arith.cmpi slt, %rem3A_1437, %lt3A_1440 : i32
        %lt3A_1442 = arith.constant 0 : i32
        %lt3A_1443 = arith.cmpi slt, %select_n3A_1436, %lt3A_1442 : i32
        %ne3A_1444 = arith.xori %lt3A_1441, %lt3A_1443 : i1
        %and3A_1445 = arith.andi %ne3A_1444, %ne3A_1439 : i1
        %add3A_1446 = arith.addi %rem3A_1437, %select_n3A_1436 : i32
        %select_n3A_1447 = arith.select %and3A_1445, %add3A_1446, %rem3A_1437 : i32
        %broadcast_in_dim3A_1448 = vector.broadcast %select_n3A_1447 : i32 to vector<16xi32>
        %get3A = arith.index_cast %add3A_1407 : i32 to index
        %get3A_1449 = arith.constant 0 : index
        %get3A_1450 = tpu.vector_load %arg8[%get3A, %get3A_1449] {strides = array<i32>} : memref<256x64xf32, #tpu.memory_space<vmem>>, vector<16xf32>,
        tpu.vector_store_idx %arg10[%add3A_28, %broadcast_in_dim3A, %select_n3A_150, %broadcast_in_dim3A_1448], %get3A_1450 : memref<8x3x8x129xf32, #tpu.memory_space<vmem>>[vector<16xi32>, vector<16xi32>, vector<16xi32>, vector<16xi32>], vector<16xf32>,
        %get3A_1451 = arith.index_cast %add3A_1407 : i32 to index
        %get3A_1452 = arith.constant 16 : index
        %get3A_1453 = tpu.vector_load %arg8[%get3A_1451, %get3A_1452] {strides = array<i32>} : memref<256x64xf32, #tpu.memory_space<vmem>>, vector<16xf32>,
        tpu.vector_store_idx %arg10[%add3A_62, %broadcast_in_dim3A, %select_n3A_150, %broadcast_in_dim3A_1448], %get3A_1453 : memref<8x3x8x129xf32, #tpu.memory_space<vmem>>[vector<16xi32>, vector<16xi32>, vector<16xi32>, vector<16xi32>], vector<16xf32>,
        %get3A_1454 = arith.index_cast %add3A_1407 : i32 to index
        %get3A_1455 = arith.constant 32 : index
        %get3A_1456 = tpu.vector_load %arg8[%get3A_1454, %get3A_1455] {strides = array<i32>} : memref<256x64xf32, #tpu.memory_space<vmem>>, vector<16xf32>,
        tpu.vector_store_idx %arg10[%add3A_96, %broadcast_in_dim3A, %select_n3A_150, %broadcast_in_dim3A_1448], %get3A_1456 : memref<8x3x8x129xf32, #tpu.memory_space<vmem>>[vector<16xi32>, vector<16xi32>, vector<16xi32>, vector<16xi32>], vector<16xf32>,
        %get3A_1457 = arith.index_cast %add3A_1407 : i32 to index
        %get3A_1458 = arith.constant 48 : index
        %get3A_1459 = tpu.vector_load %arg8[%get3A_1457, %get3A_1458] {strides = array<i32>} : memref<256x64xf32, #tpu.memory_space<vmem>>, vector<16xf32>,
        tpu.vector_store_idx %arg10[%add3A_130, %broadcast_in_dim3A, %select_n3A_150, %broadcast_in_dim3A_1448], %get3A_1459 : memref<8x3x8x129xf32, #tpu.memory_space<vmem>>[vector<16xi32>, vector<16xi32>, vector<16xi32>, vector<16xi32>], vector<16xf32>,
        %mul3A_1460 = arith.constant 8 : i32
        %mul3A_1461 = arith.muli %scan3A_1403, %mul3A_1460 : i32
        %add3A_1462 = arith.constant 1 : i32
        %add3A_1463 = arith.addi %mul3A_1461, %add3A_1462 : i32
        %jit3A_1464 = arith.constant 128 : i32
        %div3A_1465 = arith.divsi %add3A_1463, %jit3A_1464 : i32
        %sign3A_1466 = arith.constant 0 : i32
        %sign3A_1467 = arith.cmpi sgt, %add3A_1463, %sign3A_1466 : i32
        %sign3A_1468 = arith.extui %sign3A_1467 : i1 to i32
        %sign3A_1469 = arith.constant 0 : i32
        %sign3A_1470 = arith.cmpi slt, %add3A_1463, %sign3A_1469 : i32
        %sign3A_1471 = arith.extui %sign3A_1470 : i1 to i32
        %sign3A_1472 = arith.subi %sign3A_1468, %sign3A_1471 : i32
        %sign3A_1473 = arith.constant 0 : i32
        %sign3A_1474 = arith.cmpi sgt, %jit3A_1464, %sign3A_1473 : i32
        %sign3A_1475 = arith.extui %sign3A_1474 : i1 to i32
        %sign3A_1476 = arith.constant 0 : i32
        %sign3A_1477 = arith.cmpi slt, %jit3A_1464, %sign3A_1476 : i32
        %sign3A_1478 = arith.extui %sign3A_1477 : i1 to i32
        %sign3A_1479 = arith.subi %sign3A_1475, %sign3A_1478 : i32
        %ne3A_1480 = arith.cmpi ne, %sign3A_1472, %sign3A_1479 : i32
        %rem3A_1481 = arith.remsi %add3A_1463, %jit3A_1464 : i32
        %ne3A_1482 = arith.constant 0 : i32
        %ne3A_1483 = arith.cmpi ne, %rem3A_1481, %ne3A_1482 : i32
        %and3A_1484 = arith.andi %ne3A_1480, %ne3A_1483 : i1
        %sub3A_1485 = arith.constant 1 : i32
        %sub3A_1486 = arith.subi %div3A_1465, %sub3A_1485 : i32
        %select_n3A_1487 = arith.select %and3A_1484, %sub3A_1486, %div3A_1465 : i32
        %broadcast_in_dim3A_1488 = vector.broadcast %select_n3A_1487 : i32 to vector<16xi32>
        %jit3A_1489 = arith.constant 128 : i32
        %eq3A_1490 = arith.constant 0 : i32
        %eq3A_1491 = arith.cmpi eq, %jit3A_1489, %eq3A_1490 : i32
        %jit3A_1492 = arith.constant 1 : i32
        %select_n3A_1493 = arith.select %eq3A_1491, %jit3A_1492, %jit3A_1489 : i32
        %rem3A_1494 = arith.remsi %add3A_1463, %select_n3A_1493 : i32
        %ne3A_1495 = arith.constant 0 : i32
        %ne3A_1496 = arith.cmpi ne, %rem3A_1494, %ne3A_1495 : i32
        %lt3A_1497 = arith.constant 0 : i32
        %lt3A_1498 = arith.cmpi slt, %rem3A_1494, %lt3A_1497 : i32
        %lt3A_1499 = arith.constant 0 : i32
        %lt3A_1500 = arith.cmpi slt, %select_n3A_1493, %lt3A_1499 : i32
        %ne3A_1501 = arith.xori %lt3A_1498, %lt3A_1500 : i1
        %and3A_1502 = arith.andi %ne3A_1501, %ne3A_1496 : i1
        %add3A_1503 = arith.addi %rem3A_1494, %select_n3A_1493 : i32
        %select_n3A_1504 = arith.select %and3A_1502, %add3A_1503, %rem3A_1494 : i32
        %broadcast_in_dim3A_1505 = vector.broadcast %select_n3A_1504 : i32 to vector<16xi32>
        %get3A_1506 = arith.index_cast %add3A_1463 : i32 to index
        %get3A_1507 = arith.constant 0 : index
        %get3A_1508 = tpu.vector_load %arg8[%get3A_1506, %get3A_1507] {strides = array<i32>} : memref<256x64xf32, #tpu.memory_space<vmem>>, vector<16xf32>,
        tpu.vector_store_idx %arg10[%add3A_28, %broadcast_in_dim3A_1488, %select_n3A_150, %broadcast_in_dim3A_1505], %get3A_1508 : memref<8x3x8x129xf32, #tpu.memory_space<vmem>>[vector<16xi32>, vector<16xi32>, vector<16xi32>, vector<16xi32>], vector<16xf32>,
        %get3A_1509 = arith.index_cast %add3A_1463 : i32 to index
        %get3A_1510 = arith.constant 16 : index
        %get3A_1511 = tpu.vector_load %arg8[%get3A_1509, %get3A_1510] {strides = array<i32>} : memref<256x64xf32, #tpu.memory_space<vmem>>, vector<16xf32>,
        tpu.vector_store_idx %arg10[%add3A_62, %broadcast_in_dim3A_1488, %select_n3A_150, %broadcast_in_dim3A_1505], %get3A_1511 : memref<8x3x8x129xf32, #tpu.memory_space<vmem>>[vector<16xi32>, vector<16xi32>, vector<16xi32>, vector<16xi32>], vector<16xf32>,
        %get3A_1512 = arith.index_cast %add3A_1463 : i32 to index
        %get3A_1513 = arith.constant 32 : index
        %get3A_1514 = tpu.vector_load %arg8[%get3A_1512, %get3A_1513] {strides = array<i32>} : memref<256x64xf32, #tpu.memory_space<vmem>>, vector<16xf32>,
        tpu.vector_store_idx %arg10[%add3A_96, %broadcast_in_dim3A_1488, %select_n3A_150, %broadcast_in_dim3A_1505], %get3A_1514 : memref<8x3x8x129xf32, #tpu.memory_space<vmem>>[vector<16xi32>, vector<16xi32>, vector<16xi32>, vector<16xi32>], vector<16xf32>,
        %get3A_1515 = arith.index_cast %add3A_1463 : i32 to index
        %get3A_1516 = arith.constant 48 : index
        %get3A_1517 = tpu.vector_load %arg8[%get3A_1515, %get3A_1516] {strides = array<i32>} : memref<256x64xf32, #tpu.memory_space<vmem>>, vector<16xf32>,
        tpu.vector_store_idx %arg10[%add3A_130, %broadcast_in_dim3A_1488, %select_n3A_150, %broadcast_in_dim3A_1505], %get3A_1517 : memref<8x3x8x129xf32, #tpu.memory_space<vmem>>[vector<16xi32>, vector<16xi32>, vector<16xi32>, vector<16xi32>], vector<16xf32>,
        %mul3A_1518 = arith.constant 8 : i32
        %mul3A_1519 = arith.muli %scan3A_1403, %mul3A_1518 : i32
        %add3A_1520 = arith.constant 2 : i32
        %add3A_1521 = arith.addi %mul3A_1519, %add3A_1520 : i32
        %jit3A_1522 = arith.constant 128 : i32
        %div3A_1523 = arith.divsi %add3A_1521, %jit3A_1522 : i32
        %sign3A_1524 = arith.constant 0 : i32
        %sign3A_1525 = arith.cmpi sgt, %add3A_1521, %sign3A_1524 : i32
        %sign3A_1526 = arith.extui %sign3A_1525 : i1 to i32
        %sign3A_1527 = arith.constant 0 : i32
        %sign3A_1528 = arith.cmpi slt, %add3A_1521, %sign3A_1527 : i32
        %sign3A_1529 = arith.extui %sign3A_1528 : i1 to i32
        %sign3A_1530 = arith.subi %sign3A_1526, %sign3A_1529 : i32
        %sign3A_1531 = arith.constant 0 : i32
        %sign3A_1532 = arith.cmpi sgt, %jit3A_1522, %sign3A_1531 : i32
        %sign3A_1533 = arith.extui %sign3A_1532 : i1 to i32
        %sign3A_1534 = arith.constant 0 : i32
        %sign3A_1535 = arith.cmpi slt, %jit3A_1522, %sign3A_1534 : i32
        %sign3A_1536 = arith.extui %sign3A_1535 : i1 to i32
        %sign3A_1537 = arith.subi %sign3A_1533, %sign3A_1536 : i32
        %ne3A_1538 = arith.cmpi ne, %sign3A_1530, %sign3A_1537 : i32
        %rem3A_1539 = arith.remsi %add3A_1521, %jit3A_1522 : i32
        %ne3A_1540 = arith.constant 0 : i32
        %ne3A_1541 = arith.cmpi ne, %rem3A_1539, %ne3A_1540 : i32
        %and3A_1542 = arith.andi %ne3A_1538, %ne3A_1541 : i1
        %sub3A_1543 = arith.constant 1 : i32
        %sub3A_1544 = arith.subi %div3A_1523, %sub3A_1543 : i32
        %select_n3A_1545 = arith.select %and3A_1542, %sub3A_1544, %div3A_1523 : i32
        %broadcast_in_dim3A_1546 = vector.broadcast %select_n3A_1545 : i32 to vector<16xi32>
        %jit3A_1547 = arith.constant 128 : i32
        %eq3A_1548 = arith.constant 0 : i32
        %eq3A_1549 = arith.cmpi eq, %jit3A_1547, %eq3A_1548 : i32
        %jit3A_1550 = arith.constant 1 : i32
        %select_n3A_1551 = arith.select %eq3A_1549, %jit3A_1550, %jit3A_1547 : i32
        %rem3A_1552 = arith.remsi %add3A_1521, %select_n3A_1551 : i32
        %ne3A_1553 = arith.constant 0 : i32
        %ne3A_1554 = arith.cmpi ne, %rem3A_1552, %ne3A_1553 : i32
        %lt3A_1555 = arith.constant 0 : i32
        %lt3A_1556 = arith.cmpi slt, %rem3A_1552, %lt3A_1555 : i32
        %lt3A_1557 = arith.constant 0 : i32
        %lt3A_1558 = arith.cmpi slt, %select_n3A_1551, %lt3A_1557 : i32
        %ne3A_1559 = arith.xori %lt3A_1556, %lt3A_1558 : i1
        %and3A_1560 = arith.andi %ne3A_1559, %ne3A_1554 : i1
        %add3A_1561 = arith.addi %rem3A_1552, %select_n3A_1551 : i32
        %select_n3A_1562 = arith.select %and3A_1560, %add3A_1561, %rem3A_1552 : i32
        %broadcast_in_dim3A_1563 = vector.broadcast %select_n3A_1562 : i32 to vector<16xi32>
        %get3A_1564 = arith.index_cast %add3A_1521 : i32 to index
        %get3A_1565 = arith.constant 0 : index
        %get3A_1566 = tpu.vector_load %arg8[%get3A_1564, %get3A_1565] {strides = array<i32>} : memref<256x64xf32, #tpu.memory_space<vmem>>, vector<16xf32>,
        tpu.vector_store_idx %arg10[%add3A_28, %broadcast_in_dim3A_1546, %select_n3A_150, %broadcast_in_dim3A_1563], %get3A_1566 : memref<8x3x8x129xf32, #tpu.memory_space<vmem>>[vector<16xi32>, vector<16xi32>, vector<16xi32>, vector<16xi32>], vector<16xf32>,
        %get3A_1567 = arith.index_cast %add3A_1521 : i32 to index
        %get3A_1568 = arith.constant 16 : index
        %get3A_1569 = tpu.vector_load %arg8[%get3A_1567, %get3A_1568] {strides = array<i32>} : memref<256x64xf32, #tpu.memory_space<vmem>>, vector<16xf32>,
        tpu.vector_store_idx %arg10[%add3A_62, %broadcast_in_dim3A_1546, %select_n3A_150, %broadcast_in_dim3A_1563], %get3A_1569 : memref<8x3x8x129xf32, #tpu.memory_space<vmem>>[vector<16xi32>, vector<16xi32>, vector<16xi32>, vector<16xi32>], vector<16xf32>,
        %get3A_1570 = arith.index_cast %add3A_1521 : i32 to index
        %get3A_1571 = arith.constant 32 : index
        %get3A_1572 = tpu.vector_load %arg8[%get3A_1570, %get3A_1571] {strides = array<i32>} : memref<256x64xf32, #tpu.memory_space<vmem>>, vector<16xf32>,
        tpu.vector_store_idx %arg10[%add3A_96, %broadcast_in_dim3A_1546, %select_n3A_150, %broadcast_in_dim3A_1563], %get3A_1572 : memref<8x3x8x129xf32, #tpu.memory_space<vmem>>[vector<16xi32>, vector<16xi32>, vector<16xi32>, vector<16xi32>], vector<16xf32>,
        %get3A_1573 = arith.index_cast %add3A_1521 : i32 to index
        %get3A_1574 = arith.constant 48 : index
        %get3A_1575 = tpu.vector_load %arg8[%get3A_1573, %get3A_1574] {strides = array<i32>} : memref<256x64xf32, #tpu.memory_space<vmem>>, vector<16xf32>,
        tpu.vector_store_idx %arg10[%add3A_130, %broadcast_in_dim3A_1546, %select_n3A_150, %broadcast_in_dim3A_1563], %get3A_1575 : memref<8x3x8x129xf32, #tpu.memory_space<vmem>>[vector<16xi32>, vector<16xi32>, vector<16xi32>, vector<16xi32>], vector<16xf32>,
        %mul3A_1576 = arith.constant 8 : i32
        %mul3A_1577 = arith.muli %scan3A_1403, %mul3A_1576 : i32
        %add3A_1578 = arith.constant 3 : i32
        %add3A_1579 = arith.addi %mul3A_1577, %add3A_1578 : i32
        %jit3A_1580 = arith.constant 128 : i32
        %div3A_1581 = arith.divsi %add3A_1579, %jit3A_1580 : i32
        %sign3A_1582 = arith.constant 0 : i32
        %sign3A_1583 = arith.cmpi sgt, %add3A_1579, %sign3A_1582 : i32
        %sign3A_1584 = arith.extui %sign3A_1583 : i1 to i32
        %sign3A_1585 = arith.constant 0 : i32
        %sign3A_1586 = arith.cmpi slt, %add3A_1579, %sign3A_1585 : i32
        %sign3A_1587 = arith.extui %sign3A_1586 : i1 to i32
        %sign3A_1588 = arith.subi %sign3A_1584, %sign3A_1587 : i32
        %sign3A_1589 = arith.constant 0 : i32
        %sign3A_1590 = arith.cmpi sgt, %jit3A_1580, %sign3A_1589 : i32
        %sign3A_1591 = arith.extui %sign3A_1590 : i1 to i32
        %sign3A_1592 = arith.constant 0 : i32
        %sign3A_1593 = arith.cmpi slt, %jit3A_1580, %sign3A_1592 : i32
        %sign3A_1594 = arith.extui %sign3A_1593 : i1 to i32
        %sign3A_1595 = arith.subi %sign3A_1591, %sign3A_1594 : i32
        %ne3A_1596 = arith.cmpi ne, %sign3A_1588, %sign3A_1595 : i32
        %rem3A_1597 = arith.remsi %add3A_1579, %jit3A_1580 : i32
        %ne3A_1598 = arith.constant 0 : i32
        %ne3A_1599 = arith.cmpi ne, %rem3A_1597, %ne3A_1598 : i32
        %and3A_1600 = arith.andi %ne3A_1596, %ne3A_1599 : i1
        %sub3A_1601 = arith.constant 1 : i32
        %sub3A_1602 = arith.subi %div3A_1581, %sub3A_1601 : i32
        %select_n3A_1603 = arith.select %and3A_1600, %sub3A_1602, %div3A_1581 : i32
        %broadcast_in_dim3A_1604 = vector.broadcast %select_n3A_1603 : i32 to vector<16xi32>
        %jit3A_1605 = arith.constant 128 : i32
        %eq3A_1606 = arith.constant 0 : i32
        %eq3A_1607 = arith.cmpi eq, %jit3A_1605, %eq3A_1606 : i32
        %jit3A_1608 = arith.constant 1 : i32
        %select_n3A_1609 = arith.select %eq3A_1607, %jit3A_1608, %jit3A_1605 : i32
        %rem3A_1610 = arith.remsi %add3A_1579, %select_n3A_1609 : i32
        %ne3A_1611 = arith.constant 0 : i32
        %ne3A_1612 = arith.cmpi ne, %rem3A_1610, %ne3A_1611 : i32
        %lt3A_1613 = arith.constant 0 : i32
        %lt3A_1614 = arith.cmpi slt, %rem3A_1610, %lt3A_1613 : i32
        %lt3A_1615 = arith.constant 0 : i32
        %lt3A_1616 = arith.cmpi slt, %select_n3A_1609, %lt3A_1615 : i32
        %ne3A_1617 = arith.xori %lt3A_1614, %lt3A_1616 : i1
        %and3A_1618 = arith.andi %ne3A_1617, %ne3A_1612 : i1
        %add3A_1619 = arith.addi %rem3A_1610, %select_n3A_1609 : i32
        %select_n3A_1620 = arith.select %and3A_1618, %add3A_1619, %rem3A_1610 : i32
        %broadcast_in_dim3A_1621 = vector.broadcast %select_n3A_1620 : i32 to vector<16xi32>
        %get3A_1622 = arith.index_cast %add3A_1579 : i32 to index
        %get3A_1623 = arith.constant 0 : index
        %get3A_1624 = tpu.vector_load %arg8[%get3A_1622, %get3A_1623] {strides = array<i32>} : memref<256x64xf32, #tpu.memory_space<vmem>>, vector<16xf32>,
        tpu.vector_store_idx %arg10[%add3A_28, %broadcast_in_dim3A_1604, %select_n3A_150, %broadcast_in_dim3A_1621], %get3A_1624 : memref<8x3x8x129xf32, #tpu.memory_space<vmem>>[vector<16xi32>, vector<16xi32>, vector<16xi32>, vector<16xi32>], vector<16xf32>,
        %get3A_1625 = arith.index_cast %add3A_1579 : i32 to index
        %get3A_1626 = arith.constant 16 : index
        %get3A_1627 = tpu.vector_load %arg8[%get3A_1625, %get3A_1626] {strides = array<i32>} : memref<256x64xf32, #tpu.memory_space<vmem>>, vector<16xf32>,
        tpu.vector_store_idx %arg10[%add3A_62, %broadcast_in_dim3A_1604, %select_n3A_150, %broadcast_in_dim3A_1621], %get3A_1627 : memref<8x3x8x129xf32, #tpu.memory_space<vmem>>[vector<16xi32>, vector<16xi32>, vector<16xi32>, vector<16xi32>], vector<16xf32>,
        %get3A_1628 = arith.index_cast %add3A_1579 : i32 to index
        %get3A_1629 = arith.constant 32 : index
        %get3A_1630 = tpu.vector_load %arg8[%get3A_1628, %get3A_1629] {strides = array<i32>} : memref<256x64xf32, #tpu.memory_space<vmem>>, vector<16xf32>,
        tpu.vector_store_idx %arg10[%add3A_96, %broadcast_in_dim3A_1604, %select_n3A_150, %broadcast_in_dim3A_1621], %get3A_1630 : memref<8x3x8x129xf32, #tpu.memory_space<vmem>>[vector<16xi32>, vector<16xi32>, vector<16xi32>, vector<16xi32>], vector<16xf32>,
        %get3A_1631 = arith.index_cast %add3A_1579 : i32 to index
        %get3A_1632 = arith.constant 48 : index
        %get3A_1633 = tpu.vector_load %arg8[%get3A_1631, %get3A_1632] {strides = array<i32>} : memref<256x64xf32, #tpu.memory_space<vmem>>, vector<16xf32>,
        tpu.vector_store_idx %arg10[%add3A_130, %broadcast_in_dim3A_1604, %select_n3A_150, %broadcast_in_dim3A_1621], %get3A_1633 : memref<8x3x8x129xf32, #tpu.memory_space<vmem>>[vector<16xi32>, vector<16xi32>, vector<16xi32>, vector<16xi32>], vector<16xf32>,
        %mul3A_1634 = arith.constant 8 : i32
        %mul3A_1635 = arith.muli %scan3A_1403, %mul3A_1634 : i32
        %add3A_1636 = arith.constant 4 : i32
        %add3A_1637 = arith.addi %mul3A_1635, %add3A_1636 : i32
        %jit3A_1638 = arith.constant 128 : i32
        %div3A_1639 = arith.divsi %add3A_1637, %jit3A_1638 : i32
        %sign3A_1640 = arith.constant 0 : i32
        %sign3A_1641 = arith.cmpi sgt, %add3A_1637, %sign3A_1640 : i32
        %sign3A_1642 = arith.extui %sign3A_1641 : i1 to i32
        %sign3A_1643 = arith.constant 0 : i32
        %sign3A_1644 = arith.cmpi slt, %add3A_1637, %sign3A_1643 : i32
        %sign3A_1645 = arith.extui %sign3A_1644 : i1 to i32
        %sign3A_1646 = arith.subi %sign3A_1642, %sign3A_1645 : i32
        %sign3A_1647 = arith.constant 0 : i32
        %sign3A_1648 = arith.cmpi sgt, %jit3A_1638, %sign3A_1647 : i32
        %sign3A_1649 = arith.extui %sign3A_1648 : i1 to i32
        %sign3A_1650 = arith.constant 0 : i32
        %sign3A_1651 = arith.cmpi slt, %jit3A_1638, %sign3A_1650 : i32
        %sign3A_1652 = arith.extui %sign3A_1651 : i1 to i32
        %sign3A_1653 = arith.subi %sign3A_1649, %sign3A_1652 : i32
        %ne3A_1654 = arith.cmpi ne, %sign3A_1646, %sign3A_1653 : i32
        %rem3A_1655 = arith.remsi %add3A_1637, %jit3A_1638 : i32
        %ne3A_1656 = arith.constant 0 : i32
        %ne3A_1657 = arith.cmpi ne, %rem3A_1655, %ne3A_1656 : i32
        %and3A_1658 = arith.andi %ne3A_1654, %ne3A_1657 : i1
        %sub3A_1659 = arith.constant 1 : i32
        %sub3A_1660 = arith.subi %div3A_1639, %sub3A_1659 : i32
        %select_n3A_1661 = arith.select %and3A_1658, %sub3A_1660, %div3A_1639 : i32
        %broadcast_in_dim3A_1662 = vector.broadcast %select_n3A_1661 : i32 to vector<16xi32>
        %jit3A_1663 = arith.constant 128 : i32
        %eq3A_1664 = arith.constant 0 : i32
        %eq3A_1665 = arith.cmpi eq, %jit3A_1663, %eq3A_1664 : i32
        %jit3A_1666 = arith.constant 1 : i32
        %select_n3A_1667 = arith.select %eq3A_1665, %jit3A_1666, %jit3A_1663 : i32
        %rem3A_1668 = arith.remsi %add3A_1637, %select_n3A_1667 : i32
        %ne3A_1669 = arith.constant 0 : i32
        %ne3A_1670 = arith.cmpi ne, %rem3A_1668, %ne3A_1669 : i32
        %lt3A_1671 = arith.constant 0 : i32
        %lt3A_1672 = arith.cmpi slt, %rem3A_1668, %lt3A_1671 : i32
        %lt3A_1673 = arith.constant 0 : i32
        %lt3A_1674 = arith.cmpi slt, %select_n3A_1667, %lt3A_1673 : i32
        %ne3A_1675 = arith.xori %lt3A_1672, %lt3A_1674 : i1
        %and3A_1676 = arith.andi %ne3A_1675, %ne3A_1670 : i1
        %add3A_1677 = arith.addi %rem3A_1668, %select_n3A_1667 : i32
        %select_n3A_1678 = arith.select %and3A_1676, %add3A_1677, %rem3A_1668 : i32
        %broadcast_in_dim3A_1679 = vector.broadcast %select_n3A_1678 : i32 to vector<16xi32>
        %get3A_1680 = arith.index_cast %add3A_1637 : i32 to index
        %get3A_1681 = arith.constant 0 : index
        %get3A_1682 = tpu.vector_load %arg8[%get3A_1680, %get3A_1681] {strides = array<i32>} : memref<256x64xf32, #tpu.memory_space<vmem>>, vector<16xf32>,
        tpu.vector_store_idx %arg10[%add3A_28, %broadcast_in_dim3A_1662, %select_n3A_150, %broadcast_in_dim3A_1679], %get3A_1682 : memref<8x3x8x129xf32, #tpu.memory_space<vmem>>[vector<16xi32>, vector<16xi32>, vector<16xi32>, vector<16xi32>], vector<16xf32>,
        %get3A_1683 = arith.index_cast %add3A_1637 : i32 to index
        %get3A_1684 = arith.constant 16 : index
        %get3A_1685 = tpu.vector_load %arg8[%get3A_1683, %get3A_1684] {strides = array<i32>} : memref<256x64xf32, #tpu.memory_space<vmem>>, vector<16xf32>,
        tpu.vector_store_idx %arg10[%add3A_62, %broadcast_in_dim3A_1662, %select_n3A_150, %broadcast_in_dim3A_1679], %get3A_1685 : memref<8x3x8x129xf32, #tpu.memory_space<vmem>>[vector<16xi32>, vector<16xi32>, vector<16xi32>, vector<16xi32>], vector<16xf32>,
        %get3A_1686 = arith.index_cast %add3A_1637 : i32 to index
        %get3A_1687 = arith.constant 32 : index
        %get3A_1688 = tpu.vector_load %arg8[%get3A_1686, %get3A_1687] {strides = array<i32>} : memref<256x64xf32, #tpu.memory_space<vmem>>, vector<16xf32>,
        tpu.vector_store_idx %arg10[%add3A_96, %broadcast_in_dim3A_1662, %select_n3A_150, %broadcast_in_dim3A_1679], %get3A_1688 : memref<8x3x8x129xf32, #tpu.memory_space<vmem>>[vector<16xi32>, vector<16xi32>, vector<16xi32>, vector<16xi32>], vector<16xf32>,
        %get3A_1689 = arith.index_cast %add3A_1637 : i32 to index
        %get3A_1690 = arith.constant 48 : index
        %get3A_1691 = tpu.vector_load %arg8[%get3A_1689, %get3A_1690] {strides = array<i32>} : memref<256x64xf32, #tpu.memory_space<vmem>>, vector<16xf32>,
        tpu.vector_store_idx %arg10[%add3A_130, %broadcast_in_dim3A_1662, %select_n3A_150, %broadcast_in_dim3A_1679], %get3A_1691 : memref<8x3x8x129xf32, #tpu.memory_space<vmem>>[vector<16xi32>, vector<16xi32>, vector<16xi32>, vector<16xi32>], vector<16xf32>,
        %mul3A_1692 = arith.constant 8 : i32
        %mul3A_1693 = arith.muli %scan3A_1403, %mul3A_1692 : i32
        %add3A_1694 = arith.constant 5 : i32
        %add3A_1695 = arith.addi %mul3A_1693, %add3A_1694 : i32
        %jit3A_1696 = arith.constant 128 : i32
        %div3A_1697 = arith.divsi %add3A_1695, %jit3A_1696 : i32
        %sign3A_1698 = arith.constant 0 : i32
        %sign3A_1699 = arith.cmpi sgt, %add3A_1695, %sign3A_1698 : i32
        %sign3A_1700 = arith.extui %sign3A_1699 : i1 to i32
        %sign3A_1701 = arith.constant 0 : i32
        %sign3A_1702 = arith.cmpi slt, %add3A_1695, %sign3A_1701 : i32
        %sign3A_1703 = arith.extui %sign3A_1702 : i1 to i32
        %sign3A_1704 = arith.subi %sign3A_1700, %sign3A_1703 : i32
        %sign3A_1705 = arith.constant 0 : i32
        %sign3A_1706 = arith.cmpi sgt, %jit3A_1696, %sign3A_1705 : i32
        %sign3A_1707 = arith.extui %sign3A_1706 : i1 to i32
        %sign3A_1708 = arith.constant 0 : i32
        %sign3A_1709 = arith.cmpi slt, %jit3A_1696, %sign3A_1708 : i32
        %sign3A_1710 = arith.extui %sign3A_1709 : i1 to i32
        %sign3A_1711 = arith.subi %sign3A_1707, %sign3A_1710 : i32
        %ne3A_1712 = arith.cmpi ne, %sign3A_1704, %sign3A_1711 : i32
        %rem3A_1713 = arith.remsi %add3A_1695, %jit3A_1696 : i32
        %ne3A_1714 = arith.constant 0 : i32
        %ne3A_1715 = arith.cmpi ne, %rem3A_1713, %ne3A_1714 : i32
        %and3A_1716 = arith.andi %ne3A_1712, %ne3A_1715 : i1
        %sub3A_1717 = arith.constant 1 : i32
        %sub3A_1718 = arith.subi %div3A_1697, %sub3A_1717 : i32
        %select_n3A_1719 = arith.select %and3A_1716, %sub3A_1718, %div3A_1697 : i32
        %broadcast_in_dim3A_1720 = vector.broadcast %select_n3A_1719 : i32 to vector<16xi32>
        %jit3A_1721 = arith.constant 128 : i32
        %eq3A_1722 = arith.constant 0 : i32
        %eq3A_1723 = arith.cmpi eq, %jit3A_1721, %eq3A_1722 : i32
        %jit3A_1724 = arith.constant 1 : i32
        %select_n3A_1725 = arith.select %eq3A_1723, %jit3A_1724, %jit3A_1721 : i32
        %rem3A_1726 = arith.remsi %add3A_1695, %select_n3A_1725 : i32
        %ne3A_1727 = arith.constant 0 : i32
        %ne3A_1728 = arith.cmpi ne, %rem3A_1726, %ne3A_1727 : i32
        %lt3A_1729 = arith.constant 0 : i32
        %lt3A_1730 = arith.cmpi slt, %rem3A_1726, %lt3A_1729 : i32
        %lt3A_1731 = arith.constant 0 : i32
        %lt3A_1732 = arith.cmpi slt, %select_n3A_1725, %lt3A_1731 : i32
        %ne3A_1733 = arith.xori %lt3A_1730, %lt3A_1732 : i1
        %and3A_1734 = arith.andi %ne3A_1733, %ne3A_1728 : i1
        %add3A_1735 = arith.addi %rem3A_1726, %select_n3A_1725 : i32
        %select_n3A_1736 = arith.select %and3A_1734, %add3A_1735, %rem3A_1726 : i32
        %broadcast_in_dim3A_1737 = vector.broadcast %select_n3A_1736 : i32 to vector<16xi32>
        %get3A_1738 = arith.index_cast %add3A_1695 : i32 to index
        %get3A_1739 = arith.constant 0 : index
        %get3A_1740 = tpu.vector_load %arg8[%get3A_1738, %get3A_1739] {strides = array<i32>} : memref<256x64xf32, #tpu.memory_space<vmem>>, vector<16xf32>,
        tpu.vector_store_idx %arg10[%add3A_28, %broadcast_in_dim3A_1720, %select_n3A_150, %broadcast_in_dim3A_1737], %get3A_1740 : memref<8x3x8x129xf32, #tpu.memory_space<vmem>>[vector<16xi32>, vector<16xi32>, vector<16xi32>, vector<16xi32>], vector<16xf32>,
        %get3A_1741 = arith.index_cast %add3A_1695 : i32 to index
        %get3A_1742 = arith.constant 16 : index
        %get3A_1743 = tpu.vector_load %arg8[%get3A_1741, %get3A_1742] {strides = array<i32>} : memref<256x64xf32, #tpu.memory_space<vmem>>, vector<16xf32>,
        tpu.vector_store_idx %arg10[%add3A_62, %broadcast_in_dim3A_1720, %select_n3A_150, %broadcast_in_dim3A_1737], %get3A_1743 : memref<8x3x8x129xf32, #tpu.memory_space<vmem>>[vector<16xi32>, vector<16xi32>, vector<16xi32>, vector<16xi32>], vector<16xf32>,
        %get3A_1744 = arith.index_cast %add3A_1695 : i32 to index
        %get3A_1745 = arith.constant 32 : index
        %get3A_1746 = tpu.vector_load %arg8[%get3A_1744, %get3A_1745] {strides = array<i32>} : memref<256x64xf32, #tpu.memory_space<vmem>>, vector<16xf32>,
        tpu.vector_store_idx %arg10[%add3A_96, %broadcast_in_dim3A_1720, %select_n3A_150, %broadcast_in_dim3A_1737], %get3A_1746 : memref<8x3x8x129xf32, #tpu.memory_space<vmem>>[vector<16xi32>, vector<16xi32>, vector<16xi32>, vector<16xi32>], vector<16xf32>,
        %get3A_1747 = arith.index_cast %add3A_1695 : i32 to index
        %get3A_1748 = arith.constant 48 : index
        %get3A_1749 = tpu.vector_load %arg8[%get3A_1747, %get3A_1748] {strides = array<i32>} : memref<256x64xf32, #tpu.memory_space<vmem>>, vector<16xf32>,
        tpu.vector_store_idx %arg10[%add3A_130, %broadcast_in_dim3A_1720, %select_n3A_150, %broadcast_in_dim3A_1737], %get3A_1749 : memref<8x3x8x129xf32, #tpu.memory_space<vmem>>[vector<16xi32>, vector<16xi32>, vector<16xi32>, vector<16xi32>], vector<16xf32>,
        %mul3A_1750 = arith.constant 8 : i32
        %mul3A_1751 = arith.muli %scan3A_1403, %mul3A_1750 : i32
        %add3A_1752 = arith.constant 6 : i32
        %add3A_1753 = arith.addi %mul3A_1751, %add3A_1752 : i32
        %jit3A_1754 = arith.constant 128 : i32
        %div3A_1755 = arith.divsi %add3A_1753, %jit3A_1754 : i32
        %sign3A_1756 = arith.constant 0 : i32
        %sign3A_1757 = arith.cmpi sgt, %add3A_1753, %sign3A_1756 : i32
        %sign3A_1758 = arith.extui %sign3A_1757 : i1 to i32
        %sign3A_1759 = arith.constant 0 : i32
        %sign3A_1760 = arith.cmpi slt, %add3A_1753, %sign3A_1759 : i32
        %sign3A_1761 = arith.extui %sign3A_1760 : i1 to i32
        %sign3A_1762 = arith.subi %sign3A_1758, %sign3A_1761 : i32
        %sign3A_1763 = arith.constant 0 : i32
        %sign3A_1764 = arith.cmpi sgt, %jit3A_1754, %sign3A_1763 : i32
        %sign3A_1765 = arith.extui %sign3A_1764 : i1 to i32
        %sign3A_1766 = arith.constant 0 : i32
        %sign3A_1767 = arith.cmpi slt, %jit3A_1754, %sign3A_1766 : i32
        %sign3A_1768 = arith.extui %sign3A_1767 : i1 to i32
        %sign3A_1769 = arith.subi %sign3A_1765, %sign3A_1768 : i32
        %ne3A_1770 = arith.cmpi ne, %sign3A_1762, %sign3A_1769 : i32
        %rem3A_1771 = arith.remsi %add3A_1753, %jit3A_1754 : i32
        %ne3A_1772 = arith.constant 0 : i32
        %ne3A_1773 = arith.cmpi ne, %rem3A_1771, %ne3A_1772 : i32
        %and3A_1774 = arith.andi %ne3A_1770, %ne3A_1773 : i1
        %sub3A_1775 = arith.constant 1 : i32
        %sub3A_1776 = arith.subi %div3A_1755, %sub3A_1775 : i32
        %select_n3A_1777 = arith.select %and3A_1774, %sub3A_1776, %div3A_1755 : i32
        %broadcast_in_dim3A_1778 = vector.broadcast %select_n3A_1777 : i32 to vector<16xi32>
        %jit3A_1779 = arith.constant 128 : i32
        %eq3A_1780 = arith.constant 0 : i32
        %eq3A_1781 = arith.cmpi eq, %jit3A_1779, %eq3A_1780 : i32
        %jit3A_1782 = arith.constant 1 : i32
        %select_n3A_1783 = arith.select %eq3A_1781, %jit3A_1782, %jit3A_1779 : i32
        %rem3A_1784 = arith.remsi %add3A_1753, %select_n3A_1783 : i32
        %ne3A_1785 = arith.constant 0 : i32
        %ne3A_1786 = arith.cmpi ne, %rem3A_1784, %ne3A_1785 : i32
        %lt3A_1787 = arith.constant 0 : i32
        %lt3A_1788 = arith.cmpi slt, %rem3A_1784, %lt3A_1787 : i32
        %lt3A_1789 = arith.constant 0 : i32
        %lt3A_1790 = arith.cmpi slt, %select_n3A_1783, %lt3A_1789 : i32
        %ne3A_1791 = arith.xori %lt3A_1788, %lt3A_1790 : i1
        %and3A_1792 = arith.andi %ne3A_1791, %ne3A_1786 : i1
        %add3A_1793 = arith.addi %rem3A_1784, %select_n3A_1783 : i32
        %select_n3A_1794 = arith.select %and3A_1792, %add3A_1793, %rem3A_1784 : i32
        %broadcast_in_dim3A_1795 = vector.broadcast %select_n3A_1794 : i32 to vector<16xi32>
        %get3A_1796 = arith.index_cast %add3A_1753 : i32 to index
        %get3A_1797 = arith.constant 0 : index
        %get3A_1798 = tpu.vector_load %arg8[%get3A_1796, %get3A_1797] {strides = array<i32>} : memref<256x64xf32, #tpu.memory_space<vmem>>, vector<16xf32>,
        tpu.vector_store_idx %arg10[%add3A_28, %broadcast_in_dim3A_1778, %select_n3A_150, %broadcast_in_dim3A_1795], %get3A_1798 : memref<8x3x8x129xf32, #tpu.memory_space<vmem>>[vector<16xi32>, vector<16xi32>, vector<16xi32>, vector<16xi32>], vector<16xf32>,
        %get3A_1799 = arith.index_cast %add3A_1753 : i32 to index
        %get3A_1800 = arith.constant 16 : index
        %get3A_1801 = tpu.vector_load %arg8[%get3A_1799, %get3A_1800] {strides = array<i32>} : memref<256x64xf32, #tpu.memory_space<vmem>>, vector<16xf32>,
        tpu.vector_store_idx %arg10[%add3A_62, %broadcast_in_dim3A_1778, %select_n3A_150, %broadcast_in_dim3A_1795], %get3A_1801 : memref<8x3x8x129xf32, #tpu.memory_space<vmem>>[vector<16xi32>, vector<16xi32>, vector<16xi32>, vector<16xi32>], vector<16xf32>,
        %get3A_1802 = arith.index_cast %add3A_1753 : i32 to index
        %get3A_1803 = arith.constant 32 : index
        %get3A_1804 = tpu.vector_load %arg8[%get3A_1802, %get3A_1803] {strides = array<i32>} : memref<256x64xf32, #tpu.memory_space<vmem>>, vector<16xf32>,
        tpu.vector_store_idx %arg10[%add3A_96, %broadcast_in_dim3A_1778, %select_n3A_150, %broadcast_in_dim3A_1795], %get3A_1804 : memref<8x3x8x129xf32, #tpu.memory_space<vmem>>[vector<16xi32>, vector<16xi32>, vector<16xi32>, vector<16xi32>], vector<16xf32>,
        %get3A_1805 = arith.index_cast %add3A_1753 : i32 to index
        %get3A_1806 = arith.constant 48 : index
        %get3A_1807 = tpu.vector_load %arg8[%get3A_1805, %get3A_1806] {strides = array<i32>} : memref<256x64xf32, #tpu.memory_space<vmem>>, vector<16xf32>,
        tpu.vector_store_idx %arg10[%add3A_130, %broadcast_in_dim3A_1778, %select_n3A_150, %broadcast_in_dim3A_1795], %get3A_1807 : memref<8x3x8x129xf32, #tpu.memory_space<vmem>>[vector<16xi32>, vector<16xi32>, vector<16xi32>, vector<16xi32>], vector<16xf32>,
        %mul3A_1808 = arith.constant 8 : i32
        %mul3A_1809 = arith.muli %scan3A_1403, %mul3A_1808 : i32
        %add3A_1810 = arith.constant 7 : i32
        %add3A_1811 = arith.addi %mul3A_1809, %add3A_1810 : i32
        %jit3A_1812 = arith.constant 128 : i32
        %div3A_1813 = arith.divsi %add3A_1811, %jit3A_1812 : i32
        %sign3A_1814 = arith.constant 0 : i32
        %sign3A_1815 = arith.cmpi sgt, %add3A_1811, %sign3A_1814 : i32
        %sign3A_1816 = arith.extui %sign3A_1815 : i1 to i32
        %sign3A_1817 = arith.constant 0 : i32
        %sign3A_1818 = arith.cmpi slt, %add3A_1811, %sign3A_1817 : i32
        %sign3A_1819 = arith.extui %sign3A_1818 : i1 to i32
        %sign3A_1820 = arith.subi %sign3A_1816, %sign3A_1819 : i32
        %sign3A_1821 = arith.constant 0 : i32
        %sign3A_1822 = arith.cmpi sgt, %jit3A_1812, %sign3A_1821 : i32
        %sign3A_1823 = arith.extui %sign3A_1822 : i1 to i32
        %sign3A_1824 = arith.constant 0 : i32
        %sign3A_1825 = arith.cmpi slt, %jit3A_1812, %sign3A_1824 : i32
        %sign3A_1826 = arith.extui %sign3A_1825 : i1 to i32
        %sign3A_1827 = arith.subi %sign3A_1823, %sign3A_1826 : i32
        %ne3A_1828 = arith.cmpi ne, %sign3A_1820, %sign3A_1827 : i32
        %rem3A_1829 = arith.remsi %add3A_1811, %jit3A_1812 : i32
        %ne3A_1830 = arith.constant 0 : i32
        %ne3A_1831 = arith.cmpi ne, %rem3A_1829, %ne3A_1830 : i32
        %and3A_1832 = arith.andi %ne3A_1828, %ne3A_1831 : i1
        %sub3A_1833 = arith.constant 1 : i32
        %sub3A_1834 = arith.subi %div3A_1813, %sub3A_1833 : i32
        %select_n3A_1835 = arith.select %and3A_1832, %sub3A_1834, %div3A_1813 : i32
        %broadcast_in_dim3A_1836 = vector.broadcast %select_n3A_1835 : i32 to vector<16xi32>
        %jit3A_1837 = arith.constant 128 : i32
        %eq3A_1838 = arith.constant 0 : i32
        %eq3A_1839 = arith.cmpi eq, %jit3A_1837, %eq3A_1838 : i32
        %jit3A_1840 = arith.constant 1 : i32
        %select_n3A_1841 = arith.select %eq3A_1839, %jit3A_1840, %jit3A_1837 : i32
        %rem3A_1842 = arith.remsi %add3A_1811, %select_n3A_1841 : i32
        %ne3A_1843 = arith.constant 0 : i32
        %ne3A_1844 = arith.cmpi ne, %rem3A_1842, %ne3A_1843 : i32
        %lt3A_1845 = arith.constant 0 : i32
        %lt3A_1846 = arith.cmpi slt, %rem3A_1842, %lt3A_1845 : i32
        %lt3A_1847 = arith.constant 0 : i32
        %lt3A_1848 = arith.cmpi slt, %select_n3A_1841, %lt3A_1847 : i32
        %ne3A_1849 = arith.xori %lt3A_1846, %lt3A_1848 : i1
        %and3A_1850 = arith.andi %ne3A_1849, %ne3A_1844 : i1
        %add3A_1851 = arith.addi %rem3A_1842, %select_n3A_1841 : i32
        %select_n3A_1852 = arith.select %and3A_1850, %add3A_1851, %rem3A_1842 : i32
        %broadcast_in_dim3A_1853 = vector.broadcast %select_n3A_1852 : i32 to vector<16xi32>
        %get3A_1854 = arith.index_cast %add3A_1811 : i32 to index
        %get3A_1855 = arith.constant 0 : index
        %get3A_1856 = tpu.vector_load %arg8[%get3A_1854, %get3A_1855] {strides = array<i32>} : memref<256x64xf32, #tpu.memory_space<vmem>>, vector<16xf32>,
        tpu.vector_store_idx %arg10[%add3A_28, %broadcast_in_dim3A_1836, %select_n3A_150, %broadcast_in_dim3A_1853], %get3A_1856 : memref<8x3x8x129xf32, #tpu.memory_space<vmem>>[vector<16xi32>, vector<16xi32>, vector<16xi32>, vector<16xi32>], vector<16xf32>,
        %get3A_1857 = arith.index_cast %add3A_1811 : i32 to index
        %get3A_1858 = arith.constant 16 : index
        %get3A_1859 = tpu.vector_load %arg8[%get3A_1857, %get3A_1858] {strides = array<i32>} : memref<256x64xf32, #tpu.memory_space<vmem>>, vector<16xf32>,
        tpu.vector_store_idx %arg10[%add3A_62, %broadcast_in_dim3A_1836, %select_n3A_150, %broadcast_in_dim3A_1853], %get3A_1859 : memref<8x3x8x129xf32, #tpu.memory_space<vmem>>[vector<16xi32>, vector<16xi32>, vector<16xi32>, vector<16xi32>], vector<16xf32>,
        %get3A_1860 = arith.index_cast %add3A_1811 : i32 to index
        %get3A_1861 = arith.constant 32 : index
        %get3A_1862 = tpu.vector_load %arg8[%get3A_1860, %get3A_1861] {strides = array<i32>} : memref<256x64xf32, #tpu.memory_space<vmem>>, vector<16xf32>,
        tpu.vector_store_idx %arg10[%add3A_96, %broadcast_in_dim3A_1836, %select_n3A_150, %broadcast_in_dim3A_1853], %get3A_1862 : memref<8x3x8x129xf32, #tpu.memory_space<vmem>>[vector<16xi32>, vector<16xi32>, vector<16xi32>, vector<16xi32>], vector<16xf32>,
        %get3A_1863 = arith.index_cast %add3A_1811 : i32 to index
        %get3A_1864 = arith.constant 48 : index
        %get3A_1865 = tpu.vector_load %arg8[%get3A_1863, %get3A_1864] {strides = array<i32>} : memref<256x64xf32, #tpu.memory_space<vmem>>, vector<16xf32>,
        tpu.vector_store_idx %arg10[%add3A_130, %broadcast_in_dim3A_1836, %select_n3A_150, %broadcast_in_dim3A_1853], %get3A_1865 : memref<8x3x8x129xf32, #tpu.memory_space<vmem>>[vector<16xi32>, vector<16xi32>, vector<16xi32>, vector<16xi32>], vector<16xf32>,
      }
      %scan3A_1002 = arith.constant 32 : i32
      %jit3A_1003 = arith.constant 4096 : i32
      %div3A_1004 = arith.divsi %add3A_892, %jit3A_1003 : i32
      %sign3A_1005 = arith.constant 0 : i32
      %sign3A_1006 = arith.cmpi sgt, %add3A_892, %sign3A_1005 : i32
      %sign3A_1007 = arith.extui %sign3A_1006 : i1 to i32
      %sign3A_1008 = arith.constant 0 : i32
      %sign3A_1009 = arith.cmpi slt, %add3A_892, %sign3A_1008 : i32
      %sign3A_1010 = arith.extui %sign3A_1009 : i1 to i32
      %sign3A_1011 = arith.subi %sign3A_1007, %sign3A_1010 : i32
      %sign3A_1012 = arith.constant 0 : i32
      %sign3A_1013 = arith.cmpi sgt, %jit3A_1003, %sign3A_1012 : i32
      %sign3A_1014 = arith.extui %sign3A_1013 : i1 to i32
      %sign3A_1015 = arith.constant 0 : i32
      %sign3A_1016 = arith.cmpi slt, %jit3A_1003, %sign3A_1015 : i32
      %sign3A_1017 = arith.extui %sign3A_1016 : i1 to i32
      %sign3A_1018 = arith.subi %sign3A_1014, %sign3A_1017 : i32
      %ne3A_1019 = arith.cmpi ne, %sign3A_1011, %sign3A_1018 : i32
      %rem3A_1020 = arith.remsi %add3A_892, %jit3A_1003 : i32
      %ne3A_1021 = arith.constant 0 : i32
      %ne3A_1022 = arith.cmpi ne, %rem3A_1020, %ne3A_1021 : i32
      %and3A_1023 = arith.andi %ne3A_1019, %ne3A_1022 : i1
      %sub3A_1024 = arith.constant 1 : i32
      %sub3A_1025 = arith.subi %div3A_1004, %sub3A_1024 : i32
      %select_n3A_1026 = arith.select %and3A_1023, %sub3A_1025, %div3A_1004 : i32
      %jit3A_1027 = arith.constant 4096 : i32
      %eq3A_1028 = arith.constant 0 : i32
      %eq3A_1029 = arith.cmpi eq, %jit3A_1027, %eq3A_1028 : i32
      %jit3A_1030 = arith.constant 1 : i32
      %select_n3A_1031 = arith.select %eq3A_1029, %jit3A_1030, %jit3A_1027 : i32
      %rem3A_1032 = arith.remsi %add3A_892, %select_n3A_1031 : i32
      %ne3A_1033 = arith.constant 0 : i32
      %ne3A_1034 = arith.cmpi ne, %rem3A_1032, %ne3A_1033 : i32
      %lt3A_1035 = arith.constant 0 : i32
      %lt3A_1036 = arith.cmpi slt, %rem3A_1032, %lt3A_1035 : i32
      %lt3A_1037 = arith.constant 0 : i32
      %lt3A_1038 = arith.cmpi slt, %select_n3A_1031, %lt3A_1037 : i32
      %ne3A_1039 = arith.xori %lt3A_1036, %lt3A_1038 : i1
      %and3A_1040 = arith.andi %ne3A_1039, %ne3A_1034 : i1
      %add3A_1041 = arith.addi %rem3A_1032, %select_n3A_1031 : i32
      %select_n3A_1042 = arith.select %and3A_1040, %add3A_1041, %rem3A_1032 : i32
      %jit3A_1043 = arith.constant 128 : i32
      %div3A_1044 = arith.divsi %select_n3A_1042, %jit3A_1043 : i32
      %sign3A_1045 = arith.constant 0 : i32
      %sign3A_1046 = arith.cmpi sgt, %select_n3A_1042, %sign3A_1045 : i32
      %sign3A_1047 = arith.extui %sign3A_1046 : i1 to i32
      %sign3A_1048 = arith.constant 0 : i32
      %sign3A_1049 = arith.cmpi slt, %select_n3A_1042, %sign3A_1048 : i32
      %sign3A_1050 = arith.extui %sign3A_1049 : i1 to i32
      %sign3A_1051 = arith.subi %sign3A_1047, %sign3A_1050 : i32
      %sign3A_1052 = arith.constant 0 : i32
      %sign3A_1053 = arith.cmpi sgt, %jit3A_1043, %sign3A_1052 : i32
      %sign3A_1054 = arith.extui %sign3A_1053 : i1 to i32
      %sign3A_1055 = arith.constant 0 : i32
      %sign3A_1056 = arith.cmpi slt, %jit3A_1043, %sign3A_1055 : i32
      %sign3A_1057 = arith.extui %sign3A_1056 : i1 to i32
      %sign3A_1058 = arith.subi %sign3A_1054, %sign3A_1057 : i32
      %ne3A_1059 = arith.cmpi ne, %sign3A_1051, %sign3A_1058 : i32
      %rem3A_1060 = arith.remsi %select_n3A_1042, %jit3A_1043 : i32
      %ne3A_1061 = arith.constant 0 : i32
      %ne3A_1062 = arith.cmpi ne, %rem3A_1060, %ne3A_1061 : i32
      %and3A_1063 = arith.andi %ne3A_1059, %ne3A_1062 : i1
      %sub3A_1064 = arith.constant 1 : i32
      %sub3A_1065 = arith.subi %div3A_1044, %sub3A_1064 : i32
      %select_n3A_1066 = arith.select %and3A_1063, %sub3A_1065, %div3A_1044 : i32
      %add3A_1067 = arith.constant 0 : i32
      %add3A_1068 = arith.addi %select_n3A_1066, %add3A_1067 : i32
      %dma_start3A_1069 = arith.constant 0 : i32
      %dma_start3A_1070 = arith.constant 0 : i32
      %dma_start3A_1071 = arith.constant 0 : i32
      %dma_start3A_1072 = arith.constant 0 : i32
      %dma_start3A_1073 = arith.constant 0 : i32
      %dma_start3A_1074 = tpu.memref_slice %arg10[%dma_start3A_1069, %dma_start3A_1070, %dma_start3A_1072, %dma_start3A_1073] : memref<8x3x8x129xf32, #tpu.memory_space<vmem>> -> memref<1x1x8x128xf32, #tpu.memory_space<vmem>>
      %dma_start3A_1075 = tpu.memref_squeeze %dma_start3A_1074 : memref<1x1x8x128xf32, #tpu.memory_space<vmem>> -> memref<8x128xf32, #tpu.memory_space<vmem>>
      %dma_start3A_1076 = arith.constant 0 : i32
      %dma_start3A_1077 = arith.constant 0 : i32
      %dma_start3A_1078 = tpu.memref_slice %arg4[%select_n3A_1026, %dma_start3A_1071, %add3A_1068, %dma_start3A_1076, %dma_start3A_1077] : memref<200x8x32x8x128xf32, #tpu.memory_space<hbm>> -> memref<1x1x1x8x128xf32, #tpu.memory_space<hbm>>
      %dma_start3A_1079 = tpu.memref_squeeze %dma_start3A_1078 : memref<1x1x1x8x128xf32, #tpu.memory_space<hbm>> -> memref<8x128xf32, #tpu.memory_space<hbm>>
      %dma_start3A_1080 = arith.constant 0 : i32
      %dma_start3A_1081 = arith.constant 0 : i32
      %dma_start3A_1082 = tpu.memref_slice %arg4[%select_n3A_1026, %dma_start3A_1071, %add3A_1068, %dma_start3A_1080, %dma_start3A_1081] : memref<200x8x32x8x128xf32, #tpu.memory_space<hbm>> -> memref<1x1x1x8x128xf32, #tpu.memory_space<hbm>>
      %dma_start3A_1083 = tpu.memref_squeeze %dma_start3A_1082 : memref<1x1x1x8x128xf32, #tpu.memory_space<hbm>> -> memref<8x128xf32, #tpu.memory_space<hbm>>
      %dma_start3A_1084 = arith.constant 0 : i32
      %dma_start3A_1085 = arith.constant 0 : i32
      %dma_start3A_1086 = tpu.memref_slice %arg10[%dma_start3A_1069, %dma_start3A_1070, %dma_start3A_1084, %dma_start3A_1085] : memref<8x3x8x129xf32, #tpu.memory_space<vmem>> -> memref<1x1x8x128xf32, #tpu.memory_space<vmem>>
      %dma_start3A_1087 = tpu.memref_squeeze %dma_start3A_1086 : memref<1x1x8x128xf32, #tpu.memory_space<vmem>> -> memref<8x128xf32, #tpu.memory_space<vmem>>
      tpu.enqueue_dma source(%dma_start3A_1087 : memref<8x128xf32, #tpu.memory_space<vmem>>) target(%dma_start3A_1083 : memref<8x128xf32, #tpu.memory_space<hbm>>) target_semaphore(%arg17 : memref<!tpu.dma_semaphore, #tpu.memory_space<semaphore_mem>>)
      %add3A_1088 = arith.constant 1 : i32
      %add3A_1089 = arith.addi %select_n3A_1066, %add3A_1088 : i32
      %dma_start3A_1090 = arith.constant 0 : i32
      %dma_start3A_1091 = arith.constant 1 : i32
      %dma_start3A_1092 = arith.constant 0 : i32
      %dma_start3A_1093 = arith.constant 0 : i32
      %dma_start3A_1094 = arith.constant 0 : i32
      %dma_start3A_1095 = tpu.memref_slice %arg10[%dma_start3A_1090, %dma_start3A_1091, %dma_start3A_1093, %dma_start3A_1094] : memref<8x3x8x129xf32, #tpu.memory_space<vmem>> -> memref<1x1x8x128xf32, #tpu.memory_space<vmem>>
      %dma_start3A_1096 = tpu.memref_squeeze %dma_start3A_1095 : memref<1x1x8x128xf32, #tpu.memory_space<vmem>> -> memref<8x128xf32, #tpu.memory_space<vmem>>
      %dma_start3A_1097 = arith.constant 0 : i32
      %dma_start3A_1098 = arith.constant 0 : i32
      %dma_start3A_1099 = tpu.memref_slice %arg4[%select_n3A_1026, %dma_start3A_1092, %add3A_1089, %dma_start3A_1097, %dma_start3A_1098] : memref<200x8x32x8x128xf32, #tpu.memory_space<hbm>> -> memref<1x1x1x8x128xf32, #tpu.memory_space<hbm>>
      %dma_start3A_1100 = tpu.memref_squeeze %dma_start3A_1099 : memref<1x1x1x8x128xf32, #tpu.memory_space<hbm>> -> memref<8x128xf32, #tpu.memory_space<hbm>>
      %dma_start3A_1101 = arith.constant 0 : i32
      %dma_start3A_1102 = arith.constant 0 : i32
      %dma_start3A_1103 = tpu.memref_slice %arg4[%select_n3A_1026, %dma_start3A_1092, %add3A_1089, %dma_start3A_1101, %dma_start3A_1102] : memref<200x8x32x8x128xf32, #tpu.memory_space<hbm>> -> memref<1x1x1x8x128xf32, #tpu.memory_space<hbm>>
      %dma_start3A_1104 = tpu.memref_squeeze %dma_start3A_1103 : memref<1x1x1x8x128xf32, #tpu.memory_space<hbm>> -> memref<8x128xf32, #tpu.memory_space<hbm>>
      %dma_start3A_1105 = arith.constant 0 : i32
      %dma_start3A_1106 = arith.constant 0 : i32
      %dma_start3A_1107 = tpu.memref_slice %arg10[%dma_start3A_1090, %dma_start3A_1091, %dma_start3A_1105, %dma_start3A_1106] : memref<8x3x8x129xf32, #tpu.memory_space<vmem>> -> memref<1x1x8x128xf32, #tpu.memory_space<vmem>>
      %dma_start3A_1108 = tpu.memref_squeeze %dma_start3A_1107 : memref<1x1x8x128xf32, #tpu.memory_space<vmem>> -> memref<8x128xf32, #tpu.memory_space<vmem>>
      tpu.enqueue_dma source(%dma_start3A_1108 : memref<8x128xf32, #tpu.memory_space<vmem>>) target(%dma_start3A_1104 : memref<8x128xf32, #tpu.memory_space<hbm>>) target_semaphore(%arg17 : memref<!tpu.dma_semaphore, #tpu.memory_space<semaphore_mem>>)
      %add3A_1109 = arith.constant 0 : i32
      %add3A_1110 = arith.addi %select_n3A_1066, %add3A_1109 : i32
      %dma_start3A_1111 = arith.constant 1 : i32
      %dma_start3A_1112 = arith.constant 0 : i32
      %dma_start3A_1113 = arith.constant 1 : i32
      %dma_start3A_1114 = arith.constant 0 : i32
      %dma_start3A_1115 = arith.constant 0 : i32
      %dma_start3A_1116 = tpu.memref_slice %arg10[%dma_start3A_1111, %dma_start3A_1112, %dma_start3A_1114, %dma_start3A_1115] : memref<8x3x8x129xf32, #tpu.memory_space<vmem>> -> memref<1x1x8x128xf32, #tpu.memory_space<vmem>>
      %dma_start3A_1117 = tpu.memref_squeeze %dma_start3A_1116 : memref<1x1x8x128xf32, #tpu.memory_space<vmem>> -> memref<8x128xf32, #tpu.memory_space<vmem>>
      %dma_start3A_1118 = arith.constant 0 : i32
      %dma_start3A_1119 = arith.constant 0 : i32
      %dma_start3A_1120 = tpu.memref_slice %arg4[%select_n3A_1026, %dma_start3A_1113, %add3A_1110, %dma_start3A_1118, %dma_start3A_1119] : memref<200x8x32x8x128xf32, #tpu.memory_space<hbm>> -> memref<1x1x1x8x128xf32, #tpu.memory_space<hbm>>
      %dma_start3A_1121 = tpu.memref_squeeze %dma_start3A_1120 : memref<1x1x1x8x128xf32, #tpu.memory_space<hbm>> -> memref<8x128xf32, #tpu.memory_space<hbm>>
      %dma_start3A_1122 = arith.constant 0 : i32
      %dma_start3A_1123 = arith.constant 0 : i32
      %dma_start3A_1124 = tpu.memref_slice %arg4[%select_n3A_1026, %dma_start3A_1113, %add3A_1110, %dma_start3A_1122, %dma_start3A_1123] : memref<200x8x32x8x128xf32, #tpu.memory_space<hbm>> -> memref<1x1x1x8x128xf32, #tpu.memory_space<hbm>>
      %dma_start3A_1125 = tpu.memref_squeeze %dma_start3A_1124 : memref<1x1x1x8x128xf32, #tpu.memory_space<hbm>> -> memref<8x128xf32, #tpu.memory_space<hbm>>
      %dma_start3A_1126 = arith.constant 0 : i32
      %dma_start3A_1127 = arith.constant 0 : i32
      %dma_start3A_1128 = tpu.memref_slice %arg10[%dma_start3A_1111, %dma_start3A_1112, %dma_start3A_1126, %dma_start3A_1127] : memref<8x3x8x129xf32, #tpu.memory_space<vmem>> -> memref<1x1x8x128xf32, #tpu.memory_space<vmem>>
      %dma_start3A_1129 = tpu.memref_squeeze %dma_start3A_1128 : memref<1x1x8x128xf32, #tpu.memory_space<vmem>> -> memref<8x128xf32, #tpu.memory_space<vmem>>
      tpu.enqueue_dma source(%dma_start3A_1129 : memref<8x128xf32, #tpu.memory_space<vmem>>) target(%dma_start3A_1125 : memref<8x128xf32, #tpu.memory_space<hbm>>) target_semaphore(%arg17 : memref<!tpu.dma_semaphore, #tpu.memory_space<semaphore_mem>>)
      %add3A_1130 = arith.constant 1 : i32
      %add3A_1131 = arith.addi %select_n3A_1066, %add3A_1130 : i32
      %dma_start3A_1132 = arith.constant 1 : i32
      %dma_start3A_1133 = arith.constant 1 : i32
      %dma_start3A_1134 = arith.constant 1 : i32
      %dma_start3A_1135 = arith.constant 0 : i32
      %dma_start3A_1136 = arith.constant 0 : i32
      %dma_start3A_1137 = tpu.memref_slice %arg10[%dma_start3A_1132, %dma_start3A_1133, %dma_start3A_1135, %dma_start3A_1136] : memref<8x3x8x129xf32, #tpu.memory_space<vmem>> -> memref<1x1x8x128xf32, #tpu.memory_space<vmem>>
      %dma_start3A_1138 = tpu.memref_squeeze %dma_start3A_1137 : memref<1x1x8x128xf32, #tpu.memory_space<vmem>> -> memref<8x128xf32, #tpu.memory_space<vmem>>
      %dma_start3A_1139 = arith.constant 0 : i32
      %dma_start3A_1140 = arith.constant 0 : i32
      %dma_start3A_1141 = tpu.memref_slice %arg4[%select_n3A_1026, %dma_start3A_1134, %add3A_1131, %dma_start3A_1139, %dma_start3A_1140] : memref<200x8x32x8x128xf32, #tpu.memory_space<hbm>> -> memref<1x1x1x8x128xf32, #tpu.memory_space<hbm>>
      %dma_start3A_1142 = tpu.memref_squeeze %dma_start3A_1141 : memref<1x1x1x8x128xf32, #tpu.memory_space<hbm>> -> memref<8x128xf32, #tpu.memory_space<hbm>>
      %dma_start3A_1143 = arith.constant 0 : i32
      %dma_start3A_1144 = arith.constant 0 : i32
      %dma_start3A_1145 = tpu.memref_slice %arg4[%select_n3A_1026, %dma_start3A_1134, %add3A_1131, %dma_start3A_1143, %dma_start3A_1144] : memref<200x8x32x8x128xf32, #tpu.memory_space<hbm>> -> memref<1x1x1x8x128xf32, #tpu.memory_space<hbm>>
      %dma_start3A_1146 = tpu.memref_squeeze %dma_start3A_1145 : memref<1x1x1x8x128xf32, #tpu.memory_space<hbm>> -> memref<8x128xf32, #tpu.memory_space<hbm>>
      %dma_start3A_1147 = arith.constant 0 : i32
      %dma_start3A_1148 = arith.constant 0 : i32
      %dma_start3A_1149 = tpu.memref_slice %arg10[%dma_start3A_1132, %dma_start3A_1133, %dma_start3A_1147, %dma_start3A_1148] : memref<8x3x8x129xf32, #tpu.memory_space<vmem>> -> memref<1x1x8x128xf32, #tpu.memory_space<vmem>>
      %dma_start3A_1150 = tpu.memref_squeeze %dma_start3A_1149 : memref<1x1x8x128xf32, #tpu.memory_space<vmem>> -> memref<8x128xf32, #tpu.memory_space<vmem>>
      tpu.enqueue_dma source(%dma_start3A_1150 : memref<8x128xf32, #tpu.memory_space<vmem>>) target(%dma_start3A_1146 : memref<8x128xf32, #tpu.memory_space<hbm>>) target_semaphore(%arg17 : memref<!tpu.dma_semaphore, #tpu.memory_space<semaphore_mem>>)
      %add3A_1151 = arith.constant 0 : i32
      %add3A_1152 = arith.addi %select_n3A_1066, %add3A_1151 : i32
      %dma_start3A_1153 = arith.constant 2 : i32
      %dma_start3A_1154 = arith.constant 0 : i32
      %dma_start3A_1155 = arith.constant 2 : i32
      %dma_start3A_1156 = arith.constant 0 : i32
      %dma_start3A_1157 = arith.constant 0 : i32
      %dma_start3A_1158 = tpu.memref_slice %arg10[%dma_start3A_1153, %dma_start3A_1154, %dma_start3A_1156, %dma_start3A_1157] : memref<8x3x8x129xf32, #tpu.memory_space<vmem>> -> memref<1x1x8x128xf32, #tpu.memory_space<vmem>>
      %dma_start3A_1159 = tpu.memref_squeeze %dma_start3A_1158 : memref<1x1x8x128xf32, #tpu.memory_space<vmem>> -> memref<8x128xf32, #tpu.memory_space<vmem>>
      %dma_start3A_1160 = arith.constant 0 : i32
      %dma_start3A_1161 = arith.constant 0 : i32
      %dma_start3A_1162 = tpu.memref_slice %arg4[%select_n3A_1026, %dma_start3A_1155, %add3A_1152, %dma_start3A_1160, %dma_start3A_1161] : memref<200x8x32x8x128xf32, #tpu.memory_space<hbm>> -> memref<1x1x1x8x128xf32, #tpu.memory_space<hbm>>
      %dma_start3A_1163 = tpu.memref_squeeze %dma_start3A_1162 : memref<1x1x1x8x128xf32, #tpu.memory_space<hbm>> -> memref<8x128xf32, #tpu.memory_space<hbm>>
      %dma_start3A_1164 = arith.constant 0 : i32
      %dma_start3A_1165 = arith.constant 0 : i32
      %dma_start3A_1166 = tpu.memref_slice %arg4[%select_n3A_1026, %dma_start3A_1155, %add3A_1152, %dma_start3A_1164, %dma_start3A_1165] : memref<200x8x32x8x128xf32, #tpu.memory_space<hbm>> -> memref<1x1x1x8x128xf32, #tpu.memory_space<hbm>>
      %dma_start3A_1167 = tpu.memref_squeeze %dma_start3A_1166 : memref<1x1x1x8x128xf32, #tpu.memory_space<hbm>> -> memref<8x128xf32, #tpu.memory_space<hbm>>
      %dma_start3A_1168 = arith.constant 0 : i32
      %dma_start3A_1169 = arith.constant 0 : i32
      %dma_start3A_1170 = tpu.memref_slice %arg10[%dma_start3A_1153, %dma_start3A_1154, %dma_start3A_1168, %dma_start3A_1169] : memref<8x3x8x129xf32, #tpu.memory_space<vmem>> -> memref<1x1x8x128xf32, #tpu.memory_space<vmem>>
      %dma_start3A_1171 = tpu.memref_squeeze %dma_start3A_1170 : memref<1x1x8x128xf32, #tpu.memory_space<vmem>> -> memref<8x128xf32, #tpu.memory_space<vmem>>
      tpu.enqueue_dma source(%dma_start3A_1171 : memref<8x128xf32, #tpu.memory_space<vmem>>) target(%dma_start3A_1167 : memref<8x128xf32, #tpu.memory_space<hbm>>) target_semaphore(%arg17 : memref<!tpu.dma_semaphore, #tpu.memory_space<semaphore_mem>>)
      %add3A_1172 = arith.constant 1 : i32
      %add3A_1173 = arith.addi %select_n3A_1066, %add3A_1172 : i32
      %dma_start3A_1174 = arith.constant 2 : i32
      %dma_start3A_1175 = arith.constant 1 : i32
      %dma_start3A_1176 = arith.constant 2 : i32
      %dma_start3A_1177 = arith.constant 0 : i32
      %dma_start3A_1178 = arith.constant 0 : i32
      %dma_start3A_1179 = tpu.memref_slice %arg10[%dma_start3A_1174, %dma_start3A_1175, %dma_start3A_1177, %dma_start3A_1178] : memref<8x3x8x129xf32, #tpu.memory_space<vmem>> -> memref<1x1x8x128xf32, #tpu.memory_space<vmem>>
      %dma_start3A_1180 = tpu.memref_squeeze %dma_start3A_1179 : memref<1x1x8x128xf32, #tpu.memory_space<vmem>> -> memref<8x128xf32, #tpu.memory_space<vmem>>
      %dma_start3A_1181 = arith.constant 0 : i32
      %dma_start3A_1182 = arith.constant 0 : i32
      %dma_start3A_1183 = tpu.memref_slice %arg4[%select_n3A_1026, %dma_start3A_1176, %add3A_1173, %dma_start3A_1181, %dma_start3A_1182] : memref<200x8x32x8x128xf32, #tpu.memory_space<hbm>> -> memref<1x1x1x8x128xf32, #tpu.memory_space<hbm>>
      %dma_start3A_1184 = tpu.memref_squeeze %dma_start3A_1183 : memref<1x1x1x8x128xf32, #tpu.memory_space<hbm>> -> memref<8x128xf32, #tpu.memory_space<hbm>>
      %dma_start3A_1185 = arith.constant 0 : i32
      %dma_start3A_1186 = arith.constant 0 : i32
      %dma_start3A_1187 = tpu.memref_slice %arg4[%select_n3A_1026, %dma_start3A_1176, %add3A_1173, %dma_start3A_1185, %dma_start3A_1186] : memref<200x8x32x8x128xf32, #tpu.memory_space<hbm>> -> memref<1x1x1x8x128xf32, #tpu.memory_space<hbm>>
      %dma_start3A_1188 = tpu.memref_squeeze %dma_start3A_1187 : memref<1x1x1x8x128xf32, #tpu.memory_space<hbm>> -> memref<8x128xf32, #tpu.memory_space<hbm>>
      %dma_start3A_1189 = arith.constant 0 : i32
      %dma_start3A_1190 = arith.constant 0 : i32
      %dma_start3A_1191 = tpu.memref_slice %arg10[%dma_start3A_1174, %dma_start3A_1175, %dma_start3A_1189, %dma_start3A_1190] : memref<8x3x8x129xf32, #tpu.memory_space<vmem>> -> memref<1x1x8x128xf32, #tpu.memory_space<vmem>>
      %dma_start3A_1192 = tpu.memref_squeeze %dma_start3A_1191 : memref<1x1x8x128xf32, #tpu.memory_space<vmem>> -> memref<8x128xf32, #tpu.memory_space<vmem>>
      tpu.enqueue_dma source(%dma_start3A_1192 : memref<8x128xf32, #tpu.memory_space<vmem>>) target(%dma_start3A_1188 : memref<8x128xf32, #tpu.memory_space<hbm>>) target_semaphore(%arg17 : memref<!tpu.dma_semaphore, #tpu.memory_space<semaphore_mem>>)
      %add3A_1193 = arith.constant 0 : i32
      %add3A_1194 = arith.addi %select_n3A_1066, %add3A_1193 : i32
      %dma_start3A_1195 = arith.constant 3 : i32
      %dma_start3A_1196 = arith.constant 0 : i32
      %dma_start3A_1197 = arith.constant 3 : i32
      %dma_start3A_1198 = arith.constant 0 : i32
      %dma_start3A_1199 = arith.constant 0 : i32
      %dma_start3A_1200 = tpu.memref_slice %arg10[%dma_start3A_1195, %dma_start3A_1196, %dma_start3A_1198, %dma_start3A_1199] : memref<8x3x8x129xf32, #tpu.memory_space<vmem>> -> memref<1x1x8x128xf32, #tpu.memory_space<vmem>>
      %dma_start3A_1201 = tpu.memref_squeeze %dma_start3A_1200 : memref<1x1x8x128xf32, #tpu.memory_space<vmem>> -> memref<8x128xf32, #tpu.memory_space<vmem>>
      %dma_start3A_1202 = arith.constant 0 : i32
      %dma_start3A_1203 = arith.constant 0 : i32
      %dma_start3A_1204 = tpu.memref_slice %arg4[%select_n3A_1026, %dma_start3A_1197, %add3A_1194, %dma_start3A_1202, %dma_start3A_1203] : memref<200x8x32x8x128xf32, #tpu.memory_space<hbm>> -> memref<1x1x1x8x128xf32, #tpu.memory_space<hbm>>
      %dma_start3A_1205 = tpu.memref_squeeze %dma_start3A_1204 : memref<1x1x1x8x128xf32, #tpu.memory_space<hbm>> -> memref<8x128xf32, #tpu.memory_space<hbm>>
      %dma_start3A_1206 = arith.constant 0 : i32
      %dma_start3A_1207 = arith.constant 0 : i32
      %dma_start3A_1208 = tpu.memref_slice %arg4[%select_n3A_1026, %dma_start3A_1197, %add3A_1194, %dma_start3A_1206, %dma_start3A_1207] : memref<200x8x32x8x128xf32, #tpu.memory_space<hbm>> -> memref<1x1x1x8x128xf32, #tpu.memory_space<hbm>>
      %dma_start3A_1209 = tpu.memref_squeeze %dma_start3A_1208 : memref<1x1x1x8x128xf32, #tpu.memory_space<hbm>> -> memref<8x128xf32, #tpu.memory_space<hbm>>
      %dma_start3A_1210 = arith.constant 0 : i32
      %dma_start3A_1211 = arith.constant 0 : i32
      %dma_start3A_1212 = tpu.memref_slice %arg10[%dma_start3A_1195, %dma_start3A_1196, %dma_start3A_1210, %dma_start3A_1211] : memref<8x3x8x129xf32, #tpu.memory_space<vmem>> -> memref<1x1x8x128xf32, #tpu.memory_space<vmem>>
      %dma_start3A_1213 = tpu.memref_squeeze %dma_start3A_1212 : memref<1x1x8x128xf32, #tpu.memory_space<vmem>> -> memref<8x128xf32, #tpu.memory_space<vmem>>
      tpu.enqueue_dma source(%dma_start3A_1213 : memref<8x128xf32, #tpu.memory_space<vmem>>) target(%dma_start3A_1209 : memref<8x128xf32, #tpu.memory_space<hbm>>) target_semaphore(%arg17 : memref<!tpu.dma_semaphore, #tpu.memory_space<semaphore_mem>>)
      %add3A_1214 = arith.constant 1 : i32
      %add3A_1215 = arith.addi %select_n3A_1066, %add3A_1214 : i32
      %dma_start3A_1216 = arith.constant 3 : i32
      %dma_start3A_1217 = arith.constant 1 : i32
      %dma_start3A_1218 = arith.constant 3 : i32
      %dma_start3A_1219 = arith.constant 0 : i32
      %dma_start3A_1220 = arith.constant 0 : i32
      %dma_start3A_1221 = tpu.memref_slice %arg10[%dma_start3A_1216, %dma_start3A_1217, %dma_start3A_1219, %dma_start3A_1220] : memref<8x3x8x129xf32, #tpu.memory_space<vmem>> -> memref<1x1x8x128xf32, #tpu.memory_space<vmem>>
      %dma_start3A_1222 = tpu.memref_squeeze %dma_start3A_1221 : memref<1x1x8x128xf32, #tpu.memory_space<vmem>> -> memref<8x128xf32, #tpu.memory_space<vmem>>
      %dma_start3A_1223 = arith.constant 0 : i32
      %dma_start3A_1224 = arith.constant 0 : i32
      %dma_start3A_1225 = tpu.memref_slice %arg4[%select_n3A_1026, %dma_start3A_1218, %add3A_1215, %dma_start3A_1223, %dma_start3A_1224] : memref<200x8x32x8x128xf32, #tpu.memory_space<hbm>> -> memref<1x1x1x8x128xf32, #tpu.memory_space<hbm>>
      %dma_start3A_1226 = tpu.memref_squeeze %dma_start3A_1225 : memref<1x1x1x8x128xf32, #tpu.memory_space<hbm>> -> memref<8x128xf32, #tpu.memory_space<hbm>>
      %dma_start3A_1227 = arith.constant 0 : i32
      %dma_start3A_1228 = arith.constant 0 : i32
      %dma_start3A_1229 = tpu.memref_slice %arg4[%select_n3A_1026, %dma_start3A_1218, %add3A_1215, %dma_start3A_1227, %dma_start3A_1228] : memref<200x8x32x8x128xf32, #tpu.memory_space<hbm>> -> memref<1x1x1x8x128xf32, #tpu.memory_space<hbm>>
      %dma_start3A_1230 = tpu.memref_squeeze %dma_start3A_1229 : memref<1x1x1x8x128xf32, #tpu.memory_space<hbm>> -> memref<8x128xf32, #tpu.memory_space<hbm>>
      %dma_start3A_1231 = arith.constant 0 : i32
      %dma_start3A_1232 = arith.constant 0 : i32
      %dma_start3A_1233 = tpu.memref_slice %arg10[%dma_start3A_1216, %dma_start3A_1217, %dma_start3A_1231, %dma_start3A_1232] : memref<8x3x8x129xf32, #tpu.memory_space<vmem>> -> memref<1x1x8x128xf32, #tpu.memory_space<vmem>>
      %dma_start3A_1234 = tpu.memref_squeeze %dma_start3A_1233 : memref<1x1x8x128xf32, #tpu.memory_space<vmem>> -> memref<8x128xf32, #tpu.memory_space<vmem>>
      tpu.enqueue_dma source(%dma_start3A_1234 : memref<8x128xf32, #tpu.memory_space<vmem>>) target(%dma_start3A_1230 : memref<8x128xf32, #tpu.memory_space<hbm>>) target_semaphore(%arg17 : memref<!tpu.dma_semaphore, #tpu.memory_space<semaphore_mem>>)
      %add3A_1235 = arith.constant 0 : i32
      %add3A_1236 = arith.addi %select_n3A_1066, %add3A_1235 : i32
      %dma_start3A_1237 = arith.constant 4 : i32
      %dma_start3A_1238 = arith.constant 0 : i32
      %dma_start3A_1239 = arith.constant 4 : i32
      %dma_start3A_1240 = arith.constant 0 : i32
      %dma_start3A_1241 = arith.constant 0 : i32
      %dma_start3A_1242 = tpu.memref_slice %arg10[%dma_start3A_1237, %dma_start3A_1238, %dma_start3A_1240, %dma_start3A_1241] : memref<8x3x8x129xf32, #tpu.memory_space<vmem>> -> memref<1x1x8x128xf32, #tpu.memory_space<vmem>>
      %dma_start3A_1243 = tpu.memref_squeeze %dma_start3A_1242 : memref<1x1x8x128xf32, #tpu.memory_space<vmem>> -> memref<8x128xf32, #tpu.memory_space<vmem>>
      %dma_start3A_1244 = arith.constant 0 : i32
      %dma_start3A_1245 = arith.constant 0 : i32
      %dma_start3A_1246 = tpu.memref_slice %arg4[%select_n3A_1026, %dma_start3A_1239, %add3A_1236, %dma_start3A_1244, %dma_start3A_1245] : memref<200x8x32x8x128xf32, #tpu.memory_space<hbm>> -> memref<1x1x1x8x128xf32, #tpu.memory_space<hbm>>
      %dma_start3A_1247 = tpu.memref_squeeze %dma_start3A_1246 : memref<1x1x1x8x128xf32, #tpu.memory_space<hbm>> -> memref<8x128xf32, #tpu.memory_space<hbm>>
      %dma_start3A_1248 = arith.constant 0 : i32
      %dma_start3A_1249 = arith.constant 0 : i32
      %dma_start3A_1250 = tpu.memref_slice %arg4[%select_n3A_1026, %dma_start3A_1239, %add3A_1236, %dma_start3A_1248, %dma_start3A_1249] : memref<200x8x32x8x128xf32, #tpu.memory_space<hbm>> -> memref<1x1x1x8x128xf32, #tpu.memory_space<hbm>>
      %dma_start3A_1251 = tpu.memref_squeeze %dma_start3A_1250 : memref<1x1x1x8x128xf32, #tpu.memory_space<hbm>> -> memref<8x128xf32, #tpu.memory_space<hbm>>
      %dma_start3A_1252 = arith.constant 0 : i32
      %dma_start3A_1253 = arith.constant 0 : i32
      %dma_start3A_1254 = tpu.memref_slice %arg10[%dma_start3A_1237, %dma_start3A_1238, %dma_start3A_1252, %dma_start3A_1253] : memref<8x3x8x129xf32, #tpu.memory_space<vmem>> -> memref<1x1x8x128xf32, #tpu.memory_space<vmem>>
      %dma_start3A_1255 = tpu.memref_squeeze %dma_start3A_1254 : memref<1x1x8x128xf32, #tpu.memory_space<vmem>> -> memref<8x128xf32, #tpu.memory_space<vmem>>
      tpu.enqueue_dma source(%dma_start3A_1255 : memref<8x128xf32, #tpu.memory_space<vmem>>) target(%dma_start3A_1251 : memref<8x128xf32, #tpu.memory_space<hbm>>) target_semaphore(%arg17 : memref<!tpu.dma_semaphore, #tpu.memory_space<semaphore_mem>>)
      %add3A_1256 = arith.constant 1 : i32
      %add3A_1257 = arith.addi %select_n3A_1066, %add3A_1256 : i32
      %dma_start3A_1258 = arith.constant 4 : i32
      %dma_start3A_1259 = arith.constant 1 : i32
      %dma_start3A_1260 = arith.constant 4 : i32
      %dma_start3A_1261 = arith.constant 0 : i32
      %dma_start3A_1262 = arith.constant 0 : i32
      %dma_start3A_1263 = tpu.memref_slice %arg10[%dma_start3A_1258, %dma_start3A_1259, %dma_start3A_1261, %dma_start3A_1262] : memref<8x3x8x129xf32, #tpu.memory_space<vmem>> -> memref<1x1x8x128xf32, #tpu.memory_space<vmem>>
      %dma_start3A_1264 = tpu.memref_squeeze %dma_start3A_1263 : memref<1x1x8x128xf32, #tpu.memory_space<vmem>> -> memref<8x128xf32, #tpu.memory_space<vmem>>
      %dma_start3A_1265 = arith.constant 0 : i32
      %dma_start3A_1266 = arith.constant 0 : i32
      %dma_start3A_1267 = tpu.memref_slice %arg4[%select_n3A_1026, %dma_start3A_1260, %add3A_1257, %dma_start3A_1265, %dma_start3A_1266] : memref<200x8x32x8x128xf32, #tpu.memory_space<hbm>> -> memref<1x1x1x8x128xf32, #tpu.memory_space<hbm>>
      %dma_start3A_1268 = tpu.memref_squeeze %dma_start3A_1267 : memref<1x1x1x8x128xf32, #tpu.memory_space<hbm>> -> memref<8x128xf32, #tpu.memory_space<hbm>>
      %dma_start3A_1269 = arith.constant 0 : i32
      %dma_start3A_1270 = arith.constant 0 : i32
      %dma_start3A_1271 = tpu.memref_slice %arg4[%select_n3A_1026, %dma_start3A_1260, %add3A_1257, %dma_start3A_1269, %dma_start3A_1270] : memref<200x8x32x8x128xf32, #tpu.memory_space<hbm>> -> memref<1x1x1x8x128xf32, #tpu.memory_space<hbm>>
      %dma_start3A_1272 = tpu.memref_squeeze %dma_start3A_1271 : memref<1x1x1x8x128xf32, #tpu.memory_space<hbm>> -> memref<8x128xf32, #tpu.memory_space<hbm>>
      %dma_start3A_1273 = arith.constant 0 : i32
      %dma_start3A_1274 = arith.constant 0 : i32
      %dma_start3A_1275 = tpu.memref_slice %arg10[%dma_start3A_1258, %dma_start3A_1259, %dma_start3A_1273, %dma_start3A_1274] : memref<8x3x8x129xf32, #tpu.memory_space<vmem>> -> memref<1x1x8x128xf32, #tpu.memory_space<vmem>>
      %dma_start3A_1276 = tpu.memref_squeeze %dma_start3A_1275 : memref<1x1x8x128xf32, #tpu.memory_space<vmem>> -> memref<8x128xf32, #tpu.memory_space<vmem>>
      tpu.enqueue_dma source(%dma_start3A_1276 : memref<8x128xf32, #tpu.memory_space<vmem>>) target(%dma_start3A_1272 : memref<8x128xf32, #tpu.memory_space<hbm>>) target_semaphore(%arg17 : memref<!tpu.dma_semaphore, #tpu.memory_space<semaphore_mem>>)
      %add3A_1277 = arith.constant 0 : i32
      %add3A_1278 = arith.addi %select_n3A_1066, %add3A_1277 : i32
      %dma_start3A_1279 = arith.constant 5 : i32
      %dma_start3A_1280 = arith.constant 0 : i32
      %dma_start3A_1281 = arith.constant 5 : i32
      %dma_start3A_1282 = arith.constant 0 : i32
      %dma_start3A_1283 = arith.constant 0 : i32
      %dma_start3A_1284 = tpu.memref_slice %arg10[%dma_start3A_1279, %dma_start3A_1280, %dma_start3A_1282, %dma_start3A_1283] : memref<8x3x8x129xf32, #tpu.memory_space<vmem>> -> memref<1x1x8x128xf32, #tpu.memory_space<vmem>>
      %dma_start3A_1285 = tpu.memref_squeeze %dma_start3A_1284 : memref<1x1x8x128xf32, #tpu.memory_space<vmem>> -> memref<8x128xf32, #tpu.memory_space<vmem>>
      %dma_start3A_1286 = arith.constant 0 : i32
      %dma_start3A_1287 = arith.constant 0 : i32
      %dma_start3A_1288 = tpu.memref_slice %arg4[%select_n3A_1026, %dma_start3A_1281, %add3A_1278, %dma_start3A_1286, %dma_start3A_1287] : memref<200x8x32x8x128xf32, #tpu.memory_space<hbm>> -> memref<1x1x1x8x128xf32, #tpu.memory_space<hbm>>
      %dma_start3A_1289 = tpu.memref_squeeze %dma_start3A_1288 : memref<1x1x1x8x128xf32, #tpu.memory_space<hbm>> -> memref<8x128xf32, #tpu.memory_space<hbm>>
      %dma_start3A_1290 = arith.constant 0 : i32
      %dma_start3A_1291 = arith.constant 0 : i32
      %dma_start3A_1292 = tpu.memref_slice %arg4[%select_n3A_1026, %dma_start3A_1281, %add3A_1278, %dma_start3A_1290, %dma_start3A_1291] : memref<200x8x32x8x128xf32, #tpu.memory_space<hbm>> -> memref<1x1x1x8x128xf32, #tpu.memory_space<hbm>>
      %dma_start3A_1293 = tpu.memref_squeeze %dma_start3A_1292 : memref<1x1x1x8x128xf32, #tpu.memory_space<hbm>> -> memref<8x128xf32, #tpu.memory_space<hbm>>
      %dma_start3A_1294 = arith.constant 0 : i32
      %dma_start3A_1295 = arith.constant 0 : i32
      %dma_start3A_1296 = tpu.memref_slice %arg10[%dma_start3A_1279, %dma_start3A_1280, %dma_start3A_1294, %dma_start3A_1295] : memref<8x3x8x129xf32, #tpu.memory_space<vmem>> -> memref<1x1x8x128xf32, #tpu.memory_space<vmem>>
      %dma_start3A_1297 = tpu.memref_squeeze %dma_start3A_1296 : memref<1x1x8x128xf32, #tpu.memory_space<vmem>> -> memref<8x128xf32, #tpu.memory_space<vmem>>
      tpu.enqueue_dma source(%dma_start3A_1297 : memref<8x128xf32, #tpu.memory_space<vmem>>) target(%dma_start3A_1293 : memref<8x128xf32, #tpu.memory_space<hbm>>) target_semaphore(%arg17 : memref<!tpu.dma_semaphore, #tpu.memory_space<semaphore_mem>>)
      %add3A_1298 = arith.constant 1 : i32
      %add3A_1299 = arith.addi %select_n3A_1066, %add3A_1298 : i32
      %dma_start3A_1300 = arith.constant 5 : i32
      %dma_start3A_1301 = arith.constant 1 : i32
      %dma_start3A_1302 = arith.constant 5 : i32
      %dma_start3A_1303 = arith.constant 0 : i32
      %dma_start3A_1304 = arith.constant 0 : i32
      %dma_start3A_1305 = tpu.memref_slice %arg10[%dma_start3A_1300, %dma_start3A_1301, %dma_start3A_1303, %dma_start3A_1304] : memref<8x3x8x129xf32, #tpu.memory_space<vmem>> -> memref<1x1x8x128xf32, #tpu.memory_space<vmem>>
      %dma_start3A_1306 = tpu.memref_squeeze %dma_start3A_1305 : memref<1x1x8x128xf32, #tpu.memory_space<vmem>> -> memref<8x128xf32, #tpu.memory_space<vmem>>
      %dma_start3A_1307 = arith.constant 0 : i32
      %dma_start3A_1308 = arith.constant 0 : i32
      %dma_start3A_1309 = tpu.memref_slice %arg4[%select_n3A_1026, %dma_start3A_1302, %add3A_1299, %dma_start3A_1307, %dma_start3A_1308] : memref<200x8x32x8x128xf32, #tpu.memory_space<hbm>> -> memref<1x1x1x8x128xf32, #tpu.memory_space<hbm>>
      %dma_start3A_1310 = tpu.memref_squeeze %dma_start3A_1309 : memref<1x1x1x8x128xf32, #tpu.memory_space<hbm>> -> memref<8x128xf32, #tpu.memory_space<hbm>>
      %dma_start3A_1311 = arith.constant 0 : i32
      %dma_start3A_1312 = arith.constant 0 : i32
      %dma_start3A_1313 = tpu.memref_slice %arg4[%select_n3A_1026, %dma_start3A_1302, %add3A_1299, %dma_start3A_1311, %dma_start3A_1312] : memref<200x8x32x8x128xf32, #tpu.memory_space<hbm>> -> memref<1x1x1x8x128xf32, #tpu.memory_space<hbm>>
      %dma_start3A_1314 = tpu.memref_squeeze %dma_start3A_1313 : memref<1x1x1x8x128xf32, #tpu.memory_space<hbm>> -> memref<8x128xf32, #tpu.memory_space<hbm>>
      %dma_start3A_1315 = arith.constant 0 : i32
      %dma_start3A_1316 = arith.constant 0 : i32
      %dma_start3A_1317 = tpu.memref_slice %arg10[%dma_start3A_1300, %dma_start3A_1301, %dma_start3A_1315, %dma_start3A_1316] : memref<8x3x8x129xf32, #tpu.memory_space<vmem>> -> memref<1x1x8x128xf32, #tpu.memory_space<vmem>>
      %dma_start3A_1318 = tpu.memref_squeeze %dma_start3A_1317 : memref<1x1x8x128xf32, #tpu.memory_space<vmem>> -> memref<8x128xf32, #tpu.memory_space<vmem>>
      tpu.enqueue_dma source(%dma_start3A_1318 : memref<8x128xf32, #tpu.memory_space<vmem>>) target(%dma_start3A_1314 : memref<8x128xf32, #tpu.memory_space<hbm>>) target_semaphore(%arg17 : memref<!tpu.dma_semaphore, #tpu.memory_space<semaphore_mem>>)
      %add3A_1319 = arith.constant 0 : i32
      %add3A_1320 = arith.addi %select_n3A_1066, %add3A_1319 : i32
      %dma_start3A_1321 = arith.constant 6 : i32
      %dma_start3A_1322 = arith.constant 0 : i32
      %dma_start3A_1323 = arith.constant 6 : i32
      %dma_start3A_1324 = arith.constant 0 : i32
      %dma_start3A_1325 = arith.constant 0 : i32
      %dma_start3A_1326 = tpu.memref_slice %arg10[%dma_start3A_1321, %dma_start3A_1322, %dma_start3A_1324, %dma_start3A_1325] : memref<8x3x8x129xf32, #tpu.memory_space<vmem>> -> memref<1x1x8x128xf32, #tpu.memory_space<vmem>>
      %dma_start3A_1327 = tpu.memref_squeeze %dma_start3A_1326 : memref<1x1x8x128xf32, #tpu.memory_space<vmem>> -> memref<8x128xf32, #tpu.memory_space<vmem>>
      %dma_start3A_1328 = arith.constant 0 : i32
      %dma_start3A_1329 = arith.constant 0 : i32
      %dma_start3A_1330 = tpu.memref_slice %arg4[%select_n3A_1026, %dma_start3A_1323, %add3A_1320, %dma_start3A_1328, %dma_start3A_1329] : memref<200x8x32x8x128xf32, #tpu.memory_space<hbm>> -> memref<1x1x1x8x128xf32, #tpu.memory_space<hbm>>
      %dma_start3A_1331 = tpu.memref_squeeze %dma_start3A_1330 : memref<1x1x1x8x128xf32, #tpu.memory_space<hbm>> -> memref<8x128xf32, #tpu.memory_space<hbm>>
      %dma_start3A_1332 = arith.constant 0 : i32
      %dma_start3A_1333 = arith.constant 0 : i32
      %dma_start3A_1334 = tpu.memref_slice %arg4[%select_n3A_1026, %dma_start3A_1323, %add3A_1320, %dma_start3A_1332, %dma_start3A_1333] : memref<200x8x32x8x128xf32, #tpu.memory_space<hbm>> -> memref<1x1x1x8x128xf32, #tpu.memory_space<hbm>>
      %dma_start3A_1335 = tpu.memref_squeeze %dma_start3A_1334 : memref<1x1x1x8x128xf32, #tpu.memory_space<hbm>> -> memref<8x128xf32, #tpu.memory_space<hbm>>
      %dma_start3A_1336 = arith.constant 0 : i32
      %dma_start3A_1337 = arith.constant 0 : i32
      %dma_start3A_1338 = tpu.memref_slice %arg10[%dma_start3A_1321, %dma_start3A_1322, %dma_start3A_1336, %dma_start3A_1337] : memref<8x3x8x129xf32, #tpu.memory_space<vmem>> -> memref<1x1x8x128xf32, #tpu.memory_space<vmem>>
      %dma_start3A_1339 = tpu.memref_squeeze %dma_start3A_1338 : memref<1x1x8x128xf32, #tpu.memory_space<vmem>> -> memref<8x128xf32, #tpu.memory_space<vmem>>
      tpu.enqueue_dma source(%dma_start3A_1339 : memref<8x128xf32, #tpu.memory_space<vmem>>) target(%dma_start3A_1335 : memref<8x128xf32, #tpu.memory_space<hbm>>) target_semaphore(%arg17 : memref<!tpu.dma_semaphore, #tpu.memory_space<semaphore_mem>>)
      %add3A_1340 = arith.constant 1 : i32
      %add3A_1341 = arith.addi %select_n3A_1066, %add3A_1340 : i32
      %dma_start3A_1342 = arith.constant 6 : i32
      %dma_start3A_1343 = arith.constant 1 : i32
      %dma_start3A_1344 = arith.constant 6 : i32
      %dma_start3A_1345 = arith.constant 0 : i32
      %dma_start3A_1346 = arith.constant 0 : i32
      %dma_start3A_1347 = tpu.memref_slice %arg10[%dma_start3A_1342, %dma_start3A_1343, %dma_start3A_1345, %dma_start3A_1346] : memref<8x3x8x129xf32, #tpu.memory_space<vmem>> -> memref<1x1x8x128xf32, #tpu.memory_space<vmem>>
      %dma_start3A_1348 = tpu.memref_squeeze %dma_start3A_1347 : memref<1x1x8x128xf32, #tpu.memory_space<vmem>> -> memref<8x128xf32, #tpu.memory_space<vmem>>
      %dma_start3A_1349 = arith.constant 0 : i32
      %dma_start3A_1350 = arith.constant 0 : i32
      %dma_start3A_1351 = tpu.memref_slice %arg4[%select_n3A_1026, %dma_start3A_1344, %add3A_1341, %dma_start3A_1349, %dma_start3A_1350] : memref<200x8x32x8x128xf32, #tpu.memory_space<hbm>> -> memref<1x1x1x8x128xf32, #tpu.memory_space<hbm>>
      %dma_start3A_1352 = tpu.memref_squeeze %dma_start3A_1351 : memref<1x1x1x8x128xf32, #tpu.memory_space<hbm>> -> memref<8x128xf32, #tpu.memory_space<hbm>>
      %dma_start3A_1353 = arith.constant 0 : i32
      %dma_start3A_1354 = arith.constant 0 : i32
      %dma_start3A_1355 = tpu.memref_slice %arg4[%select_n3A_1026, %dma_start3A_1344, %add3A_1341, %dma_start3A_1353, %dma_start3A_1354] : memref<200x8x32x8x128xf32, #tpu.memory_space<hbm>> -> memref<1x1x1x8x128xf32, #tpu.memory_space<hbm>>
      %dma_start3A_1356 = tpu.memref_squeeze %dma_start3A_1355 : memref<1x1x1x8x128xf32, #tpu.memory_space<hbm>> -> memref<8x128xf32, #tpu.memory_space<hbm>>
      %dma_start3A_1357 = arith.constant 0 : i32
      %dma_start3A_1358 = arith.constant 0 : i32
      %dma_start3A_1359 = tpu.memref_slice %arg10[%dma_start3A_1342, %dma_start3A_1343, %dma_start3A_1357, %dma_start3A_1358] : memref<8x3x8x129xf32, #tpu.memory_space<vmem>> -> memref<1x1x8x128xf32, #tpu.memory_space<vmem>>
      %dma_start3A_1360 = tpu.memref_squeeze %dma_start3A_1359 : memref<1x1x8x128xf32, #tpu.memory_space<vmem>> -> memref<8x128xf32, #tpu.memory_space<vmem>>
      tpu.enqueue_dma source(%dma_start3A_1360 : memref<8x128xf32, #tpu.memory_space<vmem>>) target(%dma_start3A_1356 : memref<8x128xf32, #tpu.memory_space<hbm>>) target_semaphore(%arg17 : memref<!tpu.dma_semaphore, #tpu.memory_space<semaphore_mem>>)
      %add3A_1361 = arith.constant 0 : i32
      %add3A_1362 = arith.addi %select_n3A_1066, %add3A_1361 : i32
      %dma_start3A_1363 = arith.constant 7 : i32
      %dma_start3A_1364 = arith.constant 0 : i32
      %dma_start3A_1365 = arith.constant 7 : i32
      %dma_start3A_1366 = arith.constant 0 : i32
      %dma_start3A_1367 = arith.constant 0 : i32
      %dma_start3A_1368 = tpu.memref_slice %arg10[%dma_start3A_1363, %dma_start3A_1364, %dma_start3A_1366, %dma_start3A_1367] : memref<8x3x8x129xf32, #tpu.memory_space<vmem>> -> memref<1x1x8x128xf32, #tpu.memory_space<vmem>>
      %dma_start3A_1369 = tpu.memref_squeeze %dma_start3A_1368 : memref<1x1x8x128xf32, #tpu.memory_space<vmem>> -> memref<8x128xf32, #tpu.memory_space<vmem>>
      %dma_start3A_1370 = arith.constant 0 : i32
      %dma_start3A_1371 = arith.constant 0 : i32
      %dma_start3A_1372 = tpu.memref_slice %arg4[%select_n3A_1026, %dma_start3A_1365, %add3A_1362, %dma_start3A_1370, %dma_start3A_1371] : memref<200x8x32x8x128xf32, #tpu.memory_space<hbm>> -> memref<1x1x1x8x128xf32, #tpu.memory_space<hbm>>
      %dma_start3A_1373 = tpu.memref_squeeze %dma_start3A_1372 : memref<1x1x1x8x128xf32, #tpu.memory_space<hbm>> -> memref<8x128xf32, #tpu.memory_space<hbm>>
      %dma_start3A_1374 = arith.constant 0 : i32
      %dma_start3A_1375 = arith.constant 0 : i32
      %dma_start3A_1376 = tpu.memref_slice %arg4[%select_n3A_1026, %dma_start3A_1365, %add3A_1362, %dma_start3A_1374, %dma_start3A_1375] : memref<200x8x32x8x128xf32, #tpu.memory_space<hbm>> -> memref<1x1x1x8x128xf32, #tpu.memory_space<hbm>>
      %dma_start3A_1377 = tpu.memref_squeeze %dma_start3A_1376 : memref<1x1x1x8x128xf32, #tpu.memory_space<hbm>> -> memref<8x128xf32, #tpu.memory_space<hbm>>
      %dma_start3A_1378 = arith.constant 0 : i32
      %dma_start3A_1379 = arith.constant 0 : i32
      %dma_start3A_1380 = tpu.memref_slice %arg10[%dma_start3A_1363, %dma_start3A_1364, %dma_start3A_1378, %dma_start3A_1379] : memref<8x3x8x129xf32, #tpu.memory_space<vmem>> -> memref<1x1x8x128xf32, #tpu.memory_space<vmem>>
      %dma_start3A_1381 = tpu.memref_squeeze %dma_start3A_1380 : memref<1x1x8x128xf32, #tpu.memory_space<vmem>> -> memref<8x128xf32, #tpu.memory_space<vmem>>
      tpu.enqueue_dma source(%dma_start3A_1381 : memref<8x128xf32, #tpu.memory_space<vmem>>) target(%dma_start3A_1377 : memref<8x128xf32, #tpu.memory_space<hbm>>) target_semaphore(%arg17 : memref<!tpu.dma_semaphore, #tpu.memory_space<semaphore_mem>>)
      %add3A_1382 = arith.constant 1 : i32
      %add3A_1383 = arith.addi %select_n3A_1066, %add3A_1382 : i32
      %dma_start3A_1384 = arith.constant 7 : i32
      %dma_start3A_1385 = arith.constant 1 : i32
      %dma_start3A_1386 = arith.constant 7 : i32
      %dma_start3A_1387 = arith.constant 0 : i32
      %dma_start3A_1388 = arith.constant 0 : i32
      %dma_start3A_1389 = tpu.memref_slice %arg10[%dma_start3A_1384, %dma_start3A_1385, %dma_start3A_1387, %dma_start3A_1388] : memref<8x3x8x129xf32, #tpu.memory_space<vmem>> -> memref<1x1x8x128xf32, #tpu.memory_space<vmem>>
      %dma_start3A_1390 = tpu.memref_squeeze %dma_start3A_1389 : memref<1x1x8x128xf32, #tpu.memory_space<vmem>> -> memref<8x128xf32, #tpu.memory_space<vmem>>
      %dma_start3A_1391 = arith.constant 0 : i32
      %dma_start3A_1392 = arith.constant 0 : i32
      %dma_start3A_1393 = tpu.memref_slice %arg4[%select_n3A_1026, %dma_start3A_1386, %add3A_1383, %dma_start3A_1391, %dma_start3A_1392] : memref<200x8x32x8x128xf32, #tpu.memory_space<hbm>> -> memref<1x1x1x8x128xf32, #tpu.memory_space<hbm>>
      %dma_start3A_1394 = tpu.memref_squeeze %dma_start3A_1393 : memref<1x1x1x8x128xf32, #tpu.memory_space<hbm>> -> memref<8x128xf32, #tpu.memory_space<hbm>>
      %dma_start3A_1395 = arith.constant 0 : i32
      %dma_start3A_1396 = arith.constant 0 : i32
      %dma_start3A_1397 = tpu.memref_slice %arg4[%select_n3A_1026, %dma_start3A_1386, %add3A_1383, %dma_start3A_1395, %dma_start3A_1396] : memref<200x8x32x8x128xf32, #tpu.memory_space<hbm>> -> memref<1x1x1x8x128xf32, #tpu.memory_space<hbm>>
      %dma_start3A_1398 = tpu.memref_squeeze %dma_start3A_1397 : memref<1x1x1x8x128xf32, #tpu.memory_space<hbm>> -> memref<8x128xf32, #tpu.memory_space<hbm>>
      %dma_start3A_1399 = arith.constant 0 : i32
      %dma_start3A_1400 = arith.constant 0 : i32
      %dma_start3A_1401 = tpu.memref_slice %arg10[%dma_start3A_1384, %dma_start3A_1385, %dma_start3A_1399, %dma_start3A_1400] : memref<8x3x8x129xf32, #tpu.memory_space<vmem>> -> memref<1x1x8x128xf32, #tpu.memory_space<vmem>>
      %dma_start3A_1402 = tpu.memref_squeeze %dma_start3A_1401 : memref<1x1x8x128xf32, #tpu.memory_space<vmem>> -> memref<8x128xf32, #tpu.memory_space<vmem>>
      tpu.enqueue_dma source(%dma_start3A_1402 : memref<8x128xf32, #tpu.memory_space<vmem>>) target(%dma_start3A_1398 : memref<8x128xf32, #tpu.memory_space<hbm>>) target_semaphore(%arg17 : memref<!tpu.dma_semaphore, #tpu.memory_space<semaphore_mem>>)
    }
    %scan3A_183 = arith.constant 50 : i32
    %min3A_184 = arith.constant 818944 : i32
    %min3A_185 = arith.constant 818944 : i32
    %min3A_186 = arith.minsi %min3A_184, %min3A_185 : i32
    %dma_wait3A = tpu.memref_slice %arg2[%min3A_186] : memref<819200xi32, #tpu.memory_space<hbm>> -> memref<256xi32, #tpu.memory_space<hbm>>
    %dma_wait3A_187 = tpu.memref_slice %arg2[%min3A_186] : memref<819200xi32, #tpu.memory_space<hbm>> -> memref<256xi32, #tpu.memory_space<hbm>>
    tpu.wait_dma2 semaphore(%arg12 : memref<!tpu.dma_semaphore, #tpu.memory_space<semaphore_mem>>) src(%dma_wait3A_187 : memref<256xi32, #tpu.memory_space<hbm>>) dst(%arg5 : memref<256xi32, #tpu.memory_space<vmem>>)
    %add3A_188 = arith.constant 25088 : i32
    %add3A_189 = arith.addi %mul3A_2, %add3A_188 : i32
    %max3A = arith.constant 0 : i32
    %max3A_190 = arith.maxsi %add3A_189, %max3A : i32
    %jit3A_191 = arith.constant 4096 : i32
    %div3A_192 = arith.divsi %max3A_190, %jit3A_191 : i32
    %sign3A_193 = arith.constant 0 : i32
    %sign3A_194 = arith.cmpi sgt, %max3A_190, %sign3A_193 : i32
    %sign3A_195 = arith.extui %sign3A_194 : i1 to i32
    %sign3A_196 = arith.constant 0 : i32
    %sign3A_197 = arith.cmpi slt, %max3A_190, %sign3A_196 : i32
    %sign3A_198 = arith.extui %sign3A_197 : i1 to i32
    %sign3A_199 = arith.subi %sign3A_195, %sign3A_198 : i32
    %sign3A_200 = arith.constant 0 : i32
    %sign3A_201 = arith.cmpi sgt, %jit3A_191, %sign3A_200 : i32
    %sign3A_202 = arith.extui %sign3A_201 : i1 to i32
    %sign3A_203 = arith.constant 0 : i32
    %sign3A_204 = arith.cmpi slt, %jit3A_191, %sign3A_203 : i32
    %sign3A_205 = arith.extui %sign3A_204 : i1 to i32
    %sign3A_206 = arith.subi %sign3A_202, %sign3A_205 : i32
    %ne3A_207 = arith.cmpi ne, %sign3A_199, %sign3A_206 : i32
    %rem3A_208 = arith.remsi %max3A_190, %jit3A_191 : i32
    %ne3A_209 = arith.constant 0 : i32
    %ne3A_210 = arith.cmpi ne, %rem3A_208, %ne3A_209 : i32
    %and3A_211 = arith.andi %ne3A_207, %ne3A_210 : i1
    %sub3A_212 = arith.constant 1 : i32
    %sub3A_213 = arith.subi %div3A_192, %sub3A_212 : i32
    %select_n3A_214 = arith.select %and3A_211, %sub3A_213, %div3A_192 : i32
    %jit3A_215 = arith.constant 4096 : i32
    %eq3A_216 = arith.constant 0 : i32
    %eq3A_217 = arith.cmpi eq, %jit3A_215, %eq3A_216 : i32
    %jit3A_218 = arith.constant 1 : i32
    %select_n3A_219 = arith.select %eq3A_217, %jit3A_218, %jit3A_215 : i32
    %rem3A_220 = arith.remsi %max3A_190, %select_n3A_219 : i32
    %ne3A_221 = arith.constant 0 : i32
    %ne3A_222 = arith.cmpi ne, %rem3A_220, %ne3A_221 : i32
    %lt3A_223 = arith.constant 0 : i32
    %lt3A_224 = arith.cmpi slt, %rem3A_220, %lt3A_223 : i32
    %lt3A_225 = arith.constant 0 : i32
    %lt3A_226 = arith.cmpi slt, %select_n3A_219, %lt3A_225 : i32
    %ne3A_227 = arith.xori %lt3A_224, %lt3A_226 : i1
    %and3A_228 = arith.andi %ne3A_227, %ne3A_222 : i1
    %add3A_229 = arith.addi %rem3A_220, %select_n3A_219 : i32
    %select_n3A_230 = arith.select %and3A_228, %add3A_229, %rem3A_220 : i32
    %jit3A_231 = arith.constant 128 : i32
    %div3A_232 = arith.divsi %select_n3A_230, %jit3A_231 : i32
    %sign3A_233 = arith.constant 0 : i32
    %sign3A_234 = arith.cmpi sgt, %select_n3A_230, %sign3A_233 : i32
    %sign3A_235 = arith.extui %sign3A_234 : i1 to i32
    %sign3A_236 = arith.constant 0 : i32
    %sign3A_237 = arith.cmpi slt, %select_n3A_230, %sign3A_236 : i32
    %sign3A_238 = arith.extui %sign3A_237 : i1 to i32
    %sign3A_239 = arith.subi %sign3A_235, %sign3A_238 : i32
    %sign3A_240 = arith.constant 0 : i32
    %sign3A_241 = arith.cmpi sgt, %jit3A_231, %sign3A_240 : i32
    %sign3A_242 = arith.extui %sign3A_241 : i1 to i32
    %sign3A_243 = arith.constant 0 : i32
    %sign3A_244 = arith.cmpi slt, %jit3A_231, %sign3A_243 : i32
    %sign3A_245 = arith.extui %sign3A_244 : i1 to i32
    %sign3A_246 = arith.subi %sign3A_242, %sign3A_245 : i32
    %ne3A_247 = arith.cmpi ne, %sign3A_239, %sign3A_246 : i32
    %rem3A_248 = arith.remsi %select_n3A_230, %jit3A_231 : i32
    %ne3A_249 = arith.constant 0 : i32
    %ne3A_250 = arith.cmpi ne, %rem3A_248, %ne3A_249 : i32
    %and3A_251 = arith.andi %ne3A_247, %ne3A_250 : i1
    %sub3A_252 = arith.constant 1 : i32
    %sub3A_253 = arith.subi %div3A_232, %sub3A_252 : i32
    %select_n3A_254 = arith.select %and3A_251, %sub3A_253, %div3A_232 : i32
    %dma_wait3A_255 = arith.constant 0 : i32
    %dma_wait3A_256 = arith.constant 0 : i32
    %dma_wait3A_257 = arith.constant 0 : i32
    %dma_wait3A_258 = arith.constant 0 : i32
    %dma_wait3A_259 = tpu.memref_slice %arg9[%dma_wait3A_255, %dma_wait3A_256, %dma_wait3A_257, %dma_wait3A_258] : memref<8x3x8x129xf32, #tpu.memory_space<vmem>> -> memref<8x2x8x128xf32, #tpu.memory_space<vmem>>
    %dma_wait3A_260 = arith.constant 0 : i32
    %dma_wait3A_261 = arith.constant 0 : i32
    %dma_wait3A_262 = arith.constant 0 : i32
    %dma_wait3A_263 = tpu.memref_slice %arg4[%select_n3A_214, %dma_wait3A_260, %select_n3A_254, %dma_wait3A_261, %dma_wait3A_262] : memref<200x8x32x8x128xf32, #tpu.memory_space<hbm>> -> memref<1x8x2x8x128xf32, #tpu.memory_space<hbm>>
    %dma_wait3A_264 = tpu.memref_squeeze %dma_wait3A_263 : memref<1x8x2x8x128xf32, #tpu.memory_space<hbm>> -> memref<8x2x8x128xf32, #tpu.memory_space<hbm>>
    %dma_wait3A_265 = arith.constant 0 : i32
    %dma_wait3A_266 = arith.constant 0 : i32
    %dma_wait3A_267 = arith.constant 0 : i32
    %dma_wait3A_268 = tpu.memref_slice %arg4[%select_n3A_214, %dma_wait3A_265, %select_n3A_254, %dma_wait3A_266, %dma_wait3A_267] : memref<200x8x32x8x128xf32, #tpu.memory_space<hbm>> -> memref<1x8x2x8x128xf32, #tpu.memory_space<hbm>>
    %dma_wait3A_269 = tpu.memref_squeeze %dma_wait3A_268 : memref<1x8x2x8x128xf32, #tpu.memory_space<hbm>> -> memref<8x2x8x128xf32, #tpu.memory_space<hbm>>
    %dma_wait3A_270 = arith.constant 0 : i32
    %dma_wait3A_271 = arith.constant 0 : i32
    %dma_wait3A_272 = arith.constant 0 : i32
    %dma_wait3A_273 = arith.constant 0 : i32
    %dma_wait3A_274 = tpu.memref_slice %arg9[%dma_wait3A_270, %dma_wait3A_271, %dma_wait3A_272, %dma_wait3A_273] : memref<8x3x8x129xf32, #tpu.memory_space<vmem>> -> memref<8x2x8x128xf32, #tpu.memory_space<vmem>>
    tpu.wait_dma2 semaphore(%arg16 : memref<!tpu.dma_semaphore, #tpu.memory_space<semaphore_mem>>) src(%dma_wait3A_274 : memref<8x2x8x128xf32, #tpu.memory_space<vmem>>) dst(%dma_wait3A_269 : memref<8x2x8x128xf32, #tpu.memory_space<hbm>>)
    %min3A_275 = arith.constant 818944 : i32
    %min3A_276 = arith.constant 818944 : i32
    %min3A_277 = arith.minsi %min3A_275, %min3A_276 : i32
    %dma_wait3A_278 = tpu.memref_slice %arg2[%min3A_277] : memref<819200xi32, #tpu.memory_space<hbm>> -> memref<256xi32, #tpu.memory_space<hbm>>
    %dma_wait3A_279 = tpu.memref_slice %arg2[%min3A_277] : memref<819200xi32, #tpu.memory_space<hbm>> -> memref<256xi32, #tpu.memory_space<hbm>>
    tpu.wait_dma2 semaphore(%arg13 : memref<!tpu.dma_semaphore, #tpu.memory_space<semaphore_mem>>) src(%dma_wait3A_279 : memref<256xi32, #tpu.memory_space<hbm>>) dst(%arg6 : memref<256xi32, #tpu.memory_space<vmem>>)
    %add3A_280 = arith.constant 25344 : i32
    %add3A_281 = arith.addi %mul3A_2, %add3A_280 : i32
    %max3A_282 = arith.constant 0 : i32
    %max3A_283 = arith.maxsi %add3A_281, %max3A_282 : i32
    %jit3A_284 = arith.constant 4096 : i32
    %div3A_285 = arith.divsi %max3A_283, %jit3A_284 : i32
    %sign3A_286 = arith.constant 0 : i32
    %sign3A_287 = arith.cmpi sgt, %max3A_283, %sign3A_286 : i32
    %sign3A_288 = arith.extui %sign3A_287 : i1 to i32
    %sign3A_289 = arith.constant 0 : i32
    %sign3A_290 = arith.cmpi slt, %max3A_283, %sign3A_289 : i32
    %sign3A_291 = arith.extui %sign3A_290 : i1 to i32
    %sign3A_292 = arith.subi %sign3A_288, %sign3A_291 : i32
    %sign3A_293 = arith.constant 0 : i32
    %sign3A_294 = arith.cmpi sgt, %jit3A_284, %sign3A_293 : i32
    %sign3A_295 = arith.extui %sign3A_294 : i1 to i32
    %sign3A_296 = arith.constant 0 : i32
    %sign3A_297 = arith.cmpi slt, %jit3A_284, %sign3A_296 : i32
    %sign3A_298 = arith.extui %sign3A_297 : i1 to i32
    %sign3A_299 = arith.subi %sign3A_295, %sign3A_298 : i32
    %ne3A_300 = arith.cmpi ne, %sign3A_292, %sign3A_299 : i32
    %rem3A_301 = arith.remsi %max3A_283, %jit3A_284 : i32
    %ne3A_302 = arith.constant 0 : i32
    %ne3A_303 = arith.cmpi ne, %rem3A_301, %ne3A_302 : i32
    %and3A_304 = arith.andi %ne3A_300, %ne3A_303 : i1
    %sub3A_305 = arith.constant 1 : i32
    %sub3A_306 = arith.subi %div3A_285, %sub3A_305 : i32
    %select_n3A_307 = arith.select %and3A_304, %sub3A_306, %div3A_285 : i32
    %jit3A_308 = arith.constant 4096 : i32
    %eq3A_309 = arith.constant 0 : i32
    %eq3A_310 = arith.cmpi eq, %jit3A_308, %eq3A_309 : i32
    %jit3A_311 = arith.constant 1 : i32
    %select_n3A_312 = arith.select %eq3A_310, %jit3A_311, %jit3A_308 : i32
    %rem3A_313 = arith.remsi %max3A_283, %select_n3A_312 : i32
    %ne3A_314 = arith.constant 0 : i32
    %ne3A_315 = arith.cmpi ne, %rem3A_313, %ne3A_314 : i32
    %lt3A_316 = arith.constant 0 : i32
    %lt3A_317 = arith.cmpi slt, %rem3A_313, %lt3A_316 : i32
    %lt3A_318 = arith.constant 0 : i32
    %lt3A_319 = arith.cmpi slt, %select_n3A_312, %lt3A_318 : i32
    %ne3A_320 = arith.xori %lt3A_317, %lt3A_319 : i1
    %and3A_321 = arith.andi %ne3A_320, %ne3A_315 : i1
    %add3A_322 = arith.addi %rem3A_313, %select_n3A_312 : i32
    %select_n3A_323 = arith.select %and3A_321, %add3A_322, %rem3A_313 : i32
    %jit3A_324 = arith.constant 128 : i32
    %div3A_325 = arith.divsi %select_n3A_323, %jit3A_324 : i32
    %sign3A_326 = arith.constant 0 : i32
    %sign3A_327 = arith.cmpi sgt, %select_n3A_323, %sign3A_326 : i32
    %sign3A_328 = arith.extui %sign3A_327 : i1 to i32
    %sign3A_329 = arith.constant 0 : i32
    %sign3A_330 = arith.cmpi slt, %select_n3A_323, %sign3A_329 : i32
    %sign3A_331 = arith.extui %sign3A_330 : i1 to i32
    %sign3A_332 = arith.subi %sign3A_328, %sign3A_331 : i32
    %sign3A_333 = arith.constant 0 : i32
    %sign3A_334 = arith.cmpi sgt, %jit3A_324, %sign3A_333 : i32
    %sign3A_335 = arith.extui %sign3A_334 : i1 to i32
    %sign3A_336 = arith.constant 0 : i32
    %sign3A_337 = arith.cmpi slt, %jit3A_324, %sign3A_336 : i32
    %sign3A_338 = arith.extui %sign3A_337 : i1 to i32
    %sign3A_339 = arith.subi %sign3A_335, %sign3A_338 : i32
    %ne3A_340 = arith.cmpi ne, %sign3A_332, %sign3A_339 : i32
    %rem3A_341 = arith.remsi %select_n3A_323, %jit3A_324 : i32
    %ne3A_342 = arith.constant 0 : i32
    %ne3A_343 = arith.cmpi ne, %rem3A_341, %ne3A_342 : i32
    %and3A_344 = arith.andi %ne3A_340, %ne3A_343 : i1
    %sub3A_345 = arith.constant 1 : i32
    %sub3A_346 = arith.subi %div3A_325, %sub3A_345 : i32
    %select_n3A_347 = arith.select %and3A_344, %sub3A_346, %div3A_325 : i32
    %dma_wait3A_348 = arith.constant 0 : i32
    %dma_wait3A_349 = arith.constant 0 : i32
    %dma_wait3A_350 = arith.constant 0 : i32
    %dma_wait3A_351 = arith.constant 0 : i32
    %dma_wait3A_352 = tpu.memref_slice %arg10[%dma_wait3A_348, %dma_wait3A_349, %dma_wait3A_350, %dma_wait3A_351] : memref<8x3x8x129xf32, #tpu.memory_space<vmem>> -> memref<8x2x8x128xf32, #tpu.memory_space<vmem>>
    %dma_wait3A_353 = arith.constant 0 : i32
    %dma_wait3A_354 = arith.constant 0 : i32
    %dma_wait3A_355 = arith.constant 0 : i32
    %dma_wait3A_356 = tpu.memref_slice %arg4[%select_n3A_307, %dma_wait3A_353, %select_n3A_347, %dma_wait3A_354, %dma_wait3A_355] : memref<200x8x32x8x128xf32, #tpu.memory_space<hbm>> -> memref<1x8x2x8x128xf32, #tpu.memory_space<hbm>>
    %dma_wait3A_357 = tpu.memref_squeeze %dma_wait3A_356 : memref<1x8x2x8x128xf32, #tpu.memory_space<hbm>> -> memref<8x2x8x128xf32, #tpu.memory_space<hbm>>
    %dma_wait3A_358 = arith.constant 0 : i32
    %dma_wait3A_359 = arith.constant 0 : i32
    %dma_wait3A_360 = arith.constant 0 : i32
    %dma_wait3A_361 = tpu.memref_slice %arg4[%select_n3A_307, %dma_wait3A_358, %select_n3A_347, %dma_wait3A_359, %dma_wait3A_360] : memref<200x8x32x8x128xf32, #tpu.memory_space<hbm>> -> memref<1x8x2x8x128xf32, #tpu.memory_space<hbm>>
    %dma_wait3A_362 = tpu.memref_squeeze %dma_wait3A_361 : memref<1x8x2x8x128xf32, #tpu.memory_space<hbm>> -> memref<8x2x8x128xf32, #tpu.memory_space<hbm>>
    %dma_wait3A_363 = arith.constant 0 : i32
    %dma_wait3A_364 = arith.constant 0 : i32
    %dma_wait3A_365 = arith.constant 0 : i32
    %dma_wait3A_366 = arith.constant 0 : i32
    %dma_wait3A_367 = tpu.memref_slice %arg10[%dma_wait3A_363, %dma_wait3A_364, %dma_wait3A_365, %dma_wait3A_366] : memref<8x3x8x129xf32, #tpu.memory_space<vmem>> -> memref<8x2x8x128xf32, #tpu.memory_space<vmem>>
    tpu.wait_dma2 semaphore(%arg17 : memref<!tpu.dma_semaphore, #tpu.memory_space<semaphore_mem>>) src(%dma_wait3A_367 : memref<8x2x8x128xf32, #tpu.memory_space<vmem>>) dst(%dma_wait3A_362 : memref<8x2x8x128xf32, #tpu.memory_space<hbm>>)
    return
  }
}

</mosaic_0001>

<sc_bundles>
// kernel: kernel.4.cloned.1.call-start
scs
__scs_entry_jumppad:
0x0: {  	(pc) =	sbr.rel $0x88, $3  }
0x1: {  	(tag) =	ssettag $0x0;
	lr =	simm.s32 $0x1  }
0x2: {  	[smem:$0x3F9F] =	sst lr;
	_ =	strace $0xD0000000  }
0x3: {  	_ = 	snop  }
0x4: {  	_ = 	snop  }
0x5: {  	_ = 	snop  }
0x6: {  	_ = 	snop  }
0x7: {  	_ = 	snop  }
__scs_overlays_trampoline_lowered:
0x8: {  	[smem:$0x3FAE] =	sst s0  }
0x9: {  	[smem:$0x3FAF] =	sst s1  }
0xa: {  	[smem:$0x3FB0] =	sst s2  }
0xb: {  	[smem:$0x3FB1] =	sst s3  }
0xc: {  	[smem:$0x3FB2] =	sst s4  }
0xd: {  	[smem:$0x3FB3] =	sst s5  }
0xe: {  	[smem:$0x3FB4] =	sst s6  }
0xf: {  	[smem:$0x3FB5] =	sst s7  }
0x10: {  	[smem:$0x3FB6] =	sst s8  }
0x11: {  	[smem:$0x3FB7] =	sst s9;
	s0 =	simm.s32 @!p0 $0x0  }
0x12: {  	s1 =	sld [smem:$0x3F9D];
	s0 =	simm.s32 @p0 $0x1  }
0x13: {  	[smem:$0x3FB8] =	sst s0;
	s0 =	simm.s32 @!p1 $0x0  }
0x14: {  	s2 =	sld [smem:$0x3F9C];
	s0 =	simm.s32 @p1 $0x1  }
0x15: {  	[smem:$0x3FB9] =	sst s0;
	s0 =	simm.s32 @!p2 $0x0  }
0x16: {  	s3 =	sld [smem:$0x3FDB];
	s0 =	simm.s32 @p2 $0x1  }
0x17: {  	s4 =	simm.s32 $0x1BF5;
	[smem:$0x3FBB] =	sst s0  }
0x18: {  	s0 =	sld [smem:$0x3F9E];
	_ =	swait.ge [sflag:s4], $0x0  }
0x19: {  	s7 =	sld [smem:$0x3F9F]  }
0x1a: {  	s8 =	sadd.s32 $0xFFFFE003, lr  }
0x1b: {  	s9 =	sadd.s32 $0xFFFFFEF7, lr;
	s5 =	simm.s32 $0xFFFFFFFF;
	p2 =	slt.u32 s8, $0xFFFFF086  }
0x1c: {  	p1 =	slt.u32 s9, $0xF7A;
	s5 =	simm.s32 @!p2 $0x0  }
0x1d: {  	s5 =	simm.s32 @p1 $0x1;
	p0 =	seq.s32 s7, s2  }
0x1e: {  	s7 =	smul.u32 @!p0 $0xF7A, s2;
	p2 =	seq.s32 @!p0 s5, $0x0  }
0x1f: {  	s9 =	smul.u32 $0xF7A, s1;
	s8 =	simm.s32 @!p0 $0x1BF5;
	p2 =	por !p2, p0  }
0x20: {  	[sflag:s8] =	ssyncset.s32 @!p0 $0xFFFFF086;
	s6 =	sadd.s32 @!p0 s3, s7;
	s7 =	simm.s32 @!p0 $0x108  }
0x21: {  	s3 =	sadd.s32 s3, s9;
	s6 =	sadd.s32 @!p0 $0x88, s6;
	s7 =	simm.s32 @p2 $0x1082  }
0x22: {  	[simem:s7], [sflag:s8] =	dma.local @!p0 [hbm:s6], $0xF7A  }
0x23: {  	s9 =	sor.u32 $0xD0000000, s2;
	s6 =	simm.s32 $0x108;
	_ =	swait.ge @!p0 [sflag:s8], $0x0  }
0x24: {  	s3 =	sadd.s32 $0x88, s3;
	s6 =	simm.s32 @!p1 $0x1082;
	[sflag:s4] =	ssyncset.s32 $0xFFFFF086  }
0x25: {  	[simem:s6], [sflag:s4] =	dma.local [hbm:s3], $0xF7A  }
0x26: {  	[smem:$0x3F9F] =	sst s1;
	(tag) =	ssettag s2;
	_ =	strace s9  }
0x27: {  	s1 =	sld [smem:$0x3FAF]  }
0x28: {  	s2 =	sld [smem:$0x3FB0]  }
0x29: {  	s4 =	sld [smem:$0x3FB2]  }
0x2a: {  	p0 =	seq.s32 s5, $0x0;
	s5 =	sld [smem:$0x3FB3]  }
0x2b: {  	s6 =	sld [smem:$0x3FB4]  }
0x2c: {  	s7 =	sld [smem:$0x3FB5]  }
0x2d: {  	s3 =	simm.s32 $0x108;
	s8 =	sld [smem:$0x3FB6]  }
0x2e: {  	s3 =	simm.s32 @!p0 $0x1082;
	s9 =	sld [smem:$0x3FB7]  }
0x2f: {  	lr =	sadd.s32 s0, s3;
	s0 =	sld [smem:$0x3FAE]  }
0x30: {  	s3 =	sld [smem:$0x3FB1]  }
0x31: {  	[smem:$0x3FBA] =	sst s10  }
0x32: {  	s10 =	sld [smem:$0x3FB8];
	_ =	sdelay $0x3  }
0x33: {  	p0 =	seq.s32 s10, $0x1;
	s10 =	sld [smem:$0x3FBA];
	_ =	sdelay $0x3  }
0x34: {  	[smem:$0x3FBA] =	sst s10  }
0x35: {  	s10 =	sld [smem:$0x3FB9];
	_ =	sdelay $0x3  }
0x36: {  	p1 =	seq.s32 s10, $0x1;
	s10 =	sld [smem:$0x3FBA];
	_ =	sdelay $0x3  }
0x37: {  	[smem:$0x3FBA] =	sst s10  }
0x38: {  	s10 =	sld [smem:$0x3FBB]  }
0x39: {  	_ = 	snop;
	(pc) =	sbr.ind lr, $3  }
0x3a: {  	_ = 	snop  }
0x3b: {  	_ = 	snop  }
0x3c: {  	p2 =	seq.s32 s10, $0x1;
	s10 =	sld [smem:$0x3FBA]  }
0x3d: {  	_ =	shalt  }
0x3e: {  	_ =	shalt  }
0x3f: {  	_ =	shalt  }
0x40: {  	_ =	shalt  }
0x41: {  	_ =	shalt  }
0x42: {  	_ =	shalt  }
0x43: {  	_ =	shalt  }
0x44: {  	_ =	shalt  }
0x45: {  	_ =	shalt  }
0x46: {  	_ =	shalt  }
0x47: {  	_ =	shalt  }
0x48: {  	_ =	shalt  }
0x49: {  	_ =	shalt  }
0x4a: {  	_ =	shalt  }
0x4b: {  	_ =	shalt  }
0x4c: {  	_ =	shalt  }
0x4d: {  	_ =	shalt  }
0x4e: {  	_ =	shalt  }
0x4f: {  	_ =	shalt  }
0x50: {  	_ =	shalt  }
0x51: {  	_ =	shalt  }
0x52: {  	_ =	shalt  }
0x53: {  	_ =	shalt  }
0x54: {  	_ =	shalt  }
0x55: {  	_ =	shalt  }
0x56: {  	_ =	shalt  }
0x57: {  	_ =	shalt  }
0x58: {  	_ =	shalt  }
0x59: {  	_ =	shalt  }
0x5a: {  	_ =	shalt  }
0x5b: {  	_ =	shalt  }
0x5c: {  	_ =	shalt  }
0x5d: {  	_ =	shalt  }
0x5e: {  	_ =	shalt  }
0x5f: {  	_ =	shalt  }
0x60: {  	_ =	shalt  }
0x61: {  	_ =	shalt  }
0x62: {  	_ =	shalt  }
0x63: {  	_ =	shalt  }
0x64: {  	_ =	shalt  }
0x65: {  	_ =	shalt  }
0x66: {  	_ =	shalt  }
0x67: {  	_ =	shalt  }
0x68: {  	_ =	shalt  }
0x69: {  	_ =	shalt  }
0x6a: {  	_ =	shalt  }
0x6b: {  	_ =	shalt  }
0x6c: {  	_ =	shalt  }
0x6d: {  	_ =	shalt  }
0x6e: {  	_ =	shalt  }
0x6f: {  	_ =	shalt  }
0x70: {  	_ =	shalt  }
0x71: {  	_ =	shalt  }
0x72: {  	_ =	shalt  }
0x73: {  	_ =	shalt  }
0x74: {  	_ =	shalt  }
0x75: {  	_ =	shalt  }
0x76: {  	_ =	shalt  }
0x77: {  	_ =	shalt  }
0x78: {  	_ =	shalt  }
0x79: {  	_ =	shalt  }
0x7a: {  	_ =	shalt  }
0x7b: {  	_ =	shalt  }
0x7c: {  	_ =	shalt  }
0x7d: {  	_ =	shalt  }
0x7e: {  	_ =	shalt  }
0x7f: {  	_ =	shalt  }
0x80: {  	_ =	shalt  }
0x81: {  	_ =	shalt  }
0x82: {  	_ =	shalt  }
0x83: {  	_ =	shalt  }
0x84: {  	_ =	shalt  }
0x85: {  	_ =	shalt  }
0x86: {  	_ =	shalt  }
0x87: {  	_ =	shalt  }
.Lfunc_end0:
.L_simem_size_0:
called_computation_lowered:
.L_overlay_start_0:
0x88: {  	s2 =	sld [smem:$0x3FD9]  }
0x89: {  	s3 =	sld [smem:$0x3FFE];
	_ =	sdelay $0x1  }
0x8a: {  	s1 =	srdreg.scid  }
0x8b: {  	s0 =	sand.u32 $0x1, s1  }
0x8c: {  	s17 =	sshll.u32 s0, $0xA;
	s2 =	sadd.s32 s3, s2  }
0x8d: {  	s2 =	sadd.s32 s2, s17  }
0x8e: {  	[smem:$0x3FC6] =	sst s2  }
0x8f: {  	_ = 	snop  }
0x90: {  	s2 =	sld [smem:$0x3FC9];
	(tm) =	ssettm $0x1  }
0x91: {  	s18 =	sld [smem:$0x3FFB];
	_ =	sdelay $0x3  }
0x92: {  	_ =	strace s18  }
0x93: {  	s3 =	sld [smem:$0x3FFC];
	_ =	sdelay $0x3  }
0x94: {  	_ =	strace s3  }
0x95: {  	s3 =	sld [smem:$0x3FFD];
	_ =	sdelay $0x3  }
0x96: {  	_ =	strace s3  }
0x97: {  	_ =	strace $0x8FFFFFFF  }
0x98: {  	s19 =	sld [smem:$0x3FDB];
	_ =	sdelay $0x1  }
0x99: {  	s4 =	simm.s32 $_scs_section_size  }
0x9a: {  	s5 =	simm.s32 $_size__tile_overlayer_lowered;
	s6 =	simm.s32 $_tile_overlayer_lowered  }
0x9b: {  	s22 =	simm.s32 $0x1BFF;
	s21 =	sshll.u32 s6, $0x1;
	s3 =	sadd.s32 s4, s19  }
0x9c: {  	s7 =	simm.s32 $0x0;
	s20 =	sshll.u32 s5, $0x1;
	s5 =	sadd.s32 s21, s3  }
0x9d: {  	[timem:s7], [sflag:s22] =	dma.local [hbm:s5], s20  }
0x9e: {  	_ =	swait.ge [sflag:s22], s20  }
0x9f: {  	s4 =	ssub.s32 $0x0, s20;
	[sflag:s22] =	ssyncset.done $0x0  }
0xa0: {  	[sflag:s22] =	ssyncadd.s32 s4;
	_ =	sdelay $0x1  }
0xa1: {  	s23 =	simm.s32 $0x1B8B  }
0xa2: {  	_ =	swait.ge [sflag:s23], $0x1  }
0xa3: {  	[sflag:s23] =	ssyncset.done $0x0  }
0xa4: {  	s25 =	simm.s32 $0x1B8E;
	s24 =	sld [smem:$0x3FFE];
	[sflag:s23] =	ssyncadd.s32 $0xFFFFFFFF  }
0xa5: {  	s26 =	simm.s32 $execute0_lowered;
	[smem:$0x3FD2] =	sst s25  }
0xa6: {  	s5 =	sshll.u32 s26, $0x1;
	_ =	strace $0x80000046;
	[dreg:$0x1] =	wrdreg $0xFFFFFFFF  }
0xa7: {  	s28 =	simm.s32 $_size_execute0_lowered;
	s3 =	sadd.s32 s3, s5;
	[dreg:$0x0] =	wrdreg $0x0  }
0xa8: {  	s5 =	sshll.u32 s28, $0x1;
	[dreg:$0x2] =	wrdreg s3  }
0xa9: {  	[dreg:$0x3] =	wrdreg s5  }
0xaa: {  	[dreg:$0x4] =	wrdreg $0xC0  }
0xab: {  	_ =	task [dreg:s7], $0x5FFFF  }
0xac: {  	[dreg:$0x1] =	wrdreg $0xFFFFFFFF  }
0xad: {  	[dreg:$0x0] =	wrdreg $0x60  }
0xae: {  	[dreg:$0x2] =	wrdreg s2  }
0xaf: {  	[dreg:$0x3] =	wrdreg s24  }
0xb0: {  	[dreg:$0x4] =	wrdreg $0x9  }
0xb1: {  	_ =	task.clear_ibuf [dreg:s7], $0x5FFFF;
	_ =	strace $0x90000046  }
0xb2: {  	s29 =	simm.s32 $0x9;
	_ =	strace $0x80000048  }
0xb3: {  	_ =	swait.ge [sflag:s29], $0x1  }
0xb4: {  	[sflag:s29] =	ssyncadd.s32 $0xFFFFFFFF  }
0xb5: {  	_ =	strace $0x90000048  }
0xb6: {  	_ =	sfence  }
0xb7: {  	s30 =	sld [smem:$0x0];
	_ =	sdelay $0x2  }
0xb8: {  	s31 =	sshll.u32 s1, $0xD;
	s1 =	sshrl.u32 s1, $0x2  }
0xb9: {  	s3 =	sand.u32 $0x4000, s31;
	s1 =	sadd.s32 s1, s30  }
0xba: {  	s0 =	sor.u32 s3, s0;
	s1 =	sshll.u32 s1, $0x11  }
0xbb: {  	s0 =	sor.u32 s1, s0  }
0xbc: {  	s0 =	sadd.s32 $0x8F2B, s0  }
0xbd: {  	[sflag:s0] =	ssyncadd.remote.s32 $0x1  }
0xbe: {  	_ =	sfence.sel $0xFFFF  }
0xbf: {  	[dreg:$0x0] =	wrdreg $0xFFFFFFFF;
	(pc) =	sbr.abs _section_cstart, $3  }
0xc0: {  	[dreg:$0x1] =	wrdreg $0xFFFFFFFF  }
0xc1: {  	_ =	task.clear_ibuf [dreg:s7], $0x2FFFF;
	_ =	strace $0x9FFFFFFF  }
0xc2: {  	(tm) =	ssettm $0x7FFFFFFF  }
0xc3: {  	_ =	shalt  }
tec
execute0_lowered:
.L_overlay_start_1:
0x0: {  	(tag) =	ssettag $0x1  }
0x1: {  	s0 =	rddreg [dreg:$0x0];
	s1 =	srdreg.scid  }
0x2: {  	s12 =	rddreg [dreg:$0x1];
	s25 =	stileid.u32;
	s2 =	simm.s32 $0x0  }
0x3: {  	s4 =	simm.s32 $0x1;
	s28 =	simm.s32 $0x2;
	s29 =	simm.s32 $0x3B80  }
0x4: {  	s30 =	simm.s32 $0x3F80;
	s1 =	sand.u32 $0x1, s1;
	[smem:$0x7FF] =	sst s2  }
0x5: {  	s13 =	sadd.s32 $0x800, s12;
	s15 =	sadd.s32 $0xA00, s12;
	s16 =	sadd.s32 $0xC00, s12  }
0x6: {  	s17 =	sadd.s32 $0xE00, s12;
	s18 =	sadd.s32 $0x1000, s12;
	s19 =	sadd.s32 $0x1200, s12  }
0x7: {  	s20 =	sadd.s32 $0x1400, s12;
	s21 =	sor.u32 $0x10, s25;
	s3 =	sor.u32 s1, s25  }
0x8: {  	p1 =	seq.s32 s1, $0x1;
	s23 =	ssub.s32 $0x2, s1;
	_ =	strace $0x80000047  }
0x9: {  	s1 =	sshll.u32 s1, $0xB;
	p0 =	seq.s32 s3, $0x0;
	s5 =	sshrl.u32 s23, $0x1  }
0xa: {  	s3 =	simm.s32 $0x1;
	s0 =	sadd.s32 s0, s1;
	p0 =	por !p0, !p1  }
0xb: {  	s22 =	ssub.s32 s23, s5;
	s23 =	sshll.u32 s21, $0xF;
	p0 =	por !p0, !p0  }
0xc: {  	s21 =	sshll.u32 s21, $0xC;
	s22 =	smax.u32 s22, $0x1;
	s4 =	simm.s32 @!p0 $0x0  }
0xd: {  	p0 =	sgt.u32 s25, $0x8;
	s24 =	ssub.s32 s25, s4;
	s25 =	simm.s32 $0x3380  }
0xe: {  	s4 =	sshll.u32 s24, $0xF;
	s26 =	sshll.u32 s24, $0xC;
	s24 =	sadd.s32 $0x1600, s12  }
0xf: {  	s5 =	sand.u32 $0x1FFFF000, s26;
	s4 =	sor.u32 s1, s4;
	s1 =	sor.u32 s1, s23  }
0x10: {  	s23 =	simm.s32 $0x2B80;
	s26 =	simm.s32 $0x3780;
	s14 =	sshrl.u32 s4, $0x3  }
0x11: {  	s4 =	sadd.s32 s5, s0;
	s0 =	sadd.s32 s21, s0;
	s31 =	sshrl.u32 s1, $0x3  }
0x12: {  	s1 =	simm.s32 $0x2380;
	s5 =	sadd.s32 s13, s14;
	s6 =	sadd.s32 s14, s15  }
0x13: {  	s7 =	sadd.s32 s14, s16;
	s8 =	sadd.s32 s14, s17;
	s9 =	sadd.s32 s14, s18  }
.Ltmp0:
0x14: {  	s10 =	sadd.s32 s14, s19;
	s11 =	sadd.s32 s14, s20;
	(pc) =	sbr.rel .LBB2_1-.Ltmp0, $4  }
0x15: {  	s12 =	sadd.s32 s14, s24;
	[dreg:$0x3] =	wrdreg s0;
	s14 =	sadd.s32 s13, s31  }
0x16: {  	s15 =	sadd.s32 s31, s15;
	s16 =	sadd.s32 s31, s16;
	s17 =	sadd.s32 s31, s17  }
0x17: {  	s18 =	sadd.s32 s31, s18;
	s19 =	sadd.s32 s31, s19;
	s20 =	sadd.s32 s31, s20  }
0x18: {  	s21 =	sadd.s32 s31, s24;
	s13 =	simm.s32 $0x2780;
	s24 =	simm.s32 $0x2F80  }
.LBB2_3:
0x19: {  	s22 =	sadd.s32 $0xFFFFFFFF, s22  }
0x1a: {  	p1 =	sne.s32 s22, $0x0  }
.Ltmp1:
0x1b: {  	_ = 	snop;
	(pc) =	sbr.rel @!p1 .LBB2_4-.Ltmp1, $1  }
0x1c: {  	_ =	sdelay $0x3  }
.LBB2_1:
0x1d: {  	[tilespmem:s2], [sflag:$0x1] =	stream.linear.gather [hbm4b:s4+s2], $0x4000, $0x38;
	[tilespmem:$0x4000] =	vst v63  }
0x1e: {  	_ =	swait.ge [sflag:s3], $0x4000  }
0x1f: {  	[sflag:s3] =	ssyncset.done $0x0  }
0x20: {  	[sflag:s3] =	ssyncadd.s32 $0xFFFFC000  }
0x21: {  	[hbm4b:s5+s2] =	stream.linear.scatter [tilespmem:s2], [sflag:$0x2], $0x80, $0x38;
	[tilespmem:$0x4000] =	vst v63  }
0x22: {  	s31 =	sadd.s32 $0x10, s5;
	s0 =	simm.s32 $0x400  }
0x23: {  	[hbm4b:s31+s2] =	stream.linear.scatter [tilespmem:s0], [sflag:$0x2], $0x80, $0x38;
	[tilespmem:$0x4000] =	vst v63  }
0x24: {  	s31 =	sadd.s32 $0x20, s5;
	s0 =	simm.s32 $0x800  }
0x25: {  	[hbm4b:s31+s2] =	stream.linear.scatter [tilespmem:s0], [sflag:$0x2], $0x80, $0x38;
	[tilespmem:$0x4000] =	vst v63  }
0x26: {  	s31 =	sadd.s32 $0x30, s5;
	s0 =	simm.s32 $0xC00  }
0x27: {  	[hbm4b:s31+s2] =	stream.linear.scatter [tilespmem:s0], [sflag:$0x2], $0x80, $0x38;
	[tilespmem:$0x4000] =	vst v63  }
0x28: {  	s31 =	sadd.s32 $0x40, s5;
	s0 =	simm.s32 $0x1000  }
0x29: {  	[hbm4b:s31+s2] =	stream.linear.scatter [tilespmem:s0], [sflag:$0x2], $0x80, $0x38;
	[tilespmem:$0x4000] =	vst v63  }
0x2a: {  	s31 =	sadd.s32 $0x50, s5;
	s0 =	simm.s32 $0x1400  }
0x2b: {  	[hbm4b:s31+s2] =	stream.linear.scatter [tilespmem:s0], [sflag:$0x2], $0x80, $0x38;
	[tilespmem:$0x4000] =	vst v63  }
0x2c: {  	s31 =	sadd.s32 $0x60, s5;
	s0 =	simm.s32 $0x1800  }
0x2d: {  	[hbm4b:s31+s2] =	stream.linear.scatter [tilespmem:s0], [sflag:$0x2], $0x80, $0x38;
	[tilespmem:$0x4000] =	vst v63  }
0x2e: {  	s31 =	sadd.s32 $0x70, s5;
	s0 =	simm.s32 $0x1C00  }
0x2f: {  	[hbm4b:s31+s2] =	stream.linear.scatter [tilespmem:s0], [sflag:$0x2], $0x80, $0x38;
	[tilespmem:$0x4000] =	vst v63  }
0x30: {  	s31 =	sadd.s32 $0x80, s5;
	s0 =	simm.s32 $0x2000  }
0x31: {  	[hbm4b:s31+s2] =	stream.linear.scatter [tilespmem:s0], [sflag:$0x2], $0x80, $0x38;
	[tilespmem:$0x4000] =	vst v63  }
0x32: {  	s31 =	sadd.s32 $0x90, s5;
	s0 =	simm.s32 $0x2400  }
0x33: {  	[hbm4b:s31+s2] =	stream.linear.scatter [tilespmem:s0], [sflag:$0x2], $0x80, $0x38;
	[tilespmem:$0x4000] =	vst v63  }
0x34: {  	s31 =	sadd.s32 $0xA0, s5;
	s0 =	simm.s32 $0x2800  }
0x35: {  	[hbm4b:s31+s2] =	stream.linear.scatter [tilespmem:s0], [sflag:$0x2], $0x80, $0x38;
	[tilespmem:$0x4000] =	vst v63  }
0x36: {  	s31 =	sadd.s32 $0xB0, s5;
	s0 =	simm.s32 $0x2C00  }
0x37: {  	[hbm4b:s31+s2] =	stream.linear.scatter [tilespmem:s0], [sflag:$0x2], $0x80, $0x38;
	[tilespmem:$0x4000] =	vst v63  }
0x38: {  	s31 =	sadd.s32 $0xC0, s5;
	s0 =	simm.s32 $0x3000  }
0x39: {  	[hbm4b:s31+s2] =	stream.linear.scatter [tilespmem:s0], [sflag:$0x2], $0x80, $0x38;
	[tilespmem:$0x4000] =	vst v63  }
0x3a: {  	s31 =	sadd.s32 $0xD0, s5;
	s0 =	simm.s32 $0x3400  }
0x3b: {  	[hbm4b:s31+s2] =	stream.linear.scatter [tilespmem:s0], [sflag:$0x2], $0x80, $0x38;
	[tilespmem:$0x4000] =	vst v63  }
0x3c: {  	s31 =	sadd.s32 $0xE0, s5;
	s0 =	simm.s32 $0x3800  }
0x3d: {  	[hbm4b:s31+s2] =	stream.linear.scatter [tilespmem:s0], [sflag:$0x2], $0x80, $0x38;
	[tilespmem:$0x4000] =	vst v63  }
0x3e: {  	s31 =	sadd.s32 $0xF0, s5;
	s0 =	simm.s32 $0x3C00  }
0x3f: {  	[hbm4b:s31+s2] =	stream.linear.scatter [tilespmem:s0], [sflag:$0x2], $0x80, $0x38;
	[tilespmem:$0x4000] =	vst v63  }
0x40: {  	_ =	swait.ge [sflag:s28], $0x800  }
0x41: {  	[sflag:s28] =	ssyncset.done $0x0  }
0x42: {  	s31 =	simm.s32 $0x80;
	[sflag:s28] =	ssyncadd.s32 $0xFFFFF800  }
0x43: {  	[hbm4b:s6+s2] =	stream.linear.scatter [tilespmem:s31], [sflag:$0x2], $0x80, $0x38;
	[tilespmem:$0x4000] =	vst v63  }
0x44: {  	s0 =	simm.s32 $0x480;
	s31 =	sadd.s32 $0x10, s6  }
0x45: {  	[hbm4b:s31+s2] =	stream.linear.scatter [tilespmem:s0], [sflag:$0x2], $0x80, $0x38;
	[tilespmem:$0x4000] =	vst v63  }
0x46: {  	s31 =	sadd.s32 $0x20, s6;
	s0 =	simm.s32 $0x880  }
0x47: {  	[hbm4b:s31+s2] =	stream.linear.scatter [tilespmem:s0], [sflag:$0x2], $0x80, $0x38;
	[tilespmem:$0x4000] =	vst v63  }
0x48: {  	s31 =	sadd.s32 $0x30, s6;
	s0 =	simm.s32 $0xC80  }
0x49: {  	[hbm4b:s31+s2] =	stream.linear.scatter [tilespmem:s0], [sflag:$0x2], $0x80, $0x38;
	[tilespmem:$0x4000] =	vst v63  }
0x4a: {  	s31 =	sadd.s32 $0x40, s6;
	s0 =	simm.s32 $0x1080  }
0x4b: {  	[hbm4b:s31+s2] =	stream.linear.scatter [tilespmem:s0], [sflag:$0x2], $0x80, $0x38;
	[tilespmem:$0x4000] =	vst v63  }
0x4c: {  	s31 =	sadd.s32 $0x50, s6;
	s0 =	simm.s32 $0x1480  }
0x4d: {  	[hbm4b:s31+s2] =	stream.linear.scatter [tilespmem:s0], [sflag:$0x2], $0x80, $0x38;
	[tilespmem:$0x4000] =	vst v63  }
0x4e: {  	s31 =	sadd.s32 $0x60, s6;
	s0 =	simm.s32 $0x1880  }
0x4f: {  	[hbm4b:s31+s2] =	stream.linear.scatter [tilespmem:s0], [sflag:$0x2], $0x80, $0x38;
	[tilespmem:$0x4000] =	vst v63  }
0x50: {  	s31 =	sadd.s32 $0x70, s6;
	s0 =	simm.s32 $0x1C80  }
0x51: {  	[hbm4b:s31+s2] =	stream.linear.scatter [tilespmem:s0], [sflag:$0x2], $0x80, $0x38;
	[tilespmem:$0x4000] =	vst v63  }
0x52: {  	s31 =	sadd.s32 $0x80, s6;
	s0 =	simm.s32 $0x2080  }
0x53: {  	[hbm4b:s31+s2] =	stream.linear.scatter [tilespmem:s0], [sflag:$0x2], $0x80, $0x38;
	[tilespmem:$0x4000] =	vst v63  }
0x54: {  	s31 =	sadd.s32 $0x90, s6;
	s0 =	simm.s32 $0x2480  }
0x55: {  	[hbm4b:s31+s2] =	stream.linear.scatter [tilespmem:s0], [sflag:$0x2], $0x80, $0x38;
	[tilespmem:$0x4000] =	vst v63  }
0x56: {  	s31 =	sadd.s32 $0xA0, s6;
	s0 =	simm.s32 $0x2880  }
0x57: {  	[hbm4b:s31+s2] =	stream.linear.scatter [tilespmem:s0], [sflag:$0x2], $0x80, $0x38;
	[tilespmem:$0x4000] =	vst v63  }
0x58: {  	s31 =	sadd.s32 $0xB0, s6;
	s0 =	simm.s32 $0x2C80  }
0x59: {  	[hbm4b:s31+s2] =	stream.linear.scatter [tilespmem:s0], [sflag:$0x2], $0x80, $0x38;
	[tilespmem:$0x4000] =	vst v63  }
0x5a: {  	s31 =	sadd.s32 $0xC0, s6;
	s0 =	simm.s32 $0x3080  }
0x5b: {  	[hbm4b:s31+s2] =	stream.linear.scatter [tilespmem:s0], [sflag:$0x2], $0x80, $0x38;
	[tilespmem:$0x4000] =	vst v63  }
0x5c: {  	s31 =	sadd.s32 $0xD0, s6;
	s0 =	simm.s32 $0x3480  }
0x5d: {  	[hbm4b:s31+s2] =	stream.linear.scatter [tilespmem:s0], [sflag:$0x2], $0x80, $0x38;
	[tilespmem:$0x4000] =	vst v63  }
0x5e: {  	s31 =	sadd.s32 $0xE0, s6;
	s0 =	simm.s32 $0x3880  }
0x5f: {  	[hbm4b:s31+s2] =	stream.linear.scatter [tilespmem:s0], [sflag:$0x2], $0x80, $0x38;
	[tilespmem:$0x4000] =	vst v63  }
0x60: {  	s31 =	sadd.s32 $0xF0, s6;
	s0 =	simm.s32 $0x3C80  }
0x61: {  	[hbm4b:s31+s2] =	stream.linear.scatter [tilespmem:s0], [sflag:$0x2], $0x80, $0x38;
	[tilespmem:$0x4000] =	vst v63  }
0x62: {  	_ =	swait.ge [sflag:s28], $0x800  }
0x63: {  	[sflag:s28] =	ssyncset.done $0x0  }
0x64: {  	s31 =	simm.s32 $0x100;
	[sflag:s28] =	ssyncadd.s32 $0xFFFFF800  }
0x65: {  	[hbm4b:s7+s2] =	stream.linear.scatter [tilespmem:s31], [sflag:$0x2], $0x80, $0x38;
	[tilespmem:$0x4000] =	vst v63  }
0x66: {  	s0 =	simm.s32 $0x500;
	s31 =	sadd.s32 $0x10, s7  }
0x67: {  	[hbm4b:s31+s2] =	stream.linear.scatter [tilespmem:s0], [sflag:$0x2], $0x80, $0x38;
	[tilespmem:$0x4000] =	vst v63  }
0x68: {  	s31 =	sadd.s32 $0x20, s7;
	s0 =	simm.s32 $0x900  }
0x69: {  	[hbm4b:s31+s2] =	stream.linear.scatter [tilespmem:s0], [sflag:$0x2], $0x80, $0x38;
	[tilespmem:$0x4000] =	vst v63  }
0x6a: {  	s31 =	sadd.s32 $0x30, s7;
	s0 =	simm.s32 $0xD00  }
0x6b: {  	[hbm4b:s31+s2] =	stream.linear.scatter [tilespmem:s0], [sflag:$0x2], $0x80, $0x38;
	[tilespmem:$0x4000] =	vst v63  }
0x6c: {  	s31 =	sadd.s32 $0x40, s7;
	s0 =	simm.s32 $0x1100  }
0x6d: {  	[hbm4b:s31+s2] =	stream.linear.scatter [tilespmem:s0], [sflag:$0x2], $0x80, $0x38;
	[tilespmem:$0x4000] =	vst v63  }
0x6e: {  	s31 =	sadd.s32 $0x50, s7;
	s0 =	simm.s32 $0x1500  }
0x6f: {  	[hbm4b:s31+s2] =	stream.linear.scatter [tilespmem:s0], [sflag:$0x2], $0x80, $0x38;
	[tilespmem:$0x4000] =	vst v63  }
0x70: {  	s31 =	sadd.s32 $0x60, s7;
	s0 =	simm.s32 $0x1900  }
0x71: {  	[hbm4b:s31+s2] =	stream.linear.scatter [tilespmem:s0], [sflag:$0x2], $0x80, $0x38;
	[tilespmem:$0x4000] =	vst v63  }
0x72: {  	s31 =	sadd.s32 $0x70, s7;
	s0 =	simm.s32 $0x1D00  }
0x73: {  	[hbm4b:s31+s2] =	stream.linear.scatter [tilespmem:s0], [sflag:$0x2], $0x80, $0x38;
	[tilespmem:$0x4000] =	vst v63  }
0x74: {  	s31 =	sadd.s32 $0x80, s7;
	s0 =	simm.s32 $0x2100  }
0x75: {  	[hbm4b:s31+s2] =	stream.linear.scatter [tilespmem:s0], [sflag:$0x2], $0x80, $0x38;
	[tilespmem:$0x4000] =	vst v63  }
0x76: {  	s31 =	sadd.s32 $0x90, s7;
	s0 =	simm.s32 $0x2500  }
0x77: {  	[hbm4b:s31+s2] =	stream.linear.scatter [tilespmem:s0], [sflag:$0x2], $0x80, $0x38;
	[tilespmem:$0x4000] =	vst v63  }
0x78: {  	s31 =	sadd.s32 $0xA0, s7;
	s0 =	simm.s32 $0x2900  }
0x79: {  	[hbm4b:s31+s2] =	stream.linear.scatter [tilespmem:s0], [sflag:$0x2], $0x80, $0x38;
	[tilespmem:$0x4000] =	vst v63  }
0x7a: {  	s31 =	sadd.s32 $0xB0, s7;
	s0 =	simm.s32 $0x2D00  }
0x7b: {  	[hbm4b:s31+s2] =	stream.linear.scatter [tilespmem:s0], [sflag:$0x2], $0x80, $0x38;
	[tilespmem:$0x4000] =	vst v63  }
0x7c: {  	s31 =	sadd.s32 $0xC0, s7;
	s0 =	simm.s32 $0x3100  }
0x7d: {  	[hbm4b:s31+s2] =	stream.linear.scatter [tilespmem:s0], [sflag:$0x2], $0x80, $0x38;
	[tilespmem:$0x4000] =	vst v63  }
0x7e: {  	s31 =	sadd.s32 $0xD0, s7;
	s0 =	simm.s32 $0x3500  }
0x7f: {  	[hbm4b:s31+s2] =	stream.linear.scatter [tilespmem:s0], [sflag:$0x2], $0x80, $0x38;
	[tilespmem:$0x4000] =	vst v63  }
0x80: {  	s31 =	sadd.s32 $0xE0, s7;
	s0 =	simm.s32 $0x3900  }
0x81: {  	[hbm4b:s31+s2] =	stream.linear.scatter [tilespmem:s0], [sflag:$0x2], $0x80, $0x38;
	[tilespmem:$0x4000] =	vst v63  }
0x82: {  	s31 =	sadd.s32 $0xF0, s7;
	s0 =	simm.s32 $0x3D00  }
0x83: {  	[hbm4b:s31+s2] =	stream.linear.scatter [tilespmem:s0], [sflag:$0x2], $0x80, $0x38;
	[tilespmem:$0x4000] =	vst v63  }
0x84: {  	_ =	swait.ge [sflag:s28], $0x800  }
0x85: {  	[sflag:s28] =	ssyncset.done $0x0  }
0x86: {  	s31 =	simm.s32 $0x180;
	[sflag:s28] =	ssyncadd.s32 $0xFFFFF800  }
0x87: {  	[hbm4b:s8+s2] =	stream.linear.scatter [tilespmem:s31], [sflag:$0x2], $0x80, $0x38;
	[tilespmem:$0x4000] =	vst v63  }
0x88: {  	s0 =	simm.s32 $0x580;
	s31 =	sadd.s32 $0x10, s8  }
0x89: {  	[hbm4b:s31+s2] =	stream.linear.scatter [tilespmem:s0], [sflag:$0x2], $0x80, $0x38;
	[tilespmem:$0x4000] =	vst v63  }
0x8a: {  	s31 =	sadd.s32 $0x20, s8;
	s0 =	simm.s32 $0x980  }
0x8b: {  	[hbm4b:s31+s2] =	stream.linear.scatter [tilespmem:s0], [sflag:$0x2], $0x80, $0x38;
	[tilespmem:$0x4000] =	vst v63  }
0x8c: {  	s31 =	sadd.s32 $0x30, s8;
	s0 =	simm.s32 $0xD80  }
0x8d: {  	[hbm4b:s31+s2] =	stream.linear.scatter [tilespmem:s0], [sflag:$0x2], $0x80, $0x38;
	[tilespmem:$0x4000] =	vst v63  }
0x8e: {  	s31 =	sadd.s32 $0x40, s8;
	s0 =	simm.s32 $0x1180  }
0x8f: {  	[hbm4b:s31+s2] =	stream.linear.scatter [tilespmem:s0], [sflag:$0x2], $0x80, $0x38;
	[tilespmem:$0x4000] =	vst v63  }
0x90: {  	s31 =	sadd.s32 $0x50, s8;
	s0 =	simm.s32 $0x1580  }
0x91: {  	[hbm4b:s31+s2] =	stream.linear.scatter [tilespmem:s0], [sflag:$0x2], $0x80, $0x38;
	[tilespmem:$0x4000] =	vst v63  }
0x92: {  	s31 =	sadd.s32 $0x60, s8;
	s0 =	simm.s32 $0x1980  }
0x93: {  	[hbm4b:s31+s2] =	stream.linear.scatter [tilespmem:s0], [sflag:$0x2], $0x80, $0x38;
	[tilespmem:$0x4000] =	vst v63  }
0x94: {  	s31 =	sadd.s32 $0x70, s8;
	s0 =	simm.s32 $0x1D80  }
0x95: {  	[hbm4b:s31+s2] =	stream.linear.scatter [tilespmem:s0], [sflag:$0x2], $0x80, $0x38;
	[tilespmem:$0x4000] =	vst v63  }
0x96: {  	s31 =	sadd.s32 $0x80, s8;
	s0 =	simm.s32 $0x2180  }
0x97: {  	[hbm4b:s31+s2] =	stream.linear.scatter [tilespmem:s0], [sflag:$0x2], $0x80, $0x38;
	[tilespmem:$0x4000] =	vst v63  }
0x98: {  	s31 =	sadd.s32 $0x90, s8;
	s0 =	simm.s32 $0x2580  }
0x99: {  	[hbm4b:s31+s2] =	stream.linear.scatter [tilespmem:s0], [sflag:$0x2], $0x80, $0x38;
	[tilespmem:$0x4000] =	vst v63  }
0x9a: {  	s31 =	sadd.s32 $0xA0, s8;
	s0 =	simm.s32 $0x2980  }
0x9b: {  	[hbm4b:s31+s2] =	stream.linear.scatter [tilespmem:s0], [sflag:$0x2], $0x80, $0x38;
	[tilespmem:$0x4000] =	vst v63  }
0x9c: {  	s31 =	sadd.s32 $0xB0, s8;
	s0 =	simm.s32 $0x2D80  }
0x9d: {  	[hbm4b:s31+s2] =	stream.linear.scatter [tilespmem:s0], [sflag:$0x2], $0x80, $0x38;
	[tilespmem:$0x4000] =	vst v63  }
0x9e: {  	s31 =	sadd.s32 $0xC0, s8;
	s0 =	simm.s32 $0x3180  }
0x9f: {  	[hbm4b:s31+s2] =	stream.linear.scatter [tilespmem:s0], [sflag:$0x2], $0x80, $0x38;
	[tilespmem:$0x4000] =	vst v63  }
0xa0: {  	s31 =	sadd.s32 $0xD0, s8;
	s0 =	simm.s32 $0x3580  }
0xa1: {  	[hbm4b:s31+s2] =	stream.linear.scatter [tilespmem:s0], [sflag:$0x2], $0x80, $0x38;
	[tilespmem:$0x4000] =	vst v63  }
0xa2: {  	s31 =	sadd.s32 $0xE0, s8;
	s0 =	simm.s32 $0x3980  }
0xa3: {  	[hbm4b:s31+s2] =	stream.linear.scatter [tilespmem:s0], [sflag:$0x2], $0x80, $0x38;
	[tilespmem:$0x4000] =	vst v63  }
0xa4: {  	s31 =	sadd.s32 $0xF0, s8;
	s0 =	simm.s32 $0x3D80  }
0xa5: {  	[hbm4b:s31+s2] =	stream.linear.scatter [tilespmem:s0], [sflag:$0x2], $0x80, $0x38;
	[tilespmem:$0x4000] =	vst v63  }
0xa6: {  	_ =	swait.ge [sflag:s28], $0x800  }
0xa7: {  	[sflag:s28] =	ssyncset.done $0x0  }
0xa8: {  	s31 =	simm.s32 $0x200;
	[sflag:s28] =	ssyncadd.s32 $0xFFFFF800  }
0xa9: {  	[hbm4b:s9+s2] =	stream.linear.scatter [tilespmem:s31], [sflag:$0x2], $0x80, $0x38;
	[tilespmem:$0x4000] =	vst v63  }
0xaa: {  	s0 =	simm.s32 $0x600;
	s31 =	sadd.s32 $0x10, s9  }
0xab: {  	[hbm4b:s31+s2] =	stream.linear.scatter [tilespmem:s0], [sflag:$0x2], $0x80, $0x38;
	[tilespmem:$0x4000] =	vst v63  }
0xac: {  	s31 =	sadd.s32 $0x20, s9;
	s0 =	simm.s32 $0xA00  }
0xad: {  	[hbm4b:s31+s2] =	stream.linear.scatter [tilespmem:s0], [sflag:$0x2], $0x80, $0x38;
	[tilespmem:$0x4000] =	vst v63  }
0xae: {  	s31 =	sadd.s32 $0x30, s9;
	s0 =	simm.s32 $0xE00  }
0xaf: {  	[hbm4b:s31+s2] =	stream.linear.scatter [tilespmem:s0], [sflag:$0x2], $0x80, $0x38;
	[tilespmem:$0x4000] =	vst v63  }
0xb0: {  	s31 =	sadd.s32 $0x40, s9;
	s0 =	simm.s32 $0x1200  }
0xb1: {  	[hbm4b:s31+s2] =	stream.linear.scatter [tilespmem:s0], [sflag:$0x2], $0x80, $0x38;
	[tilespmem:$0x4000] =	vst v63  }
0xb2: {  	s31 =	sadd.s32 $0x50, s9;
	s0 =	simm.s32 $0x1600  }
0xb3: {  	[hbm4b:s31+s2] =	stream.linear.scatter [tilespmem:s0], [sflag:$0x2], $0x80, $0x38;
	[tilespmem:$0x4000] =	vst v63  }
0xb4: {  	s31 =	sadd.s32 $0x60, s9;
	s0 =	simm.s32 $0x1A00  }
0xb5: {  	[hbm4b:s31+s2] =	stream.linear.scatter [tilespmem:s0], [sflag:$0x2], $0x80, $0x38;
	[tilespmem:$0x4000] =	vst v63  }
0xb6: {  	s31 =	sadd.s32 $0x70, s9;
	s0 =	simm.s32 $0x1E00  }
0xb7: {  	[hbm4b:s31+s2] =	stream.linear.scatter [tilespmem:s0], [sflag:$0x2], $0x80, $0x38;
	[tilespmem:$0x4000] =	vst v63  }
0xb8: {  	s31 =	sadd.s32 $0x80, s9;
	s0 =	simm.s32 $0x2200  }
0xb9: {  	[hbm4b:s31+s2] =	stream.linear.scatter [tilespmem:s0], [sflag:$0x2], $0x80, $0x38;
	[tilespmem:$0x4000] =	vst v63  }
0xba: {  	s31 =	sadd.s32 $0x90, s9;
	s0 =	simm.s32 $0x2600  }
0xbb: {  	[hbm4b:s31+s2] =	stream.linear.scatter [tilespmem:s0], [sflag:$0x2], $0x80, $0x38;
	[tilespmem:$0x4000] =	vst v63  }
0xbc: {  	s31 =	sadd.s32 $0xA0, s9;
	s0 =	simm.s32 $0x2A00  }
0xbd: {  	[hbm4b:s31+s2] =	stream.linear.scatter [tilespmem:s0], [sflag:$0x2], $0x80, $0x38;
	[tilespmem:$0x4000] =	vst v63  }
0xbe: {  	s31 =	sadd.s32 $0xB0, s9;
	s0 =	simm.s32 $0x2E00  }
0xbf: {  	[hbm4b:s31+s2] =	stream.linear.scatter [tilespmem:s0], [sflag:$0x2], $0x80, $0x38;
	[tilespmem:$0x4000] =	vst v63  }
0xc0: {  	s31 =	sadd.s32 $0xC0, s9;
	s0 =	simm.s32 $0x3200  }
0xc1: {  	[hbm4b:s31+s2] =	stream.linear.scatter [tilespmem:s0], [sflag:$0x2], $0x80, $0x38;
	[tilespmem:$0x4000] =	vst v63  }
0xc2: {  	s31 =	sadd.s32 $0xD0, s9;
	s0 =	simm.s32 $0x3600  }
0xc3: {  	[hbm4b:s31+s2] =	stream.linear.scatter [tilespmem:s0], [sflag:$0x2], $0x80, $0x38;
	[tilespmem:$0x4000] =	vst v63  }
0xc4: {  	s31 =	sadd.s32 $0xE0, s9;
	s0 =	simm.s32 $0x3A00  }
0xc5: {  	[hbm4b:s31+s2] =	stream.linear.scatter [tilespmem:s0], [sflag:$0x2], $0x80, $0x38;
	[tilespmem:$0x4000] =	vst v63  }
0xc6: {  	s31 =	sadd.s32 $0xF0, s9;
	s0 =	simm.s32 $0x3E00  }
0xc7: {  	[hbm4b:s31+s2] =	stream.linear.scatter [tilespmem:s0], [sflag:$0x2], $0x80, $0x38;
	[tilespmem:$0x4000] =	vst v63  }
0xc8: {  	_ =	swait.ge [sflag:s28], $0x800  }
0xc9: {  	[sflag:s28] =	ssyncset.done $0x0  }
0xca: {  	s31 =	simm.s32 $0x280;
	[sflag:s28] =	ssyncadd.s32 $0xFFFFF800  }
0xcb: {  	[hbm4b:s10+s2] =	stream.linear.scatter [tilespmem:s31], [sflag:$0x2], $0x80, $0x38;
	[tilespmem:$0x4000] =	vst v63  }
0xcc: {  	s0 =	simm.s32 $0x680;
	s31 =	sadd.s32 $0x10, s10  }
0xcd: {  	[hbm4b:s31+s2] =	stream.linear.scatter [tilespmem:s0], [sflag:$0x2], $0x80, $0x38;
	[tilespmem:$0x4000] =	vst v63  }
0xce: {  	s31 =	sadd.s32 $0x20, s10;
	s0 =	simm.s32 $0xA80  }
0xcf: {  	[hbm4b:s31+s2] =	stream.linear.scatter [tilespmem:s0], [sflag:$0x2], $0x80, $0x38;
	[tilespmem:$0x4000] =	vst v63  }
0xd0: {  	s31 =	sadd.s32 $0x30, s10;
	s0 =	simm.s32 $0xE80  }
0xd1: {  	[hbm4b:s31+s2] =	stream.linear.scatter [tilespmem:s0], [sflag:$0x2], $0x80, $0x38;
	[tilespmem:$0x4000] =	vst v63  }
0xd2: {  	s31 =	sadd.s32 $0x40, s10;
	s0 =	simm.s32 $0x1280  }
0xd3: {  	[hbm4b:s31+s2] =	stream.linear.scatter [tilespmem:s0], [sflag:$0x2], $0x80, $0x38;
	[tilespmem:$0x4000] =	vst v63  }
0xd4: {  	s31 =	sadd.s32 $0x50, s10;
	s0 =	simm.s32 $0x1680  }
0xd5: {  	[hbm4b:s31+s2] =	stream.linear.scatter [tilespmem:s0], [sflag:$0x2], $0x80, $0x38;
	[tilespmem:$0x4000] =	vst v63  }
0xd6: {  	s31 =	sadd.s32 $0x60, s10;
	s0 =	simm.s32 $0x1A80  }
0xd7: {  	[hbm4b:s31+s2] =	stream.linear.scatter [tilespmem:s0], [sflag:$0x2], $0x80, $0x38;
	[tilespmem:$0x4000] =	vst v63  }
0xd8: {  	s31 =	sadd.s32 $0x70, s10;
	s0 =	simm.s32 $0x1E80  }
0xd9: {  	[hbm4b:s31+s2] =	stream.linear.scatter [tilespmem:s0], [sflag:$0x2], $0x80, $0x38;
	[tilespmem:$0x4000] =	vst v63  }
0xda: {  	s31 =	sadd.s32 $0x80, s10;
	s0 =	simm.s32 $0x2280  }
0xdb: {  	[hbm4b:s31+s2] =	stream.linear.scatter [tilespmem:s0], [sflag:$0x2], $0x80, $0x38;
	[tilespmem:$0x4000] =	vst v63  }
0xdc: {  	s31 =	sadd.s32 $0x90, s10;
	s0 =	simm.s32 $0x2680  }
0xdd: {  	[hbm4b:s31+s2] =	stream.linear.scatter [tilespmem:s0], [sflag:$0x2], $0x80, $0x38;
	[tilespmem:$0x4000] =	vst v63  }
0xde: {  	s31 =	sadd.s32 $0xA0, s10;
	s0 =	simm.s32 $0x2A80  }
0xdf: {  	[hbm4b:s31+s2] =	stream.linear.scatter [tilespmem:s0], [sflag:$0x2], $0x80, $0x38;
	[tilespmem:$0x4000] =	vst v63  }
0xe0: {  	s31 =	sadd.s32 $0xB0, s10;
	s0 =	simm.s32 $0x2E80  }
0xe1: {  	[hbm4b:s31+s2] =	stream.linear.scatter [tilespmem:s0], [sflag:$0x2], $0x80, $0x38;
	[tilespmem:$0x4000] =	vst v63  }
0xe2: {  	s31 =	sadd.s32 $0xC0, s10;
	s0 =	simm.s32 $0x3280  }
0xe3: {  	[hbm4b:s31+s2] =	stream.linear.scatter [tilespmem:s0], [sflag:$0x2], $0x80, $0x38;
	[tilespmem:$0x4000] =	vst v63  }
0xe4: {  	s31 =	sadd.s32 $0xD0, s10;
	s0 =	simm.s32 $0x3680  }
0xe5: {  	[hbm4b:s31+s2] =	stream.linear.scatter [tilespmem:s0], [sflag:$0x2], $0x80, $0x38;
	[tilespmem:$0x4000] =	vst v63  }
0xe6: {  	s31 =	sadd.s32 $0xE0, s10;
	s0 =	simm.s32 $0x3A80  }
0xe7: {  	[hbm4b:s31+s2] =	stream.linear.scatter [tilespmem:s0], [sflag:$0x2], $0x80, $0x38;
	[tilespmem:$0x4000] =	vst v63  }
0xe8: {  	s31 =	sadd.s32 $0xF0, s10;
	s0 =	simm.s32 $0x3E80  }
0xe9: {  	[hbm4b:s31+s2] =	stream.linear.scatter [tilespmem:s0], [sflag:$0x2], $0x80, $0x38;
	[tilespmem:$0x4000] =	vst v63  }
0xea: {  	_ =	swait.ge [sflag:s28], $0x800  }
0xeb: {  	[sflag:s28] =	ssyncset.done $0x0  }
0xec: {  	s31 =	simm.s32 $0x300;
	[sflag:s28] =	ssyncadd.s32 $0xFFFFF800  }
0xed: {  	[hbm4b:s11+s2] =	stream.linear.scatter [tilespmem:s31], [sflag:$0x2], $0x80, $0x38;
	[tilespmem:$0x4000] =	vst v63  }
0xee: {  	s0 =	simm.s32 $0x700;
	s31 =	sadd.s32 $0x10, s11  }
0xef: {  	[hbm4b:s31+s2] =	stream.linear.scatter [tilespmem:s0], [sflag:$0x2], $0x80, $0x38;
	[tilespmem:$0x4000] =	vst v63  }
0xf0: {  	s31 =	sadd.s32 $0x20, s11;
	s0 =	simm.s32 $0xB00  }
0xf1: {  	[hbm4b:s31+s2] =	stream.linear.scatter [tilespmem:s0], [sflag:$0x2], $0x80, $0x38;
	[tilespmem:$0x4000] =	vst v63  }
0xf2: {  	s31 =	sadd.s32 $0x30, s11;
	s0 =	simm.s32 $0xF00  }
0xf3: {  	[hbm4b:s31+s2] =	stream.linear.scatter [tilespmem:s0], [sflag:$0x2], $0x80, $0x38;
	[tilespmem:$0x4000] =	vst v63  }
0xf4: {  	s31 =	sadd.s32 $0x40, s11;
	s0 =	simm.s32 $0x1300  }
0xf5: {  	[hbm4b:s31+s2] =	stream.linear.scatter [tilespmem:s0], [sflag:$0x2], $0x80, $0x38;
	[tilespmem:$0x4000] =	vst v63  }
0xf6: {  	s31 =	sadd.s32 $0x50, s11;
	s0 =	simm.s32 $0x1700  }
0xf7: {  	[hbm4b:s31+s2] =	stream.linear.scatter [tilespmem:s0], [sflag:$0x2], $0x80, $0x38;
	[tilespmem:$0x4000] =	vst v63  }
0xf8: {  	s31 =	sadd.s32 $0x60, s11;
	s0 =	simm.s32 $0x1B00  }
0xf9: {  	[hbm4b:s31+s2] =	stream.linear.scatter [tilespmem:s0], [sflag:$0x2], $0x80, $0x38;
	[tilespmem:$0x4000] =	vst v63  }
0xfa: {  	s31 =	sadd.s32 $0x70, s11;
	s0 =	simm.s32 $0x1F00  }
0xfb: {  	[hbm4b:s31+s2] =	stream.linear.scatter [tilespmem:s0], [sflag:$0x2], $0x80, $0x38;
	[tilespmem:$0x4000] =	vst v63  }
0xfc: {  	s31 =	sadd.s32 $0x80, s11;
	s0 =	simm.s32 $0x2300  }
0xfd: {  	[hbm4b:s31+s2] =	stream.linear.scatter [tilespmem:s0], [sflag:$0x2], $0x80, $0x38;
	[tilespmem:$0x4000] =	vst v63  }
0xfe: {  	s31 =	sadd.s32 $0x90, s11;
	s0 =	simm.s32 $0x2700  }
0xff: {  	[hbm4b:s31+s2] =	stream.linear.scatter [tilespmem:s0], [sflag:$0x2], $0x80, $0x38;
	[tilespmem:$0x4000] =	vst v63  }
0x100: {  	s31 =	sadd.s32 $0xA0, s11;
	s0 =	simm.s32 $0x2B00  }
0x101: {  	[hbm4b:s31+s2] =	stream.linear.scatter [tilespmem:s0], [sflag:$0x2], $0x80, $0x38;
	[tilespmem:$0x4000] =	vst v63  }
0x102: {  	s31 =	sadd.s32 $0xB0, s11;
	s0 =	simm.s32 $0x2F00  }
0x103: {  	[hbm4b:s31+s2] =	stream.linear.scatter [tilespmem:s0], [sflag:$0x2], $0x80, $0x38;
	[tilespmem:$0x4000] =	vst v63  }
0x104: {  	s31 =	sadd.s32 $0xC0, s11;
	s0 =	simm.s32 $0x3300  }
0x105: {  	[hbm4b:s31+s2] =	stream.linear.scatter [tilespmem:s0], [sflag:$0x2], $0x80, $0x38;
	[tilespmem:$0x4000] =	vst v63  }
0x106: {  	s31 =	sadd.s32 $0xD0, s11;
	s0 =	simm.s32 $0x3700  }
0x107: {  	[hbm4b:s31+s2] =	stream.linear.scatter [tilespmem:s0], [sflag:$0x2], $0x80, $0x38;
	[tilespmem:$0x4000] =	vst v63  }
0x108: {  	s31 =	sadd.s32 $0xE0, s11;
	s0 =	simm.s32 $0x3B00  }
0x109: {  	[hbm4b:s31+s2] =	stream.linear.scatter [tilespmem:s0], [sflag:$0x2], $0x80, $0x38;
	[tilespmem:$0x4000] =	vst v63  }
0x10a: {  	s31 =	sadd.s32 $0xF0, s11;
	s0 =	simm.s32 $0x3F00  }
0x10b: {  	[hbm4b:s31+s2] =	stream.linear.scatter [tilespmem:s0], [sflag:$0x2], $0x80, $0x38;
	[tilespmem:$0x4000] =	vst v63  }
0x10c: {  	_ =	swait.ge [sflag:s28], $0x800  }
0x10d: {  	[sflag:s28] =	ssyncset.done $0x0  }
0x10e: {  	s31 =	simm.s32 $0x380;
	[sflag:s28] =	ssyncadd.s32 $0xFFFFF800  }
0x10f: {  	[hbm4b:s12+s2] =	stream.linear.scatter [tilespmem:s31], [sflag:$0x2], $0x80, $0x38;
	[tilespmem:$0x4000] =	vst v63  }
0x110: {  	s0 =	simm.s32 $0x780;
	s31 =	sadd.s32 $0x10, s12  }
0x111: {  	[hbm4b:s31+s2] =	stream.linear.scatter [tilespmem:s0], [sflag:$0x2], $0x80, $0x38;
	[tilespmem:$0x4000] =	vst v63  }
0x112: {  	s31 =	sadd.s32 $0x20, s12;
	s0 =	simm.s32 $0xB80  }
0x113: {  	[hbm4b:s31+s2] =	stream.linear.scatter [tilespmem:s0], [sflag:$0x2], $0x80, $0x38;
	[tilespmem:$0x4000] =	vst v63  }
0x114: {  	s31 =	sadd.s32 $0x30, s12;
	s0 =	simm.s32 $0xF80  }
0x115: {  	[hbm4b:s31+s2] =	stream.linear.scatter [tilespmem:s0], [sflag:$0x2], $0x80, $0x38;
	[tilespmem:$0x4000] =	vst v63  }
0x116: {  	s31 =	sadd.s32 $0x40, s12;
	s0 =	simm.s32 $0x1380  }
0x117: {  	[hbm4b:s31+s2] =	stream.linear.scatter [tilespmem:s0], [sflag:$0x2], $0x80, $0x38;
	[tilespmem:$0x4000] =	vst v63  }
0x118: {  	s31 =	sadd.s32 $0x50, s12;
	s0 =	simm.s32 $0x1780  }
0x119: {  	[hbm4b:s31+s2] =	stream.linear.scatter [tilespmem:s0], [sflag:$0x2], $0x80, $0x38;
	[tilespmem:$0x4000] =	vst v63  }
0x11a: {  	s31 =	sadd.s32 $0x60, s12;
	s0 =	simm.s32 $0x1B80  }
0x11b: {  	[hbm4b:s31+s2] =	stream.linear.scatter [tilespmem:s0], [sflag:$0x2], $0x80, $0x38;
	[tilespmem:$0x4000] =	vst v63  }
0x11c: {  	s31 =	sadd.s32 $0x70, s12;
	s0 =	simm.s32 $0x1F80  }
0x11d: {  	[hbm4b:s31+s2] =	stream.linear.scatter [tilespmem:s0], [sflag:$0x2], $0x80, $0x38;
	[tilespmem:$0x4000] =	vst v63  }
0x11e: {  	s0 =	sadd.s32 $0x80, s12  }
0x11f: {  	[hbm4b:s0+s2] =	stream.linear.scatter [tilespmem:s1], [sflag:$0x2], $0x80, $0x38;
	[tilespmem:$0x4000] =	vst v63  }
0x120: {  	s0 =	sadd.s32 $0x90, s12  }
0x121: {  	[hbm4b:s0+s2] =	stream.linear.scatter [tilespmem:s13], [sflag:$0x2], $0x80, $0x38;
	[tilespmem:$0x4000] =	vst v63  }
0x122: {  	s0 =	sadd.s32 $0xA0, s12  }
0x123: {  	[hbm4b:s0+s2] =	stream.linear.scatter [tilespmem:s23], [sflag:$0x2], $0x80, $0x38;
	[tilespmem:$0x4000] =	vst v63  }
0x124: {  	s0 =	sadd.s32 $0xB0, s12  }
0x125: {  	[hbm4b:s0+s2] =	stream.linear.scatter [tilespmem:s24], [sflag:$0x2], $0x80, $0x38;
	[tilespmem:$0x4000] =	vst v63  }
0x126: {  	s0 =	sadd.s32 $0xC0, s12  }
0x127: {  	[hbm4b:s0+s2] =	stream.linear.scatter [tilespmem:s25], [sflag:$0x2], $0x80, $0x38;
	[tilespmem:$0x4000] =	vst v63  }
0x128: {  	s0 =	sadd.s32 $0xD0, s12  }
0x129: {  	[hbm4b:s0+s2] =	stream.linear.scatter [tilespmem:s26], [sflag:$0x2], $0x80, $0x38;
	[tilespmem:$0x4000] =	vst v63  }
0x12a: {  	s0 =	sadd.s32 $0xE0, s12  }
0x12b: {  	[hbm4b:s0+s2] =	stream.linear.scatter [tilespmem:s29], [sflag:$0x2], $0x80, $0x38;
	[tilespmem:$0x4000] =	vst v63  }
.Ltmp2:
0x12c: {  	s0 =	sadd.s32 $0xF0, s12;
	(pc) =	sbr.rel @p0 .LBB2_3-.Ltmp2, $4  }
0x12d: {  	[hbm4b:s0+s2] =	stream.linear.scatter [tilespmem:s30], [sflag:$0x2], $0x80, $0x38;
	[tilespmem:$0x4000] =	vst v63  }
0x12e: {  	_ =	swait.ge [sflag:s28], $0x800  }
0x12f: {  	[sflag:s28] =	ssyncset.done $0x0  }
0x130: {  	[sflag:s28] =	ssyncadd.s32 $0xFFFFF800  }
0x131: {  	s31 =	rddreg [dreg:$0x3]  }
0x132: {  	[tilespmem:s2], [sflag:$0x1] =	stream.linear.gather [hbm4b:s31+s2], $0x4000, $0x38;
	[tilespmem:$0x4000] =	vst v63  }
0x133: {  	_ =	swait.ge [sflag:s3], $0x4000  }
0x134: {  	[sflag:s3] =	ssyncset.done $0x0  }
0x135: {  	[sflag:s3] =	ssyncadd.s32 $0xFFFFC000  }
0x136: {  	[hbm4b:s14+s2] =	stream.linear.scatter [tilespmem:s2], [sflag:$0x2], $0x80, $0x38;
	[tilespmem:$0x4000] =	vst v63  }
0x137: {  	s0 =	simm.s32 $0x400;
	s31 =	sadd.s32 $0x10, s14  }
0x138: {  	[hbm4b:s31+s2] =	stream.linear.scatter [tilespmem:s0], [sflag:$0x2], $0x80, $0x38;
	[tilespmem:$0x4000] =	vst v63  }
0x139: {  	s31 =	sadd.s32 $0x20, s14;
	s0 =	simm.s32 $0x800  }
0x13a: {  	[hbm4b:s31+s2] =	stream.linear.scatter [tilespmem:s0], [sflag:$0x2], $0x80, $0x38;
	[tilespmem:$0x4000] =	vst v63  }
0x13b: {  	s31 =	sadd.s32 $0x30, s14;
	s0 =	simm.s32 $0xC00  }
0x13c: {  	[hbm4b:s31+s2] =	stream.linear.scatter [tilespmem:s0], [sflag:$0x2], $0x80, $0x38;
	[tilespmem:$0x4000] =	vst v63  }
0x13d: {  	s31 =	sadd.s32 $0x40, s14;
	s0 =	simm.s32 $0x1000  }
0x13e: {  	[hbm4b:s31+s2] =	stream.linear.scatter [tilespmem:s0], [sflag:$0x2], $0x80, $0x38;
	[tilespmem:$0x4000] =	vst v63  }
0x13f: {  	s31 =	sadd.s32 $0x50, s14;
	s0 =	simm.s32 $0x1400  }
0x140: {  	[hbm4b:s31+s2] =	stream.linear.scatter [tilespmem:s0], [sflag:$0x2], $0x80, $0x38;
	[tilespmem:$0x4000] =	vst v63  }
0x141: {  	s31 =	sadd.s32 $0x60, s14;
	s0 =	simm.s32 $0x1800  }
0x142: {  	[hbm4b:s31+s2] =	stream.linear.scatter [tilespmem:s0], [sflag:$0x2], $0x80, $0x38;
	[tilespmem:$0x4000] =	vst v63  }
0x143: {  	s31 =	sadd.s32 $0x70, s14;
	s0 =	simm.s32 $0x1C00  }
0x144: {  	[hbm4b:s31+s2] =	stream.linear.scatter [tilespmem:s0], [sflag:$0x2], $0x80, $0x38;
	[tilespmem:$0x4000] =	vst v63  }
0x145: {  	s31 =	sadd.s32 $0x80, s14;
	s0 =	simm.s32 $0x2000  }
0x146: {  	[hbm4b:s31+s2] =	stream.linear.scatter [tilespmem:s0], [sflag:$0x2], $0x80, $0x38;
	[tilespmem:$0x4000] =	vst v63  }
0x147: {  	s31 =	sadd.s32 $0x90, s14;
	s0 =	simm.s32 $0x2400  }
0x148: {  	[hbm4b:s31+s2] =	stream.linear.scatter [tilespmem:s0], [sflag:$0x2], $0x80, $0x38;
	[tilespmem:$0x4000] =	vst v63  }
0x149: {  	s31 =	sadd.s32 $0xA0, s14;
	s0 =	simm.s32 $0x2800  }
0x14a: {  	[hbm4b:s31+s2] =	stream.linear.scatter [tilespmem:s0], [sflag:$0x2], $0x80, $0x38;
	[tilespmem:$0x4000] =	vst v63  }
0x14b: {  	s31 =	sadd.s32 $0xB0, s14;
	s0 =	simm.s32 $0x2C00  }
0x14c: {  	[hbm4b:s31+s2] =	stream.linear.scatter [tilespmem:s0], [sflag:$0x2], $0x80, $0x38;
	[tilespmem:$0x4000] =	vst v63  }
0x14d: {  	s31 =	sadd.s32 $0xC0, s14;
	s0 =	simm.s32 $0x3000  }
0x14e: {  	[hbm4b:s31+s2] =	stream.linear.scatter [tilespmem:s0], [sflag:$0x2], $0x80, $0x38;
	[tilespmem:$0x4000] =	vst v63  }
0x14f: {  	s31 =	sadd.s32 $0xD0, s14;
	s0 =	simm.s32 $0x3400  }
0x150: {  	[hbm4b:s31+s2] =	stream.linear.scatter [tilespmem:s0], [sflag:$0x2], $0x80, $0x38;
	[tilespmem:$0x4000] =	vst v63  }
0x151: {  	s31 =	sadd.s32 $0xE0, s14;
	s0 =	simm.s32 $0x3800  }
0x152: {  	[hbm4b:s31+s2] =	stream.linear.scatter [tilespmem:s0], [sflag:$0x2], $0x80, $0x38;
	[tilespmem:$0x4000] =	vst v63  }
0x153: {  	s31 =	sadd.s32 $0xF0, s14;
	s0 =	simm.s32 $0x3C00  }
0x154: {  	[hbm4b:s31+s2] =	stream.linear.scatter [tilespmem:s0], [sflag:$0x2], $0x80, $0x38;
	[tilespmem:$0x4000] =	vst v63  }
0x155: {  	_ =	swait.ge [sflag:s28], $0x800  }
0x156: {  	[sflag:s28] =	ssyncset.done $0x0  }
0x157: {  	s31 =	simm.s32 $0x80;
	[sflag:s28] =	ssyncadd.s32 $0xFFFFF800  }
0x158: {  	[hbm4b:s15+s2] =	stream.linear.scatter [tilespmem:s31], [sflag:$0x2], $0x80, $0x38;
	[tilespmem:$0x4000] =	vst v63  }
0x159: {  	s0 =	simm.s32 $0x480;
	s31 =	sadd.s32 $0x10, s15  }
0x15a: {  	[hbm4b:s31+s2] =	stream.linear.scatter [tilespmem:s0], [sflag:$0x2], $0x80, $0x38;
	[tilespmem:$0x4000] =	vst v63  }
0x15b: {  	s31 =	sadd.s32 $0x20, s15;
	s0 =	simm.s32 $0x880  }
0x15c: {  	[hbm4b:s31+s2] =	stream.linear.scatter [tilespmem:s0], [sflag:$0x2], $0x80, $0x38;
	[tilespmem:$0x4000] =	vst v63  }
0x15d: {  	s31 =	sadd.s32 $0x30, s15;
	s0 =	simm.s32 $0xC80  }
0x15e: {  	[hbm4b:s31+s2] =	stream.linear.scatter [tilespmem:s0], [sflag:$0x2], $0x80, $0x38;
	[tilespmem:$0x4000] =	vst v63  }
0x15f: {  	s31 =	sadd.s32 $0x40, s15;
	s0 =	simm.s32 $0x1080  }
0x160: {  	[hbm4b:s31+s2] =	stream.linear.scatter [tilespmem:s0], [sflag:$0x2], $0x80, $0x38;
	[tilespmem:$0x4000] =	vst v63  }
0x161: {  	s31 =	sadd.s32 $0x50, s15;
	s0 =	simm.s32 $0x1480  }
0x162: {  	[hbm4b:s31+s2] =	stream.linear.scatter [tilespmem:s0], [sflag:$0x2], $0x80, $0x38;
	[tilespmem:$0x4000] =	vst v63  }
0x163: {  	s31 =	sadd.s32 $0x60, s15;
	s0 =	simm.s32 $0x1880  }
0x164: {  	[hbm4b:s31+s2] =	stream.linear.scatter [tilespmem:s0], [sflag:$0x2], $0x80, $0x38;
	[tilespmem:$0x4000] =	vst v63  }
0x165: {  	s31 =	sadd.s32 $0x70, s15;
	s0 =	simm.s32 $0x1C80  }
0x166: {  	[hbm4b:s31+s2] =	stream.linear.scatter [tilespmem:s0], [sflag:$0x2], $0x80, $0x38;
	[tilespmem:$0x4000] =	vst v63  }
0x167: {  	s31 =	sadd.s32 $0x80, s15;
	s0 =	simm.s32 $0x2080  }
0x168: {  	[hbm4b:s31+s2] =	stream.linear.scatter [tilespmem:s0], [sflag:$0x2], $0x80, $0x38;
	[tilespmem:$0x4000] =	vst v63  }
0x169: {  	s31 =	sadd.s32 $0x90, s15;
	s0 =	simm.s32 $0x2480  }
0x16a: {  	[hbm4b:s31+s2] =	stream.linear.scatter [tilespmem:s0], [sflag:$0x2], $0x80, $0x38;
	[tilespmem:$0x4000] =	vst v63  }
0x16b: {  	s31 =	sadd.s32 $0xA0, s15;
	s0 =	simm.s32 $0x2880  }
0x16c: {  	[hbm4b:s31+s2] =	stream.linear.scatter [tilespmem:s0], [sflag:$0x2], $0x80, $0x38;
	[tilespmem:$0x4000] =	vst v63  }
0x16d: {  	s31 =	sadd.s32 $0xB0, s15;
	s0 =	simm.s32 $0x2C80  }
0x16e: {  	[hbm4b:s31+s2] =	stream.linear.scatter [tilespmem:s0], [sflag:$0x2], $0x80, $0x38;
	[tilespmem:$0x4000] =	vst v63  }
0x16f: {  	s31 =	sadd.s32 $0xC0, s15;
	s0 =	simm.s32 $0x3080  }
0x170: {  	[hbm4b:s31+s2] =	stream.linear.scatter [tilespmem:s0], [sflag:$0x2], $0x80, $0x38;
	[tilespmem:$0x4000] =	vst v63  }
0x171: {  	s31 =	sadd.s32 $0xD0, s15;
	s0 =	simm.s32 $0x3480  }
0x172: {  	[hbm4b:s31+s2] =	stream.linear.scatter [tilespmem:s0], [sflag:$0x2], $0x80, $0x38;
	[tilespmem:$0x4000] =	vst v63  }
0x173: {  	s31 =	sadd.s32 $0xE0, s15;
	s0 =	simm.s32 $0x3880  }
0x174: {  	[hbm4b:s31+s2] =	stream.linear.scatter [tilespmem:s0], [sflag:$0x2], $0x80, $0x38;
	[tilespmem:$0x4000] =	vst v63  }
0x175: {  	s31 =	sadd.s32 $0xF0, s15;
	s0 =	simm.s32 $0x3C80  }
0x176: {  	[hbm4b:s31+s2] =	stream.linear.scatter [tilespmem:s0], [sflag:$0x2], $0x80, $0x38;
	[tilespmem:$0x4000] =	vst v63  }
0x177: {  	_ =	swait.ge [sflag:s28], $0x800  }
0x178: {  	[sflag:s28] =	ssyncset.done $0x0  }
0x179: {  	s31 =	simm.s32 $0x100;
	[sflag:s28] =	ssyncadd.s32 $0xFFFFF800  }
0x17a: {  	[hbm4b:s16+s2] =	stream.linear.scatter [tilespmem:s31], [sflag:$0x2], $0x80, $0x38;
	[tilespmem:$0x4000] =	vst v63  }
0x17b: {  	s0 =	simm.s32 $0x500;
	s31 =	sadd.s32 $0x10, s16  }
0x17c: {  	[hbm4b:s31+s2] =	stream.linear.scatter [tilespmem:s0], [sflag:$0x2], $0x80, $0x38;
	[tilespmem:$0x4000] =	vst v63  }
0x17d: {  	s31 =	sadd.s32 $0x20, s16;
	s0 =	simm.s32 $0x900  }
0x17e: {  	[hbm4b:s31+s2] =	stream.linear.scatter [tilespmem:s0], [sflag:$0x2], $0x80, $0x38;
	[tilespmem:$0x4000] =	vst v63  }
0x17f: {  	s31 =	sadd.s32 $0x30, s16;
	s0 =	simm.s32 $0xD00  }
0x180: {  	[hbm4b:s31+s2] =	stream.linear.scatter [tilespmem:s0], [sflag:$0x2], $0x80, $0x38;
	[tilespmem:$0x4000] =	vst v63  }
0x181: {  	s31 =	sadd.s32 $0x40, s16;
	s0 =	simm.s32 $0x1100  }
0x182: {  	[hbm4b:s31+s2] =	stream.linear.scatter [tilespmem:s0], [sflag:$0x2], $0x80, $0x38;
	[tilespmem:$0x4000] =	vst v63  }
0x183: {  	s31 =	sadd.s32 $0x50, s16;
	s0 =	simm.s32 $0x1500  }
0x184: {  	[hbm4b:s31+s2] =	stream.linear.scatter [tilespmem:s0], [sflag:$0x2], $0x80, $0x38;
	[tilespmem:$0x4000] =	vst v63  }
0x185: {  	s31 =	sadd.s32 $0x60, s16;
	s0 =	simm.s32 $0x1900  }
0x186: {  	[hbm4b:s31+s2] =	stream.linear.scatter [tilespmem:s0], [sflag:$0x2], $0x80, $0x38;
	[tilespmem:$0x4000] =	vst v63  }
0x187: {  	s31 =	sadd.s32 $0x70, s16;
	s0 =	simm.s32 $0x1D00  }
0x188: {  	[hbm4b:s31+s2] =	stream.linear.scatter [tilespmem:s0], [sflag:$0x2], $0x80, $0x38;
	[tilespmem:$0x4000] =	vst v63  }
0x189: {  	s31 =	sadd.s32 $0x80, s16;
	s0 =	simm.s32 $0x2100  }
0x18a: {  	[hbm4b:s31+s2] =	stream.linear.scatter [tilespmem:s0], [sflag:$0x2], $0x80, $0x38;
	[tilespmem:$0x4000] =	vst v63  }
0x18b: {  	s31 =	sadd.s32 $0x90, s16;
	s0 =	simm.s32 $0x2500  }
0x18c: {  	[hbm4b:s31+s2] =	stream.linear.scatter [tilespmem:s0], [sflag:$0x2], $0x80, $0x38;
	[tilespmem:$0x4000] =	vst v63  }
0x18d: {  	s31 =	sadd.s32 $0xA0, s16;
	s0 =	simm.s32 $0x2900  }
0x18e: {  	[hbm4b:s31+s2] =	stream.linear.scatter [tilespmem:s0], [sflag:$0x2], $0x80, $0x38;
	[tilespmem:$0x4000] =	vst v63  }
0x18f: {  	s31 =	sadd.s32 $0xB0, s16;
	s0 =	simm.s32 $0x2D00  }
0x190: {  	[hbm4b:s31+s2] =	stream.linear.scatter [tilespmem:s0], [sflag:$0x2], $0x80, $0x38;
	[tilespmem:$0x4000] =	vst v63  }
0x191: {  	s31 =	sadd.s32 $0xC0, s16;
	s0 =	simm.s32 $0x3100  }
0x192: {  	[hbm4b:s31+s2] =	stream.linear.scatter [tilespmem:s0], [sflag:$0x2], $0x80, $0x38;
	[tilespmem:$0x4000] =	vst v63  }
0x193: {  	s31 =	sadd.s32 $0xD0, s16;
	s0 =	simm.s32 $0x3500  }
0x194: {  	[hbm4b:s31+s2] =	stream.linear.scatter [tilespmem:s0], [sflag:$0x2], $0x80, $0x38;
	[tilespmem:$0x4000] =	vst v63  }
0x195: {  	s31 =	sadd.s32 $0xE0, s16;
	s0 =	simm.s32 $0x3900  }
0x196: {  	[hbm4b:s31+s2] =	stream.linear.scatter [tilespmem:s0], [sflag:$0x2], $0x80, $0x38;
	[tilespmem:$0x4000] =	vst v63  }
0x197: {  	s31 =	sadd.s32 $0xF0, s16;
	s0 =	simm.s32 $0x3D00  }
0x198: {  	[hbm4b:s31+s2] =	stream.linear.scatter [tilespmem:s0], [sflag:$0x2], $0x80, $0x38;
	[tilespmem:$0x4000] =	vst v63  }
0x199: {  	_ =	swait.ge [sflag:s28], $0x800  }
0x19a: {  	[sflag:s28] =	ssyncset.done $0x0  }
0x19b: {  	s31 =	simm.s32 $0x180;
	[sflag:s28] =	ssyncadd.s32 $0xFFFFF800  }
0x19c: {  	[hbm4b:s17+s2] =	stream.linear.scatter [tilespmem:s31], [sflag:$0x2], $0x80, $0x38;
	[tilespmem:$0x4000] =	vst v63  }
0x19d: {  	s0 =	simm.s32 $0x580;
	s31 =	sadd.s32 $0x10, s17  }
0x19e: {  	[hbm4b:s31+s2] =	stream.linear.scatter [tilespmem:s0], [sflag:$0x2], $0x80, $0x38;
	[tilespmem:$0x4000] =	vst v63  }
0x19f: {  	s31 =	sadd.s32 $0x20, s17;
	s0 =	simm.s32 $0x980  }
0x1a0: {  	[hbm4b:s31+s2] =	stream.linear.scatter [tilespmem:s0], [sflag:$0x2], $0x80, $0x38;
	[tilespmem:$0x4000] =	vst v63  }
0x1a1: {  	s31 =	sadd.s32 $0x30, s17;
	s0 =	simm.s32 $0xD80  }
0x1a2: {  	[hbm4b:s31+s2] =	stream.linear.scatter [tilespmem:s0], [sflag:$0x2], $0x80, $0x38;
	[tilespmem:$0x4000] =	vst v63  }
0x1a3: {  	s31 =	sadd.s32 $0x40, s17;
	s0 =	simm.s32 $0x1180  }
0x1a4: {  	[hbm4b:s31+s2] =	stream.linear.scatter [tilespmem:s0], [sflag:$0x2], $0x80, $0x38;
	[tilespmem:$0x4000] =	vst v63  }
0x1a5: {  	s31 =	sadd.s32 $0x50, s17;
	s0 =	simm.s32 $0x1580  }
0x1a6: {  	[hbm4b:s31+s2] =	stream.linear.scatter [tilespmem:s0], [sflag:$0x2], $0x80, $0x38;
	[tilespmem:$0x4000] =	vst v63  }
0x1a7: {  	s31 =	sadd.s32 $0x60, s17;
	s0 =	simm.s32 $0x1980  }
0x1a8: {  	[hbm4b:s31+s2] =	stream.linear.scatter [tilespmem:s0], [sflag:$0x2], $0x80, $0x38;
	[tilespmem:$0x4000] =	vst v63  }
0x1a9: {  	s31 =	sadd.s32 $0x70, s17;
	s0 =	simm.s32 $0x1D80  }
0x1aa: {  	[hbm4b:s31+s2] =	stream.linear.scatter [tilespmem:s0], [sflag:$0x2], $0x80, $0x38;
	[tilespmem:$0x4000] =	vst v63  }
0x1ab: {  	s31 =	sadd.s32 $0x80, s17;
	s0 =	simm.s32 $0x2180  }
0x1ac: {  	[hbm4b:s31+s2] =	stream.linear.scatter [tilespmem:s0], [sflag:$0x2], $0x80, $0x38;
	[tilespmem:$0x4000] =	vst v63  }
0x1ad: {  	s31 =	sadd.s32 $0x90, s17;
	s0 =	simm.s32 $0x2580  }
0x1ae: {  	[hbm4b:s31+s2] =	stream.linear.scatter [tilespmem:s0], [sflag:$0x2], $0x80, $0x38;
	[tilespmem:$0x4000] =	vst v63  }
0x1af: {  	s31 =	sadd.s32 $0xA0, s17;
	s0 =	simm.s32 $0x2980  }
0x1b0: {  	[hbm4b:s31+s2] =	stream.linear.scatter [tilespmem:s0], [sflag:$0x2], $0x80, $0x38;
	[tilespmem:$0x4000] =	vst v63  }
0x1b1: {  	s31 =	sadd.s32 $0xB0, s17;
	s0 =	simm.s32 $0x2D80  }
0x1b2: {  	[hbm4b:s31+s2] =	stream.linear.scatter [tilespmem:s0], [sflag:$0x2], $0x80, $0x38;
	[tilespmem:$0x4000] =	vst v63  }
0x1b3: {  	s31 =	sadd.s32 $0xC0, s17;
	s0 =	simm.s32 $0x3180  }
0x1b4: {  	[hbm4b:s31+s2] =	stream.linear.scatter [tilespmem:s0], [sflag:$0x2], $0x80, $0x38;
	[tilespmem:$0x4000] =	vst v63  }
0x1b5: {  	s31 =	sadd.s32 $0xD0, s17;
	s0 =	simm.s32 $0x3580  }
0x1b6: {  	[hbm4b:s31+s2] =	stream.linear.scatter [tilespmem:s0], [sflag:$0x2], $0x80, $0x38;
	[tilespmem:$0x4000] =	vst v63  }
0x1b7: {  	s31 =	sadd.s32 $0xE0, s17;
	s0 =	simm.s32 $0x3980  }
0x1b8: {  	[hbm4b:s31+s2] =	stream.linear.scatter [tilespmem:s0], [sflag:$0x2], $0x80, $0x38;
	[tilespmem:$0x4000] =	vst v63  }
0x1b9: {  	s31 =	sadd.s32 $0xF0, s17;
	s0 =	simm.s32 $0x3D80  }
0x1ba: {  	[hbm4b:s31+s2] =	stream.linear.scatter [tilespmem:s0], [sflag:$0x2], $0x80, $0x38;
	[tilespmem:$0x4000] =	vst v63  }
0x1bb: {  	_ =	swait.ge [sflag:s28], $0x800  }
0x1bc: {  	[sflag:s28] =	ssyncset.done $0x0  }
0x1bd: {  	s31 =	simm.s32 $0x200;
	[sflag:s28] =	ssyncadd.s32 $0xFFFFF800  }
0x1be: {  	[hbm4b:s18+s2] =	stream.linear.scatter [tilespmem:s31], [sflag:$0x2], $0x80, $0x38;
	[tilespmem:$0x4000] =	vst v63  }
0x1bf: {  	s0 =	simm.s32 $0x600;
	s31 =	sadd.s32 $0x10, s18  }
0x1c0: {  	[hbm4b:s31+s2] =	stream.linear.scatter [tilespmem:s0], [sflag:$0x2], $0x80, $0x38;
	[tilespmem:$0x4000] =	vst v63  }
0x1c1: {  	s31 =	sadd.s32 $0x20, s18;
	s0 =	simm.s32 $0xA00  }
0x1c2: {  	[hbm4b:s31+s2] =	stream.linear.scatter [tilespmem:s0], [sflag:$0x2], $0x80, $0x38;
	[tilespmem:$0x4000] =	vst v63  }
0x1c3: {  	s31 =	sadd.s32 $0x30, s18;
	s0 =	simm.s32 $0xE00  }
0x1c4: {  	[hbm4b:s31+s2] =	stream.linear.scatter [tilespmem:s0], [sflag:$0x2], $0x80, $0x38;
	[tilespmem:$0x4000] =	vst v63  }
0x1c5: {  	s31 =	sadd.s32 $0x40, s18;
	s0 =	simm.s32 $0x1200  }
0x1c6: {  	[hbm4b:s31+s2] =	stream.linear.scatter [tilespmem:s0], [sflag:$0x2], $0x80, $0x38;
	[tilespmem:$0x4000] =	vst v63  }
0x1c7: {  	s31 =	sadd.s32 $0x50, s18;
	s0 =	simm.s32 $0x1600  }
0x1c8: {  	[hbm4b:s31+s2] =	stream.linear.scatter [tilespmem:s0], [sflag:$0x2], $0x80, $0x38;
	[tilespmem:$0x4000] =	vst v63  }
0x1c9: {  	s31 =	sadd.s32 $0x60, s18;
	s0 =	simm.s32 $0x1A00  }
0x1ca: {  	[hbm4b:s31+s2] =	stream.linear.scatter [tilespmem:s0], [sflag:$0x2], $0x80, $0x38;
	[tilespmem:$0x4000] =	vst v63  }
0x1cb: {  	s31 =	sadd.s32 $0x70, s18;
	s0 =	simm.s32 $0x1E00  }
0x1cc: {  	[hbm4b:s31+s2] =	stream.linear.scatter [tilespmem:s0], [sflag:$0x2], $0x80, $0x38;
	[tilespmem:$0x4000] =	vst v63  }
0x1cd: {  	s31 =	sadd.s32 $0x80, s18;
	s0 =	simm.s32 $0x2200  }
0x1ce: {  	[hbm4b:s31+s2] =	stream.linear.scatter [tilespmem:s0], [sflag:$0x2], $0x80, $0x38;
	[tilespmem:$0x4000] =	vst v63  }
0x1cf: {  	s31 =	sadd.s32 $0x90, s18;
	s0 =	simm.s32 $0x2600  }
0x1d0: {  	[hbm4b:s31+s2] =	stream.linear.scatter [tilespmem:s0], [sflag:$0x2], $0x80, $0x38;
	[tilespmem:$0x4000] =	vst v63  }
0x1d1: {  	s31 =	sadd.s32 $0xA0, s18;
	s0 =	simm.s32 $0x2A00  }
0x1d2: {  	[hbm4b:s31+s2] =	stream.linear.scatter [tilespmem:s0], [sflag:$0x2], $0x80, $0x38;
	[tilespmem:$0x4000] =	vst v63  }
0x1d3: {  	s31 =	sadd.s32 $0xB0, s18;
	s0 =	simm.s32 $0x2E00  }
0x1d4: {  	[hbm4b:s31+s2] =	stream.linear.scatter [tilespmem:s0], [sflag:$0x2], $0x80, $0x38;
	[tilespmem:$0x4000] =	vst v63  }
0x1d5: {  	s31 =	sadd.s32 $0xC0, s18;
	s0 =	simm.s32 $0x3200  }
0x1d6: {  	[hbm4b:s31+s2] =	stream.linear.scatter [tilespmem:s0], [sflag:$0x2], $0x80, $0x38;
	[tilespmem:$0x4000] =	vst v63  }
0x1d7: {  	s31 =	sadd.s32 $0xD0, s18;
	s0 =	simm.s32 $0x3600  }
0x1d8: {  	[hbm4b:s31+s2] =	stream.linear.scatter [tilespmem:s0], [sflag:$0x2], $0x80, $0x38;
	[tilespmem:$0x4000] =	vst v63  }
0x1d9: {  	s31 =	sadd.s32 $0xE0, s18;
	s0 =	simm.s32 $0x3A00  }
0x1da: {  	[hbm4b:s31+s2] =	stream.linear.scatter [tilespmem:s0], [sflag:$0x2], $0x80, $0x38;
	[tilespmem:$0x4000] =	vst v63  }
0x1db: {  	s31 =	sadd.s32 $0xF0, s18;
	s0 =	simm.s32 $0x3E00  }
0x1dc: {  	[hbm4b:s31+s2] =	stream.linear.scatter [tilespmem:s0], [sflag:$0x2], $0x80, $0x38;
	[tilespmem:$0x4000] =	vst v63  }
0x1dd: {  	_ =	swait.ge [sflag:s28], $0x800  }
0x1de: {  	[sflag:s28] =	ssyncset.done $0x0  }
0x1df: {  	s31 =	simm.s32 $0x280;
	[sflag:s28] =	ssyncadd.s32 $0xFFFFF800  }
0x1e0: {  	[hbm4b:s19+s2] =	stream.linear.scatter [tilespmem:s31], [sflag:$0x2], $0x80, $0x38;
	[tilespmem:$0x4000] =	vst v63  }
0x1e1: {  	s0 =	simm.s32 $0x680;
	s31 =	sadd.s32 $0x10, s19  }
0x1e2: {  	[hbm4b:s31+s2] =	stream.linear.scatter [tilespmem:s0], [sflag:$0x2], $0x80, $0x38;
	[tilespmem:$0x4000] =	vst v63  }
0x1e3: {  	s31 =	sadd.s32 $0x20, s19;
	s0 =	simm.s32 $0xA80  }
0x1e4: {  	[hbm4b:s31+s2] =	stream.linear.scatter [tilespmem:s0], [sflag:$0x2], $0x80, $0x38;
	[tilespmem:$0x4000] =	vst v63  }
0x1e5: {  	s31 =	sadd.s32 $0x30, s19;
	s0 =	simm.s32 $0xE80  }
0x1e6: {  	[hbm4b:s31+s2] =	stream.linear.scatter [tilespmem:s0], [sflag:$0x2], $0x80, $0x38;
	[tilespmem:$0x4000] =	vst v63  }
0x1e7: {  	s31 =	sadd.s32 $0x40, s19;
	s0 =	simm.s32 $0x1280  }
0x1e8: {  	[hbm4b:s31+s2] =	stream.linear.scatter [tilespmem:s0], [sflag:$0x2], $0x80, $0x38;
	[tilespmem:$0x4000] =	vst v63  }
0x1e9: {  	s31 =	sadd.s32 $0x50, s19;
	s0 =	simm.s32 $0x1680  }
0x1ea: {  	[hbm4b:s31+s2] =	stream.linear.scatter [tilespmem:s0], [sflag:$0x2], $0x80, $0x38;
	[tilespmem:$0x4000] =	vst v63  }
0x1eb: {  	s31 =	sadd.s32 $0x60, s19;
	s0 =	simm.s32 $0x1A80  }
0x1ec: {  	[hbm4b:s31+s2] =	stream.linear.scatter [tilespmem:s0], [sflag:$0x2], $0x80, $0x38;
	[tilespmem:$0x4000] =	vst v63  }
0x1ed: {  	s31 =	sadd.s32 $0x70, s19;
	s0 =	simm.s32 $0x1E80  }
0x1ee: {  	[hbm4b:s31+s2] =	stream.linear.scatter [tilespmem:s0], [sflag:$0x2], $0x80, $0x38;
	[tilespmem:$0x4000] =	vst v63  }
0x1ef: {  	s31 =	sadd.s32 $0x80, s19;
	s0 =	simm.s32 $0x2280  }
0x1f0: {  	[hbm4b:s31+s2] =	stream.linear.scatter [tilespmem:s0], [sflag:$0x2], $0x80, $0x38;
	[tilespmem:$0x4000] =	vst v63  }
0x1f1: {  	s31 =	sadd.s32 $0x90, s19;
	s0 =	simm.s32 $0x2680  }
0x1f2: {  	[hbm4b:s31+s2] =	stream.linear.scatter [tilespmem:s0], [sflag:$0x2], $0x80, $0x38;
	[tilespmem:$0x4000] =	vst v63  }
0x1f3: {  	s31 =	sadd.s32 $0xA0, s19;
	s0 =	simm.s32 $0x2A80  }
0x1f4: {  	[hbm4b:s31+s2] =	stream.linear.scatter [tilespmem:s0], [sflag:$0x2], $0x80, $0x38;
	[tilespmem:$0x4000] =	vst v63  }
0x1f5: {  	s31 =	sadd.s32 $0xB0, s19;
	s0 =	simm.s32 $0x2E80  }
0x1f6: {  	[hbm4b:s31+s2] =	stream.linear.scatter [tilespmem:s0], [sflag:$0x2], $0x80, $0x38;
	[tilespmem:$0x4000] =	vst v63  }
0x1f7: {  	s31 =	sadd.s32 $0xC0, s19;
	s0 =	simm.s32 $0x3280  }
0x1f8: {  	[hbm4b:s31+s2] =	stream.linear.scatter [tilespmem:s0], [sflag:$0x2], $0x80, $0x38;
	[tilespmem:$0x4000] =	vst v63  }
0x1f9: {  	s31 =	sadd.s32 $0xD0, s19;
	s0 =	simm.s32 $0x3680  }
0x1fa: {  	[hbm4b:s31+s2] =	stream.linear.scatter [tilespmem:s0], [sflag:$0x2], $0x80, $0x38;
	[tilespmem:$0x4000] =	vst v63  }
0x1fb: {  	s31 =	sadd.s32 $0xE0, s19;
	s0 =	simm.s32 $0x3A80  }
0x1fc: {  	[hbm4b:s31+s2] =	stream.linear.scatter [tilespmem:s0], [sflag:$0x2], $0x80, $0x38;
	[tilespmem:$0x4000] =	vst v63  }
0x1fd: {  	s31 =	sadd.s32 $0xF0, s19;
	s0 =	simm.s32 $0x3E80  }
0x1fe: {  	[hbm4b:s31+s2] =	stream.linear.scatter [tilespmem:s0], [sflag:$0x2], $0x80, $0x38;
	[tilespmem:$0x4000] =	vst v63  }
0x1ff: {  	_ =	swait.ge [sflag:s28], $0x800  }
0x200: {  	[sflag:s28] =	ssyncset.done $0x0  }
0x201: {  	s31 =	simm.s32 $0x300;
	[sflag:s28] =	ssyncadd.s32 $0xFFFFF800  }
0x202: {  	[hbm4b:s20+s2] =	stream.linear.scatter [tilespmem:s31], [sflag:$0x2], $0x80, $0x38;
	[tilespmem:$0x4000] =	vst v63  }
0x203: {  	s0 =	simm.s32 $0x700;
	s31 =	sadd.s32 $0x10, s20  }
0x204: {  	[hbm4b:s31+s2] =	stream.linear.scatter [tilespmem:s0], [sflag:$0x2], $0x80, $0x38;
	[tilespmem:$0x4000] =	vst v63  }
0x205: {  	s31 =	sadd.s32 $0x20, s20;
	s0 =	simm.s32 $0xB00  }
0x206: {  	[hbm4b:s31+s2] =	stream.linear.scatter [tilespmem:s0], [sflag:$0x2], $0x80, $0x38;
	[tilespmem:$0x4000] =	vst v63  }
0x207: {  	s31 =	sadd.s32 $0x30, s20;
	s0 =	simm.s32 $0xF00  }
0x208: {  	[hbm4b:s31+s2] =	stream.linear.scatter [tilespmem:s0], [sflag:$0x2], $0x80, $0x38;
	[tilespmem:$0x4000] =	vst v63  }
0x209: {  	s31 =	sadd.s32 $0x40, s20;
	s0 =	simm.s32 $0x1300  }
0x20a: {  	[hbm4b:s31+s2] =	stream.linear.scatter [tilespmem:s0], [sflag:$0x2], $0x80, $0x38;
	[tilespmem:$0x4000] =	vst v63  }
0x20b: {  	s31 =	sadd.s32 $0x50, s20;
	s0 =	simm.s32 $0x1700  }
0x20c: {  	[hbm4b:s31+s2] =	stream.linear.scatter [tilespmem:s0], [sflag:$0x2], $0x80, $0x38;
	[tilespmem:$0x4000] =	vst v63  }
0x20d: {  	s31 =	sadd.s32 $0x60, s20;
	s0 =	simm.s32 $0x1B00  }
0x20e: {  	[hbm4b:s31+s2] =	stream.linear.scatter [tilespmem:s0], [sflag:$0x2], $0x80, $0x38;
	[tilespmem:$0x4000] =	vst v63  }
0x20f: {  	s31 =	sadd.s32 $0x70, s20;
	s0 =	simm.s32 $0x1F00  }
0x210: {  	[hbm4b:s31+s2] =	stream.linear.scatter [tilespmem:s0], [sflag:$0x2], $0x80, $0x38;
	[tilespmem:$0x4000] =	vst v63  }
0x211: {  	s31 =	sadd.s32 $0x80, s20;
	s0 =	simm.s32 $0x2300  }
0x212: {  	[hbm4b:s31+s2] =	stream.linear.scatter [tilespmem:s0], [sflag:$0x2], $0x80, $0x38;
	[tilespmem:$0x4000] =	vst v63  }
0x213: {  	s31 =	sadd.s32 $0x90, s20;
	s0 =	simm.s32 $0x2700  }
0x214: {  	[hbm4b:s31+s2] =	stream.linear.scatter [tilespmem:s0], [sflag:$0x2], $0x80, $0x38;
	[tilespmem:$0x4000] =	vst v63  }
0x215: {  	s31 =	sadd.s32 $0xA0, s20;
	s0 =	simm.s32 $0x2B00  }
0x216: {  	[hbm4b:s31+s2] =	stream.linear.scatter [tilespmem:s0], [sflag:$0x2], $0x80, $0x38;
	[tilespmem:$0x4000] =	vst v63  }
0x217: {  	s31 =	sadd.s32 $0xB0, s20;
	s0 =	simm.s32 $0x2F00  }
0x218: {  	[hbm4b:s31+s2] =	stream.linear.scatter [tilespmem:s0], [sflag:$0x2], $0x80, $0x38;
	[tilespmem:$0x4000] =	vst v63  }
0x219: {  	s31 =	sadd.s32 $0xC0, s20;
	s0 =	simm.s32 $0x3300  }
0x21a: {  	[hbm4b:s31+s2] =	stream.linear.scatter [tilespmem:s0], [sflag:$0x2], $0x80, $0x38;
	[tilespmem:$0x4000] =	vst v63  }
0x21b: {  	s31 =	sadd.s32 $0xD0, s20;
	s0 =	simm.s32 $0x3700  }
0x21c: {  	[hbm4b:s31+s2] =	stream.linear.scatter [tilespmem:s0], [sflag:$0x2], $0x80, $0x38;
	[tilespmem:$0x4000] =	vst v63  }
0x21d: {  	s31 =	sadd.s32 $0xE0, s20;
	s0 =	simm.s32 $0x3B00  }
0x21e: {  	[hbm4b:s31+s2] =	stream.linear.scatter [tilespmem:s0], [sflag:$0x2], $0x80, $0x38;
	[tilespmem:$0x4000] =	vst v63  }
0x21f: {  	s31 =	sadd.s32 $0xF0, s20;
	s0 =	simm.s32 $0x3F00  }
0x220: {  	[hbm4b:s31+s2] =	stream.linear.scatter [tilespmem:s0], [sflag:$0x2], $0x80, $0x38;
	[tilespmem:$0x4000] =	vst v63  }
0x221: {  	_ =	swait.ge [sflag:s28], $0x800  }
0x222: {  	[sflag:s28] =	ssyncset.done $0x0  }
0x223: {  	s31 =	simm.s32 $0x380;
	[sflag:s28] =	ssyncadd.s32 $0xFFFFF800  }
0x224: {  	[hbm4b:s21+s2] =	stream.linear.scatter [tilespmem:s31], [sflag:$0x2], $0x80, $0x38;
	[tilespmem:$0x4000] =	vst v63  }
0x225: {  	s0 =	simm.s32 $0x780;
	s31 =	sadd.s32 $0x10, s21  }
0x226: {  	[hbm4b:s31+s2] =	stream.linear.scatter [tilespmem:s0], [sflag:$0x2], $0x80, $0x38;
	[tilespmem:$0x4000] =	vst v63  }
0x227: {  	s31 =	sadd.s32 $0x20, s21;
	s0 =	simm.s32 $0xB80  }
0x228: {  	[hbm4b:s31+s2] =	stream.linear.scatter [tilespmem:s0], [sflag:$0x2], $0x80, $0x38;
	[tilespmem:$0x4000] =	vst v63  }
0x229: {  	s31 =	sadd.s32 $0x30, s21;
	s0 =	simm.s32 $0xF80  }
0x22a: {  	[hbm4b:s31+s2] =	stream.linear.scatter [tilespmem:s0], [sflag:$0x2], $0x80, $0x38;
	[tilespmem:$0x4000] =	vst v63  }
0x22b: {  	s31 =	sadd.s32 $0x40, s21;
	s0 =	simm.s32 $0x1380  }
0x22c: {  	[hbm4b:s31+s2] =	stream.linear.scatter [tilespmem:s0], [sflag:$0x2], $0x80, $0x38;
	[tilespmem:$0x4000] =	vst v63  }
0x22d: {  	s31 =	sadd.s32 $0x50, s21;
	s0 =	simm.s32 $0x1780  }
0x22e: {  	[hbm4b:s31+s2] =	stream.linear.scatter [tilespmem:s0], [sflag:$0x2], $0x80, $0x38;
	[tilespmem:$0x4000] =	vst v63  }
0x22f: {  	s31 =	sadd.s32 $0x60, s21;
	s0 =	simm.s32 $0x1B80  }
0x230: {  	[hbm4b:s31+s2] =	stream.linear.scatter [tilespmem:s0], [sflag:$0x2], $0x80, $0x38;
	[tilespmem:$0x4000] =	vst v63  }
0x231: {  	s31 =	sadd.s32 $0x70, s21;
	s0 =	simm.s32 $0x1F80  }
0x232: {  	[hbm4b:s31+s2] =	stream.linear.scatter [tilespmem:s0], [sflag:$0x2], $0x80, $0x38;
	[tilespmem:$0x4000] =	vst v63  }
0x233: {  	s0 =	sadd.s32 $0x80, s21  }
0x234: {  	[hbm4b:s0+s2] =	stream.linear.scatter [tilespmem:s1], [sflag:$0x2], $0x80, $0x38;
	[tilespmem:$0x4000] =	vst v63  }
0x235: {  	s0 =	sadd.s32 $0x90, s21  }
0x236: {  	[hbm4b:s0+s2] =	stream.linear.scatter [tilespmem:s13], [sflag:$0x2], $0x80, $0x38;
	[tilespmem:$0x4000] =	vst v63  }
0x237: {  	s0 =	sadd.s32 $0xA0, s21  }
0x238: {  	[hbm4b:s0+s2] =	stream.linear.scatter [tilespmem:s23], [sflag:$0x2], $0x80, $0x38;
	[tilespmem:$0x4000] =	vst v63  }
0x239: {  	s0 =	sadd.s32 $0xB0, s21  }
0x23a: {  	[hbm4b:s0+s2] =	stream.linear.scatter [tilespmem:s24], [sflag:$0x2], $0x80, $0x38;
	[tilespmem:$0x4000] =	vst v63  }
0x23b: {  	s0 =	sadd.s32 $0xC0, s21  }
0x23c: {  	[hbm4b:s0+s2] =	stream.linear.scatter [tilespmem:s25], [sflag:$0x2], $0x80, $0x38;
	[tilespmem:$0x4000] =	vst v63  }
0x23d: {  	s0 =	sadd.s32 $0xD0, s21  }
0x23e: {  	[hbm4b:s0+s2] =	stream.linear.scatter [tilespmem:s26], [sflag:$0x2], $0x80, $0x38;
	[tilespmem:$0x4000] =	vst v63  }
0x23f: {  	s0 =	sadd.s32 $0xE0, s21  }
0x240: {  	[hbm4b:s0+s2] =	stream.linear.scatter [tilespmem:s29], [sflag:$0x2], $0x80, $0x38;
	[tilespmem:$0x4000] =	vst v63  }
.Ltmp3:
0x241: {  	s0 =	sadd.s32 $0xF0, s21;
	(pc) =	sbr.rel .LBB2_3-.Ltmp3, $4  }
0x242: {  	[hbm4b:s0+s2] =	stream.linear.scatter [tilespmem:s30], [sflag:$0x2], $0x80, $0x38;
	[tilespmem:$0x4000] =	vst v63  }
0x243: {  	_ =	swait.ge [sflag:s28], $0x800  }
0x244: {  	[sflag:s28] =	ssyncset.done $0x0  }
0x245: {  	[sflag:s28] =	ssyncadd.s32 $0xFFFFF800  }
.LBB2_4:
0x246: {  	_ =	sfence.sel $0x180000  }
0x247: {  	[bflag:$0x0] =	sbarrier.arrive $0xFFFF  }
0x248: {  	_ =	strace $0x90000047  }
0x249: {  	s0 =	stileid.u32;
	[bflag:$0x2] =	sbarrier.arrive $0xFFFF  }
0x24a: {  	p0 =	sne.s32 s0, $0x0;
	s0 =	rddreg [dreg:$0x2]  }
0x24b: {  	s0 =	sadd.s32 @!p0 $0x100000, s0  }
0x24c: {  	[sflag:s0] =	ssyncadd.tile.s32 @!p0 $0x1;
	_ =	shalt  }
.Lfunc_end2:
_tile_overlayer_lowered:
.L_overlay_start_2:
0x24d: {  	(tag) =	ssettag $0x2  }
0x24e: {  	s0 =	rddreg [dreg:$0x0];
	s2 =	stileid.u32  }
0x24f: {  	s1 =	rddreg [dreg:$0x1];
	p0 =	sne.s32 s2, $0x0  }
0x250: {  	s3 =	rddreg [dreg:$0x2];
	[bflag:$0x3] =	sbarrier.arrive $0xFFFF;
	s2 =	simm.s32 @!p0 $0x1C02  }
0x251: {  	[timem:s3], [sflag:s2] =	dma.local @!p0 [hbm:s0], s1  }
0x252: {  	s0 =	simm.s32 @!p0 $0x2  }
0x253: {  	_ =	swait.ge @!p0 [sflag:s0], s1  }
0x254: {  	s1 =	ssub.s32 @!p0 $0x0, s1;
	[sflag:s0] =	ssyncset.done @!p0 $0x0  }
0x255: {  	[sflag:s0] =	ssyncadd.s32 @!p0 s1  }
0x256: {  	[bflag:$0x3] =	sbarrier.arrive $0xFFFF  }
0x257: {  	_ =	shalt  }

// kernel: kernel.7.cloned.1.call-start
scs
__scs_entry_jumppad:
0x0: {  	(pc) =	sbr.rel $0x88, $3  }
0x1: {  	(tag) =	ssettag $0x0;
	lr =	simm.s32 $0x1  }
0x2: {  	[smem:$0x3F9F] =	sst lr;
	_ =	strace $0xD0000000  }
0x3: {  	_ = 	snop  }
0x4: {  	_ = 	snop  }
0x5: {  	_ = 	snop  }
0x6: {  	_ = 	snop  }
0x7: {  	_ = 	snop  }
__scs_overlays_trampoline_lowered:
0x8: {  	[smem:$0x3FAE] =	sst s0  }
0x9: {  	[smem:$0x3FAF] =	sst s1  }
0xa: {  	[smem:$0x3FB0] =	sst s2  }
0xb: {  	[smem:$0x3FB1] =	sst s3  }
0xc: {  	[smem:$0x3FB2] =	sst s4  }
0xd: {  	[smem:$0x3FB3] =	sst s5  }
0xe: {  	[smem:$0x3FB4] =	sst s6  }
0xf: {  	[smem:$0x3FB5] =	sst s7  }
0x10: {  	[smem:$0x3FB6] =	sst s8  }
0x11: {  	[smem:$0x3FB7] =	sst s9;
	s0 =	simm.s32 @!p0 $0x0  }
0x12: {  	s1 =	sld [smem:$0x3F9D];
	s0 =	simm.s32 @p0 $0x1  }
0x13: {  	[smem:$0x3FB8] =	sst s0;
	s0 =	simm.s32 @!p1 $0x0  }
0x14: {  	s2 =	sld [smem:$0x3F9C];
	s0 =	simm.s32 @p1 $0x1  }
0x15: {  	[smem:$0x3FB9] =	sst s0;
	s0 =	simm.s32 @!p2 $0x0  }
0x16: {  	s3 =	sld [smem:$0x3FDB];
	s0 =	simm.s32 @p2 $0x1  }
0x17: {  	s4 =	simm.s32 $0x1BF5;
	[smem:$0x3FBB] =	sst s0  }
0x18: {  	s0 =	sld [smem:$0x3F9E];
	_ =	swait.ge [sflag:s4], $0x0  }
0x19: {  	s7 =	sld [smem:$0x3F9F]  }
0x1a: {  	s8 =	sadd.s32 $0xFFFFE003, lr  }
0x1b: {  	s9 =	sadd.s32 $0xFFFFFEF7, lr;
	s5 =	simm.s32 $0xFFFFFFFF;
	p2 =	slt.u32 s8, $0xFFFFF086  }
0x1c: {  	p1 =	slt.u32 s9, $0xF7A;
	s5 =	simm.s32 @!p2 $0x0  }
0x1d: {  	s5 =	simm.s32 @p1 $0x1;
	p0 =	seq.s32 s7, s2  }
0x1e: {  	s7 =	smul.u32 @!p0 $0xF7A, s2;
	p2 =	seq.s32 @!p0 s5, $0x0  }
0x1f: {  	s9 =	smul.u32 $0xF7A, s1;
	s8 =	simm.s32 @!p0 $0x1BF5;
	p2 =	por !p2, p0  }
0x20: {  	[sflag:s8] =	ssyncset.s32 @!p0 $0xFFFFF086;
	s6 =	sadd.s32 @!p0 s3, s7;
	s7 =	simm.s32 @!p0 $0x108  }
0x21: {  	s3 =	sadd.s32 s3, s9;
	s6 =	sadd.s32 @!p0 $0x88, s6;
	s7 =	simm.s32 @p2 $0x1082  }
0x22: {  	[simem:s7], [sflag:s8] =	dma.local @!p0 [hbm:s6], $0xF7A  }
0x23: {  	s9 =	sor.u32 $0xD0000000, s2;
	s6 =	simm.s32 $0x108;
	_ =	swait.ge @!p0 [sflag:s8], $0x0  }
0x24: {  	s3 =	sadd.s32 $0x88, s3;
	s6 =	simm.s32 @!p1 $0x1082;
	[sflag:s4] =	ssyncset.s32 $0xFFFFF086  }
0x25: {  	[simem:s6], [sflag:s4] =	dma.local [hbm:s3], $0xF7A  }
0x26: {  	[smem:$0x3F9F] =	sst s1;
	(tag) =	ssettag s2;
	_ =	strace s9  }
0x27: {  	s1 =	sld [smem:$0x3FAF]  }
0x28: {  	s2 =	sld [smem:$0x3FB0]  }
0x29: {  	s4 =	sld [smem:$0x3FB2]  }
0x2a: {  	p0 =	seq.s32 s5, $0x0;
	s5 =	sld [smem:$0x3FB3]  }
0x2b: {  	s6 =	sld [smem:$0x3FB4]  }
0x2c: {  	s7 =	sld [smem:$0x3FB5]  }
0x2d: {  	s3 =	simm.s32 $0x108;
	s8 =	sld [smem:$0x3FB6]  }
0x2e: {  	s3 =	simm.s32 @!p0 $0x1082;
	s9 =	sld [smem:$0x3FB7]  }
0x2f: {  	lr =	sadd.s32 s0, s3;
	s0 =	sld [smem:$0x3FAE]  }
0x30: {  	s3 =	sld [smem:$0x3FB1]  }
0x31: {  	[smem:$0x3FBA] =	sst s10  }
0x32: {  	s10 =	sld [smem:$0x3FB8];
	_ =	sdelay $0x3  }
0x33: {  	p0 =	seq.s32 s10, $0x1;
	s10 =	sld [smem:$0x3FBA];
	_ =	sdelay $0x3  }
0x34: {  	[smem:$0x3FBA] =	sst s10  }
0x35: {  	s10 =	sld [smem:$0x3FB9];
	_ =	sdelay $0x3  }
0x36: {  	p1 =	seq.s32 s10, $0x1;
	s10 =	sld [smem:$0x3FBA];
	_ =	sdelay $0x3  }
0x37: {  	[smem:$0x3FBA] =	sst s10  }
0x38: {  	s10 =	sld [smem:$0x3FBB]  }
0x39: {  	_ = 	snop;
	(pc) =	sbr.ind lr, $3  }
0x3a: {  	_ = 	snop  }
0x3b: {  	_ = 	snop  }
0x3c: {  	p2 =	seq.s32 s10, $0x1;
	s10 =	sld [smem:$0x3FBA]  }
0x3d: {  	_ =	shalt  }
0x3e: {  	_ =	shalt  }
0x3f: {  	_ =	shalt  }
0x40: {  	_ =	shalt  }
0x41: {  	_ =	shalt  }
0x42: {  	_ =	shalt  }
0x43: {  	_ =	shalt  }
0x44: {  	_ =	shalt  }
0x45: {  	_ =	shalt  }
0x46: {  	_ =	shalt  }
0x47: {  	_ =	shalt  }
0x48: {  	_ =	shalt  }
0x49: {  	_ =	shalt  }
0x4a: {  	_ =	shalt  }
0x4b: {  	_ =	shalt  }
0x4c: {  	_ =	shalt  }
0x4d: {  	_ =	shalt  }
0x4e: {  	_ =	shalt  }
0x4f: {  	_ =	shalt  }
0x50: {  	_ =	shalt  }
0x51: {  	_ =	shalt  }
0x52: {  	_ =	shalt  }
0x53: {  	_ =	shalt  }
0x54: {  	_ =	shalt  }
0x55: {  	_ =	shalt  }
0x56: {  	_ =	shalt  }
0x57: {  	_ =	shalt  }
0x58: {  	_ =	shalt  }
0x59: {  	_ =	shalt  }
0x5a: {  	_ =	shalt  }
0x5b: {  	_ =	shalt  }
0x5c: {  	_ =	shalt  }
0x5d: {  	_ =	shalt  }
0x5e: {  	_ =	shalt  }
0x5f: {  	_ =	shalt  }
0x60: {  	_ =	shalt  }
0x61: {  	_ =	shalt  }
0x62: {  	_ =	shalt  }
0x63: {  	_ =	shalt  }
0x64: {  	_ =	shalt  }
0x65: {  	_ =	shalt  }
0x66: {  	_ =	shalt  }
0x67: {  	_ =	shalt  }
0x68: {  	_ =	shalt  }
0x69: {  	_ =	shalt  }
0x6a: {  	_ =	shalt  }
0x6b: {  	_ =	shalt  }
0x6c: {  	_ =	shalt  }
0x6d: {  	_ =	shalt  }
0x6e: {  	_ =	shalt  }
0x6f: {  	_ =	shalt  }
0x70: {  	_ =	shalt  }
0x71: {  	_ =	shalt  }
0x72: {  	_ =	shalt  }
0x73: {  	_ =	shalt  }
0x74: {  	_ =	shalt  }
0x75: {  	_ =	shalt  }
0x76: {  	_ =	shalt  }
0x77: {  	_ =	shalt  }
0x78: {  	_ =	shalt  }
0x79: {  	_ =	shalt  }
0x7a: {  	_ =	shalt  }
0x7b: {  	_ =	shalt  }
0x7c: {  	_ =	shalt  }
0x7d: {  	_ =	shalt  }
0x7e: {  	_ =	shalt  }
0x7f: {  	_ =	shalt  }
0x80: {  	_ =	shalt  }
0x81: {  	_ =	shalt  }
0x82: {  	_ =	shalt  }
0x83: {  	_ =	shalt  }
0x84: {  	_ =	shalt  }
0x85: {  	_ =	shalt  }
0x86: {  	_ =	shalt  }
0x87: {  	_ =	shalt  }
.Lfunc_end0:
.L_simem_size_0:
called_computation.1_lowered:
.L_overlay_start_0:
0x88: {  	s2 =	sld [smem:$0x3FD9]  }
0x89: {  	s3 =	sld [smem:$0x3FFE];
	_ =	sdelay $0x1  }
0x8a: {  	s1 =	srdreg.scid  }
0x8b: {  	s0 =	sand.u32 $0x1, s1  }
0x8c: {  	s17 =	sshll.u32 s0, $0xA;
	s2 =	sadd.s32 s3, s2  }
0x8d: {  	s2 =	sadd.s32 s2, s17  }
0x8e: {  	[smem:$0x3FC6] =	sst s2  }
0x8f: {  	_ = 	snop  }
0x90: {  	s2 =	sld [smem:$0x3FD0];
	(tm) =	ssettm $0x1  }
0x91: {  	s18 =	sld [smem:$0x3FFB];
	_ =	sdelay $0x3  }
0x92: {  	_ =	strace s18  }
0x93: {  	s3 =	sld [smem:$0x3FFC];
	_ =	sdelay $0x3  }
0x94: {  	_ =	strace s3  }
0x95: {  	s3 =	sld [smem:$0x3FFD];
	_ =	sdelay $0x3  }
0x96: {  	_ =	strace s3  }
0x97: {  	_ =	strace $0x8FFFFFFF  }
0x98: {  	s19 =	sld [smem:$0x3FDB];
	_ =	sdelay $0x1  }
0x99: {  	s4 =	simm.s32 $_scs_section_size  }
0x9a: {  	s5 =	simm.s32 $_size__tile_overlayer_lowered;
	s6 =	simm.s32 $_tile_overlayer_lowered  }
0x9b: {  	s22 =	simm.s32 $0x1BFF;
	s21 =	sshll.u32 s6, $0x1;
	s3 =	sadd.s32 s4, s19  }
0x9c: {  	s7 =	simm.s32 $0x0;
	s20 =	sshll.u32 s5, $0x1;
	s5 =	sadd.s32 s21, s3  }
0x9d: {  	[timem:s7], [sflag:s22] =	dma.local [hbm:s5], s20  }
0x9e: {  	_ =	swait.ge [sflag:s22], s20  }
0x9f: {  	s4 =	ssub.s32 $0x0, s20;
	[sflag:s22] =	ssyncset.done $0x0  }
0xa0: {  	[sflag:s22] =	ssyncadd.s32 s4;
	_ =	sdelay $0x1  }
0xa1: {  	s23 =	simm.s32 $0x1B8B  }
0xa2: {  	_ =	swait.ge [sflag:s23], $0x1  }
0xa3: {  	[sflag:s23] =	ssyncset.done $0x0  }
0xa4: {  	s25 =	simm.s32 $0x1B8E;
	s24 =	sld [smem:$0x3FFE];
	[sflag:s23] =	ssyncadd.s32 $0xFFFFFFFF  }
0xa5: {  	s26 =	simm.s32 $execute0_lowered;
	[smem:$0x3FD2] =	sst s25  }
0xa6: {  	s5 =	sshll.u32 s26, $0x1;
	_ =	strace $0x80000049;
	[dreg:$0x1] =	wrdreg $0xFFFFFFFF  }
0xa7: {  	s28 =	simm.s32 $_size_execute0_lowered;
	s3 =	sadd.s32 s3, s5;
	[dreg:$0x0] =	wrdreg $0x0  }
0xa8: {  	s5 =	sshll.u32 s28, $0x1;
	[dreg:$0x2] =	wrdreg s3  }
0xa9: {  	[dreg:$0x3] =	wrdreg s5  }
0xaa: {  	[dreg:$0x4] =	wrdreg $0xC0  }
0xab: {  	_ =	task [dreg:s7], $0x5FFFF  }
0xac: {  	[dreg:$0x1] =	wrdreg $0xFFFFFFFF  }
0xad: {  	[dreg:$0x0] =	wrdreg $0x60  }
0xae: {  	[dreg:$0x2] =	wrdreg s24  }
0xaf: {  	[dreg:$0x3] =	wrdreg s2  }
0xb0: {  	[dreg:$0x4] =	wrdreg $0x14E000  }
0xb1: {  	[dreg:$0x5] =	wrdreg $0x9  }
0xb2: {  	_ =	task.clear_ibuf [dreg:s7], $0x6FFFF;
	_ =	strace $0x90000049  }
0xb3: {  	s29 =	simm.s32 $0x9;
	_ =	strace $0x8000004B  }
0xb4: {  	_ =	swait.ge [sflag:s29], $0x1  }
0xb5: {  	[sflag:s29] =	ssyncadd.s32 $0xFFFFFFFF  }
0xb6: {  	_ =	strace $0x9000004B  }
0xb7: {  	_ =	sfence  }
0xb8: {  	s30 =	sld [smem:$0x0];
	_ =	sdelay $0x2  }
0xb9: {  	s31 =	sshll.u32 s1, $0xD;
	s1 =	sshrl.u32 s1, $0x2  }
0xba: {  	s3 =	sand.u32 $0x4000, s31;
	s1 =	sadd.s32 s1, s30  }
0xbb: {  	s0 =	sor.u32 s3, s0;
	s1 =	sshll.u32 s1, $0x11  }
0xbc: {  	s0 =	sor.u32 s1, s0  }
0xbd: {  	s0 =	sadd.s32 $0x8F2B, s0  }
0xbe: {  	[sflag:s0] =	ssyncadd.remote.s32 $0x1  }
0xbf: {  	_ =	sfence.sel $0xFFFF  }
0xc0: {  	[dreg:$0x0] =	wrdreg $0xFFFFFFFF;
	(pc) =	sbr.abs _section_cstart, $3  }
0xc1: {  	[dreg:$0x1] =	wrdreg $0xFFFFFFFF  }
0xc2: {  	_ =	task.clear_ibuf [dreg:s7], $0x2FFFF;
	_ =	strace $0x9FFFFFFF  }
0xc3: {  	(tm) =	ssettm $0x7FFFFFFF  }
tec
execute0_lowered:
.L_overlay_start_1:
0x0: {  	(tag) =	ssettag $0x1  }
0x1: {  	v0 =	vimm.s32 $0x1078;
	vm14 =	vcmask $0x300;
	vm13 =	vcmask $0x704  }
0x2: {  	vm12 =	vcmask $0xB08;
	vm11 =	vcmask $0xF0C;
	vm10 =	vcmask $0x1310  }
0x3: {  	vm9 =	vcmask $0x1714;
	vm8 =	vcmask $0x1B18;
	vm7 =	vcmask $0x1F1C  }
0x4: {  	vm6 =	vcmask $0x2320;
	vm5 =	vcmask $0x2724;
	vm4 =	vcmask $0x2B28  }
0x5: {  	vm3 =	vcmask $0x2F2C;
	vm2 =	vcmask $0x3330;
	vm1 =	vcmask $0x3734  }
0x6: {  	vm0 =	vcmask $0x3B38;
	v1 =	vimm.s32 $0x0;
	v2 =	vimm.s32 $0x29F8  }
0x7: {  	v3 =	vimm.s32 $0x4378;
	v4 =	vimm.s32 $0x5CF8;
	v0 =	vsel vm14, $0x0, v0  }
0x8: {  	v1 =	vsel vm14, $0x3, v1;
	v2 =	vsel vm14, $0x1980, v2;
	v3 =	vsel vm14, $0x3300, v3  }
0x9: {  	v4 =	vsel vm14, $0x4C80, v4;
	v0 =	vsel vm13, $0x88, v0;
	v2 =	vsel vm13, $0x1A08, v2  }
0xa: {  	s0 =	rddreg [dreg:$0x0];
	v3 =	vsel vm13, $0x3388, v3;
	v4 =	vsel vm13, $0x4D08, v4;
	v0 =	vsel vm12, $0x110, v0  }
0xb: {  	s2 =	rddreg [dreg:$0x1];
	v2 =	vsel vm12, $0x1A90, v2;
	v3 =	vsel vm12, $0x3410, v3;
	v4 =	vsel vm12, $0x4D90, v4  }
0xc: {  	s1 =	rddreg [dreg:$0x2];
	v0 =	vsel vm11, $0x198, v0;
	v2 =	vsel vm11, $0x1B18, v2;
	v3 =	vsel vm11, $0x3498, v3  }
0xd: {  	s4 =	srdreg.scid;
	s8 =	stileid.u32;
	v4 =	vsel vm11, $0x4E18, v4;
	v0 =	vsel vm10, $0x220, v0;
	v2 =	vsel vm10, $0x1BA0, v2  }
0xe: {  	s3 =	simm.s32 $0x0;
	s21 =	simm.s32 $0x100;
	s22 =	simm.s32 $0x1;
	v3 =	vsel vm10, $0x3520, v3;
	v4 =	vsel vm10, $0x4EA0, v4;
	v0 =	vsel vm9, $0x2A8, v0  }
0xf: {  	s23 =	simm.s32 $0x3;
	s24 =	simm.s32 $0x5;
	s28 =	simm.s32 $0x6;
	v2 =	vsel vm9, $0x1C28, v2;
	v3 =	vsel vm9, $0x35A8, v3;
	v4 =	vsel vm9, $0x4F28, v4  }
0x10: {  	s29 =	simm.s32 $0xE800;
	s10 =	simm.s32 $0x14938;
	s7 =	sand.u32 $0x1, s4;
	v0 =	vsel vm8, $0x330, v0;
	v2 =	vsel vm8, $0x1CB0, v2;
	v3 =	vsel vm8, $0x3630, v3  }
0x11: {  	s25 =	sshll.u32 s8, $0x1;
	[smem:$0x7FF] =	sst s3;
	s6 =	sadd.s32 $0xF5BC00, s0;
	v4 =	vsel vm8, $0x4FB0, v4;
	v0 =	vsel vm7, $0x3B8, v0;
	v2 =	vsel vm7, $0x1D38, v2  }
0x12: {  	s5 =	sadd.s32 $0x800, s0;
	s8 =	sshll.u32 s8, $0xF;
	s11 =	sadd.s32 $0x1000, s2;
	v3 =	vsel vm7, $0x36B8, v3;
	v4 =	vsel vm7, $0x5038, v4;
	v0 =	vsel vm6, $0xCC0, v0  }
0x13: {  	s12 =	sadd.s32 $0x2000, s2;
	s13 =	sadd.s32 $0x3000, s2;
	s14 =	sadd.s32 $0x4000, s2;
	v2 =	vsel vm6, $0x2640, v2;
	v3 =	vsel vm6, $0x3FC0, v3;
	v4 =	vsel vm6, $0x5940, v4  }
0x14: {  	s15 =	sadd.s32 $0x5000, s2;
	s16 =	sadd.s32 $0x6000, s2;
	s17 =	sadd.s32 $0x7000, s2;
	v0 =	vsel vm5, $0xD48, v0;
	v2 =	vsel vm5, $0x26C8, v2;
	v3 =	vsel vm5, $0x4048, v3  }
0x15: {  	s4 =	sor.u32 s7, s25;
	_ =	strace $0x8000004A;
	s26 =	ssub.s32 $0x2, s7;
	v4 =	vsel vm5, $0x59C8, v4;
	v0 =	vsel vm4, $0xDD0, v0;
	v2 =	vsel vm4, $0x2750, v2  }
0x16: {  	s1 =	sadd.s32 s8, s1;
	s4 =	smul.u32 $0x6400, s4;
	s7 =	sshrl.u32 s26, $0x1;
	v3 =	vsel vm4, $0x40D0, v3;
	v4 =	vsel vm4, $0x5A50, v4;
	v0 =	vsel vm3, $0xE58, v0  }
0x17: {  	[dreg:$0x4] =	wrdreg s1;
	s1 =	sadd.s32 $0x4000, s1;
	s0 =	ssub.s32 s26, s7;
	v2 =	vsel vm3, $0x27D8, v2;
	v3 =	vsel vm3, $0x4158, v3;
	v4 =	vsel vm3, $0x5AD8, v4  }
0x18: {  	[dreg:$0x6] =	wrdreg s1;
	s9 =	sshrl.u32 s4, $0x3;
	s0 =	smax.u32 s0, $0x1;
	v0 =	vsel vm2, $0xEE0, v0;
	v2 =	vsel vm2, $0x2860, v2;
	v3 =	vsel vm2, $0x41E0, v3  }
0x19: {  	s25 =	simm.s32 $0x8200;
	s30 =	sadd.s32 s5, s9;
	[dreg:$0x8] =	wrdreg s0;
	v4 =	vsel vm2, $0x5B60, v4;
	v0 =	vsel vm1, $0xF68, v0;
	v2 =	vsel vm1, $0x28E8, v2  }
0x1a: {  	s8 =	simm.s32 $0x2;
	[dreg:$0x5] =	wrdreg s30;
	s31 =	sadd.s32 $0x20, s30;
	v3 =	vsel vm1, $0x4268, v3;
	v4 =	vsel vm1, $0x5BE8, v4;
	v0 =	vsel vm0, $0xFF0, v0  }
0x1b: {  	s26 =	simm.s32 $0x4;
	s1 =	simm.s32 $0x0;
	[dreg:$0x7] =	wrdreg s31;
	v2 =	vsel vm0, $0x2970, v2;
	v3 =	vsel vm0, $0x42F0, v3;
	v4 =	vsel vm0, $0x5C70, v4  }
.LBB2_1:
0x1c: {  	[dreg:$0x9] =	wrdreg s1  }
0x1d: {  	s0 =	rddreg [dreg:$0x4];
	s18 =	simm.s32 $0x200  }
0x1e: {  	[spmem:s0] =	stream.linear.scatter [tilespmem:s18], [sflag:$0x5], $0x4000, $0x38;
	[tilespmem:$0x1CE00] =	vst v63  }
0x1f: {  	s19 =	rddreg [dreg:$0x5]  }
0x20: {  	[tilespmem:s3], [sflag:$0x1] =	stream.linear.gather [hbm4b:s19+s3], $0x100, $0x38;
	[tilespmem:$0x1CE00] =	vst v63  }
0x21: {  	s20 =	rddreg [dreg:$0x6];
	s30 =	simm.s32 $0x4200  }
0x22: {  	[spmem:s20] =	stream.linear.scatter [tilespmem:s30], [sflag:$0x6], $0x4000, $0x38;
	[tilespmem:$0x1CE00] =	vst v63  }
0x23: {  	s31 =	rddreg [dreg:$0x7];
	s20 =	simm.s32 $0x0  }
0x24: {  	[tilespmem:s21], [sflag:$0x2] =	stream.linear.gather [hbm4b:s31+s3], $0x100, $0x38;
	[tilespmem:$0x1CE00] =	vst v63  }
.LBB2_2:
0x25: {  	_ =	swait.ge [sflag:s22], $0x100;
	s18 =	sshll.u32 s20, $0x9  }
0x26: {  	s0 =	simm.s32 $0x0;
	[sflag:s22] =	ssyncset.done $0x0;
	s7 =	sadd.s32 s4, s18  }
0x27: {  	s1 =	simm.s32 $0x200;
	[sflag:s22] =	ssyncadd.s32 $0xFFFFFF00;
	s9 =	smin.u32 s7, $0xC7D00  }
0x28: {  	[tilespmem:s1], [sflag:$0x3] =	stream.indirect.gather [hbm4b:s6+s21], $0x40, s0, s21, $0xb8;
	[tilespmem:$0x1CE00] =	vst v63  }
0x29: {  	s1 =	sshrl.u32 s9, $0x3;
	s9 =	simm.s32 $0x0;
	_ =	swait.ge [sflag:s23], $0x4000  }
0x2a: {  	s30 =	sand.u32 $0x78, s0;
	s1 =	sadd.s32 s5, s1;
	v5 =	vmov s9;
	[sflag:s23] =	ssyncset.done $0x0  }
0x2b: {  	v6 =	vmov s30;
	s1 =	sadd.s32 $0x40, s1;
	v5 =	vmul.u32 $0x440, v5;
	[sflag:s23] =	ssyncadd.s32 $0xFFFFC000  }
0x2c: {  	v6 =	vshrl.u32 v6, $0x3;
	[tilespmem:s0], [sflag:$0x1] =	stream.linear.gather [hbm4b:s1+s0], $0x100, $0x38;
	[tilespmem:$0x1CE00] =	vst v63  }
0x2d: {  	v6 =	vshll.u32 v6, v1;
	v5 =	vbroadcast v5, $0x0;
	_ =	swait.ge [sflag:s24], $0x4000  }
0x2e: {  	v9 =	vbroadcast v6, $0x0;
	[sflag:s24] =	ssyncset.done $0x0  }
0x2f: {  	s30 =	simm.s32 $0x300;
	v6 =	vadd.s32 v0, v5;
	[sflag:s24] =	ssyncadd.s32 $0xFFFFC000  }
0x30: {  	v8 =	vadd.s32 v6, v9;
	v7 =	vld [tilespmem:s30+$0xFFFFFF00];
	_ =	sdelay $0x4  }
0x31: {  	[tilespmem:v8+s25+$0x0] =	vst.idx.msk $0xffff, v7;
	v7 =	vadd.s32 v2, v5  }
0x32: {  	v8 =	vld [tilespmem:s30+$0xFFFFFF10];
	v10 =	vadd.s32 v7, v9;
	_ =	sdelay $0x4  }
0x33: {  	v32 =	vadd.s32 v3, v5;
	[tilespmem:v10+s25+$0x0] =	vst.idx.msk $0xffff, v8  }
0x34: {  	v11 =	vadd.s32 v32, v9;
	v10 =	vld [tilespmem:s30+$0xFFFFFF20];
	_ =	sdelay $0x3  }
0x35: {  	s19 =	simm.s32 $0x1  }
0x36: {  	s0 =	sand.u32 $0x78, s19;
	v5 =	vadd.s32 v4, v5;
	[tilespmem:v11+s25+$0x0] =	vst.idx.msk $0xffff, v10  }
0x37: {  	v33 =	vmov s0;
	v9 =	vadd.s32 v5, v9;
	v10 =	vld [tilespmem:s30+$0xFFFFFF30]  }
0x38: {  	v11 =	vshrl.u32 v33, $0x3  }
0x39: {  	v11 =	vshll.u32 v11, v1  }
0x3a: {  	v11 =	vbroadcast v11, $0x0;
	_ =	sdelay $0x1  }
0x3b: {  	v34 =	vadd.s32 v6, v11;
	[tilespmem:v9+s25+$0x0] =	vst.idx.msk $0xffff, v10  }
0x3c: {  	v9 =	vor.u32 $0x1, v34;
	v10 =	vld [tilespmem:s30+$0xFFFFFF40];
	_ =	sdelay $0x4  }
0x3d: {  	v35 =	vadd.s32 v7, v11;
	[tilespmem:v9+s25+$0x0] =	vst.idx.msk $0xffff, v10  }
0x3e: {  	v9 =	vor.u32 $0x1, v35;
	v10 =	vld [tilespmem:s30+$0xFFFFFF50];
	_ =	sdelay $0x4  }
0x3f: {  	v36 =	vadd.s32 v32, v11;
	[tilespmem:v9+s25+$0x0] =	vst.idx.msk $0xffff, v10  }
0x40: {  	v9 =	vor.u32 $0x1, v36;
	v10 =	vld [tilespmem:s30+$0xFFFFFF60];
	_ =	sdelay $0x3  }
0x41: {  	s1 =	simm.s32 $0x2  }
0x42: {  	s0 =	sand.u32 $0x78, s1;
	v37 =	vadd.s32 v5, v11;
	[tilespmem:v9+s25+$0x0] =	vst.idx.msk $0xffff, v10  }
0x43: {  	v38 =	vmov s0;
	v9 =	vor.u32 $0x1, v37;
	v10 =	vld [tilespmem:s30+$0xFFFFFF70]  }
0x44: {  	v11 =	vshrl.u32 v38, $0x3  }
0x45: {  	v11 =	vshll.u32 v11, v1  }
0x46: {  	v11 =	vbroadcast v11, $0x0;
	_ =	sdelay $0x1  }
0x47: {  	v39 =	vadd.s32 v6, v11;
	[tilespmem:v9+s25+$0x0] =	vst.idx.msk $0xffff, v10  }
0x48: {  	v9 =	vor.u32 $0x2, v39;
	v10 =	vld [tilespmem:s30+$0xFFFFFF80];
	_ =	sdelay $0x4  }
0x49: {  	v40 =	vadd.s32 v7, v11;
	[tilespmem:v9+s25+$0x0] =	vst.idx.msk $0xffff, v10  }
0x4a: {  	v9 =	vor.u32 $0x2, v40;
	v10 =	vld [tilespmem:s30+$0xFFFFFF90];
	_ =	sdelay $0x4  }
0x4b: {  	v41 =	vadd.s32 v32, v11;
	[tilespmem:v9+s25+$0x0] =	vst.idx.msk $0xffff, v10  }
0x4c: {  	v9 =	vor.u32 $0x2, v41;
	v10 =	vld [tilespmem:s30+$0xFFFFFFA0];
	_ =	sdelay $0x3  }
0x4d: {  	s9 =	simm.s32 $0x3  }
0x4e: {  	s0 =	sand.u32 $0x78, s9;
	v42 =	vadd.s32 v5, v11;
	[tilespmem:v9+s25+$0x0] =	vst.idx.msk $0xffff, v10  }
0x4f: {  	v43 =	vmov s0;
	v9 =	vor.u32 $0x2, v42;
	v10 =	vld [tilespmem:s30+$0xFFFFFFB0]  }
0x50: {  	v11 =	vshrl.u32 v43, $0x3  }
0x51: {  	v11 =	vshll.u32 v11, v1  }
0x52: {  	v11 =	vbroadcast v11, $0x0;
	_ =	sdelay $0x1  }
0x53: {  	v44 =	vadd.s32 v6, v11;
	[tilespmem:v9+s25+$0x0] =	vst.idx.msk $0xffff, v10  }
0x54: {  	v9 =	vor.u32 $0x3, v44;
	v10 =	vld [tilespmem:s30+$0xFFFFFFC0];
	_ =	sdelay $0x4  }
0x55: {  	v45 =	vadd.s32 v7, v11;
	[tilespmem:v9+s25+$0x0] =	vst.idx.msk $0xffff, v10  }
0x56: {  	v9 =	vor.u32 $0x3, v45;
	v10 =	vld [tilespmem:s30+$0xFFFFFFD0];
	_ =	sdelay $0x4  }
0x57: {  	v46 =	vadd.s32 v32, v11;
	[tilespmem:v9+s25+$0x0] =	vst.idx.msk $0xffff, v10  }
0x58: {  	v9 =	vor.u32 $0x3, v46;
	v10 =	vld [tilespmem:s30+$0xFFFFFFE0];
	_ =	sdelay $0x3  }
0x59: {  	s19 =	simm.s32 $0x4  }
0x5a: {  	s0 =	sand.u32 $0x78, s19;
	v47 =	vadd.s32 v5, v11;
	[tilespmem:v9+s25+$0x0] =	vst.idx.msk $0xffff, v10  }
0x5b: {  	v48 =	vmov s0;
	v9 =	vor.u32 $0x3, v47;
	v10 =	vld [tilespmem:s30+$0xFFFFFFF0]  }
0x5c: {  	v11 =	vshrl.u32 v48, $0x3  }
0x5d: {  	v11 =	vshll.u32 v11, v1  }
0x5e: {  	v11 =	vbroadcast v11, $0x0;
	_ =	sdelay $0x1  }
0x5f: {  	v49 =	vadd.s32 v6, v11;
	[tilespmem:v9+s25+$0x0] =	vst.idx.msk $0xffff, v10  }
0x60: {  	v9 =	vor.u32 $0x4, v49;
	v10 =	vld [tilespmem:s30+$0x0];
	_ =	sdelay $0x4  }
0x61: {  	v50 =	vadd.s32 v7, v11;
	[tilespmem:v9+s25+$0x0] =	vst.idx.msk $0xffff, v10  }
0x62: {  	v9 =	vor.u32 $0x4, v50;
	v10 =	vld [tilespmem:s30+$0x10];
	_ =	sdelay $0x4  }
0x63: {  	v51 =	vadd.s32 v32, v11;
	[tilespmem:v9+s25+$0x0] =	vst.idx.msk $0xffff, v10  }
0x64: {  	v9 =	vor.u32 $0x4, v51;
	v10 =	vld [tilespmem:s30+$0x20];
	_ =	sdelay $0x3  }
0x65: {  	s1 =	simm.s32 $0x5  }
0x66: {  	s0 =	sand.u32 $0x78, s1;
	v52 =	vadd.s32 v5, v11;
	[tilespmem:v9+s25+$0x0] =	vst.idx.msk $0xffff, v10  }
0x67: {  	v53 =	vmov s0;
	v9 =	vor.u32 $0x4, v52;
	v10 =	vld [tilespmem:s30+$0x30]  }
0x68: {  	v11 =	vshrl.u32 v53, $0x3  }
0x69: {  	v11 =	vshll.u32 v11, v1  }
0x6a: {  	v11 =	vbroadcast v11, $0x0;
	_ =	sdelay $0x1  }
0x6b: {  	v54 =	vadd.s32 v6, v11;
	[tilespmem:v9+s25+$0x0] =	vst.idx.msk $0xffff, v10  }
0x6c: {  	v9 =	vor.u32 $0x5, v54;
	v10 =	vld [tilespmem:s30+$0x40];
	_ =	sdelay $0x4  }
0x6d: {  	v55 =	vadd.s32 v7, v11;
	[tilespmem:v9+s25+$0x0] =	vst.idx.msk $0xffff, v10  }
0x6e: {  	v9 =	vor.u32 $0x5, v55;
	v10 =	vld [tilespmem:s30+$0x50];
	_ =	sdelay $0x4  }
0x6f: {  	v56 =	vadd.s32 v32, v11;
	[tilespmem:v9+s25+$0x0] =	vst.idx.msk $0xffff, v10  }
0x70: {  	v9 =	vor.u32 $0x5, v56;
	v10 =	vld [tilespmem:s30+$0x60];
	_ =	sdelay $0x3  }
0x71: {  	s9 =	simm.s32 $0x6  }
0x72: {  	s0 =	sand.u32 $0x78, s9;
	v57 =	vadd.s32 v5, v11;
	[tilespmem:v9+s25+$0x0] =	vst.idx.msk $0xffff, v10  }
0x73: {  	v58 =	vmov s0;
	v9 =	vor.u32 $0x5, v57;
	v10 =	vld [tilespmem:s30+$0x70]  }
0x74: {  	v11 =	vshrl.u32 v58, $0x3  }
0x75: {  	v11 =	vshll.u32 v11, v1  }
0x76: {  	v11 =	vbroadcast v11, $0x0;
	_ =	sdelay $0x1  }
0x77: {  	v59 =	vadd.s32 v6, v11;
	[tilespmem:v9+s25+$0x0] =	vst.idx.msk $0xffff, v10  }
0x78: {  	v9 =	vor.u32 $0x6, v59;
	v10 =	vld [tilespmem:s30+$0x80];
	_ =	sdelay $0x4  }
0x79: {  	v60 =	vadd.s32 v7, v11;
	[tilespmem:v9+s25+$0x0] =	vst.idx.msk $0xffff, v10  }
0x7a: {  	v9 =	vor.u32 $0x6, v60;
	v10 =	vld [tilespmem:s30+$0x90];
	_ =	sdelay $0x4  }
0x7b: {  	v61 =	vadd.s32 v32, v11;
	[tilespmem:v9+s25+$0x0] =	vst.idx.msk $0xffff, v10  }
0x7c: {  	v9 =	vor.u32 $0x6, v61;
	v10 =	vld [tilespmem:s30+$0xA0];
	_ =	sdelay $0x3  }
0x7d: {  	s19 =	simm.s32 $0x7  }
0x7e: {  	s0 =	sand.u32 $0x78, s19;
	v62 =	vadd.s32 v5, v11;
	[tilespmem:v9+s25+$0x0] =	vst.idx.msk $0xffff, v10  }
0x7f: {  	v63 =	vmov s0;
	v9 =	vor.u32 $0x6, v62;
	v10 =	vld [tilespmem:s30+$0xB0]  }
0x80: {  	v11 =	vshrl.u32 v63, $0x3  }
0x81: {  	v11 =	vshll.u32 v11, v1  }
0x82: {  	v11 =	vbroadcast v11, $0x0;
	_ =	sdelay $0x1  }
0x83: {  	v6 =	vadd.s32 v6, v11;
	[tilespmem:v9+s25+$0x0] =	vst.idx.msk $0xffff, v10  }
0x84: {  	v6 =	vor.u32 $0x7, v6;
	v9 =	vld [tilespmem:s30+$0xC0];
	_ =	sdelay $0x4  }
0x85: {  	[tilespmem:v6+s25+$0x0] =	vst.idx.msk $0xffff, v9;
	v6 =	vadd.s32 v7, v11  }
0x86: {  	v7 =	vld [tilespmem:s30+$0xD0];
	v6 =	vor.u32 $0x7, v6;
	_ =	sdelay $0x4  }
0x87: {  	[tilespmem:v6+s25+$0x0] =	vst.idx.msk $0xffff, v7;
	v6 =	vadd.s32 v32, v11  }
0x88: {  	v7 =	vld [tilespmem:s30+$0xE0];
	v6 =	vor.u32 $0x7, v6;
	_ =	sdelay $0x3  }
0x89: {  	s31 =	simm.s32 $0x8  }
0x8a: {  	s1 =	simm.s32 $0x10;
	s9 =	simm.s32 $0x0;
	s0 =	simm.s32 $0x1;
	v5 =	vadd.s32 v5, v11;
	[tilespmem:v6+s25+$0x0] =	vst.idx.msk $0xffff, v7  }
.LBB2_3:
0x8b: {  	p0 =	sne.s32 s1, $0xF8;
	s19 =	sand.u32 $0x78, s31;
	v6 =	vmov s9;
	v7 =	vld [tilespmem:s30+$0xF0];
	v8 =	vor.u32 $0x7, v5  }
0x8c: {  	v5 =	vmov s19;
	v6 =	vmul.u32 $0x440, v6  }
0x8d: {  	v5 =	vshrl.u32 v5, $0x3  }
0x8e: {  	v6 =	vbroadcast v6, $0x0;
	v5 =	vshll.u32 v5, v1  }
0x8f: {  	v9 =	vbroadcast v5, $0x0  }
0x90: {  	s30 =	sadd.s32 $0x200, s30;
	v5 =	vadd.s32 v0, v6;
	[tilespmem:v8+s25+$0x0] =	vst.idx.msk $0xffff, v7  }
0x91: {  	v7 =	vld [tilespmem:s30+$0xFFFFFF00];
	v8 =	vadd.s32 v5, v9;
	_ =	sdelay $0x4  }
0x92: {  	[tilespmem:v8+s25+$0x0] =	vst.idx.msk $0xffff, v7;
	v7 =	vadd.s32 v2, v6  }
0x93: {  	v8 =	vld [tilespmem:s30+$0xFFFFFF10];
	v10 =	vadd.s32 v7, v9;
	_ =	sdelay $0x4  }
0x94: {  	[tilespmem:v10+s25+$0x0] =	vst.idx.msk $0xffff, v8;
	v8 =	vadd.s32 v3, v6  }
0x95: {  	v10 =	vld [tilespmem:s30+$0xFFFFFF20];
	v11 =	vadd.s32 v8, v9;
	_ =	sdelay $0x3  }
0x96: {  	s9 =	sadd.s32 $0x1, s31  }
0x97: {  	s9 =	sand.u32 $0x78, s9;
	v6 =	vadd.s32 v4, v6;
	[tilespmem:v11+s25+$0x0] =	vst.idx.msk $0xffff, v10  }
0x98: {  	v9 =	vadd.s32 v6, v9;
	v11 =	vmov s9;
	v10 =	vld [tilespmem:s30+$0xFFFFFF30]  }
0x99: {  	v11 =	vshrl.u32 v11, $0x3  }
0x9a: {  	v11 =	vshll.u32 v11, v1  }
0x9b: {  	v11 =	vbroadcast v11, $0x0;
	_ =	sdelay $0x1  }
0x9c: {  	[tilespmem:v9+s25+$0x0] =	vst.idx.msk $0xffff, v10;
	v9 =	vadd.s32 v5, v11  }
0x9d: {  	v10 =	vld [tilespmem:s30+$0xFFFFFF40];
	v9 =	vor.u32 $0x1, v9;
	_ =	sdelay $0x4  }
0x9e: {  	[tilespmem:v9+s25+$0x0] =	vst.idx.msk $0xffff, v10;
	v9 =	vadd.s32 v7, v11  }
0x9f: {  	v10 =	vld [tilespmem:s30+$0xFFFFFF50];
	v9 =	vor.u32 $0x1, v9;
	_ =	sdelay $0x4  }
0xa0: {  	[tilespmem:v9+s25+$0x0] =	vst.idx.msk $0xffff, v10;
	v9 =	vadd.s32 v8, v11  }
0xa1: {  	v10 =	vld [tilespmem:s30+$0xFFFFFF60];
	v9 =	vor.u32 $0x1, v9;
	_ =	sdelay $0x3  }
0xa2: {  	s9 =	sadd.s32 $0x2, s31  }
0xa3: {  	s9 =	sand.u32 $0x78, s9;
	[tilespmem:v9+s25+$0x0] =	vst.idx.msk $0xffff, v10;
	v9 =	vadd.s32 v6, v11  }
0xa4: {  	v11 =	vmov s9;
	v10 =	vld [tilespmem:s30+$0xFFFFFF70];
	v9 =	vor.u32 $0x1, v9  }
0xa5: {  	v11 =	vshrl.u32 v11, $0x3  }
0xa6: {  	v11 =	vshll.u32 v11, v1  }
0xa7: {  	v11 =	vbroadcast v11, $0x0;
	_ =	sdelay $0x1  }
0xa8: {  	[tilespmem:v9+s25+$0x0] =	vst.idx.msk $0xffff, v10;
	v9 =	vadd.s32 v5, v11  }
0xa9: {  	v10 =	vld [tilespmem:s30+$0xFFFFFF80];
	v9 =	vor.u32 $0x2, v9;
	_ =	sdelay $0x4  }
0xaa: {  	[tilespmem:v9+s25+$0x0] =	vst.idx.msk $0xffff, v10;
	v9 =	vadd.s32 v7, v11  }
0xab: {  	v10 =	vld [tilespmem:s30+$0xFFFFFF90];
	v9 =	vor.u32 $0x2, v9;
	_ =	sdelay $0x4  }
0xac: {  	[tilespmem:v9+s25+$0x0] =	vst.idx.msk $0xffff, v10;
	v9 =	vadd.s32 v8, v11  }
0xad: {  	v10 =	vld [tilespmem:s30+$0xFFFFFFA0];
	v9 =	vor.u32 $0x2, v9;
	_ =	sdelay $0x3  }
0xae: {  	s9 =	sadd.s32 $0x3, s31  }
0xaf: {  	s9 =	sand.u32 $0x78, s9;
	[tilespmem:v9+s25+$0x0] =	vst.idx.msk $0xffff, v10;
	v9 =	vadd.s32 v6, v11  }
0xb0: {  	v11 =	vmov s9;
	v10 =	vld [tilespmem:s30+$0xFFFFFFB0];
	v9 =	vor.u32 $0x2, v9  }
0xb1: {  	v11 =	vshrl.u32 v11, $0x3  }
0xb2: {  	v11 =	vshll.u32 v11, v1  }
0xb3: {  	v11 =	vbroadcast v11, $0x0;
	_ =	sdelay $0x1  }
0xb4: {  	[tilespmem:v9+s25+$0x0] =	vst.idx.msk $0xffff, v10;
	v9 =	vadd.s32 v5, v11  }
0xb5: {  	v10 =	vld [tilespmem:s30+$0xFFFFFFC0];
	v9 =	vor.u32 $0x3, v9;
	_ =	sdelay $0x4  }
0xb6: {  	[tilespmem:v9+s25+$0x0] =	vst.idx.msk $0xffff, v10;
	v9 =	vadd.s32 v7, v11  }
0xb7: {  	v10 =	vld [tilespmem:s30+$0xFFFFFFD0];
	v9 =	vor.u32 $0x3, v9;
	_ =	sdelay $0x4  }
0xb8: {  	[tilespmem:v9+s25+$0x0] =	vst.idx.msk $0xffff, v10;
	v9 =	vadd.s32 v8, v11  }
0xb9: {  	v10 =	vld [tilespmem:s30+$0xFFFFFFE0];
	v9 =	vor.u32 $0x3, v9;
	_ =	sdelay $0x3  }
0xba: {  	s9 =	sadd.s32 $0x4, s31  }
0xbb: {  	s9 =	sand.u32 $0x78, s9;
	[tilespmem:v9+s25+$0x0] =	vst.idx.msk $0xffff, v10;
	v9 =	vadd.s32 v6, v11  }
0xbc: {  	v11 =	vmov s9;
	v10 =	vld [tilespmem:s30+$0xFFFFFFF0];
	v9 =	vor.u32 $0x3, v9  }
0xbd: {  	v11 =	vshrl.u32 v11, $0x3  }
0xbe: {  	v11 =	vshll.u32 v11, v1  }
0xbf: {  	v11 =	vbroadcast v11, $0x0;
	_ =	sdelay $0x1  }
0xc0: {  	[tilespmem:v9+s25+$0x0] =	vst.idx.msk $0xffff, v10;
	v9 =	vadd.s32 v5, v11  }
0xc1: {  	v10 =	vld [tilespmem:s30+$0x0];
	v9 =	vor.u32 $0x4, v9;
	_ =	sdelay $0x4  }
0xc2: {  	[tilespmem:v9+s25+$0x0] =	vst.idx.msk $0xffff, v10;
	v9 =	vadd.s32 v7, v11  }
0xc3: {  	v10 =	vld [tilespmem:s30+$0x10];
	v9 =	vor.u32 $0x4, v9;
	_ =	sdelay $0x4  }
0xc4: {  	[tilespmem:v9+s25+$0x0] =	vst.idx.msk $0xffff, v10;
	v9 =	vadd.s32 v8, v11  }
0xc5: {  	v10 =	vld [tilespmem:s30+$0x20];
	v9 =	vor.u32 $0x4, v9;
	_ =	sdelay $0x3  }
0xc6: {  	s9 =	sadd.s32 $0x5, s31  }
0xc7: {  	s9 =	sand.u32 $0x78, s9;
	[tilespmem:v9+s25+$0x0] =	vst.idx.msk $0xffff, v10;
	v9 =	vadd.s32 v6, v11  }
0xc8: {  	v11 =	vmov s9;
	v10 =	vld [tilespmem:s30+$0x30];
	v9 =	vor.u32 $0x4, v9  }
0xc9: {  	v11 =	vshrl.u32 v11, $0x3  }
0xca: {  	v11 =	vshll.u32 v11, v1  }
0xcb: {  	v11 =	vbroadcast v11, $0x0;
	_ =	sdelay $0x1  }
0xcc: {  	[tilespmem:v9+s25+$0x0] =	vst.idx.msk $0xffff, v10;
	v9 =	vadd.s32 v5, v11  }
0xcd: {  	v10 =	vld [tilespmem:s30+$0x40];
	v9 =	vor.u32 $0x5, v9;
	_ =	sdelay $0x4  }
0xce: {  	[tilespmem:v9+s25+$0x0] =	vst.idx.msk $0xffff, v10;
	v9 =	vadd.s32 v7, v11  }
0xcf: {  	v10 =	vld [tilespmem:s30+$0x50];
	v9 =	vor.u32 $0x5, v9;
	_ =	sdelay $0x4  }
0xd0: {  	[tilespmem:v9+s25+$0x0] =	vst.idx.msk $0xffff, v10;
	v9 =	vadd.s32 v8, v11  }
0xd1: {  	v10 =	vld [tilespmem:s30+$0x60];
	v9 =	vor.u32 $0x5, v9;
	_ =	sdelay $0x3  }
0xd2: {  	s9 =	sadd.s32 $0x6, s31  }
0xd3: {  	s9 =	sand.u32 $0x78, s9;
	[tilespmem:v9+s25+$0x0] =	vst.idx.msk $0xffff, v10;
	v9 =	vadd.s32 v6, v11  }
0xd4: {  	v11 =	vmov s9;
	v10 =	vld [tilespmem:s30+$0x70];
	v9 =	vor.u32 $0x5, v9  }
0xd5: {  	v11 =	vshrl.u32 v11, $0x3  }
0xd6: {  	v11 =	vshll.u32 v11, v1  }
0xd7: {  	v11 =	vbroadcast v11, $0x0;
	_ =	sdelay $0x1  }
0xd8: {  	[tilespmem:v9+s25+$0x0] =	vst.idx.msk $0xffff, v10;
	v9 =	vadd.s32 v5, v11  }
0xd9: {  	v10 =	vld [tilespmem:s30+$0x80];
	v9 =	vor.u32 $0x6, v9;
	_ =	sdelay $0x4  }
0xda: {  	[tilespmem:v9+s25+$0x0] =	vst.idx.msk $0xffff, v10;
	v9 =	vadd.s32 v7, v11  }
0xdb: {  	v10 =	vld [tilespmem:s30+$0x90];
	v9 =	vor.u32 $0x6, v9;
	_ =	sdelay $0x4  }
0xdc: {  	[tilespmem:v9+s25+$0x0] =	vst.idx.msk $0xffff, v10;
	v9 =	vadd.s32 v8, v11  }
0xdd: {  	v10 =	vld [tilespmem:s30+$0xA0];
	v9 =	vor.u32 $0x6, v9;
	_ =	sdelay $0x3  }
0xde: {  	s9 =	sadd.s32 $0x7, s31;
	s31 =	smov.u32 s1  }
0xdf: {  	s9 =	sand.u32 $0x78, s9;
	[tilespmem:v9+s25+$0x0] =	vst.idx.msk $0xffff, v10;
	v9 =	vadd.s32 v6, v11  }
0xe0: {  	v11 =	vmov s9;
	v10 =	vld [tilespmem:s30+$0xB0];
	v9 =	vor.u32 $0x6, v9  }
0xe1: {  	v11 =	vshrl.u32 v11, $0x3  }
0xe2: {  	v11 =	vshll.u32 v11, v1  }
0xe3: {  	v11 =	vbroadcast v11, $0x0;
	_ =	sdelay $0x1  }
0xe4: {  	v5 =	vadd.s32 v5, v11;
	[tilespmem:v9+s25+$0x0] =	vst.idx.msk $0xffff, v10  }
0xe5: {  	v5 =	vor.u32 $0x7, v5;
	v9 =	vld [tilespmem:s30+$0xC0];
	_ =	sdelay $0x4  }
0xe6: {  	[tilespmem:v5+s25+$0x0] =	vst.idx.msk $0xffff, v9;
	v5 =	vadd.s32 v7, v11  }
0xe7: {  	v7 =	vld [tilespmem:s30+$0xD0];
	v5 =	vor.u32 $0x7, v5;
	_ =	sdelay $0x4  }
0xe8: {  	[tilespmem:v5+s25+$0x0] =	vst.idx.msk $0xffff, v7;
	v5 =	vadd.s32 v8, v11  }
0xe9: {  	v7 =	vld [tilespmem:s30+$0xE0];
	v5 =	vor.u32 $0x7, v5  }
.Ltmp0:
0xea: {  	(pc) =	sbr.rel @p0 .LBB2_3-.Ltmp0, $3  }
0xeb: {  	_ =	sdelay $0x1  }
0xec: {  	s0 =	sadd.s32 $0x1, s0  }
0xed: {  	s1 =	sadd.s32 $0x8, s1;
	s9 =	sshrl.u32 s0, $0x4;
	[tilespmem:v5+s25+$0x0] =	vst.idx.msk $0xffff, v7;
	v5 =	vadd.s32 v6, v11  }
0xee: {  	s0 =	sand.u32 $0x78, s31;
	v6 =	vmov s9;
	v7 =	vld [tilespmem:s30+$0xF0];
	v8 =	vor.u32 $0x7, v5  }
0xef: {  	v5 =	vmov s0;
	v6 =	vmul.u32 $0x440, v6  }
0xf0: {  	v5 =	vshrl.u32 v5, $0x3  }
0xf1: {  	v9 =	vbroadcast v6, $0x0;
	v5 =	vshll.u32 v5, v1  }
0xf2: {  	v10 =	vbroadcast v5, $0x0  }
0xf3: {  	s0 =	sadd.s32 $0x200, s30;
	v5 =	vadd.s32 v0, v9;
	[tilespmem:v8+s25+$0x0] =	vst.idx.msk $0xffff, v7  }
0xf4: {  	v6 =	vld [tilespmem:s0+$0xFFFFFF00];
	v7 =	vadd.s32 v5, v10;
	_ =	sdelay $0x4  }
0xf5: {  	[tilespmem:v7+s25+$0x0] =	vst.idx.msk $0xffff, v6;
	v6 =	vadd.s32 v2, v9  }
0xf6: {  	v7 =	vld [tilespmem:s0+$0xFFFFFF10];
	v46 =	vadd.s32 v6, v10;
	_ =	sdelay $0x4  }
0xf7: {  	[tilespmem:v46+s25+$0x0] =	vst.idx.msk $0xffff, v7;
	v7 =	vadd.s32 v3, v9  }
0xf8: {  	v8 =	vld [tilespmem:s0+$0xFFFFFF20];
	v11 =	vadd.s32 v7, v10;
	_ =	sdelay $0x3  }
0xf9: {  	s1 =	sadd.s32 $0x1, s31  }
0xfa: {  	s1 =	sand.u32 $0x78, s1;
	v47 =	vadd.s32 v4, v9;
	[tilespmem:v11+s25+$0x0] =	vst.idx.msk $0xffff, v8  }
0xfb: {  	v49 =	vmov s1;
	v10 =	vadd.s32 v47, v10;
	v48 =	vld [tilespmem:s0+$0xFFFFFF30]  }
0xfc: {  	v11 =	vshrl.u32 v49, $0x3  }
0xfd: {  	v11 =	vshll.u32 v11, v1  }
0xfe: {  	v11 =	vbroadcast v11, $0x0;
	_ =	sdelay $0x1  }
0xff: {  	v50 =	vadd.s32 v5, v11;
	[tilespmem:v10+s25+$0x0] =	vst.idx.msk $0xffff, v48  }
0x100: {  	v9 =	vor.u32 $0x1, v50;
	v10 =	vld [tilespmem:s0+$0xFFFFFF40];
	_ =	sdelay $0x4  }
0x101: {  	v51 =	vadd.s32 v6, v11;
	[tilespmem:v9+s25+$0x0] =	vst.idx.msk $0xffff, v10  }
0x102: {  	v9 =	vor.u32 $0x1, v51;
	v10 =	vld [tilespmem:s0+$0xFFFFFF50];
	_ =	sdelay $0x4  }
0x103: {  	v52 =	vadd.s32 v7, v11;
	[tilespmem:v9+s25+$0x0] =	vst.idx.msk $0xffff, v10  }
0x104: {  	v9 =	vor.u32 $0x1, v52;
	v10 =	vld [tilespmem:s0+$0xFFFFFF60];
	_ =	sdelay $0x3  }
0x105: {  	s19 =	sadd.s32 $0x2, s31  }
0x106: {  	s1 =	sand.u32 $0x78, s19;
	v53 =	vadd.s32 v47, v11;
	[tilespmem:v9+s25+$0x0] =	vst.idx.msk $0xffff, v10  }
0x107: {  	v54 =	vmov s1;
	v9 =	vor.u32 $0x1, v53;
	v10 =	vld [tilespmem:s0+$0xFFFFFF70]  }
0x108: {  	v11 =	vshrl.u32 v54, $0x3  }
0x109: {  	v11 =	vshll.u32 v11, v1  }
0x10a: {  	v11 =	vbroadcast v11, $0x0;
	_ =	sdelay $0x1  }
0x10b: {  	v55 =	vadd.s32 v5, v11;
	[tilespmem:v9+s25+$0x0] =	vst.idx.msk $0xffff, v10  }
0x10c: {  	v9 =	vor.u32 $0x2, v55;
	v10 =	vld [tilespmem:s0+$0xFFFFFF80];
	_ =	sdelay $0x4  }
0x10d: {  	v56 =	vadd.s32 v6, v11;
	[tilespmem:v9+s25+$0x0] =	vst.idx.msk $0xffff, v10  }
0x10e: {  	v9 =	vor.u32 $0x2, v56;
	v10 =	vld [tilespmem:s0+$0xFFFFFF90];
	_ =	sdelay $0x4  }
0x10f: {  	v57 =	vadd.s32 v7, v11;
	[tilespmem:v9+s25+$0x0] =	vst.idx.msk $0xffff, v10  }
0x110: {  	v9 =	vor.u32 $0x2, v57;
	v10 =	vld [tilespmem:s0+$0xFFFFFFA0];
	_ =	sdelay $0x3  }
0x111: {  	s9 =	sadd.s32 $0x3, s31  }
0x112: {  	s1 =	sand.u32 $0x78, s9;
	v58 =	vadd.s32 v47, v11;
	[tilespmem:v9+s25+$0x0] =	vst.idx.msk $0xffff, v10  }
0x113: {  	v59 =	vmov s1;
	v9 =	vor.u32 $0x2, v58;
	v10 =	vld [tilespmem:s0+$0xFFFFFFB0]  }
0x114: {  	v11 =	vshrl.u32 v59, $0x3  }
0x115: {  	v11 =	vshll.u32 v11, v1  }
0x116: {  	v11 =	vbroadcast v11, $0x0;
	_ =	sdelay $0x1  }
0x117: {  	v60 =	vadd.s32 v5, v11;
	[tilespmem:v9+s25+$0x0] =	vst.idx.msk $0xffff, v10  }
0x118: {  	v9 =	vor.u32 $0x3, v60;
	v10 =	vld [tilespmem:s0+$0xFFFFFFC0];
	_ =	sdelay $0x4  }
0x119: {  	v61 =	vadd.s32 v6, v11;
	[tilespmem:v9+s25+$0x0] =	vst.idx.msk $0xffff, v10  }
0x11a: {  	v9 =	vor.u32 $0x3, v61;
	v10 =	vld [tilespmem:s0+$0xFFFFFFD0];
	_ =	sdelay $0x4  }
0x11b: {  	v62 =	vadd.s32 v7, v11;
	[tilespmem:v9+s25+$0x0] =	vst.idx.msk $0xffff, v10  }
0x11c: {  	v9 =	vor.u32 $0x3, v62;
	v10 =	vld [tilespmem:s0+$0xFFFFFFE0];
	_ =	sdelay $0x3  }
0x11d: {  	s19 =	sadd.s32 $0x4, s31  }
0x11e: {  	s1 =	sand.u32 $0x78, s19;
	v63 =	vadd.s32 v47, v11;
	[tilespmem:v9+s25+$0x0] =	vst.idx.msk $0xffff, v10  }
0x11f: {  	v12 =	vmov s1;
	v9 =	vor.u32 $0x3, v63;
	v10 =	vld [tilespmem:s0+$0xFFFFFFF0]  }
0x120: {  	v11 =	vshrl.u32 v12, $0x3  }
0x121: {  	v11 =	vshll.u32 v11, v1  }
0x122: {  	v11 =	vbroadcast v11, $0x0;
	_ =	sdelay $0x1  }
0x123: {  	v13 =	vadd.s32 v5, v11;
	[tilespmem:v9+s25+$0x0] =	vst.idx.msk $0xffff, v10  }
0x124: {  	v9 =	vor.u32 $0x4, v13;
	v10 =	vld [tilespmem:s0+$0x0];
	_ =	sdelay $0x4  }
0x125: {  	v14 =	vadd.s32 v6, v11;
	[tilespmem:v9+s25+$0x0] =	vst.idx.msk $0xffff, v10  }
0x126: {  	v9 =	vor.u32 $0x4, v14;
	v10 =	vld [tilespmem:s0+$0x10];
	_ =	sdelay $0x4  }
0x127: {  	v15 =	vadd.s32 v7, v11;
	[tilespmem:v9+s25+$0x0] =	vst.idx.msk $0xffff, v10  }
0x128: {  	v9 =	vor.u32 $0x4, v15;
	v10 =	vld [tilespmem:s0+$0x20];
	_ =	sdelay $0x3  }
0x129: {  	s9 =	sadd.s32 $0x5, s31  }
0x12a: {  	s1 =	sand.u32 $0x78, s9;
	v16 =	vadd.s32 v47, v11;
	[tilespmem:v9+s25+$0x0] =	vst.idx.msk $0xffff, v10  }
0x12b: {  	v17 =	vmov s1;
	v9 =	vor.u32 $0x4, v16;
	v10 =	vld [tilespmem:s0+$0x30]  }
0x12c: {  	v11 =	vshrl.u32 v17, $0x3  }
0x12d: {  	v11 =	vshll.u32 v11, v1  }
0x12e: {  	v11 =	vbroadcast v11, $0x0;
	_ =	sdelay $0x1  }
0x12f: {  	v18 =	vadd.s32 v5, v11;
	[tilespmem:v9+s25+$0x0] =	vst.idx.msk $0xffff, v10  }
0x130: {  	v9 =	vor.u32 $0x5, v18;
	v10 =	vld [tilespmem:s0+$0x40];
	_ =	sdelay $0x4  }
0x131: {  	v19 =	vadd.s32 v6, v11;
	[tilespmem:v9+s25+$0x0] =	vst.idx.msk $0xffff, v10  }
0x132: {  	v9 =	vor.u32 $0x5, v19;
	v10 =	vld [tilespmem:s0+$0x50];
	_ =	sdelay $0x4  }
0x133: {  	v20 =	vadd.s32 v7, v11;
	[tilespmem:v9+s25+$0x0] =	vst.idx.msk $0xffff, v10  }
0x134: {  	v9 =	vor.u32 $0x5, v20;
	v10 =	vld [tilespmem:s0+$0x60];
	_ =	sdelay $0x3  }
0x135: {  	s19 =	sadd.s32 $0x6, s31  }
0x136: {  	s1 =	sand.u32 $0x78, s19;
	v21 =	vadd.s32 v47, v11;
	[tilespmem:v9+s25+$0x0] =	vst.idx.msk $0xffff, v10  }
0x137: {  	v22 =	vmov s1;
	v9 =	vor.u32 $0x5, v21;
	v10 =	vld [tilespmem:s0+$0x70]  }
0x138: {  	v11 =	vshrl.u32 v22, $0x3  }
0x139: {  	v11 =	vshll.u32 v11, v1  }
0x13a: {  	v11 =	vbroadcast v11, $0x0;
	_ =	sdelay $0x1  }
0x13b: {  	v23 =	vadd.s32 v5, v11;
	[tilespmem:v9+s25+$0x0] =	vst.idx.msk $0xffff, v10  }
0x13c: {  	v9 =	vor.u32 $0x6, v23;
	v10 =	vld [tilespmem:s0+$0x80];
	_ =	sdelay $0x4  }
0x13d: {  	v24 =	vadd.s32 v6, v11;
	[tilespmem:v9+s25+$0x0] =	vst.idx.msk $0xffff, v10  }
0x13e: {  	v9 =	vor.u32 $0x6, v24;
	v10 =	vld [tilespmem:s0+$0x90];
	_ =	sdelay $0x4  }
0x13f: {  	v25 =	vadd.s32 v7, v11;
	[tilespmem:v9+s25+$0x0] =	vst.idx.msk $0xffff, v10  }
0x140: {  	v9 =	vor.u32 $0x6, v25;
	v10 =	vld [tilespmem:s0+$0xA0];
	_ =	sdelay $0x3  }
0x141: {  	s31 =	sadd.s32 $0x7, s31  }
0x142: {  	s1 =	sand.u32 $0x78, s31;
	v26 =	vadd.s32 v47, v11;
	[tilespmem:v9+s25+$0x0] =	vst.idx.msk $0xffff, v10  }
0x143: {  	v27 =	vmov s1;
	v9 =	vor.u32 $0x6, v26;
	v10 =	vld [tilespmem:s0+$0xB0]  }
0x144: {  	v11 =	vshrl.u32 v27, $0x3  }
0x145: {  	v11 =	vshll.u32 v11, v1  }
0x146: {  	v11 =	vbroadcast v11, $0x0;
	_ =	sdelay $0x1  }
0x147: {  	v5 =	vadd.s32 v5, v11;
	[tilespmem:v9+s25+$0x0] =	vst.idx.msk $0xffff, v10  }
0x148: {  	v5 =	vor.u32 $0x7, v5;
	v9 =	vld [tilespmem:s0+$0xC0];
	_ =	sdelay $0x4  }
0x149: {  	[tilespmem:v5+s25+$0x0] =	vst.idx.msk $0xffff, v9;
	v5 =	vadd.s32 v6, v11  }
0x14a: {  	v6 =	vld [tilespmem:s0+$0xD0];
	v5 =	vor.u32 $0x7, v5;
	_ =	sdelay $0x4  }
0x14b: {  	[tilespmem:v5+s25+$0x0] =	vst.idx.msk $0xffff, v6;
	v5 =	vadd.s32 v7, v11  }
0x14c: {  	v6 =	vld [tilespmem:s0+$0xE0];
	v5 =	vor.u32 $0x7, v5;
	_ =	sdelay $0x4  }
0x14d: {  	[tilespmem:v5+s25+$0x0] =	vst.idx.msk $0xffff, v6;
	v5 =	vadd.s32 v47, v11  }
0x14e: {  	v6 =	vld [tilespmem:s0+$0xF0];
	v5 =	vor.u32 $0x7, v5  }
0x14f: {  	s9 =	sshll.u32 s7, $0x6;
	s19 =	sshll.u32 s7, $0x3  }
0x150: {  	s1 =	sand.u32 $0x7000, s19;
	s0 =	sand.u32 $0x7FFC0000, s9  }
0x151: {  	s0 =	sor.u32 s1, s0  }
0x152: {  	s1 =	sshrl.u32 s0, $0x3  }
0x153: {  	s0 =	simm.s32 $0x0;
	s7 =	sadd.s32 s2, s1;
	[tilespmem:v5+s25+$0x0] =	vst.idx.msk $0xffff, v6  }
0x154: {  	[hbm4b:s7+s0] =	stream.linear.scatter [tilespmem:s25], [sflag:$0x5], $0x80, $0x38;
	[tilespmem:$0x1CE00] =	vst v63  }
0x155: {  	s19 =	simm.s32 $0x8288;
	s31 =	sadd.s32 $0x10, s7  }
0x156: {  	[hbm4b:s31+s0] =	stream.linear.scatter [tilespmem:s19], [sflag:$0x5], $0x80, $0x38;
	[tilespmem:$0x1CE00] =	vst v63  }
0x157: {  	s19 =	sadd.s32 $0x20, s7;
	s31 =	simm.s32 $0x8310  }
0x158: {  	[hbm4b:s19+s0] =	stream.linear.scatter [tilespmem:s31], [sflag:$0x5], $0x80, $0x38;
	[tilespmem:$0x1CE00] =	vst v63  }
0x159: {  	s19 =	sadd.s32 $0x30, s7;
	s31 =	simm.s32 $0x8398  }
0x15a: {  	[hbm4b:s19+s0] =	stream.linear.scatter [tilespmem:s31], [sflag:$0x5], $0x80, $0x38;
	[tilespmem:$0x1CE00] =	vst v63  }
0x15b: {  	s19 =	sadd.s32 $0x40, s7;
	s31 =	simm.s32 $0x8420  }
0x15c: {  	[hbm4b:s19+s0] =	stream.linear.scatter [tilespmem:s31], [sflag:$0x5], $0x80, $0x38;
	[tilespmem:$0x1CE00] =	vst v63  }
0x15d: {  	s19 =	sadd.s32 $0x50, s7;
	s31 =	simm.s32 $0x84A8  }
0x15e: {  	[hbm4b:s19+s0] =	stream.linear.scatter [tilespmem:s31], [sflag:$0x5], $0x80, $0x38;
	[tilespmem:$0x1CE00] =	vst v63  }
0x15f: {  	s19 =	sadd.s32 $0x60, s7;
	s31 =	simm.s32 $0x8530  }
0x160: {  	[hbm4b:s19+s0] =	stream.linear.scatter [tilespmem:s31], [sflag:$0x5], $0x80, $0x38;
	[tilespmem:$0x1CE00] =	vst v63  }
0x161: {  	s7 =	sadd.s32 $0x70, s7;
	s19 =	simm.s32 $0x85B8  }
0x162: {  	[hbm4b:s7+s0] =	stream.linear.scatter [tilespmem:s19], [sflag:$0x5], $0x80, $0x38;
	[tilespmem:$0x1CE00] =	vst v63  }
0x163: {  	s7 =	sor.u32 $0x80, s1  }
0x164: {  	s31 =	simm.s32 $0x8640;
	s9 =	sadd.s32 s2, s7  }
0x165: {  	[hbm4b:s9+s0] =	stream.linear.scatter [tilespmem:s31], [sflag:$0x5], $0x80, $0x38;
	[tilespmem:$0x1CE00] =	vst v63  }
0x166: {  	s30 =	simm.s32 $0x86C8;
	s31 =	sadd.s32 $0x10, s9  }
0x167: {  	[hbm4b:s31+s0] =	stream.linear.scatter [tilespmem:s30], [sflag:$0x5], $0x80, $0x38;
	[tilespmem:$0x1CE00] =	vst v63  }
0x168: {  	s31 =	sadd.s32 $0x20, s9;
	s30 =	simm.s32 $0x8750  }
0x169: {  	[hbm4b:s31+s0] =	stream.linear.scatter [tilespmem:s30], [sflag:$0x5], $0x80, $0x38;
	[tilespmem:$0x1CE00] =	vst v63  }
0x16a: {  	s31 =	sadd.s32 $0x30, s9;
	s30 =	simm.s32 $0x87D8  }
0x16b: {  	[hbm4b:s31+s0] =	stream.linear.scatter [tilespmem:s30], [sflag:$0x5], $0x80, $0x38;
	[tilespmem:$0x1CE00] =	vst v63  }
0x16c: {  	s31 =	sadd.s32 $0x40, s9;
	s30 =	simm.s32 $0x8860  }
0x16d: {  	[hbm4b:s31+s0] =	stream.linear.scatter [tilespmem:s30], [sflag:$0x5], $0x80, $0x38;
	[tilespmem:$0x1CE00] =	vst v63  }
0x16e: {  	s31 =	sadd.s32 $0x50, s9;
	s30 =	simm.s32 $0x88E8  }
0x16f: {  	[hbm4b:s31+s0] =	stream.linear.scatter [tilespmem:s30], [sflag:$0x5], $0x80, $0x38;
	[tilespmem:$0x1CE00] =	vst v63  }
0x170: {  	s31 =	sadd.s32 $0x60, s9;
	s30 =	simm.s32 $0x8970  }
0x171: {  	[hbm4b:s31+s0] =	stream.linear.scatter [tilespmem:s30], [sflag:$0x5], $0x80, $0x38;
	[tilespmem:$0x1CE00] =	vst v63  }
0x172: {  	s9 =	sadd.s32 $0x70, s9;
	s31 =	simm.s32 $0x89F8  }
0x173: {  	[hbm4b:s9+s0] =	stream.linear.scatter [tilespmem:s31], [sflag:$0x5], $0x80, $0x38;
	[tilespmem:$0x1CE00] =	vst v63  }
0x174: {  	s9 =	sadd.s32 s1, s11;
	s31 =	simm.s32 $0x8EC0  }
0x175: {  	[hbm4b:s9+s0] =	stream.linear.scatter [tilespmem:s31], [sflag:$0x5], $0x80, $0x38;
	[tilespmem:$0x1CE00] =	vst v63  }
0x176: {  	s30 =	simm.s32 $0x8F48;
	s31 =	sadd.s32 $0x10, s9  }
0x177: {  	[hbm4b:s31+s0] =	stream.linear.scatter [tilespmem:s30], [sflag:$0x5], $0x80, $0x38;
	[tilespmem:$0x1CE00] =	vst v63  }
0x178: {  	s31 =	sadd.s32 $0x20, s9;
	s30 =	simm.s32 $0x8FD0  }
0x179: {  	[hbm4b:s31+s0] =	stream.linear.scatter [tilespmem:s30], [sflag:$0x5], $0x80, $0x38;
	[tilespmem:$0x1CE00] =	vst v63  }
0x17a: {  	s31 =	sadd.s32 $0x30, s9;
	s30 =	simm.s32 $0x9058  }
0x17b: {  	[hbm4b:s31+s0] =	stream.linear.scatter [tilespmem:s30], [sflag:$0x5], $0x80, $0x38;
	[tilespmem:$0x1CE00] =	vst v63  }
0x17c: {  	s31 =	sadd.s32 $0x40, s9;
	s30 =	simm.s32 $0x90E0  }
0x17d: {  	[hbm4b:s31+s0] =	stream.linear.scatter [tilespmem:s30], [sflag:$0x5], $0x80, $0x38;
	[tilespmem:$0x1CE00] =	vst v63  }
0x17e: {  	s31 =	sadd.s32 $0x50, s9;
	s30 =	simm.s32 $0x9168  }
0x17f: {  	[hbm4b:s31+s0] =	stream.linear.scatter [tilespmem:s30], [sflag:$0x5], $0x80, $0x38;
	[tilespmem:$0x1CE00] =	vst v63  }
0x180: {  	s31 =	sadd.s32 $0x60, s9;
	s30 =	simm.s32 $0x91F0  }
0x181: {  	[hbm4b:s31+s0] =	stream.linear.scatter [tilespmem:s30], [sflag:$0x5], $0x80, $0x38;
	[tilespmem:$0x1CE00] =	vst v63  }
0x182: {  	s9 =	sadd.s32 $0x70, s9;
	s31 =	simm.s32 $0x9278  }
0x183: {  	[hbm4b:s9+s0] =	stream.linear.scatter [tilespmem:s31], [sflag:$0x5], $0x80, $0x38;
	[tilespmem:$0x1CE00] =	vst v63  }
0x184: {  	s9 =	sadd.s32 s7, s11;
	s31 =	simm.s32 $0x9300  }
0x185: {  	[hbm4b:s9+s0] =	stream.linear.scatter [tilespmem:s31], [sflag:$0x5], $0x80, $0x38;
	[tilespmem:$0x1CE00] =	vst v63  }
0x186: {  	s30 =	simm.s32 $0x9388;
	s31 =	sadd.s32 $0x10, s9  }
0x187: {  	[hbm4b:s31+s0] =	stream.linear.scatter [tilespmem:s30], [sflag:$0x5], $0x80, $0x38;
	[tilespmem:$0x1CE00] =	vst v63  }
0x188: {  	s31 =	sadd.s32 $0x20, s9;
	s30 =	simm.s32 $0x9410  }
0x189: {  	[hbm4b:s31+s0] =	stream.linear.scatter [tilespmem:s30], [sflag:$0x5], $0x80, $0x38;
	[tilespmem:$0x1CE00] =	vst v63  }
0x18a: {  	s31 =	sadd.s32 $0x30, s9;
	s30 =	simm.s32 $0x9498  }
0x18b: {  	[hbm4b:s31+s0] =	stream.linear.scatter [tilespmem:s30], [sflag:$0x5], $0x80, $0x38;
	[tilespmem:$0x1CE00] =	vst v63  }
0x18c: {  	s31 =	sadd.s32 $0x40, s9;
	s30 =	simm.s32 $0x9520  }
0x18d: {  	[hbm4b:s31+s0] =	stream.linear.scatter [tilespmem:s30], [sflag:$0x5], $0x80, $0x38;
	[tilespmem:$0x1CE00] =	vst v63  }
0x18e: {  	s31 =	sadd.s32 $0x50, s9;
	s30 =	simm.s32 $0x95A8  }
0x18f: {  	[hbm4b:s31+s0] =	stream.linear.scatter [tilespmem:s30], [sflag:$0x5], $0x80, $0x38;
	[tilespmem:$0x1CE00] =	vst v63  }
0x190: {  	s31 =	sadd.s32 $0x60, s9;
	s30 =	simm.s32 $0x9630  }
0x191: {  	[hbm4b:s31+s0] =	stream.linear.scatter [tilespmem:s30], [sflag:$0x5], $0x80, $0x38;
	[tilespmem:$0x1CE00] =	vst v63  }
0x192: {  	s9 =	sadd.s32 $0x70, s9;
	s31 =	simm.s32 $0x96B8  }
0x193: {  	[hbm4b:s9+s0] =	stream.linear.scatter [tilespmem:s31], [sflag:$0x5], $0x80, $0x38;
	[tilespmem:$0x1CE00] =	vst v63  }
0x194: {  	s9 =	sadd.s32 s1, s12;
	s31 =	simm.s32 $0x9B80  }
0x195: {  	[hbm4b:s9+s0] =	stream.linear.scatter [tilespmem:s31], [sflag:$0x5], $0x80, $0x38;
	[tilespmem:$0x1CE00] =	vst v63  }
0x196: {  	s30 =	simm.s32 $0x9C08;
	s31 =	sadd.s32 $0x10, s9  }
0x197: {  	[hbm4b:s31+s0] =	stream.linear.scatter [tilespmem:s30], [sflag:$0x5], $0x80, $0x38;
	[tilespmem:$0x1CE00] =	vst v63  }
0x198: {  	s31 =	sadd.s32 $0x20, s9;
	s30 =	simm.s32 $0x9C90  }
0x199: {  	[hbm4b:s31+s0] =	stream.linear.scatter [tilespmem:s30], [sflag:$0x5], $0x80, $0x38;
	[tilespmem:$0x1CE00] =	vst v63  }
0x19a: {  	s31 =	sadd.s32 $0x30, s9;
	s30 =	simm.s32 $0x9D18  }
0x19b: {  	[hbm4b:s31+s0] =	stream.linear.scatter [tilespmem:s30], [sflag:$0x5], $0x80, $0x38;
	[tilespmem:$0x1CE00] =	vst v63  }
0x19c: {  	s31 =	sadd.s32 $0x40, s9;
	s30 =	simm.s32 $0x9DA0  }
0x19d: {  	[hbm4b:s31+s0] =	stream.linear.scatter [tilespmem:s30], [sflag:$0x5], $0x80, $0x38;
	[tilespmem:$0x1CE00] =	vst v63  }
0x19e: {  	s31 =	sadd.s32 $0x50, s9;
	s30 =	simm.s32 $0x9E28  }
0x19f: {  	[hbm4b:s31+s0] =	stream.linear.scatter [tilespmem:s30], [sflag:$0x5], $0x80, $0x38;
	[tilespmem:$0x1CE00] =	vst v63  }
0x1a0: {  	s31 =	sadd.s32 $0x60, s9;
	s30 =	simm.s32 $0x9EB0  }
0x1a1: {  	[hbm4b:s31+s0] =	stream.linear.scatter [tilespmem:s30], [sflag:$0x5], $0x80, $0x38;
	[tilespmem:$0x1CE00] =	vst v63  }
0x1a2: {  	s9 =	sadd.s32 $0x70, s9;
	s31 =	simm.s32 $0x9F38  }
0x1a3: {  	[hbm4b:s9+s0] =	stream.linear.scatter [tilespmem:s31], [sflag:$0x5], $0x80, $0x38;
	[tilespmem:$0x1CE00] =	vst v63  }
0x1a4: {  	s9 =	sadd.s32 s7, s12;
	s31 =	simm.s32 $0x9FC0  }
0x1a5: {  	[hbm4b:s9+s0] =	stream.linear.scatter [tilespmem:s31], [sflag:$0x5], $0x80, $0x38;
	[tilespmem:$0x1CE00] =	vst v63  }
0x1a6: {  	s30 =	simm.s32 $0xA048;
	s31 =	sadd.s32 $0x10, s9  }
0x1a7: {  	[hbm4b:s31+s0] =	stream.linear.scatter [tilespmem:s30], [sflag:$0x5], $0x80, $0x38;
	[tilespmem:$0x1CE00] =	vst v63  }
0x1a8: {  	s31 =	sadd.s32 $0x20, s9;
	s30 =	simm.s32 $0xA0D0  }
0x1a9: {  	[hbm4b:s31+s0] =	stream.linear.scatter [tilespmem:s30], [sflag:$0x5], $0x80, $0x38;
	[tilespmem:$0x1CE00] =	vst v63  }
0x1aa: {  	s31 =	sadd.s32 $0x30, s9;
	s30 =	simm.s32 $0xA158  }
0x1ab: {  	[hbm4b:s31+s0] =	stream.linear.scatter [tilespmem:s30], [sflag:$0x5], $0x80, $0x38;
	[tilespmem:$0x1CE00] =	vst v63  }
0x1ac: {  	s31 =	sadd.s32 $0x40, s9;
	s30 =	simm.s32 $0xA1E0  }
0x1ad: {  	[hbm4b:s31+s0] =	stream.linear.scatter [tilespmem:s30], [sflag:$0x5], $0x80, $0x38;
	[tilespmem:$0x1CE00] =	vst v63  }
0x1ae: {  	s31 =	sadd.s32 $0x50, s9;
	s30 =	simm.s32 $0xA268  }
0x1af: {  	[hbm4b:s31+s0] =	stream.linear.scatter [tilespmem:s30], [sflag:$0x5], $0x80, $0x38;
	[tilespmem:$0x1CE00] =	vst v63  }
0x1b0: {  	s31 =	sadd.s32 $0x60, s9;
	s30 =	simm.s32 $0xA2F0  }
0x1b1: {  	[hbm4b:s31+s0] =	stream.linear.scatter [tilespmem:s30], [sflag:$0x5], $0x80, $0x38;
	[tilespmem:$0x1CE00] =	vst v63  }
0x1b2: {  	s9 =	sadd.s32 $0x70, s9;
	s31 =	simm.s32 $0xA378  }
0x1b3: {  	[hbm4b:s9+s0] =	stream.linear.scatter [tilespmem:s31], [sflag:$0x5], $0x80, $0x38;
	[tilespmem:$0x1CE00] =	vst v63  }
0x1b4: {  	s9 =	sadd.s32 s1, s13;
	s31 =	simm.s32 $0xA840  }
0x1b5: {  	[hbm4b:s9+s0] =	stream.linear.scatter [tilespmem:s31], [sflag:$0x5], $0x80, $0x38;
	[tilespmem:$0x1CE00] =	vst v63  }
0x1b6: {  	s30 =	simm.s32 $0xA8C8;
	s31 =	sadd.s32 $0x10, s9  }
0x1b7: {  	[hbm4b:s31+s0] =	stream.linear.scatter [tilespmem:s30], [sflag:$0x5], $0x80, $0x38;
	[tilespmem:$0x1CE00] =	vst v63  }
0x1b8: {  	s31 =	sadd.s32 $0x20, s9;
	s30 =	simm.s32 $0xA950  }
0x1b9: {  	[hbm4b:s31+s0] =	stream.linear.scatter [tilespmem:s30], [sflag:$0x5], $0x80, $0x38;
	[tilespmem:$0x1CE00] =	vst v63  }
0x1ba: {  	s31 =	sadd.s32 $0x30, s9;
	s30 =	simm.s32 $0xA9D8  }
0x1bb: {  	[hbm4b:s31+s0] =	stream.linear.scatter [tilespmem:s30], [sflag:$0x5], $0x80, $0x38;
	[tilespmem:$0x1CE00] =	vst v63  }
0x1bc: {  	s31 =	sadd.s32 $0x40, s9;
	s30 =	simm.s32 $0xAA60  }
0x1bd: {  	[hbm4b:s31+s0] =	stream.linear.scatter [tilespmem:s30], [sflag:$0x5], $0x80, $0x38;
	[tilespmem:$0x1CE00] =	vst v63  }
0x1be: {  	s31 =	sadd.s32 $0x50, s9;
	s30 =	simm.s32 $0xAAE8  }
0x1bf: {  	[hbm4b:s31+s0] =	stream.linear.scatter [tilespmem:s30], [sflag:$0x5], $0x80, $0x38;
	[tilespmem:$0x1CE00] =	vst v63  }
0x1c0: {  	s31 =	sadd.s32 $0x60, s9;
	s30 =	simm.s32 $0xAB70  }
0x1c1: {  	[hbm4b:s31+s0] =	stream.linear.scatter [tilespmem:s30], [sflag:$0x5], $0x80, $0x38;
	[tilespmem:$0x1CE00] =	vst v63  }
0x1c2: {  	s9 =	sadd.s32 $0x70, s9;
	s31 =	simm.s32 $0xABF8  }
0x1c3: {  	[hbm4b:s9+s0] =	stream.linear.scatter [tilespmem:s31], [sflag:$0x5], $0x80, $0x38;
	[tilespmem:$0x1CE00] =	vst v63  }
0x1c4: {  	s9 =	sadd.s32 s7, s13;
	s31 =	simm.s32 $0xAC80  }
0x1c5: {  	[hbm4b:s9+s0] =	stream.linear.scatter [tilespmem:s31], [sflag:$0x5], $0x80, $0x38;
	[tilespmem:$0x1CE00] =	vst v63  }
0x1c6: {  	s30 =	simm.s32 $0xAD08;
	s31 =	sadd.s32 $0x10, s9  }
0x1c7: {  	[hbm4b:s31+s0] =	stream.linear.scatter [tilespmem:s30], [sflag:$0x5], $0x80, $0x38;
	[tilespmem:$0x1CE00] =	vst v63  }
0x1c8: {  	s31 =	sadd.s32 $0x20, s9;
	s30 =	simm.s32 $0xAD90  }
0x1c9: {  	[hbm4b:s31+s0] =	stream.linear.scatter [tilespmem:s30], [sflag:$0x5], $0x80, $0x38;
	[tilespmem:$0x1CE00] =	vst v63  }
0x1ca: {  	s31 =	sadd.s32 $0x30, s9;
	s30 =	simm.s32 $0xAE18  }
0x1cb: {  	[hbm4b:s31+s0] =	stream.linear.scatter [tilespmem:s30], [sflag:$0x5], $0x80, $0x38;
	[tilespmem:$0x1CE00] =	vst v63  }
0x1cc: {  	s31 =	sadd.s32 $0x40, s9;
	s30 =	simm.s32 $0xAEA0  }
0x1cd: {  	[hbm4b:s31+s0] =	stream.linear.scatter [tilespmem:s30], [sflag:$0x5], $0x80, $0x38;
	[tilespmem:$0x1CE00] =	vst v63  }
0x1ce: {  	s31 =	sadd.s32 $0x50, s9;
	s30 =	simm.s32 $0xAF28  }
0x1cf: {  	[hbm4b:s31+s0] =	stream.linear.scatter [tilespmem:s30], [sflag:$0x5], $0x80, $0x38;
	[tilespmem:$0x1CE00] =	vst v63  }
0x1d0: {  	s31 =	sadd.s32 $0x60, s9;
	s30 =	simm.s32 $0xAFB0  }
0x1d1: {  	[hbm4b:s31+s0] =	stream.linear.scatter [tilespmem:s30], [sflag:$0x5], $0x80, $0x38;
	[tilespmem:$0x1CE00] =	vst v63  }
0x1d2: {  	s9 =	sadd.s32 $0x70, s9;
	s31 =	simm.s32 $0xB038  }
0x1d3: {  	[hbm4b:s9+s0] =	stream.linear.scatter [tilespmem:s31], [sflag:$0x5], $0x80, $0x38;
	[tilespmem:$0x1CE00] =	vst v63  }
0x1d4: {  	s9 =	sadd.s32 s1, s14;
	s31 =	simm.s32 $0xB500  }
0x1d5: {  	[hbm4b:s9+s0] =	stream.linear.scatter [tilespmem:s31], [sflag:$0x5], $0x80, $0x38;
	[tilespmem:$0x1CE00] =	vst v63  }
0x1d6: {  	s30 =	simm.s32 $0xB588;
	s31 =	sadd.s32 $0x10, s9  }
0x1d7: {  	[hbm4b:s31+s0] =	stream.linear.scatter [tilespmem:s30], [sflag:$0x5], $0x80, $0x38;
	[tilespmem:$0x1CE00] =	vst v63  }
0x1d8: {  	s31 =	sadd.s32 $0x20, s9;
	s30 =	simm.s32 $0xB610  }
0x1d9: {  	[hbm4b:s31+s0] =	stream.linear.scatter [tilespmem:s30], [sflag:$0x5], $0x80, $0x38;
	[tilespmem:$0x1CE00] =	vst v63  }
0x1da: {  	s31 =	sadd.s32 $0x30, s9;
	s30 =	simm.s32 $0xB698  }
0x1db: {  	[hbm4b:s31+s0] =	stream.linear.scatter [tilespmem:s30], [sflag:$0x5], $0x80, $0x38;
	[tilespmem:$0x1CE00] =	vst v63  }
0x1dc: {  	s31 =	sadd.s32 $0x40, s9;
	s30 =	simm.s32 $0xB720  }
0x1dd: {  	[hbm4b:s31+s0] =	stream.linear.scatter [tilespmem:s30], [sflag:$0x5], $0x80, $0x38;
	[tilespmem:$0x1CE00] =	vst v63  }
0x1de: {  	s31 =	sadd.s32 $0x50, s9;
	s30 =	simm.s32 $0xB7A8  }
0x1df: {  	[hbm4b:s31+s0] =	stream.linear.scatter [tilespmem:s30], [sflag:$0x5], $0x80, $0x38;
	[tilespmem:$0x1CE00] =	vst v63  }
0x1e0: {  	s31 =	sadd.s32 $0x60, s9;
	s30 =	simm.s32 $0xB830  }
0x1e1: {  	[hbm4b:s31+s0] =	stream.linear.scatter [tilespmem:s30], [sflag:$0x5], $0x80, $0x38;
	[tilespmem:$0x1CE00] =	vst v63  }
0x1e2: {  	s9 =	sadd.s32 $0x70, s9;
	s31 =	simm.s32 $0xB8B8  }
0x1e3: {  	[hbm4b:s9+s0] =	stream.linear.scatter [tilespmem:s31], [sflag:$0x5], $0x80, $0x38;
	[tilespmem:$0x1CE00] =	vst v63  }
0x1e4: {  	s9 =	sadd.s32 s7, s14;
	s31 =	simm.s32 $0xB940  }
0x1e5: {  	[hbm4b:s9+s0] =	stream.linear.scatter [tilespmem:s31], [sflag:$0x5], $0x80, $0x38;
	[tilespmem:$0x1CE00] =	vst v63  }
0x1e6: {  	s30 =	simm.s32 $0xB9C8;
	s31 =	sadd.s32 $0x10, s9  }
0x1e7: {  	[hbm4b:s31+s0] =	stream.linear.scatter [tilespmem:s30], [sflag:$0x5], $0x80, $0x38;
	[tilespmem:$0x1CE00] =	vst v63  }
0x1e8: {  	s31 =	sadd.s32 $0x20, s9;
	s30 =	simm.s32 $0xBA50  }
0x1e9: {  	[hbm4b:s31+s0] =	stream.linear.scatter [tilespmem:s30], [sflag:$0x5], $0x80, $0x38;
	[tilespmem:$0x1CE00] =	vst v63  }
0x1ea: {  	s31 =	sadd.s32 $0x30, s9;
	s30 =	simm.s32 $0xBAD8  }
0x1eb: {  	[hbm4b:s31+s0] =	stream.linear.scatter [tilespmem:s30], [sflag:$0x5], $0x80, $0x38;
	[tilespmem:$0x1CE00] =	vst v63  }
0x1ec: {  	s31 =	sadd.s32 $0x40, s9;
	s30 =	simm.s32 $0xBB60  }
0x1ed: {  	[hbm4b:s31+s0] =	stream.linear.scatter [tilespmem:s30], [sflag:$0x5], $0x80, $0x38;
	[tilespmem:$0x1CE00] =	vst v63  }
0x1ee: {  	s31 =	sadd.s32 $0x50, s9;
	s30 =	simm.s32 $0xBBE8  }
0x1ef: {  	[hbm4b:s31+s0] =	stream.linear.scatter [tilespmem:s30], [sflag:$0x5], $0x80, $0x38;
	[tilespmem:$0x1CE00] =	vst v63  }
0x1f0: {  	s31 =	sadd.s32 $0x60, s9;
	s30 =	simm.s32 $0xBC70  }
0x1f1: {  	[hbm4b:s31+s0] =	stream.linear.scatter [tilespmem:s30], [sflag:$0x5], $0x80, $0x38;
	[tilespmem:$0x1CE00] =	vst v63  }
0x1f2: {  	s9 =	sadd.s32 $0x70, s9;
	s31 =	simm.s32 $0xBCF8  }
0x1f3: {  	[hbm4b:s9+s0] =	stream.linear.scatter [tilespmem:s31], [sflag:$0x5], $0x80, $0x38;
	[tilespmem:$0x1CE00] =	vst v63  }
0x1f4: {  	s9 =	sadd.s32 s1, s15;
	s31 =	simm.s32 $0xC1C0  }
0x1f5: {  	[hbm4b:s9+s0] =	stream.linear.scatter [tilespmem:s31], [sflag:$0x5], $0x80, $0x38;
	[tilespmem:$0x1CE00] =	vst v63  }
0x1f6: {  	s30 =	simm.s32 $0xC248;
	s31 =	sadd.s32 $0x10, s9  }
0x1f7: {  	[hbm4b:s31+s0] =	stream.linear.scatter [tilespmem:s30], [sflag:$0x5], $0x80, $0x38;
	[tilespmem:$0x1CE00] =	vst v63  }
0x1f8: {  	s31 =	sadd.s32 $0x20, s9;
	s30 =	simm.s32 $0xC2D0  }
0x1f9: {  	[hbm4b:s31+s0] =	stream.linear.scatter [tilespmem:s30], [sflag:$0x5], $0x80, $0x38;
	[tilespmem:$0x1CE00] =	vst v63  }
0x1fa: {  	s31 =	sadd.s32 $0x30, s9;
	s30 =	simm.s32 $0xC358  }
0x1fb: {  	[hbm4b:s31+s0] =	stream.linear.scatter [tilespmem:s30], [sflag:$0x5], $0x80, $0x38;
	[tilespmem:$0x1CE00] =	vst v63  }
0x1fc: {  	s31 =	sadd.s32 $0x40, s9;
	s30 =	simm.s32 $0xC3E0  }
0x1fd: {  	[hbm4b:s31+s0] =	stream.linear.scatter [tilespmem:s30], [sflag:$0x5], $0x80, $0x38;
	[tilespmem:$0x1CE00] =	vst v63  }
0x1fe: {  	s31 =	sadd.s32 $0x50, s9;
	s30 =	simm.s32 $0xC468  }
0x1ff: {  	[hbm4b:s31+s0] =	stream.linear.scatter [tilespmem:s30], [sflag:$0x5], $0x80, $0x38;
	[tilespmem:$0x1CE00] =	vst v63  }
0x200: {  	s31 =	sadd.s32 $0x60, s9;
	s30 =	simm.s32 $0xC4F0  }
0x201: {  	[hbm4b:s31+s0] =	stream.linear.scatter [tilespmem:s30], [sflag:$0x5], $0x80, $0x38;
	[tilespmem:$0x1CE00] =	vst v63  }
0x202: {  	s9 =	sadd.s32 $0x70, s9;
	s31 =	simm.s32 $0xC578  }
0x203: {  	[hbm4b:s9+s0] =	stream.linear.scatter [tilespmem:s31], [sflag:$0x5], $0x80, $0x38;
	[tilespmem:$0x1CE00] =	vst v63  }
0x204: {  	s9 =	sadd.s32 s7, s15;
	s31 =	simm.s32 $0xC600  }
0x205: {  	[hbm4b:s9+s0] =	stream.linear.scatter [tilespmem:s31], [sflag:$0x5], $0x80, $0x38;
	[tilespmem:$0x1CE00] =	vst v63  }
0x206: {  	s30 =	simm.s32 $0xC688;
	s31 =	sadd.s32 $0x10, s9  }
0x207: {  	[hbm4b:s31+s0] =	stream.linear.scatter [tilespmem:s30], [sflag:$0x5], $0x80, $0x38;
	[tilespmem:$0x1CE00] =	vst v63  }
0x208: {  	s31 =	sadd.s32 $0x20, s9;
	s30 =	simm.s32 $0xC710  }
0x209: {  	[hbm4b:s31+s0] =	stream.linear.scatter [tilespmem:s30], [sflag:$0x5], $0x80, $0x38;
	[tilespmem:$0x1CE00] =	vst v63  }
0x20a: {  	s31 =	sadd.s32 $0x30, s9;
	s30 =	simm.s32 $0xC798  }
0x20b: {  	[hbm4b:s31+s0] =	stream.linear.scatter [tilespmem:s30], [sflag:$0x5], $0x80, $0x38;
	[tilespmem:$0x1CE00] =	vst v63  }
0x20c: {  	s31 =	sadd.s32 $0x40, s9;
	s30 =	simm.s32 $0xC820  }
0x20d: {  	[hbm4b:s31+s0] =	stream.linear.scatter [tilespmem:s30], [sflag:$0x5], $0x80, $0x38;
	[tilespmem:$0x1CE00] =	vst v63  }
0x20e: {  	s31 =	sadd.s32 $0x50, s9;
	s30 =	simm.s32 $0xC8A8  }
0x20f: {  	[hbm4b:s31+s0] =	stream.linear.scatter [tilespmem:s30], [sflag:$0x5], $0x80, $0x38;
	[tilespmem:$0x1CE00] =	vst v63  }
0x210: {  	s31 =	sadd.s32 $0x60, s9;
	s30 =	simm.s32 $0xC930  }
0x211: {  	[hbm4b:s31+s0] =	stream.linear.scatter [tilespmem:s30], [sflag:$0x5], $0x80, $0x38;
	[tilespmem:$0x1CE00] =	vst v63  }
0x212: {  	s9 =	sadd.s32 $0x70, s9;
	s31 =	simm.s32 $0xC9B8  }
0x213: {  	[hbm4b:s9+s0] =	stream.linear.scatter [tilespmem:s31], [sflag:$0x5], $0x80, $0x38;
	[tilespmem:$0x1CE00] =	vst v63  }
0x214: {  	s9 =	sadd.s32 s1, s16;
	s31 =	simm.s32 $0xCE80  }
0x215: {  	[hbm4b:s9+s0] =	stream.linear.scatter [tilespmem:s31], [sflag:$0x5], $0x80, $0x38;
	[tilespmem:$0x1CE00] =	vst v63  }
0x216: {  	s30 =	simm.s32 $0xCF08;
	s31 =	sadd.s32 $0x10, s9  }
0x217: {  	[hbm4b:s31+s0] =	stream.linear.scatter [tilespmem:s30], [sflag:$0x5], $0x80, $0x38;
	[tilespmem:$0x1CE00] =	vst v63  }
0x218: {  	s31 =	sadd.s32 $0x20, s9;
	s30 =	simm.s32 $0xCF90  }
0x219: {  	[hbm4b:s31+s0] =	stream.linear.scatter [tilespmem:s30], [sflag:$0x5], $0x80, $0x38;
	[tilespmem:$0x1CE00] =	vst v63  }
0x21a: {  	s31 =	sadd.s32 $0x30, s9;
	s30 =	simm.s32 $0xD018  }
0x21b: {  	[hbm4b:s31+s0] =	stream.linear.scatter [tilespmem:s30], [sflag:$0x5], $0x80, $0x38;
	[tilespmem:$0x1CE00] =	vst v63  }
0x21c: {  	s31 =	sadd.s32 $0x40, s9;
	s30 =	simm.s32 $0xD0A0  }
0x21d: {  	[hbm4b:s31+s0] =	stream.linear.scatter [tilespmem:s30], [sflag:$0x5], $0x80, $0x38;
	[tilespmem:$0x1CE00] =	vst v63  }
0x21e: {  	s31 =	sadd.s32 $0x50, s9;
	s30 =	simm.s32 $0xD128  }
0x21f: {  	[hbm4b:s31+s0] =	stream.linear.scatter [tilespmem:s30], [sflag:$0x5], $0x80, $0x38;
	[tilespmem:$0x1CE00] =	vst v63  }
0x220: {  	s31 =	sadd.s32 $0x60, s9;
	s30 =	simm.s32 $0xD1B0  }
0x221: {  	[hbm4b:s31+s0] =	stream.linear.scatter [tilespmem:s30], [sflag:$0x5], $0x80, $0x38;
	[tilespmem:$0x1CE00] =	vst v63  }
0x222: {  	s9 =	sadd.s32 $0x70, s9;
	s31 =	simm.s32 $0xD238  }
0x223: {  	[hbm4b:s9+s0] =	stream.linear.scatter [tilespmem:s31], [sflag:$0x5], $0x80, $0x38;
	[tilespmem:$0x1CE00] =	vst v63  }
0x224: {  	s9 =	sadd.s32 s7, s16;
	s31 =	simm.s32 $0xD2C0  }
0x225: {  	[hbm4b:s9+s0] =	stream.linear.scatter [tilespmem:s31], [sflag:$0x5], $0x80, $0x38;
	[tilespmem:$0x1CE00] =	vst v63  }
0x226: {  	s30 =	simm.s32 $0xD348;
	s31 =	sadd.s32 $0x10, s9  }
0x227: {  	[hbm4b:s31+s0] =	stream.linear.scatter [tilespmem:s30], [sflag:$0x5], $0x80, $0x38;
	[tilespmem:$0x1CE00] =	vst v63  }
0x228: {  	s31 =	sadd.s32 $0x20, s9;
	s30 =	simm.s32 $0xD3D0  }
0x229: {  	[hbm4b:s31+s0] =	stream.linear.scatter [tilespmem:s30], [sflag:$0x5], $0x80, $0x38;
	[tilespmem:$0x1CE00] =	vst v63  }
0x22a: {  	s31 =	sadd.s32 $0x30, s9;
	s30 =	simm.s32 $0xD458  }
0x22b: {  	[hbm4b:s31+s0] =	stream.linear.scatter [tilespmem:s30], [sflag:$0x5], $0x80, $0x38;
	[tilespmem:$0x1CE00] =	vst v63  }
0x22c: {  	s31 =	sadd.s32 $0x40, s9;
	s30 =	simm.s32 $0xD4E0  }
0x22d: {  	[hbm4b:s31+s0] =	stream.linear.scatter [tilespmem:s30], [sflag:$0x5], $0x80, $0x38;
	[tilespmem:$0x1CE00] =	vst v63  }
0x22e: {  	s31 =	sadd.s32 $0x50, s9;
	s30 =	simm.s32 $0xD568  }
0x22f: {  	[hbm4b:s31+s0] =	stream.linear.scatter [tilespmem:s30], [sflag:$0x5], $0x80, $0x38;
	[tilespmem:$0x1CE00] =	vst v63  }
0x230: {  	s31 =	sadd.s32 $0x60, s9;
	s30 =	simm.s32 $0xD5F0  }
0x231: {  	[hbm4b:s31+s0] =	stream.linear.scatter [tilespmem:s30], [sflag:$0x5], $0x80, $0x38;
	[tilespmem:$0x1CE00] =	vst v63  }
0x232: {  	s9 =	sadd.s32 $0x70, s9;
	s31 =	simm.s32 $0xD678  }
0x233: {  	[hbm4b:s9+s0] =	stream.linear.scatter [tilespmem:s31], [sflag:$0x5], $0x80, $0x38;
	[tilespmem:$0x1CE00] =	vst v63  }
0x234: {  	s1 =	sadd.s32 s1, s17;
	s31 =	simm.s32 $0xDB40  }
0x235: {  	[hbm4b:s1+s0] =	stream.linear.scatter [tilespmem:s31], [sflag:$0x5], $0x80, $0x38;
	[tilespmem:$0x1CE00] =	vst v63  }
0x236: {  	s19 =	sadd.s32 $0x10, s1;
	s31 =	simm.s32 $0xDBC8  }
0x237: {  	[hbm4b:s19+s0] =	stream.linear.scatter [tilespmem:s31], [sflag:$0x5], $0x80, $0x38;
	[tilespmem:$0x1CE00] =	vst v63  }
0x238: {  	s19 =	sadd.s32 $0x20, s1;
	s31 =	simm.s32 $0xDC50  }
0x239: {  	[hbm4b:s19+s0] =	stream.linear.scatter [tilespmem:s31], [sflag:$0x5], $0x80, $0x38;
	[tilespmem:$0x1CE00] =	vst v63  }
0x23a: {  	s19 =	sadd.s32 $0x30, s1;
	s31 =	simm.s32 $0xDCD8  }
0x23b: {  	[hbm4b:s19+s0] =	stream.linear.scatter [tilespmem:s31], [sflag:$0x5], $0x80, $0x38;
	[tilespmem:$0x1CE00] =	vst v63  }
0x23c: {  	s19 =	sadd.s32 $0x40, s1;
	s31 =	simm.s32 $0xDD60  }
0x23d: {  	[hbm4b:s19+s0] =	stream.linear.scatter [tilespmem:s31], [sflag:$0x5], $0x80, $0x38;
	[tilespmem:$0x1CE00] =	vst v63  }
0x23e: {  	s19 =	sadd.s32 $0x50, s1;
	s31 =	simm.s32 $0xDDE8  }
0x23f: {  	[hbm4b:s19+s0] =	stream.linear.scatter [tilespmem:s31], [sflag:$0x5], $0x80, $0x38;
	[tilespmem:$0x1CE00] =	vst v63  }
0x240: {  	s19 =	sadd.s32 $0x60, s1;
	s31 =	simm.s32 $0xDE70  }
0x241: {  	[hbm4b:s19+s0] =	stream.linear.scatter [tilespmem:s31], [sflag:$0x5], $0x80, $0x38;
	[tilespmem:$0x1CE00] =	vst v63  }
0x242: {  	s1 =	sadd.s32 $0x70, s1;
	s31 =	simm.s32 $0xDEF8  }
0x243: {  	[hbm4b:s1+s0] =	stream.linear.scatter [tilespmem:s31], [sflag:$0x5], $0x80, $0x38;
	[tilespmem:$0x1CE00] =	vst v63  }
0x244: {  	s9 =	simm.s32 $0xDF80;
	s1 =	sadd.s32 s7, s17  }
0x245: {  	[hbm4b:s1+s0] =	stream.linear.scatter [tilespmem:s9], [sflag:$0x5], $0x80, $0x38;
	[tilespmem:$0x1CE00] =	vst v63  }
0x246: {  	s31 =	simm.s32 $0xE008;
	s19 =	sadd.s32 $0x10, s1  }
0x247: {  	[hbm4b:s19+s0] =	stream.linear.scatter [tilespmem:s31], [sflag:$0x5], $0x80, $0x38;
	[tilespmem:$0x1CE00] =	vst v63  }
0x248: {  	s19 =	sadd.s32 $0x20, s1;
	s31 =	simm.s32 $0xE090  }
0x249: {  	[hbm4b:s19+s0] =	stream.linear.scatter [tilespmem:s31], [sflag:$0x5], $0x80, $0x38;
	[tilespmem:$0x1CE00] =	vst v63  }
0x24a: {  	s19 =	sadd.s32 $0x30, s1;
	s31 =	simm.s32 $0xE118  }
0x24b: {  	[hbm4b:s19+s0] =	stream.linear.scatter [tilespmem:s31], [sflag:$0x5], $0x80, $0x38;
	[tilespmem:$0x1CE00] =	vst v63  }
0x24c: {  	s19 =	sadd.s32 $0x40, s1;
	s31 =	simm.s32 $0xE1A0  }
0x24d: {  	[hbm4b:s19+s0] =	stream.linear.scatter [tilespmem:s31], [sflag:$0x5], $0x80, $0x38;
	[tilespmem:$0x1CE00] =	vst v63  }
0x24e: {  	s19 =	sadd.s32 $0x50, s1;
	s31 =	simm.s32 $0xE228  }
0x24f: {  	[hbm4b:s19+s0] =	stream.linear.scatter [tilespmem:s31], [sflag:$0x5], $0x80, $0x38;
	[tilespmem:$0x1CE00] =	vst v63  }
0x250: {  	s9 =	sadd.s32 $0x60, s1;
	s19 =	simm.s32 $0xE2B0  }
0x251: {  	[hbm4b:s9+s0] =	stream.linear.scatter [tilespmem:s19], [sflag:$0x5], $0x80, $0x38;
	[tilespmem:$0x1CE00] =	vst v63  }
0x252: {  	s1 =	sadd.s32 $0x70, s1;
	s31 =	simm.s32 $0xE338  }
0x253: {  	[hbm4b:s1+s0] =	stream.linear.scatter [tilespmem:s31], [sflag:$0x5], $0x80, $0x38;
	[tilespmem:$0x1CE00] =	vst v63  }
0x254: {  	s7 =	sadd.s32 s18, s4;
	_ =	swait.ge [sflag:s8], $0x100  }
0x255: {  	s7 =	sadd.s32 $0x100, s7;
	[sflag:s8] =	ssyncset.done $0x0  }
0x256: {  	s18 =	smin.u32 s7, $0xC7D00;
	s9 =	simm.s32 $0x4200;
	[sflag:s8] =	ssyncadd.s32 $0xFFFFFF00  }
0x257: {  	[tilespmem:s9], [sflag:$0x4] =	stream.indirect.gather [hbm4b:s6+s21], $0x40, s21, s21, $0xb8;
	[tilespmem:$0x1CE00] =	vst v63  }
0x258: {  	s19 =	simm.s32 $0x0;
	s1 =	sshrl.u32 s18, $0x3;
	_ =	swait.ge [sflag:s26], $0x4000  }
0x259: {  	v5 =	vmov s19;
	s31 =	sand.u32 $0x78, s0;
	s1 =	sadd.s32 s5, s1;
	[sflag:s26] =	ssyncset.done $0x0  }
0x25a: {  	v5 =	vmul.u32 $0x440, v5;
	v6 =	vmov s31;
	s1 =	sadd.s32 $0x40, s1;
	[sflag:s26] =	ssyncadd.s32 $0xFFFFC000  }
0x25b: {  	v6 =	vshrl.u32 v6, $0x3;
	[tilespmem:s21], [sflag:$0x2] =	stream.linear.gather [hbm4b:s1+s0], $0x100, $0x38;
	[tilespmem:$0x1CE00] =	vst v63  }
0x25c: {  	v5 =	vbroadcast v5, $0x0;
	v6 =	vshll.u32 v6, v1;
	_ =	swait.ge [sflag:s28], $0x4000  }
0x25d: {  	v28 =	vbroadcast v6, $0x0;
	[sflag:s28] =	ssyncset.done $0x0  }
0x25e: {  	s18 =	simm.s32 $0x4300;
	v6 =	vadd.s32 v0, v5;
	[sflag:s28] =	ssyncadd.s32 $0xFFFFC000  }
0x25f: {  	v29 =	vadd.s32 v6, v28;
	v7 =	vld [tilespmem:s18+$0xFFFFFF00];
	_ =	sdelay $0x4  }
0x260: {  	[tilespmem:v29+s29+$0x0] =	vst.idx.msk $0xffff, v7;
	v7 =	vadd.s32 v2, v5  }
0x261: {  	v8 =	vld [tilespmem:s18+$0xFFFFFF10];
	v30 =	vadd.s32 v7, v28;
	_ =	sdelay $0x4  }
0x262: {  	v31 =	vadd.s32 v3, v5;
	[tilespmem:v30+s29+$0x0] =	vst.idx.msk $0xffff, v8  }
0x263: {  	v32 =	vadd.s32 v31, v28;
	v10 =	vld [tilespmem:s18+$0xFFFFFF20];
	_ =	sdelay $0x3  }
0x264: {  	s9 =	simm.s32 $0x1  }
0x265: {  	s0 =	sand.u32 $0x78, s9;
	v5 =	vadd.s32 v4, v5;
	[tilespmem:v32+s29+$0x0] =	vst.idx.msk $0xffff, v10  }
0x266: {  	v33 =	vmov s0;
	v9 =	vadd.s32 v5, v28;
	v10 =	vld [tilespmem:s18+$0xFFFFFF30]  }
0x267: {  	v11 =	vshrl.u32 v33, $0x3  }
0x268: {  	v11 =	vshll.u32 v11, v1  }
0x269: {  	v11 =	vbroadcast v11, $0x0;
	_ =	sdelay $0x1  }
0x26a: {  	v34 =	vadd.s32 v6, v11;
	[tilespmem:v9+s29+$0x0] =	vst.idx.msk $0xffff, v10  }
0x26b: {  	v9 =	vor.u32 $0x1, v34;
	v10 =	vld [tilespmem:s18+$0xFFFFFF40];
	_ =	sdelay $0x4  }
0x26c: {  	v35 =	vadd.s32 v7, v11;
	[tilespmem:v9+s29+$0x0] =	vst.idx.msk $0xffff, v10  }
0x26d: {  	v9 =	vor.u32 $0x1, v35;
	v10 =	vld [tilespmem:s18+$0xFFFFFF50];
	_ =	sdelay $0x4  }
0x26e: {  	v36 =	vadd.s32 v31, v11;
	[tilespmem:v9+s29+$0x0] =	vst.idx.msk $0xffff, v10  }
0x26f: {  	v9 =	vor.u32 $0x1, v36;
	v10 =	vld [tilespmem:s18+$0xFFFFFF60];
	_ =	sdelay $0x3  }
0x270: {  	s19 =	simm.s32 $0x2  }
0x271: {  	s0 =	sand.u32 $0x78, s19;
	v37 =	vadd.s32 v5, v11;
	[tilespmem:v9+s29+$0x0] =	vst.idx.msk $0xffff, v10  }
0x272: {  	v38 =	vmov s0;
	v9 =	vor.u32 $0x1, v37;
	v10 =	vld [tilespmem:s18+$0xFFFFFF70]  }
0x273: {  	v11 =	vshrl.u32 v38, $0x3  }
0x274: {  	v11 =	vshll.u32 v11, v1  }
0x275: {  	v11 =	vbroadcast v11, $0x0;
	_ =	sdelay $0x1  }
0x276: {  	v39 =	vadd.s32 v6, v11;
	[tilespmem:v9+s29+$0x0] =	vst.idx.msk $0xffff, v10  }
0x277: {  	v9 =	vor.u32 $0x2, v39;
	v10 =	vld [tilespmem:s18+$0xFFFFFF80];
	_ =	sdelay $0x4  }
0x278: {  	v40 =	vadd.s32 v7, v11;
	[tilespmem:v9+s29+$0x0] =	vst.idx.msk $0xffff, v10  }
0x279: {  	v9 =	vor.u32 $0x2, v40;
	v10 =	vld [tilespmem:s18+$0xFFFFFF90];
	_ =	sdelay $0x4  }
0x27a: {  	v41 =	vadd.s32 v31, v11;
	[tilespmem:v9+s29+$0x0] =	vst.idx.msk $0xffff, v10  }
0x27b: {  	v9 =	vor.u32 $0x2, v41;
	v10 =	vld [tilespmem:s18+$0xFFFFFFA0];
	_ =	sdelay $0x3  }
0x27c: {  	s31 =	simm.s32 $0x3  }
0x27d: {  	s0 =	sand.u32 $0x78, s31;
	v42 =	vadd.s32 v5, v11;
	[tilespmem:v9+s29+$0x0] =	vst.idx.msk $0xffff, v10  }
0x27e: {  	v43 =	vmov s0;
	v9 =	vor.u32 $0x2, v42;
	v10 =	vld [tilespmem:s18+$0xFFFFFFB0]  }
0x27f: {  	v11 =	vshrl.u32 v43, $0x3  }
0x280: {  	v11 =	vshll.u32 v11, v1  }
0x281: {  	v11 =	vbroadcast v11, $0x0;
	_ =	sdelay $0x1  }
0x282: {  	v44 =	vadd.s32 v6, v11;
	[tilespmem:v9+s29+$0x0] =	vst.idx.msk $0xffff, v10  }
0x283: {  	v9 =	vor.u32 $0x3, v44;
	v10 =	vld [tilespmem:s18+$0xFFFFFFC0];
	_ =	sdelay $0x4  }
0x284: {  	v45 =	vadd.s32 v7, v11;
	[tilespmem:v9+s29+$0x0] =	vst.idx.msk $0xffff, v10  }
0x285: {  	v9 =	vor.u32 $0x3, v45;
	v10 =	vld [tilespmem:s18+$0xFFFFFFD0];
	_ =	sdelay $0x4  }
0x286: {  	v46 =	vadd.s32 v31, v11;
	[tilespmem:v9+s29+$0x0] =	vst.idx.msk $0xffff, v10  }
0x287: {  	v9 =	vor.u32 $0x3, v46;
	v10 =	vld [tilespmem:s18+$0xFFFFFFE0];
	_ =	sdelay $0x3  }
0x288: {  	s1 =	simm.s32 $0x4  }
0x289: {  	s0 =	sand.u32 $0x78, s1;
	v47 =	vadd.s32 v5, v11;
	[tilespmem:v9+s29+$0x0] =	vst.idx.msk $0xffff, v10  }
0x28a: {  	v48 =	vmov s0;
	v9 =	vor.u32 $0x3, v47;
	v10 =	vld [tilespmem:s18+$0xFFFFFFF0]  }
0x28b: {  	v11 =	vshrl.u32 v48, $0x3  }
0x28c: {  	v11 =	vshll.u32 v11, v1  }
0x28d: {  	v11 =	vbroadcast v11, $0x0;
	_ =	sdelay $0x1  }
0x28e: {  	v49 =	vadd.s32 v6, v11;
	[tilespmem:v9+s29+$0x0] =	vst.idx.msk $0xffff, v10  }
0x28f: {  	v9 =	vor.u32 $0x4, v49;
	v10 =	vld [tilespmem:s18+$0x0];
	_ =	sdelay $0x4  }
0x290: {  	v50 =	vadd.s32 v7, v11;
	[tilespmem:v9+s29+$0x0] =	vst.idx.msk $0xffff, v10  }
0x291: {  	v9 =	vor.u32 $0x4, v50;
	v10 =	vld [tilespmem:s18+$0x10];
	_ =	sdelay $0x4  }
0x292: {  	v51 =	vadd.s32 v31, v11;
	[tilespmem:v9+s29+$0x0] =	vst.idx.msk $0xffff, v10  }
0x293: {  	v9 =	vor.u32 $0x4, v51;
	v10 =	vld [tilespmem:s18+$0x20];
	_ =	sdelay $0x3  }
0x294: {  	s9 =	simm.s32 $0x5  }
0x295: {  	s0 =	sand.u32 $0x78, s9;
	v52 =	vadd.s32 v5, v11;
	[tilespmem:v9+s29+$0x0] =	vst.idx.msk $0xffff, v10  }
0x296: {  	v53 =	vmov s0;
	v9 =	vor.u32 $0x4, v52;
	v10 =	vld [tilespmem:s18+$0x30]  }
0x297: {  	v11 =	vshrl.u32 v53, $0x3  }
0x298: {  	v11 =	vshll.u32 v11, v1  }
0x299: {  	v11 =	vbroadcast v11, $0x0;
	_ =	sdelay $0x1  }
0x29a: {  	v54 =	vadd.s32 v6, v11;
	[tilespmem:v9+s29+$0x0] =	vst.idx.msk $0xffff, v10  }
0x29b: {  	v9 =	vor.u32 $0x5, v54;
	v10 =	vld [tilespmem:s18+$0x40];
	_ =	sdelay $0x4  }
0x29c: {  	v55 =	vadd.s32 v7, v11;
	[tilespmem:v9+s29+$0x0] =	vst.idx.msk $0xffff, v10  }
0x29d: {  	v9 =	vor.u32 $0x5, v55;
	v10 =	vld [tilespmem:s18+$0x50];
	_ =	sdelay $0x4  }
0x29e: {  	v56 =	vadd.s32 v31, v11;
	[tilespmem:v9+s29+$0x0] =	vst.idx.msk $0xffff, v10  }
0x29f: {  	v9 =	vor.u32 $0x5, v56;
	v10 =	vld [tilespmem:s18+$0x60];
	_ =	sdelay $0x3  }
0x2a0: {  	s19 =	simm.s32 $0x6  }
0x2a1: {  	s0 =	sand.u32 $0x78, s19;
	v57 =	vadd.s32 v5, v11;
	[tilespmem:v9+s29+$0x0] =	vst.idx.msk $0xffff, v10  }
0x2a2: {  	v58 =	vmov s0;
	v9 =	vor.u32 $0x5, v57;
	v10 =	vld [tilespmem:s18+$0x70]  }
0x2a3: {  	v11 =	vshrl.u32 v58, $0x3  }
0x2a4: {  	v11 =	vshll.u32 v11, v1  }
0x2a5: {  	v11 =	vbroadcast v11, $0x0;
	_ =	sdelay $0x1  }
0x2a6: {  	v59 =	vadd.s32 v6, v11;
	[tilespmem:v9+s29+$0x0] =	vst.idx.msk $0xffff, v10  }
0x2a7: {  	v9 =	vor.u32 $0x6, v59;
	v10 =	vld [tilespmem:s18+$0x80];
	_ =	sdelay $0x4  }
0x2a8: {  	v60 =	vadd.s32 v7, v11;
	[tilespmem:v9+s29+$0x0] =	vst.idx.msk $0xffff, v10  }
0x2a9: {  	v9 =	vor.u32 $0x6, v60;
	v10 =	vld [tilespmem:s18+$0x90];
	_ =	sdelay $0x4  }
0x2aa: {  	v61 =	vadd.s32 v31, v11;
	[tilespmem:v9+s29+$0x0] =	vst.idx.msk $0xffff, v10  }
0x2ab: {  	v9 =	vor.u32 $0x6, v61;
	v10 =	vld [tilespmem:s18+$0xA0];
	_ =	sdelay $0x3  }
0x2ac: {  	s31 =	simm.s32 $0x7  }
0x2ad: {  	s0 =	sand.u32 $0x78, s31;
	v62 =	vadd.s32 v5, v11;
	[tilespmem:v9+s29+$0x0] =	vst.idx.msk $0xffff, v10  }
0x2ae: {  	v63 =	vmov s0;
	v9 =	vor.u32 $0x6, v62;
	v10 =	vld [tilespmem:s18+$0xB0]  }
0x2af: {  	v11 =	vshrl.u32 v63, $0x3  }
0x2b0: {  	v11 =	vshll.u32 v11, v1  }
0x2b1: {  	v11 =	vbroadcast v11, $0x0;
	_ =	sdelay $0x1  }
0x2b2: {  	v6 =	vadd.s32 v6, v11;
	[tilespmem:v9+s29+$0x0] =	vst.idx.msk $0xffff, v10  }
0x2b3: {  	v6 =	vor.u32 $0x7, v6;
	v9 =	vld [tilespmem:s18+$0xC0];
	_ =	sdelay $0x4  }
0x2b4: {  	[tilespmem:v6+s29+$0x0] =	vst.idx.msk $0xffff, v9;
	v6 =	vadd.s32 v7, v11  }
0x2b5: {  	v7 =	vld [tilespmem:s18+$0xD0];
	v6 =	vor.u32 $0x7, v6;
	_ =	sdelay $0x4  }
0x2b6: {  	[tilespmem:v6+s29+$0x0] =	vst.idx.msk $0xffff, v7;
	v6 =	vadd.s32 v31, v11  }
0x2b7: {  	v7 =	vld [tilespmem:s18+$0xE0];
	v6 =	vor.u32 $0x7, v6;
	_ =	sdelay $0x3  }
0x2b8: {  	s30 =	simm.s32 $0x8  }
0x2b9: {  	s1 =	simm.s32 $0x10;
	s9 =	simm.s32 $0x0;
	s0 =	simm.s32 $0x1;
	v5 =	vadd.s32 v5, v11;
	[tilespmem:v6+s29+$0x0] =	vst.idx.msk $0xffff, v7  }
.LBB2_5:
0x2ba: {  	p0 =	sne.s32 s1, $0xF8;
	s19 =	sand.u32 $0x78, s30;
	v6 =	vmov s9;
	v7 =	vld [tilespmem:s18+$0xF0];
	v8 =	vor.u32 $0x7, v5  }
0x2bb: {  	v5 =	vmov s19;
	v6 =	vmul.u32 $0x440, v6  }
0x2bc: {  	v5 =	vshrl.u32 v5, $0x3  }
0x2bd: {  	v6 =	vbroadcast v6, $0x0;
	v5 =	vshll.u32 v5, v1  }
0x2be: {  	v9 =	vbroadcast v5, $0x0  }
0x2bf: {  	s18 =	sadd.s32 $0x200, s18;
	v5 =	vadd.s32 v0, v6;
	[tilespmem:v8+s29+$0x0] =	vst.idx.msk $0xffff, v7  }
0x2c0: {  	v7 =	vld [tilespmem:s18+$0xFFFFFF00];
	v8 =	vadd.s32 v5, v9;
	_ =	sdelay $0x4  }
0x2c1: {  	[tilespmem:v8+s29+$0x0] =	vst.idx.msk $0xffff, v7;
	v7 =	vadd.s32 v2, v6  }
0x2c2: {  	v8 =	vld [tilespmem:s18+$0xFFFFFF10];
	v10 =	vadd.s32 v7, v9;
	_ =	sdelay $0x4  }
0x2c3: {  	[tilespmem:v10+s29+$0x0] =	vst.idx.msk $0xffff, v8;
	v8 =	vadd.s32 v3, v6  }
0x2c4: {  	v10 =	vld [tilespmem:s18+$0xFFFFFF20];
	v11 =	vadd.s32 v8, v9;
	_ =	sdelay $0x3  }
0x2c5: {  	s9 =	sadd.s32 $0x1, s30  }
0x2c6: {  	s9 =	sand.u32 $0x78, s9;
	v6 =	vadd.s32 v4, v6;
	[tilespmem:v11+s29+$0x0] =	vst.idx.msk $0xffff, v10  }
0x2c7: {  	v9 =	vadd.s32 v6, v9;
	v11 =	vmov s9;
	v10 =	vld [tilespmem:s18+$0xFFFFFF30]  }
0x2c8: {  	v11 =	vshrl.u32 v11, $0x3  }
0x2c9: {  	v11 =	vshll.u32 v11, v1  }
0x2ca: {  	v11 =	vbroadcast v11, $0x0;
	_ =	sdelay $0x1  }
0x2cb: {  	[tilespmem:v9+s29+$0x0] =	vst.idx.msk $0xffff, v10;
	v9 =	vadd.s32 v5, v11  }
0x2cc: {  	v10 =	vld [tilespmem:s18+$0xFFFFFF40];
	v9 =	vor.u32 $0x1, v9;
	_ =	sdelay $0x4  }
0x2cd: {  	[tilespmem:v9+s29+$0x0] =	vst.idx.msk $0xffff, v10;
	v9 =	vadd.s32 v7, v11  }
0x2ce: {  	v10 =	vld [tilespmem:s18+$0xFFFFFF50];
	v9 =	vor.u32 $0x1, v9;
	_ =	sdelay $0x4  }
0x2cf: {  	[tilespmem:v9+s29+$0x0] =	vst.idx.msk $0xffff, v10;
	v9 =	vadd.s32 v8, v11  }
0x2d0: {  	v10 =	vld [tilespmem:s18+$0xFFFFFF60];
	v9 =	vor.u32 $0x1, v9;
	_ =	sdelay $0x3  }
0x2d1: {  	s9 =	sadd.s32 $0x2, s30  }
0x2d2: {  	s9 =	sand.u32 $0x78, s9;
	[tilespmem:v9+s29+$0x0] =	vst.idx.msk $0xffff, v10;
	v9 =	vadd.s32 v6, v11  }
0x2d3: {  	v11 =	vmov s9;
	v10 =	vld [tilespmem:s18+$0xFFFFFF70];
	v9 =	vor.u32 $0x1, v9  }
0x2d4: {  	v11 =	vshrl.u32 v11, $0x3  }
0x2d5: {  	v11 =	vshll.u32 v11, v1  }
0x2d6: {  	v11 =	vbroadcast v11, $0x0;
	_ =	sdelay $0x1  }
0x2d7: {  	[tilespmem:v9+s29+$0x0] =	vst.idx.msk $0xffff, v10;
	v9 =	vadd.s32 v5, v11  }
0x2d8: {  	v10 =	vld [tilespmem:s18+$0xFFFFFF80];
	v9 =	vor.u32 $0x2, v9;
	_ =	sdelay $0x4  }
0x2d9: {  	[tilespmem:v9+s29+$0x0] =	vst.idx.msk $0xffff, v10;
	v9 =	vadd.s32 v7, v11  }
0x2da: {  	v10 =	vld [tilespmem:s18+$0xFFFFFF90];
	v9 =	vor.u32 $0x2, v9;
	_ =	sdelay $0x4  }
0x2db: {  	[tilespmem:v9+s29+$0x0] =	vst.idx.msk $0xffff, v10;
	v9 =	vadd.s32 v8, v11  }
0x2dc: {  	v10 =	vld [tilespmem:s18+$0xFFFFFFA0];
	v9 =	vor.u32 $0x2, v9;
	_ =	sdelay $0x3  }
0x2dd: {  	s9 =	sadd.s32 $0x3, s30  }
0x2de: {  	s9 =	sand.u32 $0x78, s9;
	[tilespmem:v9+s29+$0x0] =	vst.idx.msk $0xffff, v10;
	v9 =	vadd.s32 v6, v11  }
0x2df: {  	v11 =	vmov s9;
	v10 =	vld [tilespmem:s18+$0xFFFFFFB0];
	v9 =	vor.u32 $0x2, v9  }
0x2e0: {  	v11 =	vshrl.u32 v11, $0x3  }
0x2e1: {  	v11 =	vshll.u32 v11, v1  }
0x2e2: {  	v11 =	vbroadcast v11, $0x0;
	_ =	sdelay $0x1  }
0x2e3: {  	[tilespmem:v9+s29+$0x0] =	vst.idx.msk $0xffff, v10;
	v9 =	vadd.s32 v5, v11  }
0x2e4: {  	v10 =	vld [tilespmem:s18+$0xFFFFFFC0];
	v9 =	vor.u32 $0x3, v9;
	_ =	sdelay $0x4  }
0x2e5: {  	[tilespmem:v9+s29+$0x0] =	vst.idx.msk $0xffff, v10;
	v9 =	vadd.s32 v7, v11  }
0x2e6: {  	v10 =	vld [tilespmem:s18+$0xFFFFFFD0];
	v9 =	vor.u32 $0x3, v9;
	_ =	sdelay $0x4  }
0x2e7: {  	[tilespmem:v9+s29+$0x0] =	vst.idx.msk $0xffff, v10;
	v9 =	vadd.s32 v8, v11  }
0x2e8: {  	v10 =	vld [tilespmem:s18+$0xFFFFFFE0];
	v9 =	vor.u32 $0x3, v9;
	_ =	sdelay $0x3  }
0x2e9: {  	s9 =	sadd.s32 $0x4, s30  }
0x2ea: {  	s9 =	sand.u32 $0x78, s9;
	[tilespmem:v9+s29+$0x0] =	vst.idx.msk $0xffff, v10;
	v9 =	vadd.s32 v6, v11  }
0x2eb: {  	v11 =	vmov s9;
	v10 =	vld [tilespmem:s18+$0xFFFFFFF0];
	v9 =	vor.u32 $0x3, v9  }
0x2ec: {  	v11 =	vshrl.u32 v11, $0x3  }
0x2ed: {  	v11 =	vshll.u32 v11, v1  }
0x2ee: {  	v11 =	vbroadcast v11, $0x0;
	_ =	sdelay $0x1  }
0x2ef: {  	[tilespmem:v9+s29+$0x0] =	vst.idx.msk $0xffff, v10;
	v9 =	vadd.s32 v5, v11  }
0x2f0: {  	v10 =	vld [tilespmem:s18+$0x0];
	v9 =	vor.u32 $0x4, v9;
	_ =	sdelay $0x4  }
0x2f1: {  	[tilespmem:v9+s29+$0x0] =	vst.idx.msk $0xffff, v10;
	v9 =	vadd.s32 v7, v11  }
0x2f2: {  	v10 =	vld [tilespmem:s18+$0x10];
	v9 =	vor.u32 $0x4, v9;
	_ =	sdelay $0x4  }
0x2f3: {  	[tilespmem:v9+s29+$0x0] =	vst.idx.msk $0xffff, v10;
	v9 =	vadd.s32 v8, v11  }
0x2f4: {  	v10 =	vld [tilespmem:s18+$0x20];
	v9 =	vor.u32 $0x4, v9;
	_ =	sdelay $0x3  }
0x2f5: {  	s9 =	sadd.s32 $0x5, s30  }
0x2f6: {  	s9 =	sand.u32 $0x78, s9;
	[tilespmem:v9+s29+$0x0] =	vst.idx.msk $0xffff, v10;
	v9 =	vadd.s32 v6, v11  }
0x2f7: {  	v11 =	vmov s9;
	v10 =	vld [tilespmem:s18+$0x30];
	v9 =	vor.u32 $0x4, v9  }
0x2f8: {  	v11 =	vshrl.u32 v11, $0x3  }
0x2f9: {  	v11 =	vshll.u32 v11, v1  }
0x2fa: {  	v11 =	vbroadcast v11, $0x0;
	_ =	sdelay $0x1  }
0x2fb: {  	[tilespmem:v9+s29+$0x0] =	vst.idx.msk $0xffff, v10;
	v9 =	vadd.s32 v5, v11  }
0x2fc: {  	v10 =	vld [tilespmem:s18+$0x40];
	v9 =	vor.u32 $0x5, v9;
	_ =	sdelay $0x4  }
0x2fd: {  	[tilespmem:v9+s29+$0x0] =	vst.idx.msk $0xffff, v10;
	v9 =	vadd.s32 v7, v11  }
0x2fe: {  	v10 =	vld [tilespmem:s18+$0x50];
	v9 =	vor.u32 $0x5, v9;
	_ =	sdelay $0x4  }
0x2ff: {  	[tilespmem:v9+s29+$0x0] =	vst.idx.msk $0xffff, v10;
	v9 =	vadd.s32 v8, v11  }
0x300: {  	v10 =	vld [tilespmem:s18+$0x60];
	v9 =	vor.u32 $0x5, v9;
	_ =	sdelay $0x3  }
0x301: {  	s9 =	sadd.s32 $0x6, s30  }
0x302: {  	s9 =	sand.u32 $0x78, s9;
	[tilespmem:v9+s29+$0x0] =	vst.idx.msk $0xffff, v10;
	v9 =	vadd.s32 v6, v11  }
0x303: {  	v11 =	vmov s9;
	v10 =	vld [tilespmem:s18+$0x70];
	v9 =	vor.u32 $0x5, v9  }
0x304: {  	v11 =	vshrl.u32 v11, $0x3  }
0x305: {  	v11 =	vshll.u32 v11, v1  }
0x306: {  	v11 =	vbroadcast v11, $0x0;
	_ =	sdelay $0x1  }
0x307: {  	[tilespmem:v9+s29+$0x0] =	vst.idx.msk $0xffff, v10;
	v9 =	vadd.s32 v5, v11  }
0x308: {  	v10 =	vld [tilespmem:s18+$0x80];
	v9 =	vor.u32 $0x6, v9;
	_ =	sdelay $0x4  }
0x309: {  	[tilespmem:v9+s29+$0x0] =	vst.idx.msk $0xffff, v10;
	v9 =	vadd.s32 v7, v11  }
0x30a: {  	v10 =	vld [tilespmem:s18+$0x90];
	v9 =	vor.u32 $0x6, v9;
	_ =	sdelay $0x4  }
0x30b: {  	[tilespmem:v9+s29+$0x0] =	vst.idx.msk $0xffff, v10;
	v9 =	vadd.s32 v8, v11  }
0x30c: {  	v10 =	vld [tilespmem:s18+$0xA0];
	v9 =	vor.u32 $0x6, v9;
	_ =	sdelay $0x3  }
0x30d: {  	s9 =	sadd.s32 $0x7, s30;
	s30 =	smov.u32 s1  }
0x30e: {  	s9 =	sand.u32 $0x78, s9;
	[tilespmem:v9+s29+$0x0] =	vst.idx.msk $0xffff, v10;
	v9 =	vadd.s32 v6, v11  }
0x30f: {  	v11 =	vmov s9;
	v10 =	vld [tilespmem:s18+$0xB0];
	v9 =	vor.u32 $0x6, v9  }
0x310: {  	v11 =	vshrl.u32 v11, $0x3  }
0x311: {  	v11 =	vshll.u32 v11, v1  }
0x312: {  	v11 =	vbroadcast v11, $0x0;
	_ =	sdelay $0x1  }
0x313: {  	v5 =	vadd.s32 v5, v11;
	[tilespmem:v9+s29+$0x0] =	vst.idx.msk $0xffff, v10  }
0x314: {  	v5 =	vor.u32 $0x7, v5;
	v9 =	vld [tilespmem:s18+$0xC0];
	_ =	sdelay $0x4  }
0x315: {  	[tilespmem:v5+s29+$0x0] =	vst.idx.msk $0xffff, v9;
	v5 =	vadd.s32 v7, v11  }
0x316: {  	v7 =	vld [tilespmem:s18+$0xD0];
	v5 =	vor.u32 $0x7, v5;
	_ =	sdelay $0x4  }
0x317: {  	[tilespmem:v5+s29+$0x0] =	vst.idx.msk $0xffff, v7;
	v5 =	vadd.s32 v8, v11  }
0x318: {  	v7 =	vld [tilespmem:s18+$0xE0];
	v5 =	vor.u32 $0x7, v5  }
.Ltmp1:
0x319: {  	(pc) =	sbr.rel @p0 .LBB2_5-.Ltmp1, $3  }
0x31a: {  	_ =	sdelay $0x1  }
0x31b: {  	s0 =	sadd.s32 $0x1, s0  }
0x31c: {  	s1 =	sadd.s32 $0x8, s1;
	s9 =	sshrl.u32 s0, $0x4;
	[tilespmem:v5+s29+$0x0] =	vst.idx.msk $0xffff, v7;
	v5 =	vadd.s32 v6, v11  }
0x31d: {  	v6 =	vmov s9;
	s0 =	sand.u32 $0x78, s30;
	v7 =	vld [tilespmem:s18+$0xF0];
	v8 =	vor.u32 $0x7, v5  }
0x31e: {  	v5 =	vmov s0;
	v6 =	vmul.u32 $0x440, v6  }
0x31f: {  	v5 =	vshrl.u32 v5, $0x3  }
0x320: {  	v9 =	vbroadcast v6, $0x0;
	v5 =	vshll.u32 v5, v1  }
0x321: {  	v10 =	vbroadcast v5, $0x0  }
0x322: {  	s0 =	sadd.s32 $0x200, s18;
	v5 =	vadd.s32 v0, v9;
	[tilespmem:v8+s29+$0x0] =	vst.idx.msk $0xffff, v7  }
0x323: {  	v6 =	vld [tilespmem:s0+$0xFFFFFF00];
	v7 =	vadd.s32 v5, v10;
	_ =	sdelay $0x4  }
0x324: {  	[tilespmem:v7+s29+$0x0] =	vst.idx.msk $0xffff, v6;
	v6 =	vadd.s32 v2, v9  }
0x325: {  	v7 =	vld [tilespmem:s0+$0xFFFFFF10];
	v30 =	vadd.s32 v6, v10;
	_ =	sdelay $0x4  }
0x326: {  	[tilespmem:v30+s29+$0x0] =	vst.idx.msk $0xffff, v7;
	v7 =	vadd.s32 v3, v9  }
0x327: {  	v8 =	vld [tilespmem:s0+$0xFFFFFF20];
	v11 =	vadd.s32 v7, v10;
	_ =	sdelay $0x3  }
0x328: {  	s1 =	sadd.s32 $0x1, s30  }
0x329: {  	s1 =	sand.u32 $0x78, s1;
	v31 =	vadd.s32 v4, v9;
	[tilespmem:v11+s29+$0x0] =	vst.idx.msk $0xffff, v8  }
0x32a: {  	v33 =	vmov s1;
	v10 =	vadd.s32 v31, v10;
	v32 =	vld [tilespmem:s0+$0xFFFFFF30]  }
0x32b: {  	v11 =	vshrl.u32 v33, $0x3  }
0x32c: {  	v11 =	vshll.u32 v11, v1  }
0x32d: {  	v11 =	vbroadcast v11, $0x0;
	_ =	sdelay $0x1  }
0x32e: {  	v34 =	vadd.s32 v5, v11;
	[tilespmem:v10+s29+$0x0] =	vst.idx.msk $0xffff, v32  }
0x32f: {  	v9 =	vor.u32 $0x1, v34;
	v10 =	vld [tilespmem:s0+$0xFFFFFF40];
	_ =	sdelay $0x4  }
0x330: {  	v35 =	vadd.s32 v6, v11;
	[tilespmem:v9+s29+$0x0] =	vst.idx.msk $0xffff, v10  }
0x331: {  	v9 =	vor.u32 $0x1, v35;
	v10 =	vld [tilespmem:s0+$0xFFFFFF50];
	_ =	sdelay $0x4  }
0x332: {  	v36 =	vadd.s32 v7, v11;
	[tilespmem:v9+s29+$0x0] =	vst.idx.msk $0xffff, v10  }
0x333: {  	v9 =	vor.u32 $0x1, v36;
	v10 =	vld [tilespmem:s0+$0xFFFFFF60];
	_ =	sdelay $0x3  }
0x334: {  	s31 =	sadd.s32 $0x2, s30  }
0x335: {  	s1 =	sand.u32 $0x78, s31;
	v37 =	vadd.s32 v31, v11;
	[tilespmem:v9+s29+$0x0] =	vst.idx.msk $0xffff, v10  }
0x336: {  	v38 =	vmov s1;
	v9 =	vor.u32 $0x1, v37;
	v10 =	vld [tilespmem:s0+$0xFFFFFF70]  }
0x337: {  	v11 =	vshrl.u32 v38, $0x3  }
0x338: {  	v11 =	vshll.u32 v11, v1  }
0x339: {  	v11 =	vbroadcast v11, $0x0;
	_ =	sdelay $0x1  }
0x33a: {  	v39 =	vadd.s32 v5, v11;
	[tilespmem:v9+s29+$0x0] =	vst.idx.msk $0xffff, v10  }
0x33b: {  	v9 =	vor.u32 $0x2, v39;
	v10 =	vld [tilespmem:s0+$0xFFFFFF80];
	_ =	sdelay $0x4  }
0x33c: {  	v40 =	vadd.s32 v6, v11;
	[tilespmem:v9+s29+$0x0] =	vst.idx.msk $0xffff, v10  }
0x33d: {  	v9 =	vor.u32 $0x2, v40;
	v10 =	vld [tilespmem:s0+$0xFFFFFF90];
	_ =	sdelay $0x4  }
0x33e: {  	v41 =	vadd.s32 v7, v11;
	[tilespmem:v9+s29+$0x0] =	vst.idx.msk $0xffff, v10  }
0x33f: {  	v9 =	vor.u32 $0x2, v41;
	v10 =	vld [tilespmem:s0+$0xFFFFFFA0];
	_ =	sdelay $0x3  }
0x340: {  	s9 =	sadd.s32 $0x3, s30  }
0x341: {  	s1 =	sand.u32 $0x78, s9;
	v42 =	vadd.s32 v31, v11;
	[tilespmem:v9+s29+$0x0] =	vst.idx.msk $0xffff, v10  }
0x342: {  	v43 =	vmov s1;
	v9 =	vor.u32 $0x2, v42;
	v10 =	vld [tilespmem:s0+$0xFFFFFFB0]  }
0x343: {  	v11 =	vshrl.u32 v43, $0x3  }
0x344: {  	v11 =	vshll.u32 v11, v1  }
0x345: {  	v11 =	vbroadcast v11, $0x0;
	_ =	sdelay $0x1  }
0x346: {  	v44 =	vadd.s32 v5, v11;
	[tilespmem:v9+s29+$0x0] =	vst.idx.msk $0xffff, v10  }
0x347: {  	v9 =	vor.u32 $0x3, v44;
	v10 =	vld [tilespmem:s0+$0xFFFFFFC0];
	_ =	sdelay $0x4  }
0x348: {  	v45 =	vadd.s32 v6, v11;
	[tilespmem:v9+s29+$0x0] =	vst.idx.msk $0xffff, v10  }
0x349: {  	v9 =	vor.u32 $0x3, v45;
	v10 =	vld [tilespmem:s0+$0xFFFFFFD0];
	_ =	sdelay $0x4  }
0x34a: {  	v46 =	vadd.s32 v7, v11;
	[tilespmem:v9+s29+$0x0] =	vst.idx.msk $0xffff, v10  }
0x34b: {  	v9 =	vor.u32 $0x3, v46;
	v10 =	vld [tilespmem:s0+$0xFFFFFFE0];
	_ =	sdelay $0x3  }
0x34c: {  	s18 =	sadd.s32 $0x4, s30  }
0x34d: {  	s1 =	sand.u32 $0x78, s18;
	v47 =	vadd.s32 v31, v11;
	[tilespmem:v9+s29+$0x0] =	vst.idx.msk $0xffff, v10  }
0x34e: {  	v48 =	vmov s1;
	v9 =	vor.u32 $0x3, v47;
	v10 =	vld [tilespmem:s0+$0xFFFFFFF0]  }
0x34f: {  	v11 =	vshrl.u32 v48, $0x3  }
0x350: {  	v11 =	vshll.u32 v11, v1  }
0x351: {  	v11 =	vbroadcast v11, $0x0;
	_ =	sdelay $0x1  }
0x352: {  	v49 =	vadd.s32 v5, v11;
	[tilespmem:v9+s29+$0x0] =	vst.idx.msk $0xffff, v10  }
0x353: {  	v9 =	vor.u32 $0x4, v49;
	v10 =	vld [tilespmem:s0+$0x0];
	_ =	sdelay $0x4  }
0x354: {  	v50 =	vadd.s32 v6, v11;
	[tilespmem:v9+s29+$0x0] =	vst.idx.msk $0xffff, v10  }
0x355: {  	v9 =	vor.u32 $0x4, v50;
	v10 =	vld [tilespmem:s0+$0x10];
	_ =	sdelay $0x4  }
0x356: {  	v51 =	vadd.s32 v7, v11;
	[tilespmem:v9+s29+$0x0] =	vst.idx.msk $0xffff, v10  }
0x357: {  	v9 =	vor.u32 $0x4, v51;
	v10 =	vld [tilespmem:s0+$0x20];
	_ =	sdelay $0x3  }
0x358: {  	s19 =	sadd.s32 $0x5, s30  }
0x359: {  	s1 =	sand.u32 $0x78, s19;
	v52 =	vadd.s32 v31, v11;
	[tilespmem:v9+s29+$0x0] =	vst.idx.msk $0xffff, v10  }
0x35a: {  	v53 =	vmov s1;
	v9 =	vor.u32 $0x4, v52;
	v10 =	vld [tilespmem:s0+$0x30]  }
0x35b: {  	v11 =	vshrl.u32 v53, $0x3  }
0x35c: {  	v11 =	vshll.u32 v11, v1  }
0x35d: {  	v11 =	vbroadcast v11, $0x0;
	_ =	sdelay $0x1  }
0x35e: {  	v54 =	vadd.s32 v5, v11;
	[tilespmem:v9+s29+$0x0] =	vst.idx.msk $0xffff, v10  }
0x35f: {  	v9 =	vor.u32 $0x5, v54;
	v10 =	vld [tilespmem:s0+$0x40];
	_ =	sdelay $0x4  }
0x360: {  	v55 =	vadd.s32 v6, v11;
	[tilespmem:v9+s29+$0x0] =	vst.idx.msk $0xffff, v10  }
0x361: {  	v9 =	vor.u32 $0x5, v55;
	v10 =	vld [tilespmem:s0+$0x50];
	_ =	sdelay $0x4  }
0x362: {  	v56 =	vadd.s32 v7, v11;
	[tilespmem:v9+s29+$0x0] =	vst.idx.msk $0xffff, v10  }
0x363: {  	v9 =	vor.u32 $0x5, v56;
	v10 =	vld [tilespmem:s0+$0x60];
	_ =	sdelay $0x3  }
0x364: {  	s31 =	sadd.s32 $0x6, s30  }
0x365: {  	s1 =	sand.u32 $0x78, s31;
	v57 =	vadd.s32 v31, v11;
	[tilespmem:v9+s29+$0x0] =	vst.idx.msk $0xffff, v10  }
0x366: {  	v58 =	vmov s1;
	v9 =	vor.u32 $0x5, v57;
	v10 =	vld [tilespmem:s0+$0x70]  }
0x367: {  	v11 =	vshrl.u32 v58, $0x3  }
0x368: {  	v11 =	vshll.u32 v11, v1  }
0x369: {  	v11 =	vbroadcast v11, $0x0;
	_ =	sdelay $0x1  }
0x36a: {  	v59 =	vadd.s32 v5, v11;
	[tilespmem:v9+s29+$0x0] =	vst.idx.msk $0xffff, v10  }
0x36b: {  	v9 =	vor.u32 $0x6, v59;
	v10 =	vld [tilespmem:s0+$0x80];
	_ =	sdelay $0x4  }
0x36c: {  	v60 =	vadd.s32 v6, v11;
	[tilespmem:v9+s29+$0x0] =	vst.idx.msk $0xffff, v10  }
0x36d: {  	v9 =	vor.u32 $0x6, v60;
	v10 =	vld [tilespmem:s0+$0x90];
	_ =	sdelay $0x4  }
0x36e: {  	v61 =	vadd.s32 v7, v11;
	[tilespmem:v9+s29+$0x0] =	vst.idx.msk $0xffff, v10  }
0x36f: {  	v9 =	vor.u32 $0x6, v61;
	v10 =	vld [tilespmem:s0+$0xA0];
	_ =	sdelay $0x3  }
0x370: {  	s9 =	sadd.s32 $0x7, s30  }
0x371: {  	s1 =	sand.u32 $0x78, s9;
	v62 =	vadd.s32 v31, v11;
	[tilespmem:v9+s29+$0x0] =	vst.idx.msk $0xffff, v10  }
0x372: {  	v63 =	vmov s1;
	v9 =	vor.u32 $0x6, v62;
	v10 =	vld [tilespmem:s0+$0xB0]  }
0x373: {  	v11 =	vshrl.u32 v63, $0x3  }
0x374: {  	v11 =	vshll.u32 v11, v1  }
0x375: {  	v11 =	vbroadcast v11, $0x0;
	_ =	sdelay $0x1  }
0x376: {  	v5 =	vadd.s32 v5, v11;
	[tilespmem:v9+s29+$0x0] =	vst.idx.msk $0xffff, v10  }
0x377: {  	v5 =	vor.u32 $0x7, v5;
	v9 =	vld [tilespmem:s0+$0xC0];
	_ =	sdelay $0x4  }
0x378: {  	[tilespmem:v5+s29+$0x0] =	vst.idx.msk $0xffff, v9;
	v5 =	vadd.s32 v6, v11  }
0x379: {  	v6 =	vld [tilespmem:s0+$0xD0];
	v5 =	vor.u32 $0x7, v5;
	_ =	sdelay $0x4  }
0x37a: {  	[tilespmem:v5+s29+$0x0] =	vst.idx.msk $0xffff, v6;
	v5 =	vadd.s32 v7, v11  }
0x37b: {  	v6 =	vld [tilespmem:s0+$0xE0];
	v5 =	vor.u32 $0x7, v5;
	_ =	sdelay $0x4  }
0x37c: {  	[tilespmem:v5+s29+$0x0] =	vst.idx.msk $0xffff, v6;
	v5 =	vadd.s32 v31, v11  }
0x37d: {  	v6 =	vld [tilespmem:s0+$0xF0];
	v5 =	vor.u32 $0x7, v5  }
0x37e: {  	s18 =	sshll.u32 s7, $0x6;
	s19 =	sshll.u32 s7, $0x3  }
0x37f: {  	s1 =	sand.u32 $0x7800, s19;
	s0 =	sand.u32 $0x7FFC0000, s18  }
0x380: {  	s0 =	sor.u32 s1, s0  }
0x381: {  	s0 =	sshrl.u32 s0, $0x3  }
0x382: {  	s1 =	sadd.s32 s2, s0;
	[tilespmem:v5+s29+$0x0] =	vst.idx.msk $0xffff, v6  }
0x383: {  	[hbm4b:s1+s3] =	stream.linear.scatter [tilespmem:s29], [sflag:$0x6], $0x80, $0x38;
	[tilespmem:$0x1CE00] =	vst v63  }
0x384: {  	s31 =	simm.s32 $0xE888;
	s30 =	sadd.s32 $0x10, s1  }
0x385: {  	[hbm4b:s30+s3] =	stream.linear.scatter [tilespmem:s31], [sflag:$0x6], $0x80, $0x38;
	[tilespmem:$0x1CE00] =	vst v63  }
0x386: {  	s19 =	simm.s32 $0xE910;
	s18 =	sadd.s32 $0x20, s1  }
0x387: {  	[hbm4b:s18+s3] =	stream.linear.scatter [tilespmem:s19], [sflag:$0x6], $0x80, $0x38;
	[tilespmem:$0x1CE00] =	vst v63  }
0x388: {  	s30 =	sadd.s32 $0x30, s1;
	s31 =	simm.s32 $0xE998  }
0x389: {  	[hbm4b:s30+s3] =	stream.linear.scatter [tilespmem:s31], [sflag:$0x6], $0x80, $0x38;
	[tilespmem:$0x1CE00] =	vst v63  }
0x38a: {  	s18 =	sadd.s32 $0x40, s1;
	s19 =	simm.s32 $0xEA20  }
0x38b: {  	[hbm4b:s18+s3] =	stream.linear.scatter [tilespmem:s19], [sflag:$0x6], $0x80, $0x38;
	[tilespmem:$0x1CE00] =	vst v63  }
0x38c: {  	s30 =	sadd.s32 $0x50, s1;
	s31 =	simm.s32 $0xEAA8  }
0x38d: {  	[hbm4b:s30+s3] =	stream.linear.scatter [tilespmem:s31], [sflag:$0x6], $0x80, $0x38;
	[tilespmem:$0x1CE00] =	vst v63  }
0x38e: {  	s18 =	sadd.s32 $0x60, s1;
	s19 =	simm.s32 $0xEB30  }
0x38f: {  	[hbm4b:s18+s3] =	stream.linear.scatter [tilespmem:s19], [sflag:$0x6], $0x80, $0x38;
	[tilespmem:$0x1CE00] =	vst v63  }
0x390: {  	s1 =	sadd.s32 $0x70, s1;
	s30 =	simm.s32 $0xEBB8  }
0x391: {  	[hbm4b:s1+s3] =	stream.linear.scatter [tilespmem:s30], [sflag:$0x6], $0x80, $0x38;
	[tilespmem:$0x1CE00] =	vst v63  }
0x392: {  	s1 =	sor.u32 $0x80, s0  }
0x393: {  	s31 =	simm.s32 $0xEC40;
	s7 =	sadd.s32 s2, s1  }
0x394: {  	[hbm4b:s7+s3] =	stream.linear.scatter [tilespmem:s31], [sflag:$0x6], $0x80, $0x38;
	[tilespmem:$0x1CE00] =	vst v63  }
0x395: {  	s19 =	simm.s32 $0xECC8;
	s18 =	sadd.s32 $0x10, s7  }
0x396: {  	[hbm4b:s18+s3] =	stream.linear.scatter [tilespmem:s19], [sflag:$0x6], $0x80, $0x38;
	[tilespmem:$0x1CE00] =	vst v63  }
0x397: {  	s30 =	sadd.s32 $0x20, s7;
	s31 =	simm.s32 $0xED50  }
0x398: {  	[hbm4b:s30+s3] =	stream.linear.scatter [tilespmem:s31], [sflag:$0x6], $0x80, $0x38;
	[tilespmem:$0x1CE00] =	vst v63  }
0x399: {  	s18 =	sadd.s32 $0x30, s7;
	s19 =	simm.s32 $0xEDD8  }
0x39a: {  	[hbm4b:s18+s3] =	stream.linear.scatter [tilespmem:s19], [sflag:$0x6], $0x80, $0x38;
	[tilespmem:$0x1CE00] =	vst v63  }
0x39b: {  	s30 =	sadd.s32 $0x40, s7;
	s31 =	simm.s32 $0xEE60  }
0x39c: {  	[hbm4b:s30+s3] =	stream.linear.scatter [tilespmem:s31], [sflag:$0x6], $0x80, $0x38;
	[tilespmem:$0x1CE00] =	vst v63  }
0x39d: {  	s18 =	sadd.s32 $0x50, s7;
	s19 =	simm.s32 $0xEEE8  }
0x39e: {  	[hbm4b:s18+s3] =	stream.linear.scatter [tilespmem:s19], [sflag:$0x6], $0x80, $0x38;
	[tilespmem:$0x1CE00] =	vst v63  }
0x39f: {  	s30 =	sadd.s32 $0x60, s7;
	s31 =	simm.s32 $0xEF70  }
0x3a0: {  	[hbm4b:s30+s3] =	stream.linear.scatter [tilespmem:s31], [sflag:$0x6], $0x80, $0x38;
	[tilespmem:$0x1CE00] =	vst v63  }
0x3a1: {  	s7 =	sadd.s32 $0x70, s7;
	s18 =	simm.s32 $0xEFF8  }
0x3a2: {  	[hbm4b:s7+s3] =	stream.linear.scatter [tilespmem:s18], [sflag:$0x6], $0x80, $0x38;
	[tilespmem:$0x1CE00] =	vst v63  }
0x3a3: {  	s19 =	simm.s32 $0xF4C0;
	s7 =	sadd.s32 s0, s11  }
0x3a4: {  	[hbm4b:s7+s3] =	stream.linear.scatter [tilespmem:s19], [sflag:$0x6], $0x80, $0x38;
	[tilespmem:$0x1CE00] =	vst v63  }
0x3a5: {  	s31 =	simm.s32 $0xF548;
	s30 =	sadd.s32 $0x10, s7  }
0x3a6: {  	[hbm4b:s30+s3] =	stream.linear.scatter [tilespmem:s31], [sflag:$0x6], $0x80, $0x38;
	[tilespmem:$0x1CE00] =	vst v63  }
0x3a7: {  	s18 =	sadd.s32 $0x20, s7;
	s19 =	simm.s32 $0xF5D0  }
0x3a8: {  	[hbm4b:s18+s3] =	stream.linear.scatter [tilespmem:s19], [sflag:$0x6], $0x80, $0x38;
	[tilespmem:$0x1CE00] =	vst v63  }
0x3a9: {  	s30 =	sadd.s32 $0x30, s7;
	s31 =	simm.s32 $0xF658  }
0x3aa: {  	[hbm4b:s30+s3] =	stream.linear.scatter [tilespmem:s31], [sflag:$0x6], $0x80, $0x38;
	[tilespmem:$0x1CE00] =	vst v63  }
0x3ab: {  	s18 =	sadd.s32 $0x40, s7;
	s19 =	simm.s32 $0xF6E0  }
0x3ac: {  	[hbm4b:s18+s3] =	stream.linear.scatter [tilespmem:s19], [sflag:$0x6], $0x80, $0x38;
	[tilespmem:$0x1CE00] =	vst v63  }
0x3ad: {  	s30 =	sadd.s32 $0x50, s7;
	s31 =	simm.s32 $0xF768  }
0x3ae: {  	[hbm4b:s30+s3] =	stream.linear.scatter [tilespmem:s31], [sflag:$0x6], $0x80, $0x38;
	[tilespmem:$0x1CE00] =	vst v63  }
0x3af: {  	s18 =	sadd.s32 $0x60, s7;
	s19 =	simm.s32 $0xF7F0  }
0x3b0: {  	[hbm4b:s18+s3] =	stream.linear.scatter [tilespmem:s19], [sflag:$0x6], $0x80, $0x38;
	[tilespmem:$0x1CE00] =	vst v63  }
0x3b1: {  	s7 =	sadd.s32 $0x70, s7;
	s30 =	simm.s32 $0xF878  }
0x3b2: {  	[hbm4b:s7+s3] =	stream.linear.scatter [tilespmem:s30], [sflag:$0x6], $0x80, $0x38;
	[tilespmem:$0x1CE00] =	vst v63  }
0x3b3: {  	s31 =	simm.s32 $0xF900;
	s7 =	sadd.s32 s1, s11  }
0x3b4: {  	[hbm4b:s7+s3] =	stream.linear.scatter [tilespmem:s31], [sflag:$0x6], $0x80, $0x38;
	[tilespmem:$0x1CE00] =	vst v63  }
0x3b5: {  	s19 =	simm.s32 $0xF988;
	s18 =	sadd.s32 $0x10, s7  }
0x3b6: {  	[hbm4b:s18+s3] =	stream.linear.scatter [tilespmem:s19], [sflag:$0x6], $0x80, $0x38;
	[tilespmem:$0x1CE00] =	vst v63  }
0x3b7: {  	s30 =	sadd.s32 $0x20, s7;
	s31 =	simm.s32 $0xFA10  }
0x3b8: {  	[hbm4b:s30+s3] =	stream.linear.scatter [tilespmem:s31], [sflag:$0x6], $0x80, $0x38;
	[tilespmem:$0x1CE00] =	vst v63  }
0x3b9: {  	s18 =	sadd.s32 $0x30, s7;
	s19 =	simm.s32 $0xFA98  }
0x3ba: {  	[hbm4b:s18+s3] =	stream.linear.scatter [tilespmem:s19], [sflag:$0x6], $0x80, $0x38;
	[tilespmem:$0x1CE00] =	vst v63  }
0x3bb: {  	s30 =	sadd.s32 $0x40, s7;
	s31 =	simm.s32 $0xFB20  }
0x3bc: {  	[hbm4b:s30+s3] =	stream.linear.scatter [tilespmem:s31], [sflag:$0x6], $0x80, $0x38;
	[tilespmem:$0x1CE00] =	vst v63  }
0x3bd: {  	s18 =	sadd.s32 $0x50, s7;
	s19 =	simm.s32 $0xFBA8  }
0x3be: {  	[hbm4b:s18+s3] =	stream.linear.scatter [tilespmem:s19], [sflag:$0x6], $0x80, $0x38;
	[tilespmem:$0x1CE00] =	vst v63  }
0x3bf: {  	s30 =	sadd.s32 $0x60, s7;
	s31 =	simm.s32 $0xFC30  }
0x3c0: {  	[hbm4b:s30+s3] =	stream.linear.scatter [tilespmem:s31], [sflag:$0x6], $0x80, $0x38;
	[tilespmem:$0x1CE00] =	vst v63  }
0x3c1: {  	s7 =	sadd.s32 $0x70, s7;
	s18 =	simm.s32 $0xFCB8  }
0x3c2: {  	[hbm4b:s7+s3] =	stream.linear.scatter [tilespmem:s18], [sflag:$0x6], $0x80, $0x38;
	[tilespmem:$0x1CE00] =	vst v63  }
0x3c3: {  	s19 =	simm.s32 $0x10180;
	s7 =	sadd.s32 s0, s12  }
0x3c4: {  	[hbm4b:s7+s3] =	stream.linear.scatter [tilespmem:s19], [sflag:$0x6], $0x80, $0x38;
	[tilespmem:$0x1CE00] =	vst v63  }
0x3c5: {  	s31 =	simm.s32 $0x10208;
	s30 =	sadd.s32 $0x10, s7  }
0x3c6: {  	[hbm4b:s30+s3] =	stream.linear.scatter [tilespmem:s31], [sflag:$0x6], $0x80, $0x38;
	[tilespmem:$0x1CE00] =	vst v63  }
0x3c7: {  	s18 =	sadd.s32 $0x20, s7;
	s19 =	simm.s32 $0x10290  }
0x3c8: {  	[hbm4b:s18+s3] =	stream.linear.scatter [tilespmem:s19], [sflag:$0x6], $0x80, $0x38;
	[tilespmem:$0x1CE00] =	vst v63  }
0x3c9: {  	s30 =	sadd.s32 $0x30, s7;
	s31 =	simm.s32 $0x10318  }
0x3ca: {  	[hbm4b:s30+s3] =	stream.linear.scatter [tilespmem:s31], [sflag:$0x6], $0x80, $0x38;
	[tilespmem:$0x1CE00] =	vst v63  }
0x3cb: {  	s18 =	sadd.s32 $0x40, s7;
	s19 =	simm.s32 $0x103A0  }
0x3cc: {  	[hbm4b:s18+s3] =	stream.linear.scatter [tilespmem:s19], [sflag:$0x6], $0x80, $0x38;
	[tilespmem:$0x1CE00] =	vst v63  }
0x3cd: {  	s30 =	sadd.s32 $0x50, s7;
	s31 =	simm.s32 $0x10428  }
0x3ce: {  	[hbm4b:s30+s3] =	stream.linear.scatter [tilespmem:s31], [sflag:$0x6], $0x80, $0x38;
	[tilespmem:$0x1CE00] =	vst v63  }
0x3cf: {  	s18 =	sadd.s32 $0x60, s7;
	s19 =	simm.s32 $0x104B0  }
0x3d0: {  	[hbm4b:s18+s3] =	stream.linear.scatter [tilespmem:s19], [sflag:$0x6], $0x80, $0x38;
	[tilespmem:$0x1CE00] =	vst v63  }
0x3d1: {  	s7 =	sadd.s32 $0x70, s7;
	s30 =	simm.s32 $0x10538  }
0x3d2: {  	[hbm4b:s7+s3] =	stream.linear.scatter [tilespmem:s30], [sflag:$0x6], $0x80, $0x38;
	[tilespmem:$0x1CE00] =	vst v63  }
0x3d3: {  	s31 =	simm.s32 $0x105C0;
	s7 =	sadd.s32 s1, s12  }
0x3d4: {  	[hbm4b:s7+s3] =	stream.linear.scatter [tilespmem:s31], [sflag:$0x6], $0x80, $0x38;
	[tilespmem:$0x1CE00] =	vst v63  }
0x3d5: {  	s19 =	simm.s32 $0x10648;
	s18 =	sadd.s32 $0x10, s7  }
0x3d6: {  	[hbm4b:s18+s3] =	stream.linear.scatter [tilespmem:s19], [sflag:$0x6], $0x80, $0x38;
	[tilespmem:$0x1CE00] =	vst v63  }
0x3d7: {  	s30 =	sadd.s32 $0x20, s7;
	s31 =	simm.s32 $0x106D0  }
0x3d8: {  	[hbm4b:s30+s3] =	stream.linear.scatter [tilespmem:s31], [sflag:$0x6], $0x80, $0x38;
	[tilespmem:$0x1CE00] =	vst v63  }
0x3d9: {  	s18 =	sadd.s32 $0x30, s7;
	s19 =	simm.s32 $0x10758  }
0x3da: {  	[hbm4b:s18+s3] =	stream.linear.scatter [tilespmem:s19], [sflag:$0x6], $0x80, $0x38;
	[tilespmem:$0x1CE00] =	vst v63  }
0x3db: {  	s30 =	sadd.s32 $0x40, s7;
	s31 =	simm.s32 $0x107E0  }
0x3dc: {  	[hbm4b:s30+s3] =	stream.linear.scatter [tilespmem:s31], [sflag:$0x6], $0x80, $0x38;
	[tilespmem:$0x1CE00] =	vst v63  }
0x3dd: {  	s18 =	sadd.s32 $0x50, s7;
	s19 =	simm.s32 $0x10868  }
0x3de: {  	[hbm4b:s18+s3] =	stream.linear.scatter [tilespmem:s19], [sflag:$0x6], $0x80, $0x38;
	[tilespmem:$0x1CE00] =	vst v63  }
0x3df: {  	s30 =	sadd.s32 $0x60, s7;
	s31 =	simm.s32 $0x108F0  }
0x3e0: {  	[hbm4b:s30+s3] =	stream.linear.scatter [tilespmem:s31], [sflag:$0x6], $0x80, $0x38;
	[tilespmem:$0x1CE00] =	vst v63  }
0x3e1: {  	s7 =	sadd.s32 $0x70, s7;
	s18 =	simm.s32 $0x10978  }
0x3e2: {  	[hbm4b:s7+s3] =	stream.linear.scatter [tilespmem:s18], [sflag:$0x6], $0x80, $0x38;
	[tilespmem:$0x1CE00] =	vst v63  }
0x3e3: {  	s19 =	simm.s32 $0x10E40;
	s7 =	sadd.s32 s0, s13  }
0x3e4: {  	[hbm4b:s7+s3] =	stream.linear.scatter [tilespmem:s19], [sflag:$0x6], $0x80, $0x38;
	[tilespmem:$0x1CE00] =	vst v63  }
0x3e5: {  	s31 =	simm.s32 $0x10EC8;
	s30 =	sadd.s32 $0x10, s7  }
0x3e6: {  	[hbm4b:s30+s3] =	stream.linear.scatter [tilespmem:s31], [sflag:$0x6], $0x80, $0x38;
	[tilespmem:$0x1CE00] =	vst v63  }
0x3e7: {  	s18 =	sadd.s32 $0x20, s7;
	s19 =	simm.s32 $0x10F50  }
0x3e8: {  	[hbm4b:s18+s3] =	stream.linear.scatter [tilespmem:s19], [sflag:$0x6], $0x80, $0x38;
	[tilespmem:$0x1CE00] =	vst v63  }
0x3e9: {  	s30 =	sadd.s32 $0x30, s7;
	s31 =	simm.s32 $0x10FD8  }
0x3ea: {  	[hbm4b:s30+s3] =	stream.linear.scatter [tilespmem:s31], [sflag:$0x6], $0x80, $0x38;
	[tilespmem:$0x1CE00] =	vst v63  }
0x3eb: {  	s18 =	sadd.s32 $0x40, s7;
	s19 =	simm.s32 $0x11060  }
0x3ec: {  	[hbm4b:s18+s3] =	stream.linear.scatter [tilespmem:s19], [sflag:$0x6], $0x80, $0x38;
	[tilespmem:$0x1CE00] =	vst v63  }
0x3ed: {  	s30 =	sadd.s32 $0x50, s7;
	s31 =	simm.s32 $0x110E8  }
0x3ee: {  	[hbm4b:s30+s3] =	stream.linear.scatter [tilespmem:s31], [sflag:$0x6], $0x80, $0x38;
	[tilespmem:$0x1CE00] =	vst v63  }
0x3ef: {  	s18 =	sadd.s32 $0x60, s7;
	s19 =	simm.s32 $0x11170  }
0x3f0: {  	[hbm4b:s18+s3] =	stream.linear.scatter [tilespmem:s19], [sflag:$0x6], $0x80, $0x38;
	[tilespmem:$0x1CE00] =	vst v63  }
0x3f1: {  	s7 =	sadd.s32 $0x70, s7;
	s30 =	simm.s32 $0x111F8  }
0x3f2: {  	[hbm4b:s7+s3] =	stream.linear.scatter [tilespmem:s30], [sflag:$0x6], $0x80, $0x38;
	[tilespmem:$0x1CE00] =	vst v63  }
0x3f3: {  	s31 =	simm.s32 $0x11280;
	s7 =	sadd.s32 s1, s13  }
0x3f4: {  	[hbm4b:s7+s3] =	stream.linear.scatter [tilespmem:s31], [sflag:$0x6], $0x80, $0x38;
	[tilespmem:$0x1CE00] =	vst v63  }
0x3f5: {  	s19 =	simm.s32 $0x11308;
	s18 =	sadd.s32 $0x10, s7  }
0x3f6: {  	[hbm4b:s18+s3] =	stream.linear.scatter [tilespmem:s19], [sflag:$0x6], $0x80, $0x38;
	[tilespmem:$0x1CE00] =	vst v63  }
0x3f7: {  	s30 =	sadd.s32 $0x20, s7;
	s31 =	simm.s32 $0x11390  }
0x3f8: {  	[hbm4b:s30+s3] =	stream.linear.scatter [tilespmem:s31], [sflag:$0x6], $0x80, $0x38;
	[tilespmem:$0x1CE00] =	vst v63  }
0x3f9: {  	s18 =	sadd.s32 $0x30, s7;
	s19 =	simm.s32 $0x11418  }
0x3fa: {  	[hbm4b:s18+s3] =	stream.linear.scatter [tilespmem:s19], [sflag:$0x6], $0x80, $0x38;
	[tilespmem:$0x1CE00] =	vst v63  }
0x3fb: {  	s30 =	sadd.s32 $0x40, s7;
	s31 =	simm.s32 $0x114A0  }
0x3fc: {  	[hbm4b:s30+s3] =	stream.linear.scatter [tilespmem:s31], [sflag:$0x6], $0x80, $0x38;
	[tilespmem:$0x1CE00] =	vst v63  }
0x3fd: {  	s18 =	sadd.s32 $0x50, s7;
	s19 =	simm.s32 $0x11528  }
0x3fe: {  	[hbm4b:s18+s3] =	stream.linear.scatter [tilespmem:s19], [sflag:$0x6], $0x80, $0x38;
	[tilespmem:$0x1CE00] =	vst v63  }
0x3ff: {  	s30 =	sadd.s32 $0x60, s7;
	s31 =	simm.s32 $0x115B0  }
0x400: {  	[hbm4b:s30+s3] =	stream.linear.scatter [tilespmem:s31], [sflag:$0x6], $0x80, $0x38;
	[tilespmem:$0x1CE00] =	vst v63  }
0x401: {  	s7 =	sadd.s32 $0x70, s7;
	s18 =	simm.s32 $0x11638  }
0x402: {  	[hbm4b:s7+s3] =	stream.linear.scatter [tilespmem:s18], [sflag:$0x6], $0x80, $0x38;
	[tilespmem:$0x1CE00] =	vst v63  }
0x403: {  	s19 =	simm.s32 $0x11B00;
	s7 =	sadd.s32 s0, s14  }
0x404: {  	[hbm4b:s7+s3] =	stream.linear.scatter [tilespmem:s19], [sflag:$0x6], $0x80, $0x38;
	[tilespmem:$0x1CE00] =	vst v63  }
0x405: {  	s31 =	simm.s32 $0x11B88;
	s30 =	sadd.s32 $0x10, s7  }
0x406: {  	[hbm4b:s30+s3] =	stream.linear.scatter [tilespmem:s31], [sflag:$0x6], $0x80, $0x38;
	[tilespmem:$0x1CE00] =	vst v63  }
0x407: {  	s18 =	sadd.s32 $0x20, s7;
	s19 =	simm.s32 $0x11C10  }
0x408: {  	[hbm4b:s18+s3] =	stream.linear.scatter [tilespmem:s19], [sflag:$0x6], $0x80, $0x38;
	[tilespmem:$0x1CE00] =	vst v63  }
0x409: {  	s30 =	sadd.s32 $0x30, s7;
	s31 =	simm.s32 $0x11C98  }
0x40a: {  	[hbm4b:s30+s3] =	stream.linear.scatter [tilespmem:s31], [sflag:$0x6], $0x80, $0x38;
	[tilespmem:$0x1CE00] =	vst v63  }
0x40b: {  	s18 =	sadd.s32 $0x40, s7;
	s19 =	simm.s32 $0x11D20  }
0x40c: {  	[hbm4b:s18+s3] =	stream.linear.scatter [tilespmem:s19], [sflag:$0x6], $0x80, $0x38;
	[tilespmem:$0x1CE00] =	vst v63  }
0x40d: {  	s30 =	sadd.s32 $0x50, s7;
	s31 =	simm.s32 $0x11DA8  }
0x40e: {  	[hbm4b:s30+s3] =	stream.linear.scatter [tilespmem:s31], [sflag:$0x6], $0x80, $0x38;
	[tilespmem:$0x1CE00] =	vst v63  }
0x40f: {  	s18 =	sadd.s32 $0x60, s7;
	s19 =	simm.s32 $0x11E30  }
0x410: {  	[hbm4b:s18+s3] =	stream.linear.scatter [tilespmem:s19], [sflag:$0x6], $0x80, $0x38;
	[tilespmem:$0x1CE00] =	vst v63  }
0x411: {  	s7 =	sadd.s32 $0x70, s7;
	s30 =	simm.s32 $0x11EB8  }
0x412: {  	[hbm4b:s7+s3] =	stream.linear.scatter [tilespmem:s30], [sflag:$0x6], $0x80, $0x38;
	[tilespmem:$0x1CE00] =	vst v63  }
0x413: {  	s31 =	simm.s32 $0x11F40;
	s7 =	sadd.s32 s1, s14  }
0x414: {  	[hbm4b:s7+s3] =	stream.linear.scatter [tilespmem:s31], [sflag:$0x6], $0x80, $0x38;
	[tilespmem:$0x1CE00] =	vst v63  }
0x415: {  	s19 =	simm.s32 $0x11FC8;
	s18 =	sadd.s32 $0x10, s7  }
0x416: {  	[hbm4b:s18+s3] =	stream.linear.scatter [tilespmem:s19], [sflag:$0x6], $0x80, $0x38;
	[tilespmem:$0x1CE00] =	vst v63  }
0x417: {  	s30 =	sadd.s32 $0x20, s7;
	s31 =	simm.s32 $0x12050  }
0x418: {  	[hbm4b:s30+s3] =	stream.linear.scatter [tilespmem:s31], [sflag:$0x6], $0x80, $0x38;
	[tilespmem:$0x1CE00] =	vst v63  }
0x419: {  	s18 =	sadd.s32 $0x30, s7;
	s19 =	simm.s32 $0x120D8  }
0x41a: {  	[hbm4b:s18+s3] =	stream.linear.scatter [tilespmem:s19], [sflag:$0x6], $0x80, $0x38;
	[tilespmem:$0x1CE00] =	vst v63  }
0x41b: {  	s30 =	sadd.s32 $0x40, s7;
	s31 =	simm.s32 $0x12160  }
0x41c: {  	[hbm4b:s30+s3] =	stream.linear.scatter [tilespmem:s31], [sflag:$0x6], $0x80, $0x38;
	[tilespmem:$0x1CE00] =	vst v63  }
0x41d: {  	s18 =	sadd.s32 $0x50, s7;
	s19 =	simm.s32 $0x121E8  }
0x41e: {  	[hbm4b:s18+s3] =	stream.linear.scatter [tilespmem:s19], [sflag:$0x6], $0x80, $0x38;
	[tilespmem:$0x1CE00] =	vst v63  }
0x41f: {  	s30 =	sadd.s32 $0x60, s7;
	s31 =	simm.s32 $0x12270  }
0x420: {  	[hbm4b:s30+s3] =	stream.linear.scatter [tilespmem:s31], [sflag:$0x6], $0x80, $0x38;
	[tilespmem:$0x1CE00] =	vst v63  }
0x421: {  	s7 =	sadd.s32 $0x70, s7;
	s18 =	simm.s32 $0x122F8  }
0x422: {  	[hbm4b:s7+s3] =	stream.linear.scatter [tilespmem:s18], [sflag:$0x6], $0x80, $0x38;
	[tilespmem:$0x1CE00] =	vst v63  }
0x423: {  	s19 =	simm.s32 $0x127C0;
	s7 =	sadd.s32 s0, s15  }
0x424: {  	[hbm4b:s7+s3] =	stream.linear.scatter [tilespmem:s19], [sflag:$0x6], $0x80, $0x38;
	[tilespmem:$0x1CE00] =	vst v63  }
0x425: {  	s31 =	simm.s32 $0x12848;
	s30 =	sadd.s32 $0x10, s7  }
0x426: {  	[hbm4b:s30+s3] =	stream.linear.scatter [tilespmem:s31], [sflag:$0x6], $0x80, $0x38;
	[tilespmem:$0x1CE00] =	vst v63  }
0x427: {  	s18 =	sadd.s32 $0x20, s7;
	s19 =	simm.s32 $0x128D0  }
0x428: {  	[hbm4b:s18+s3] =	stream.linear.scatter [tilespmem:s19], [sflag:$0x6], $0x80, $0x38;
	[tilespmem:$0x1CE00] =	vst v63  }
0x429: {  	s30 =	sadd.s32 $0x30, s7;
	s31 =	simm.s32 $0x12958  }
0x42a: {  	[hbm4b:s30+s3] =	stream.linear.scatter [tilespmem:s31], [sflag:$0x6], $0x80, $0x38;
	[tilespmem:$0x1CE00] =	vst v63  }
0x42b: {  	s18 =	sadd.s32 $0x40, s7;
	s19 =	simm.s32 $0x129E0  }
0x42c: {  	[hbm4b:s18+s3] =	stream.linear.scatter [tilespmem:s19], [sflag:$0x6], $0x80, $0x38;
	[tilespmem:$0x1CE00] =	vst v63  }
0x42d: {  	s30 =	sadd.s32 $0x50, s7;
	s31 =	simm.s32 $0x12A68  }
0x42e: {  	[hbm4b:s30+s3] =	stream.linear.scatter [tilespmem:s31], [sflag:$0x6], $0x80, $0x38;
	[tilespmem:$0x1CE00] =	vst v63  }
0x42f: {  	s18 =	sadd.s32 $0x60, s7;
	s19 =	simm.s32 $0x12AF0  }
0x430: {  	[hbm4b:s18+s3] =	stream.linear.scatter [tilespmem:s19], [sflag:$0x6], $0x80, $0x38;
	[tilespmem:$0x1CE00] =	vst v63  }
0x431: {  	s7 =	sadd.s32 $0x70, s7;
	s30 =	simm.s32 $0x12B78  }
0x432: {  	[hbm4b:s7+s3] =	stream.linear.scatter [tilespmem:s30], [sflag:$0x6], $0x80, $0x38;
	[tilespmem:$0x1CE00] =	vst v63  }
0x433: {  	s31 =	simm.s32 $0x12C00;
	s7 =	sadd.s32 s1, s15  }
0x434: {  	[hbm4b:s7+s3] =	stream.linear.scatter [tilespmem:s31], [sflag:$0x6], $0x80, $0x38;
	[tilespmem:$0x1CE00] =	vst v63  }
0x435: {  	s19 =	simm.s32 $0x12C88;
	s18 =	sadd.s32 $0x10, s7  }
0x436: {  	[hbm4b:s18+s3] =	stream.linear.scatter [tilespmem:s19], [sflag:$0x6], $0x80, $0x38;
	[tilespmem:$0x1CE00] =	vst v63  }
0x437: {  	s30 =	sadd.s32 $0x20, s7;
	s31 =	simm.s32 $0x12D10  }
0x438: {  	[hbm4b:s30+s3] =	stream.linear.scatter [tilespmem:s31], [sflag:$0x6], $0x80, $0x38;
	[tilespmem:$0x1CE00] =	vst v63  }
0x439: {  	s18 =	sadd.s32 $0x30, s7;
	s19 =	simm.s32 $0x12D98  }
0x43a: {  	[hbm4b:s18+s3] =	stream.linear.scatter [tilespmem:s19], [sflag:$0x6], $0x80, $0x38;
	[tilespmem:$0x1CE00] =	vst v63  }
0x43b: {  	s30 =	sadd.s32 $0x40, s7;
	s31 =	simm.s32 $0x12E20  }
0x43c: {  	[hbm4b:s30+s3] =	stream.linear.scatter [tilespmem:s31], [sflag:$0x6], $0x80, $0x38;
	[tilespmem:$0x1CE00] =	vst v63  }
0x43d: {  	s18 =	sadd.s32 $0x50, s7;
	s19 =	simm.s32 $0x12EA8  }
0x43e: {  	[hbm4b:s18+s3] =	stream.linear.scatter [tilespmem:s19], [sflag:$0x6], $0x80, $0x38;
	[tilespmem:$0x1CE00] =	vst v63  }
0x43f: {  	s30 =	sadd.s32 $0x60, s7;
	s31 =	simm.s32 $0x12F30  }
0x440: {  	[hbm4b:s30+s3] =	stream.linear.scatter [tilespmem:s31], [sflag:$0x6], $0x80, $0x38;
	[tilespmem:$0x1CE00] =	vst v63  }
0x441: {  	s7 =	sadd.s32 $0x70, s7;
	s18 =	simm.s32 $0x12FB8  }
0x442: {  	[hbm4b:s7+s3] =	stream.linear.scatter [tilespmem:s18], [sflag:$0x6], $0x80, $0x38;
	[tilespmem:$0x1CE00] =	vst v63  }
0x443: {  	s19 =	simm.s32 $0x13480;
	s7 =	sadd.s32 s0, s16  }
0x444: {  	[hbm4b:s7+s3] =	stream.linear.scatter [tilespmem:s19], [sflag:$0x6], $0x80, $0x38;
	[tilespmem:$0x1CE00] =	vst v63  }
0x445: {  	s31 =	simm.s32 $0x13508;
	s30 =	sadd.s32 $0x10, s7  }
0x446: {  	[hbm4b:s30+s3] =	stream.linear.scatter [tilespmem:s31], [sflag:$0x6], $0x80, $0x38;
	[tilespmem:$0x1CE00] =	vst v63  }
0x447: {  	s18 =	sadd.s32 $0x20, s7;
	s19 =	simm.s32 $0x13590  }
0x448: {  	[hbm4b:s18+s3] =	stream.linear.scatter [tilespmem:s19], [sflag:$0x6], $0x80, $0x38;
	[tilespmem:$0x1CE00] =	vst v63  }
0x449: {  	s30 =	sadd.s32 $0x30, s7;
	s31 =	simm.s32 $0x13618  }
0x44a: {  	[hbm4b:s30+s3] =	stream.linear.scatter [tilespmem:s31], [sflag:$0x6], $0x80, $0x38;
	[tilespmem:$0x1CE00] =	vst v63  }
0x44b: {  	s18 =	sadd.s32 $0x40, s7;
	s19 =	simm.s32 $0x136A0  }
0x44c: {  	[hbm4b:s18+s3] =	stream.linear.scatter [tilespmem:s19], [sflag:$0x6], $0x80, $0x38;
	[tilespmem:$0x1CE00] =	vst v63  }
0x44d: {  	s30 =	sadd.s32 $0x50, s7;
	s31 =	simm.s32 $0x13728  }
0x44e: {  	[hbm4b:s30+s3] =	stream.linear.scatter [tilespmem:s31], [sflag:$0x6], $0x80, $0x38;
	[tilespmem:$0x1CE00] =	vst v63  }
0x44f: {  	s18 =	sadd.s32 $0x60, s7;
	s19 =	simm.s32 $0x137B0  }
0x450: {  	[hbm4b:s18+s3] =	stream.linear.scatter [tilespmem:s19], [sflag:$0x6], $0x80, $0x38;
	[tilespmem:$0x1CE00] =	vst v63  }
0x451: {  	s7 =	sadd.s32 $0x70, s7;
	s30 =	simm.s32 $0x13838  }
0x452: {  	[hbm4b:s7+s3] =	stream.linear.scatter [tilespmem:s30], [sflag:$0x6], $0x80, $0x38;
	[tilespmem:$0x1CE00] =	vst v63  }
0x453: {  	s31 =	simm.s32 $0x138C0;
	s7 =	sadd.s32 s1, s16  }
0x454: {  	[hbm4b:s7+s3] =	stream.linear.scatter [tilespmem:s31], [sflag:$0x6], $0x80, $0x38;
	[tilespmem:$0x1CE00] =	vst v63  }
0x455: {  	s19 =	simm.s32 $0x13948;
	s18 =	sadd.s32 $0x10, s7  }
0x456: {  	[hbm4b:s18+s3] =	stream.linear.scatter [tilespmem:s19], [sflag:$0x6], $0x80, $0x38;
	[tilespmem:$0x1CE00] =	vst v63  }
0x457: {  	s30 =	sadd.s32 $0x20, s7;
	s31 =	simm.s32 $0x139D0  }
0x458: {  	[hbm4b:s30+s3] =	stream.linear.scatter [tilespmem:s31], [sflag:$0x6], $0x80, $0x38;
	[tilespmem:$0x1CE00] =	vst v63  }
0x459: {  	s18 =	sadd.s32 $0x30, s7;
	s19 =	simm.s32 $0x13A58  }
0x45a: {  	[hbm4b:s18+s3] =	stream.linear.scatter [tilespmem:s19], [sflag:$0x6], $0x80, $0x38;
	[tilespmem:$0x1CE00] =	vst v63  }
0x45b: {  	s30 =	sadd.s32 $0x40, s7;
	s31 =	simm.s32 $0x13AE0  }
0x45c: {  	[hbm4b:s30+s3] =	stream.linear.scatter [tilespmem:s31], [sflag:$0x6], $0x80, $0x38;
	[tilespmem:$0x1CE00] =	vst v63  }
0x45d: {  	s18 =	sadd.s32 $0x50, s7;
	s19 =	simm.s32 $0x13B68  }
0x45e: {  	[hbm4b:s18+s3] =	stream.linear.scatter [tilespmem:s19], [sflag:$0x6], $0x80, $0x38;
	[tilespmem:$0x1CE00] =	vst v63  }
0x45f: {  	s30 =	sadd.s32 $0x60, s7;
	s31 =	simm.s32 $0x13BF0  }
0x460: {  	[hbm4b:s30+s3] =	stream.linear.scatter [tilespmem:s31], [sflag:$0x6], $0x80, $0x38;
	[tilespmem:$0x1CE00] =	vst v63  }
0x461: {  	s7 =	sadd.s32 $0x70, s7;
	s18 =	simm.s32 $0x13C78  }
0x462: {  	[hbm4b:s7+s3] =	stream.linear.scatter [tilespmem:s18], [sflag:$0x6], $0x80, $0x38;
	[tilespmem:$0x1CE00] =	vst v63  }
0x463: {  	s0 =	sadd.s32 s0, s17;
	s19 =	simm.s32 $0x14140  }
0x464: {  	[hbm4b:s0+s3] =	stream.linear.scatter [tilespmem:s19], [sflag:$0x6], $0x80, $0x38;
	[tilespmem:$0x1CE00] =	vst v63  }
0x465: {  	s30 =	sadd.s32 $0x10, s0;
	s31 =	simm.s32 $0x141C8  }
0x466: {  	[hbm4b:s30+s3] =	stream.linear.scatter [tilespmem:s31], [sflag:$0x6], $0x80, $0x38;
	[tilespmem:$0x1CE00] =	vst v63  }
0x467: {  	s18 =	sadd.s32 $0x20, s0;
	s19 =	simm.s32 $0x14250  }
0x468: {  	[hbm4b:s18+s3] =	stream.linear.scatter [tilespmem:s19], [sflag:$0x6], $0x80, $0x38;
	[tilespmem:$0x1CE00] =	vst v63  }
0x469: {  	s30 =	sadd.s32 $0x30, s0;
	s31 =	simm.s32 $0x142D8  }
0x46a: {  	[hbm4b:s30+s3] =	stream.linear.scatter [tilespmem:s31], [sflag:$0x6], $0x80, $0x38;
	[tilespmem:$0x1CE00] =	vst v63  }
0x46b: {  	s18 =	sadd.s32 $0x40, s0;
	s19 =	simm.s32 $0x14360  }
0x46c: {  	[hbm4b:s18+s3] =	stream.linear.scatter [tilespmem:s19], [sflag:$0x6], $0x80, $0x38;
	[tilespmem:$0x1CE00] =	vst v63  }
0x46d: {  	s30 =	sadd.s32 $0x50, s0;
	s31 =	simm.s32 $0x143E8  }
0x46e: {  	[hbm4b:s30+s3] =	stream.linear.scatter [tilespmem:s31], [sflag:$0x6], $0x80, $0x38;
	[tilespmem:$0x1CE00] =	vst v63  }
0x46f: {  	s18 =	sadd.s32 $0x60, s0;
	s19 =	simm.s32 $0x14470  }
0x470: {  	[hbm4b:s18+s3] =	stream.linear.scatter [tilespmem:s19], [sflag:$0x6], $0x80, $0x38;
	[tilespmem:$0x1CE00] =	vst v63  }
0x471: {  	s0 =	sadd.s32 $0x70, s0;
	s30 =	simm.s32 $0x144F8  }
0x472: {  	[hbm4b:s0+s3] =	stream.linear.scatter [tilespmem:s30], [sflag:$0x6], $0x80, $0x38;
	[tilespmem:$0x1CE00] =	vst v63  }
0x473: {  	s31 =	simm.s32 $0x14580;
	s0 =	sadd.s32 s1, s17  }
0x474: {  	[hbm4b:s0+s3] =	stream.linear.scatter [tilespmem:s31], [sflag:$0x6], $0x80, $0x38;
	[tilespmem:$0x1CE00] =	vst v63  }
0x475: {  	s9 =	simm.s32 $0x14608;
	s7 =	sadd.s32 $0x10, s0  }
0x476: {  	[hbm4b:s7+s3] =	stream.linear.scatter [tilespmem:s9], [sflag:$0x6], $0x80, $0x38;
	[tilespmem:$0x1CE00] =	vst v63  }
0x477: {  	s19 =	simm.s32 $0x14690;
	s18 =	sadd.s32 $0x20, s0  }
0x478: {  	[hbm4b:s18+s3] =	stream.linear.scatter [tilespmem:s19], [sflag:$0x6], $0x80, $0x38;
	[tilespmem:$0x1CE00] =	vst v63  }
0x479: {  	s30 =	sadd.s32 $0x30, s0;
	s31 =	simm.s32 $0x14718  }
0x47a: {  	[hbm4b:s30+s3] =	stream.linear.scatter [tilespmem:s31], [sflag:$0x6], $0x80, $0x38;
	[tilespmem:$0x1CE00] =	vst v63  }
0x47b: {  	s20 =	sadd.s32 $0x1, s20;
	s7 =	sadd.s32 $0x40, s0;
	s9 =	simm.s32 $0x147A0  }
0x47c: {  	[hbm4b:s7+s3] =	stream.linear.scatter [tilespmem:s9], [sflag:$0x6], $0x80, $0x38;
	[tilespmem:$0x1CE00] =	vst v63  }
0x47d: {  	p0 =	sne.s32 s20, $0x32;
	s18 =	sadd.s32 $0x50, s0;
	s19 =	simm.s32 $0x14828  }
0x47e: {  	[hbm4b:s18+s3] =	stream.linear.scatter [tilespmem:s19], [sflag:$0x6], $0x80, $0x38;
	[tilespmem:$0x1CE00] =	vst v63  }
.Ltmp2:
0x47f: {  	_ = 	snop;
	(pc) =	sbr.rel @p0 .LBB2_2-.Ltmp2, $4  }
0x480: {  	s30 =	sadd.s32 $0x60, s0;
	s31 =	simm.s32 $0x148B0  }
0x481: {  	[hbm4b:s30+s3] =	stream.linear.scatter [tilespmem:s31], [sflag:$0x6], $0x80, $0x38;
	[tilespmem:$0x1CE00] =	vst v63  }
0x482: {  	s0 =	sadd.s32 $0x70, s0  }
0x483: {  	[hbm4b:s0+s3] =	stream.linear.scatter [tilespmem:s10], [sflag:$0x6], $0x80, $0x38;
	[tilespmem:$0x1CE00] =	vst v63  }
0x484: {  	_ =	swait.ge [sflag:s22], $0x100  }
0x485: {  	[sflag:s22] =	ssyncset.done $0x0  }
0x486: {  	[sflag:s22] =	ssyncadd.s32 $0xFFFFFF00  }
0x487: {  	_ =	swait.ge [sflag:s24], $0x4000  }
0x488: {  	[sflag:s24] =	ssyncset.done $0x0  }
0x489: {  	[sflag:s24] =	ssyncadd.s32 $0xFFFFC000  }
0x48a: {  	_ =	swait.ge [sflag:s8], $0x100  }
0x48b: {  	[sflag:s8] =	ssyncset.done $0x0  }
0x48c: {  	[sflag:s8] =	ssyncadd.s32 $0xFFFFFF00  }
0x48d: {  	_ =	swait.ge [sflag:s28], $0x4000  }
0x48e: {  	s1 =	rddreg [dreg:$0x9]  }
0x48f: {  	s0 =	rddreg [dreg:$0x8];
	s1 =	sadd.s32 $0x1, s1  }
0x490: {  	p0 =	sne.s32 s1, s0  }
.Ltmp3:
0x491: {  	_ = 	snop;
	(pc) =	sbr.rel @p0 .LBB2_1-.Ltmp3, $3  }
0x492: {  	_ =	sdelay $0x1  }
0x493: {  	[sflag:s28] =	ssyncset.done $0x0  }
0x494: {  	[sflag:s28] =	ssyncadd.s32 $0xFFFFC000  }
0x495: {  	_ =	sfence.sel $0x180000  }
0x496: {  	[bflag:$0x0] =	sbarrier.arrive $0xFFFF  }
0x497: {  	_ =	strace $0x9000004A  }
0x498: {  	s0 =	stileid.u32;
	[bflag:$0x2] =	sbarrier.arrive $0xFFFF  }
0x499: {  	p0 =	sne.s32 s0, $0x0;
	s0 =	rddreg [dreg:$0x3]  }
0x49a: {  	s0 =	sadd.s32 @!p0 $0x100000, s0  }
0x49b: {  	[sflag:s0] =	ssyncadd.tile.s32 @!p0 $0x1;
	_ =	shalt  }
.Lfunc_end2:
_tile_overlayer_lowered:
.L_overlay_start_2:
0x49c: {  	(tag) =	ssettag $0x2  }
0x49d: {  	s0 =	rddreg [dreg:$0x0];
	s2 =	stileid.u32  }
0x49e: {  	s1 =	rddreg [dreg:$0x1];
	p0 =	sne.s32 s2, $0x0  }
0x49f: {  	s3 =	rddreg [dreg:$0x2];
	[bflag:$0x3] =	sbarrier.arrive $0xFFFF;
	s2 =	simm.s32 @!p0 $0x1C07  }
0x4a0: {  	[timem:s3], [sflag:s2] =	dma.local @!p0 [hbm:s0], s1  }
0x4a1: {  	s0 =	simm.s32 @!p0 $0x7  }
0x4a2: {  	_ =	swait.ge @!p0 [sflag:s0], s1  }
0x4a3: {  	s1 =	ssub.s32 @!p0 $0x0, s1;
	[sflag:s0] =	ssyncset.done @!p0 $0x0  }
0x4a4: {  	[sflag:s0] =	ssyncadd.s32 @!p0 s1  }
0x4a5: {  	[bflag:$0x3] =	sbarrier.arrive $0xFFFF  }
0x4a6: {  	_ =	shalt  }

</sc_bundles>
